<compile_context>
chip_gen: v7x
topology: tpu7x:2x2x1
jax: 0.10.2.dev20260603
libtpu: 0.0.44.dev20260713+nightly
codegen_flags: <defaults>
</compile_context>

<pallas_src>
import functools

import jax
import jax.numpy as jnp
from jax import lax
from jax.experimental import pallas as pl
from jax.experimental.pallas import tpu as pltpu
from jax.experimental.pallas import tpu_sc as plsc

_NS = 16
_CHUNK = 64



def _sc_deg(dst_p, NP):
    EP = dst_p.shape[0]
    NW = 2 * _NS
    e_per = EP // NW
    full, rem = divmod(e_per, 2048)
    mesh = plsc.VectorSubcoreMesh(core_axis_name="c", subcore_axis_name="s")

    @functools.partial(
        pl.kernel,
        out_type=jax.ShapeDtypeStruct((NW, NP), jnp.float32),
        mesh=mesh,
        scratch_types=[
            pltpu.VMEM((2048,), jnp.int32),
            pltpu.VMEM((NP,), jnp.float32),
        ],
        compiler_params=pltpu.CompilerParams(needs_layout_passes=False),
    )
    def k(dst_h, out_h, dbuf, hist):
        c = lax.axis_index("c")
        s = lax.axis_index("s")
        w = s * 2 + c

        def zi(i, _):
            hist[pl.ds(i * 16, 16)] = jnp.zeros((16,), jnp.float32)
            return 0

        lax.fori_loop(0, NP // 16, zi, 0)
        ones = jnp.ones((16,), jnp.float32)
        base = w * e_per

        def scat(i, _):
            idx = dbuf[pl.ds(i * 16, 16)]
            plsc.addupdate_scatter(hist, [idx], ones)
            return 0

        def do_chunk(off, n):
            pltpu.sync_copy(dst_h.at[pl.ds(base + off, n)], dbuf.at[pl.ds(0, n)])
            lax.fori_loop(0, n // 16, scat, 0)

        for j in range(full):
            do_chunk(j * 2048, 2048)
        if rem:
            do_chunk(full * 2048, rem)
        pltpu.sync_copy(hist, out_h.at[w])

    return k(dst_p)



_BLK = 8
_RING = 4


_ZR = 32


def _zero_acc(zbuf, acc, s, rows_per, D):
    def zrow(r, _):
        def zcol(j, _):
            zbuf[r, pl.ds(j * 16, 16)] = jnp.zeros((16,), jnp.float32)
            return 0
        lax.fori_loop(0, D // 16, zcol, 0)
        return 0

    lax.fori_loop(0, _ZR, zrow, 0)

    def zcp(i, _):
        pltpu.sync_copy(zbuf, acc.at[pl.ds(s * rows_per + i * _ZR, _ZR)])
        return 0

    lax.fori_loop(0, rows_per // _ZR, zcp, 0)
    plsc.subcore_barrier()


def _agg_pipeline(src_h, dst_h, hs_h, acc, sbuf, dbuf, rows, sems,
                  base_row, nblk):
    def fire(pb, j, r):
        pltpu.async_copy(hs_h.at[sbuf.at[pb, j]], rows.at[r], sems[r])

    def drain(r):
        pltpu.make_async_copy(hs_h.at[sbuf.at[0, 0]], rows.at[r], sems[r]).wait()

    pltpu.sync_copy(src_h.at[pl.ds(base_row, _BLK)], sbuf.at[0])
    pltpu.sync_copy(dst_h.at[pl.ds(base_row, _BLK)], dbuf.at[0])
    for j in range(_RING - 1):
        fire(0, j, j)

    def block(b, _):
        par = lax.rem(b, 2)
        nxt = 1 - par

        @pl.when(b + 1 < nblk)
        def _():
            r1 = base_row + (b + 1) * _BLK
            pltpu.sync_copy(src_h.at[pl.ds(r1, _BLK)], sbuf.at[nxt])
            pltpu.sync_copy(dst_h.at[pl.ds(r1, _BLK)], dbuf.at[nxt])

        for j in range(_BLK):
            r = j % _RING
            rn = (j + _RING - 1) % _RING
            drain(r)
            jn = j + _RING - 1
            if jn < _BLK:
                fire(par, jn, rn)
            else:
                @pl.when(b + 1 < nblk)
                def _():
                    fire(nxt, jn - _BLK, rn)
            pltpu.sync_copy(rows.at[r], acc.at[dbuf.at[par, j]], add=True)
        return 0

    lax.fori_loop(0, nblk, block, 0)


def _agg_scratch(NP, D):
    return [
        pltpu.VMEM((2, _BLK, _CHUNK), jnp.int32),
        pltpu.VMEM((2, _BLK, _CHUNK), jnp.int32),
        pltpu.VMEM((_RING, _CHUNK, D), jnp.float32),
        pltpu.VMEM((_ZR, D), jnp.float32),
        pltpu.VMEM_SHARED((NP, D), jnp.float32),
    ] + [pltpu.SemaphoreType.DMA] * _RING


def _sc_agg(src_p, dst_p, hs0, hs1, NP, Dh):
    NR = src_p.shape[0]
    rows_w = NR // _NS
    nblk = rows_w // _BLK
    rows_per = NP // _NS
    mesh = plsc.VectorSubcoreMesh(core_axis_name="c", subcore_axis_name="s")

    @functools.partial(
        pl.kernel,
        out_type=(
            jax.ShapeDtypeStruct((NP, Dh), jnp.float32),
            jax.ShapeDtypeStruct((NP, Dh), jnp.float32),
        ),
        mesh=mesh,
        scratch_types=_agg_scratch(NP, Dh),
    )
    def k(src_h, dst_h, hs0_h, hs1_h, out0_h, out1_h,
          sbuf, dbuf, rows, zbuf, acc, *sems):
        c = lax.axis_index("c")
        s = lax.axis_index("s")
        _zero_acc(zbuf, acc, s, rows_per, Dh)
        base_row = s * rows_w

        def run(hs_h, out_h):
            _agg_pipeline(src_h, dst_h, hs_h, acc, sbuf, dbuf, rows,
                          sems, base_row, nblk)
            plsc.subcore_barrier()
            pltpu.sync_copy(acc.at[pl.ds(s * rows_per, rows_per)],
                            out_h.at[pl.ds(s * rows_per, rows_per)])

        @pl.when(c == 0)
        def _():
            run(hs0_h, out0_h)

        @pl.when(c == 1)
        def _():
            run(hs1_h, out1_h)

    return k(src_p, dst_p, hs0, hs1)


def _sc_agg_esplit(src_p, dst_p, hs, NP, D, blk0=None):
    NR = src_p.shape[0]
    rows_w = NR // (2 * _NS)
    nblk = rows_w // _BLK
    nblk0 = nblk if blk0 is None else blk0
    nblk1 = 2 * nblk - nblk0
    rows_per = NP // _NS
    mesh = plsc.VectorSubcoreMesh(core_axis_name="c", subcore_axis_name="s")

    @functools.partial(
        pl.kernel,
        out_type=(
            jax.ShapeDtypeStruct((NP, D), jnp.float32),
            jax.ShapeDtypeStruct((NP, D), jnp.float32),
        ),
        mesh=mesh,
        scratch_types=_agg_scratch(NP, D),
    )
    def k(src_h, dst_h, hs_h, out0_h, out1_h,
          sbuf, dbuf, rows, zbuf, acc, *sems):
        c = lax.axis_index("c")
        s = lax.axis_index("s")
        _zero_acc(zbuf, acc, s, rows_per, D)
        rw0 = nblk0 * _BLK
        rw1 = nblk1 * _BLK
        base_row = jnp.where(c == 0, s * rw0, _NS * rw0 + s * rw1)
        my_nblk = jnp.where(c == 0, nblk0, nblk1)

        @pl.when(my_nblk > 0)
        def _():
            _agg_pipeline(src_h, dst_h, hs_h, acc, sbuf, dbuf, rows,
                          sems, base_row, my_nblk)

        plsc.subcore_barrier()

        def out(out_h):
            pltpu.sync_copy(acc.at[pl.ds(s * rows_per, rows_per)],
                            out_h.at[pl.ds(s * rows_per, rows_per)])

        @pl.when(c == 0)
        def _():
            out(out0_h)

        @pl.when(c == 1)
        def _():
            out(out1_h)

    return k(src_p, dst_p, hs)



def _tc_pre(xp, W1, hist, bm=1024):
    NP, Din = xp.shape
    Dh = W1.shape[1] // 2
    NW = hist.shape[0]

    def body(x_ref, w_ref, h_ref, hs0_ref, hs1_ref, dis_ref):
        deg = jnp.sum(h_ref[...], axis=0) + 1.0
        dis = lax.rsqrt(deg)
        xs = x_ref[...] * dis[:, None]
        hs = jnp.dot(xs, w_ref[...], preferred_element_type=jnp.float32)
        hs0_ref[...] = hs[:, :Dh]
        hs1_ref[...] = hs[:, Dh:]
        dis_ref[...] = dis[:, None]

    return pl.pallas_call(
        body,
        grid=(NP // bm,),
        in_specs=[
            pl.BlockSpec((bm, Din), lambda i: (i, 0)),
            pl.BlockSpec((Din, 2 * Dh), lambda i: (0, 0)),
            pl.BlockSpec((NW, bm), lambda i: (0, i)),
        ],
        out_specs=[
            pl.BlockSpec((bm, Dh), lambda i: (i, 0)),
            pl.BlockSpec((bm, Dh), lambda i: (i, 0)),
            pl.BlockSpec((bm, 1), lambda i: (i, 0)),
        ],
        out_shape=[
            jax.ShapeDtypeStruct((NP, Dh), jnp.float32),
            jax.ShapeDtypeStruct((NP, Dh), jnp.float32),
            jax.ShapeDtypeStruct((NP, 1), jnp.float32),
        ],
    )(xp, W1, hist)


def _tc_mid(agg0, agg1, hs0, hs1, dis, b1, W2, bm=1024):
    NP, Dh = agg0.shape
    Dout = W2.shape[1]
    Dq = Dout // 2

    def body(a0, a1, h0, h1, d_ref, b_ref, w_ref, o_ref):
        d = d_ref[...]
        b = b_ref[...]
        w = w_ref[...]
        t0 = jnp.maximum(d * (a0[...] + h0[...]) + b[0:1, :Dh], 0.0)
        t1 = jnp.maximum(d * (a1[...] + h1[...]) + b[0:1, Dh:], 0.0)
        o_ref[...] = (jnp.dot(d * t0, w[:Dh], preferred_element_type=jnp.float32)
                      + jnp.dot(d * t1, w[Dh:], preferred_element_type=jnp.float32))

    rb = pl.BlockSpec((bm, Dh), lambda i: (i, 0))
    return pl.pallas_call(
        body,
        grid=(NP // bm,),
        in_specs=[
            rb, rb, rb, rb,
            pl.BlockSpec((bm, 1), lambda i: (i, 0)),
            pl.BlockSpec((8, 2 * Dh), lambda i: (0, 0)),
            pl.BlockSpec((2 * Dh, Dout), lambda i: (0, 0)),
        ],
        out_specs=pl.BlockSpec((bm, Dout), lambda i: (i, 0)),
        out_shape=jax.ShapeDtypeStruct((NP, Dout), jnp.float32),
    )(agg0, agg1, hs0, hs1, dis, b1, W2)


def _tc_post(p0, p1, hs2, dis, b2, bm=1024):
    NP, D = hs2.shape

    def body(a0, a1, h_ref, d_ref, b_ref, o_ref):
        d = d_ref[...]
        b = b_ref[...]
        o_ref[...] = jnp.maximum(
            d * (a0[...] + a1[...] + h_ref[...]) + b[0:1, :], 0.0)

    rb = pl.BlockSpec((bm, D), lambda i: (i, 0))
    return pl.pallas_call(
        body,
        grid=(NP // bm,),
        in_specs=[
            rb, rb, rb,
            pl.BlockSpec((bm, 1), lambda i: (i, 0)),
            pl.BlockSpec((8, D), lambda i: (0, 0)),
        ],
        out_specs=pl.BlockSpec((bm, D), lambda i: (i, 0)),
        out_shape=jax.ShapeDtypeStruct((NP, D), jnp.float32),
    )(p0, p1, hs2, dis, b2)



@jax.jit
def _run(x, edge_index, W1, b1, W2, b2):
    N, Din = x.shape
    E = edge_index.shape[1]
    NP = ((N + 2047) // 2048) * 2048
    blk_edges = 2 * _NS * _BLK * _CHUNK
    EP = ((E + blk_edges - 1) // blk_edges) * blk_edges

    src = edge_index[0].astype(jnp.int32)
    dst = edge_index[1].astype(jnp.int32)
    pad = jnp.full((EP - E,), N, dtype=jnp.int32)
    src_p = jnp.concatenate([src, pad])
    dst_p = jnp.concatenate([dst, pad])
    src_2d = src_p.reshape(EP // _CHUNK, _CHUNK)
    dst_2d = dst_p.reshape(EP // _CHUNK, _CHUNK)
    xp = jnp.concatenate([x, jnp.zeros((NP - N, Din), x.dtype)])
    b1r = jnp.broadcast_to(b1[None, :], (8, b1.shape[0]))
    b2r = jnp.broadcast_to(b2[None, :], (8, b2.shape[0]))

    hist = _sc_deg(dst_p, NP)
    hs0, hs1, dis = _tc_pre(xp, W1, hist)
    agg0, agg1 = _sc_agg(src_2d, dst_2d, hs0, hs1, NP, W1.shape[1] // 2)
    hs2 = _tc_mid(agg0, agg1, hs0, hs1, dis, b1r, W2)
    p0, p1 = _sc_agg_esplit(src_2d, dst_2d, hs2, NP, W2.shape[1], blk0=38)
    y = _tc_post(p0, p1, hs2, dis, b2r)
    return y[:N]


def kernel(x, edge_index, W1, b1, W2, b2):
    return _run(x, edge_index, W1, b1, W2, b2)

# --- scband reference (transcript-rebuilt; emitter-appended) ---
"""Pipeline reference for scband-gnn-encoder-32306744000890 (READ-ONLY COPY).

The authoritative reference and input builder live on the scoring server;
editing this copy changes nothing except your own understanding.
"""

import jax, jax.numpy as jnp
import numpy as np


def gcn_conv(x, edge_index, W, b):
    # Faithful GCNConv: add self-loops, symmetric normalization, linear transform, scatter-add aggregation, bias.
    num_nodes = x.shape[0]
    src = edge_index[0]
    dst = edge_index[1]
    loop = jnp.arange(num_nodes, dtype=edge_index.dtype)
    src = jnp.concatenate([src, loop])
    dst = jnp.concatenate([dst, loop])
    deg = jnp.zeros((num_nodes,), dtype=x.dtype).at[dst].add(1.0)
    deg_inv_sqrt = jnp.where(deg > 0, deg ** -0.5, 0.0)
    norm = deg_inv_sqrt[src] * deg_inv_sqrt[dst]
    h = x @ W
    msg = h[src] * norm[:, None]
    out = jnp.zeros((num_nodes, W.shape[1]), dtype=x.dtype).at[dst].add(msg)
    return out + b


def setup_inputs(seed: int = 0) -> dict:
    key = jax.random.key(seed)
    k_x, k_e, k_w1, k_w2 = jax.random.split(key, 4)
    n_nodes, n_edges = 10000, 320000
    d_in, d_hid, d_out = 128, 256, 128
    x = jax.random.normal(k_x, (n_nodes, d_in), dtype=jnp.float32)
    edge_index = jax.random.randint(k_e, (2, n_edges), 0, n_nodes, dtype=jnp.int64)
    W1 = jax.random.normal(k_w1, (d_in, d_hid), dtype=jnp.float32) * (1.0 / np.sqrt(d_in))
    b1 = jnp.zeros((d_hid,), dtype=jnp.float32)
    W2 = jax.random.normal(k_w2, (d_hid, d_out), dtype=jnp.float32) * (1.0 / np.sqrt(d_hid))
    b2 = jnp.zeros((d_out,), dtype=jnp.float32)
    return {"x": x, "edge_index": edge_index, "W1": W1, "b1": b1, "W2": W2, "b2": b2}


def reference(x, edge_index, W1, b1, W2, b2):
    h = jax.nn.relu(gcn_conv(x, edge_index, W1, b1))
    out = jax.nn.relu(gcn_conv(h, edge_index, W2, b2))
    return out

if __name__ == "__main__":
    import jax
    _d = setup_inputs()
    print(jax.jit(kernel)(*tuple(_d.values())))

</pallas_src>

<mosaic_0001>
#map = affine_map<(d0, d1) -> (0, 0)>
module attributes {stable_mosaic.version = 14 : i64} {
  func.func @k(%arg0: i32, %arg1: i32, %arg2: memref<5120x64xi32, #tpu.memory_space<hbm>>, %arg3: memref<5120x64xi32, #tpu.memory_space<hbm>>, %arg4: memref<10240x128xf32, #tpu.memory_space<hbm>>, %arg5: memref<10240x128xf32, #tpu.memory_space<hbm>>, %arg6: memref<10240x128xf32, #tpu.memory_space<hbm>>, %arg7: memref<2x8x64xi32, #tpu.memory_space<vmem>>, %arg8: memref<2x8x64xi32, #tpu.memory_space<vmem>>, %arg9: memref<4x64x128xf32, #tpu.memory_space<vmem>>, %arg10: memref<32x128xf32, #tpu.memory_space<vmem>>, %arg11: memref<10240x128xf32, #tpu.memory_space<vmem_shared>>, %arg12: memref<!tpu.dma_semaphore, #tpu.memory_space<semaphore_mem>>, %arg13: memref<!tpu.dma_semaphore, #tpu.memory_space<semaphore_mem>>, %arg14: memref<!tpu.dma_semaphore, #tpu.memory_space<semaphore_mem>>, %arg15: memref<!tpu.dma_semaphore, #tpu.memory_space<semaphore_mem>>) attributes {dimension_semantics = [#tpu.dimension_semantics<core_parallel>, #tpu.dimension_semantics<subcore_parallel>], iteration_bounds = array<i64: 2, 16>, scalar_prefetch = 0 : i64, scratch_operands = 9 : i64, tpu.core_type = #tpu.core_type<sc_vector_subcore>, window_params = [{transform_indices = #map}, {transform_indices = #map}, {transform_indices = #map}, {transform_indices = #map}, {transform_indices = #map}]} {
    %scan3A = arith.constant 0 : i32
    %scan3A_0 = arith.constant 0 : i32
    %scan3A_1 = arith.constant 32 : i32
    %scan3A_2 = arith.addi %scan3A_0, %scan3A_1 : i32
    %scan3A_3 = arith.constant 1 : i32
    %scan3A_4 = scf.for %scan3A_35 = %scan3A_0 to %scan3A_2 step %scan3A_3 iter_args(%scan3A_36 = %scan3A) -> (i32)  : i32 {
      %scan3A_37 = arith.constant 0 : i32
      %scan3A_38 = arith.constant 0 : i32
      %scan3A_39 = arith.constant 8 : i32
      %scan3A_40 = arith.addi %scan3A_38, %scan3A_39 : i32
      %scan3A_41 = arith.constant 1 : i32
      %scan3A_42 = scf.for %scan3A_45 = %scan3A_38 to %scan3A_40 step %scan3A_41 iter_args(%scan3A_46 = %scan3A_37) -> (i32)  : i32 {
        %broadcast_in_dim3A = arith.constant 0.000000e+00 : f32
        %broadcast_in_dim3A_47 = vector.broadcast %broadcast_in_dim3A : f32 to vector<16xf32>
        %mul3A_48 = arith.constant 16 : i32
        %mul3A_49 = arith.muli %scan3A_45, %mul3A_48 : i32
        %swap3A = arith.index_cast %scan3A_35 : i32 to index
        %swap3A_50 = arith.index_cast %mul3A_49 : i32 to index
        %swap3A_51 = tpu.vector_load %arg10[%swap3A, %swap3A_50] {strides = array<i32>} : memref<32x128xf32, #tpu.memory_space<vmem>>, vector<1x16xf32>,
        %swap3A_52 = vector.shape_cast %swap3A_51 : vector<1x16xf32> to vector<16xf32>
        %swap3A_53 = vector.shape_cast %broadcast_in_dim3A_47 : vector<16xf32> to vector<1x16xf32>
        tpu.vector_store %arg10[%swap3A, %swap3A_50], %swap3A_53 {strides = array<i32>} : memref<32x128xf32, #tpu.memory_space<vmem>>, vector<1x16xf32>,
        %scan3A_54 = arith.constant 0 : i32
        scf.yield %scan3A_54 : i32
      }
      %scan3A_43 = arith.constant 8 : i32
      %scan3A_44 = arith.constant 0 : i32
      scf.yield %scan3A_44 : i32
    }
    %scan3A_5 = arith.constant 32 : i32
    %scan3A_6 = arith.constant 0 : i32
    %scan3A_7 = arith.constant 0 : i32
    %scan3A_8 = arith.constant 20 : i32
    %scan3A_9 = arith.addi %scan3A_7, %scan3A_8 : i32
    %scan3A_10 = arith.constant 1 : i32
    %scan3A_11 = scf.for %scan3A_35 = %scan3A_7 to %scan3A_9 step %scan3A_10 iter_args(%scan3A_36 = %scan3A_6) -> (i32)  : i32 {
      %mul3A_37 = arith.constant 640 : i32
      %mul3A_38 = arith.muli %arg1, %mul3A_37 : i32
      %mul3A_39 = arith.constant 32 : i32
      %mul3A_40 = arith.muli %scan3A_35, %mul3A_39 : i32
      %add3A_41 = arith.addi %mul3A_38, %mul3A_40 : i32
      "tpu.region"() ({
        %run_scoped3A = tpu.sem_alloc : memref<!tpu.dma_semaphore, #tpu.memory_space<semaphore_mem>>
        %dma_start3A = arith.constant 0 : i32
        %dma_start3A_43 = tpu.memref_slice %arg11[%add3A_41, %dma_start3A] : memref<10240x128xf32, #tpu.memory_space<vmem_shared>> -> memref<32x128xf32, #tpu.memory_space<vmem_shared>>
        %dma_start3A_44 = arith.constant 0 : i32
        %dma_start3A_45 = tpu.memref_slice %arg11[%add3A_41, %dma_start3A_44] : memref<10240x128xf32, #tpu.memory_space<vmem_shared>> -> memref<32x128xf32, #tpu.memory_space<vmem_shared>>
        tpu.enqueue_dma source(%arg10 : memref<32x128xf32, #tpu.memory_space<vmem>>) target(%dma_start3A_45 : memref<32x128xf32, #tpu.memory_space<vmem_shared>>) target_semaphore(%run_scoped3A : memref<!tpu.dma_semaphore, #tpu.memory_space<semaphore_mem>>)
        %dma_wait3A = arith.constant 0 : i32
        %dma_wait3A_46 = tpu.memref_slice %arg11[%add3A_41, %dma_wait3A] : memref<10240x128xf32, #tpu.memory_space<vmem_shared>> -> memref<32x128xf32, #tpu.memory_space<vmem_shared>>
        %dma_wait3A_47 = arith.constant 0 : i32
        %dma_wait3A_48 = tpu.memref_slice %arg11[%add3A_41, %dma_wait3A_47] : memref<10240x128xf32, #tpu.memory_space<vmem_shared>> -> memref<32x128xf32, #tpu.memory_space<vmem_shared>>
        tpu.wait_dma2 semaphore(%run_scoped3A : memref<!tpu.dma_semaphore, #tpu.memory_space<semaphore_mem>>) src(%arg10 : memref<32x128xf32, #tpu.memory_space<vmem>>) dst(%dma_wait3A_48 : memref<32x128xf32, #tpu.memory_space<vmem_shared>>)
        tpu.yield
      }) : () -> ()
      %scan3A_42 = arith.constant 0 : i32
      scf.yield %scan3A_42 : i32
    }
    %scan3A_12 = arith.constant 20 : i32
    %barrier3A = arith.constant 0 : index
    tpu.barrier barrier_id(%barrier3A)
    %eq3A = arith.constant 0 : i32
    %eq3A_13 = arith.cmpi eq, %arg0, %eq3A : i32
    %mul3A = arith.constant 304 : i32
    %mul3A_14 = arith.muli %arg1, %mul3A : i32
    %mul3A_15 = arith.constant 16 : i32
    %mul3A_16 = arith.muli %arg1, %mul3A_15 : i32
    %add3A = arith.constant 4864 : i32
    %add3A_17 = arith.addi %add3A, %mul3A_16 : i32
    %select_n3A = arith.select %eq3A_13, %mul3A_14, %add3A_17 : i32
    %eq3A_18 = arith.constant 0 : i32
    %eq3A_19 = arith.cmpi eq, %arg0, %eq3A_18 : i32
    %jit3A = arith.constant 38 : i32
    %jit3A_20 = arith.constant 2 : i32
    %select_n3A_21 = arith.select %eq3A_19, %jit3A, %jit3A_20 : i32
    %gt3A = arith.constant 0 : i32
    %gt3A_22 = arith.cmpi sgt, %select_n3A_21, %gt3A : i32
    %convert_element_type3A = arith.extui %gt3A_22 : i1 to i32
    %cond3A = arith.constant 0 : i32
    %cond3A_23 = arith.cmpi ne, %convert_element_type3A, %cond3A : i32
    scf.if %cond3A_23 {
      %run_scoped3A = arith.constant 0 : i32
      "tpu.region"() ({
        %run_scoped3A_85 = tpu.sem_alloc : memref<!tpu.dma_semaphore, #tpu.memory_space<semaphore_mem>>
        %dma_start3A_86 = arith.constant 0 : i32
        %dma_start3A_87 = arith.constant 0 : i32
        %dma_start3A_88 = tpu.memref_slice %arg7[%run_scoped3A, %dma_start3A_86, %dma_start3A_87] : memref<2x8x64xi32, #tpu.memory_space<vmem>> -> memref<1x8x64xi32, #tpu.memory_space<vmem>>
        %dma_start3A_89 = tpu.memref_squeeze %dma_start3A_88 : memref<1x8x64xi32, #tpu.memory_space<vmem>> -> memref<8x64xi32, #tpu.memory_space<vmem>>
        %dma_start3A_90 = arith.constant 0 : i32
        %dma_start3A_91 = tpu.memref_slice %arg2[%select_n3A, %dma_start3A_90] : memref<5120x64xi32, #tpu.memory_space<hbm>> -> memref<8x64xi32, #tpu.memory_space<hbm>>
        %dma_start3A_92 = arith.constant 0 : i32
        %dma_start3A_93 = arith.constant 0 : i32
        %dma_start3A_94 = tpu.memref_slice %arg7[%run_scoped3A, %dma_start3A_92, %dma_start3A_93] : memref<2x8x64xi32, #tpu.memory_space<vmem>> -> memref<1x8x64xi32, #tpu.memory_space<vmem>>
        %dma_start3A_95 = tpu.memref_squeeze %dma_start3A_94 : memref<1x8x64xi32, #tpu.memory_space<vmem>> -> memref<8x64xi32, #tpu.memory_space<vmem>>
        %dma_start3A_96 = arith.constant 0 : i32
        %dma_start3A_97 = tpu.memref_slice %arg2[%select_n3A, %dma_start3A_96] : memref<5120x64xi32, #tpu.memory_space<hbm>> -> memref<8x64xi32, #tpu.memory_space<hbm>>
        tpu.enqueue_dma source(%dma_start3A_97 : memref<8x64xi32, #tpu.memory_space<hbm>>) target(%dma_start3A_95 : memref<8x64xi32, #tpu.memory_space<vmem>>) target_semaphore(%run_scoped3A_85 : memref<!tpu.dma_semaphore, #tpu.memory_space<semaphore_mem>>)
        %dma_wait3A = arith.constant 0 : i32
        %dma_wait3A_98 = arith.constant 0 : i32
        %dma_wait3A_99 = tpu.memref_slice %arg7[%run_scoped3A, %dma_wait3A, %dma_wait3A_98] : memref<2x8x64xi32, #tpu.memory_space<vmem>> -> memref<1x8x64xi32, #tpu.memory_space<vmem>>
        %dma_wait3A_100 = tpu.memref_squeeze %dma_wait3A_99 : memref<1x8x64xi32, #tpu.memory_space<vmem>> -> memref<8x64xi32, #tpu.memory_space<vmem>>
        %dma_wait3A_101 = arith.constant 0 : i32
        %dma_wait3A_102 = tpu.memref_slice %arg2[%select_n3A, %dma_wait3A_101] : memref<5120x64xi32, #tpu.memory_space<hbm>> -> memref<8x64xi32, #tpu.memory_space<hbm>>
        %dma_wait3A_103 = arith.constant 0 : i32
        %dma_wait3A_104 = arith.constant 0 : i32
        %dma_wait3A_105 = tpu.memref_slice %arg7[%run_scoped3A, %dma_wait3A_103, %dma_wait3A_104] : memref<2x8x64xi32, #tpu.memory_space<vmem>> -> memref<1x8x64xi32, #tpu.memory_space<vmem>>
        %dma_wait3A_106 = tpu.memref_squeeze %dma_wait3A_105 : memref<1x8x64xi32, #tpu.memory_space<vmem>> -> memref<8x64xi32, #tpu.memory_space<vmem>>
        %dma_wait3A_107 = arith.constant 0 : i32
        %dma_wait3A_108 = tpu.memref_slice %arg2[%select_n3A, %dma_wait3A_107] : memref<5120x64xi32, #tpu.memory_space<hbm>> -> memref<8x64xi32, #tpu.memory_space<hbm>>
        tpu.wait_dma2 semaphore(%run_scoped3A_85 : memref<!tpu.dma_semaphore, #tpu.memory_space<semaphore_mem>>) src(%dma_wait3A_108 : memref<8x64xi32, #tpu.memory_space<hbm>>) dst(%dma_wait3A_106 : memref<8x64xi32, #tpu.memory_space<vmem>>)
        tpu.yield
      }) : () -> ()
      %run_scoped3A_35 = arith.constant 0 : i32
      "tpu.region"() ({
        %run_scoped3A_85 = tpu.sem_alloc : memref<!tpu.dma_semaphore, #tpu.memory_space<semaphore_mem>>
        %dma_start3A_86 = arith.constant 0 : i32
        %dma_start3A_87 = arith.constant 0 : i32
        %dma_start3A_88 = tpu.memref_slice %arg8[%run_scoped3A_35, %dma_start3A_86, %dma_start3A_87] : memref<2x8x64xi32, #tpu.memory_space<vmem>> -> memref<1x8x64xi32, #tpu.memory_space<vmem>>
        %dma_start3A_89 = tpu.memref_squeeze %dma_start3A_88 : memref<1x8x64xi32, #tpu.memory_space<vmem>> -> memref<8x64xi32, #tpu.memory_space<vmem>>
        %dma_start3A_90 = arith.constant 0 : i32
        %dma_start3A_91 = tpu.memref_slice %arg3[%select_n3A, %dma_start3A_90] : memref<5120x64xi32, #tpu.memory_space<hbm>> -> memref<8x64xi32, #tpu.memory_space<hbm>>
        %dma_start3A_92 = arith.constant 0 : i32
        %dma_start3A_93 = arith.constant 0 : i32
        %dma_start3A_94 = tpu.memref_slice %arg8[%run_scoped3A_35, %dma_start3A_92, %dma_start3A_93] : memref<2x8x64xi32, #tpu.memory_space<vmem>> -> memref<1x8x64xi32, #tpu.memory_space<vmem>>
        %dma_start3A_95 = tpu.memref_squeeze %dma_start3A_94 : memref<1x8x64xi32, #tpu.memory_space<vmem>> -> memref<8x64xi32, #tpu.memory_space<vmem>>
        %dma_start3A_96 = arith.constant 0 : i32
        %dma_start3A_97 = tpu.memref_slice %arg3[%select_n3A, %dma_start3A_96] : memref<5120x64xi32, #tpu.memory_space<hbm>> -> memref<8x64xi32, #tpu.memory_space<hbm>>
        tpu.enqueue_dma source(%dma_start3A_97 : memref<8x64xi32, #tpu.memory_space<hbm>>) target(%dma_start3A_95 : memref<8x64xi32, #tpu.memory_space<vmem>>) target_semaphore(%run_scoped3A_85 : memref<!tpu.dma_semaphore, #tpu.memory_space<semaphore_mem>>)
        %dma_wait3A = arith.constant 0 : i32
        %dma_wait3A_98 = arith.constant 0 : i32
        %dma_wait3A_99 = tpu.memref_slice %arg8[%run_scoped3A_35, %dma_wait3A, %dma_wait3A_98] : memref<2x8x64xi32, #tpu.memory_space<vmem>> -> memref<1x8x64xi32, #tpu.memory_space<vmem>>
        %dma_wait3A_100 = tpu.memref_squeeze %dma_wait3A_99 : memref<1x8x64xi32, #tpu.memory_space<vmem>> -> memref<8x64xi32, #tpu.memory_space<vmem>>
        %dma_wait3A_101 = arith.constant 0 : i32
        %dma_wait3A_102 = tpu.memref_slice %arg3[%select_n3A, %dma_wait3A_101] : memref<5120x64xi32, #tpu.memory_space<hbm>> -> memref<8x64xi32, #tpu.memory_space<hbm>>
        %dma_wait3A_103 = arith.constant 0 : i32
        %dma_wait3A_104 = arith.constant 0 : i32
        %dma_wait3A_105 = tpu.memref_slice %arg8[%run_scoped3A_35, %dma_wait3A_103, %dma_wait3A_104] : memref<2x8x64xi32, #tpu.memory_space<vmem>> -> memref<1x8x64xi32, #tpu.memory_space<vmem>>
        %dma_wait3A_106 = tpu.memref_squeeze %dma_wait3A_105 : memref<1x8x64xi32, #tpu.memory_space<vmem>> -> memref<8x64xi32, #tpu.memory_space<vmem>>
        %dma_wait3A_107 = arith.constant 0 : i32
        %dma_wait3A_108 = tpu.memref_slice %arg3[%select_n3A, %dma_wait3A_107] : memref<5120x64xi32, #tpu.memory_space<hbm>> -> memref<8x64xi32, #tpu.memory_space<hbm>>
        tpu.wait_dma2 semaphore(%run_scoped3A_85 : memref<!tpu.dma_semaphore, #tpu.memory_space<semaphore_mem>>) src(%dma_wait3A_108 : memref<8x64xi32, #tpu.memory_space<hbm>>) dst(%dma_wait3A_106 : memref<8x64xi32, #tpu.memory_space<vmem>>)
        tpu.yield
      }) : () -> ()
      %dma_start3A = arith.constant 0 : i32
      %dma_start3A_36 = arith.constant 0 : i32
      %dma_start3A_37 = arith.constant 0 : i32
      %dma_start3A_38 = arith.constant 0 : i32
      %dma_start3A_39 = arith.constant 0 : i32
      %dma_start3A_40 = tpu.memref_slice %arg9[%dma_start3A_37, %dma_start3A_38, %dma_start3A_39] : memref<4x64x128xf32, #tpu.memory_space<vmem>> -> memref<1x64x128xf32, #tpu.memory_space<vmem>>
      %dma_start3A_41 = tpu.memref_squeeze %dma_start3A_40 : memref<1x64x128xf32, #tpu.memory_space<vmem>> -> memref<64x128xf32, #tpu.memory_space<vmem>>
      %dma_start3A_42 = arith.constant 0 : i32
      %dma_start3A_43 = tpu.memref_slice %arg7[%dma_start3A, %dma_start3A_36, %dma_start3A_42] : memref<2x8x64xi32, #tpu.memory_space<vmem>> -> memref<1x1x64xi32, #tpu.memory_space<vmem>>
      %dma_start3A_44 = tpu.memref_squeeze %dma_start3A_43 : memref<1x1x64xi32, #tpu.memory_space<vmem>> -> memref<64xi32, #tpu.memory_space<vmem>>
      %dma_start3A_45 = arith.constant 0 : i32
      %dma_start3A_46 = arith.constant 0 : i32
      %dma_start3A_47 = tpu.memref_slice %arg4[%dma_start3A_45, %dma_start3A_46] : memref<10240x128xf32, #tpu.memory_space<hbm>> -> memref<10240x128xf32, #tpu.memory_space<hbm>>
      tpu.enqueue_indirect_dma source(%dma_start3A_47 : memref<10240x128xf32, #tpu.memory_space<hbm>>) target(%dma_start3A_41 : memref<64x128xf32, #tpu.memory_space<vmem>>) offsets(%dma_start3A_44 : memref<64xi32, #tpu.memory_space<vmem>>) semaphore(%arg12 : memref<!tpu.dma_semaphore, #tpu.memory_space<semaphore_mem>>)
      %dma_start3A_48 = arith.constant 0 : i32
      %dma_start3A_49 = arith.constant 1 : i32
      %dma_start3A_50 = arith.constant 1 : i32
      %dma_start3A_51 = arith.constant 0 : i32
      %dma_start3A_52 = arith.constant 0 : i32
      %dma_start3A_53 = tpu.memref_slice %arg9[%dma_start3A_50, %dma_start3A_51, %dma_start3A_52] : memref<4x64x128xf32, #tpu.memory_space<vmem>> -> memref<1x64x128xf32, #tpu.memory_space<vmem>>
      %dma_start3A_54 = tpu.memref_squeeze %dma_start3A_53 : memref<1x64x128xf32, #tpu.memory_space<vmem>> -> memref<64x128xf32, #tpu.memory_space<vmem>>
      %dma_start3A_55 = arith.constant 0 : i32
      %dma_start3A_56 = tpu.memref_slice %arg7[%dma_start3A_48, %dma_start3A_49, %dma_start3A_55] : memref<2x8x64xi32, #tpu.memory_space<vmem>> -> memref<1x1x64xi32, #tpu.memory_space<vmem>>
      %dma_start3A_57 = tpu.memref_squeeze %dma_start3A_56 : memref<1x1x64xi32, #tpu.memory_space<vmem>> -> memref<64xi32, #tpu.memory_space<vmem>>
      %dma_start3A_58 = arith.constant 0 : i32
      %dma_start3A_59 = arith.constant 0 : i32
      %dma_start3A_60 = tpu.memref_slice %arg4[%dma_start3A_58, %dma_start3A_59] : memref<10240x128xf32, #tpu.memory_space<hbm>> -> memref<10240x128xf32, #tpu.memory_space<hbm>>
      tpu.enqueue_indirect_dma source(%dma_start3A_60 : memref<10240x128xf32, #tpu.memory_space<hbm>>) target(%dma_start3A_54 : memref<64x128xf32, #tpu.memory_space<vmem>>) offsets(%dma_start3A_57 : memref<64xi32, #tpu.memory_space<vmem>>) semaphore(%arg13 : memref<!tpu.dma_semaphore, #tpu.memory_space<semaphore_mem>>)
      %dma_start3A_61 = arith.constant 0 : i32
      %dma_start3A_62 = arith.constant 2 : i32
      %dma_start3A_63 = arith.constant 2 : i32
      %dma_start3A_64 = arith.constant 0 : i32
      %dma_start3A_65 = arith.constant 0 : i32
      %dma_start3A_66 = tpu.memref_slice %arg9[%dma_start3A_63, %dma_start3A_64, %dma_start3A_65] : memref<4x64x128xf32, #tpu.memory_space<vmem>> -> memref<1x64x128xf32, #tpu.memory_space<vmem>>
      %dma_start3A_67 = tpu.memref_squeeze %dma_start3A_66 : memref<1x64x128xf32, #tpu.memory_space<vmem>> -> memref<64x128xf32, #tpu.memory_space<vmem>>
      %dma_start3A_68 = arith.constant 0 : i32
      %dma_start3A_69 = tpu.memref_slice %arg7[%dma_start3A_61, %dma_start3A_62, %dma_start3A_68] : memref<2x8x64xi32, #tpu.memory_space<vmem>> -> memref<1x1x64xi32, #tpu.memory_space<vmem>>
      %dma_start3A_70 = tpu.memref_squeeze %dma_start3A_69 : memref<1x1x64xi32, #tpu.memory_space<vmem>> -> memref<64xi32, #tpu.memory_space<vmem>>
      %dma_start3A_71 = arith.constant 0 : i32
      %dma_start3A_72 = arith.constant 0 : i32
      %dma_start3A_73 = tpu.memref_slice %arg4[%dma_start3A_71, %dma_start3A_72] : memref<10240x128xf32, #tpu.memory_space<hbm>> -> memref<10240x128xf32, #tpu.memory_space<hbm>>
      tpu.enqueue_indirect_dma source(%dma_start3A_73 : memref<10240x128xf32, #tpu.memory_space<hbm>>) target(%dma_start3A_67 : memref<64x128xf32, #tpu.memory_space<vmem>>) offsets(%dma_start3A_70 : memref<64xi32, #tpu.memory_space<vmem>>) semaphore(%arg14 : memref<!tpu.dma_semaphore, #tpu.memory_space<semaphore_mem>>)
      %while3A = arith.constant 0 : i32
      %while3A_74 = arith.constant 0 : i32
      %while3A_75 = arith.subi %select_n3A_21, %while3A : i32
      %while3A_76 = arith.addi %while3A, %while3A_75 : i32
      %while3A_77 = arith.constant 1 : i32
      %while3A_78 = arith.divsi %while3A_75, %while3A_77 : i32
      %while3A_79 = arith.muli %while3A_78, %while3A_77 : i32
      %while3A_80 = arith.addi %while3A, %while3A_79 : i32
      %while3A_81 = arith.constant 1 : i32
      %while3A_82 = scf.for %while3A_85 = %while3A to %while3A_80 step %while3A_81 iter_args(%while3A_86 = %while3A_74) -> (i32)  : i32 {
        %rem3A = arith.constant 2 : i32
        %rem3A_87 = arith.remsi %while3A_85, %rem3A : i32
        %sub3A = arith.constant 1 : i32
        %sub3A_88 = arith.subi %sub3A, %rem3A_87 : i32
        %add3A_89 = arith.constant 1 : i32
        %add3A_90 = arith.addi %while3A_85, %add3A_89 : i32
        %lt3A = arith.cmpi slt, %add3A_90, %select_n3A_21 : i32
        %convert_element_type3A_91 = arith.extui %lt3A : i1 to i32
        %cond3A_92 = arith.constant 0 : i32
        %cond3A_93 = arith.cmpi ne, %convert_element_type3A_91, %cond3A_92 : i32
        scf.if %cond3A_93 {
          %add3A_292 = arith.constant 1 : i32
          %add3A_293 = arith.addi %while3A_85, %add3A_292 : i32
          %mul3A_294 = arith.constant 8 : i32
          %mul3A_295 = arith.muli %add3A_293, %mul3A_294 : i32
          %add3A_296 = arith.addi %select_n3A, %mul3A_295 : i32
          "tpu.region"() ({
            %run_scoped3A_297 = tpu.sem_alloc : memref<!tpu.dma_semaphore, #tpu.memory_space<semaphore_mem>>
            %dma_start3A_298 = arith.constant 0 : i32
            %dma_start3A_299 = arith.constant 0 : i32
            %dma_start3A_300 = tpu.memref_slice %arg7[%sub3A_88, %dma_start3A_298, %dma_start3A_299] : memref<2x8x64xi32, #tpu.memory_space<vmem>> -> memref<1x8x64xi32, #tpu.memory_space<vmem>>
            %dma_start3A_301 = tpu.memref_squeeze %dma_start3A_300 : memref<1x8x64xi32, #tpu.memory_space<vmem>> -> memref<8x64xi32, #tpu.memory_space<vmem>>
            %dma_start3A_302 = arith.constant 0 : i32
            %dma_start3A_303 = tpu.memref_slice %arg2[%add3A_296, %dma_start3A_302] : memref<5120x64xi32, #tpu.memory_space<hbm>> -> memref<8x64xi32, #tpu.memory_space<hbm>>
            %dma_start3A_304 = arith.constant 0 : i32
            %dma_start3A_305 = arith.constant 0 : i32
            %dma_start3A_306 = tpu.memref_slice %arg7[%sub3A_88, %dma_start3A_304, %dma_start3A_305] : memref<2x8x64xi32, #tpu.memory_space<vmem>> -> memref<1x8x64xi32, #tpu.memory_space<vmem>>
            %dma_start3A_307 = tpu.memref_squeeze %dma_start3A_306 : memref<1x8x64xi32, #tpu.memory_space<vmem>> -> memref<8x64xi32, #tpu.memory_space<vmem>>
            %dma_start3A_308 = arith.constant 0 : i32
            %dma_start3A_309 = tpu.memref_slice %arg2[%add3A_296, %dma_start3A_308] : memref<5120x64xi32, #tpu.memory_space<hbm>> -> memref<8x64xi32, #tpu.memory_space<hbm>>
            tpu.enqueue_dma source(%dma_start3A_309 : memref<8x64xi32, #tpu.memory_space<hbm>>) target(%dma_start3A_307 : memref<8x64xi32, #tpu.memory_space<vmem>>) target_semaphore(%run_scoped3A_297 : memref<!tpu.dma_semaphore, #tpu.memory_space<semaphore_mem>>)
            %dma_wait3A_310 = arith.constant 0 : i32
            %dma_wait3A_311 = arith.constant 0 : i32
            %dma_wait3A_312 = tpu.memref_slice %arg7[%sub3A_88, %dma_wait3A_310, %dma_wait3A_311] : memref<2x8x64xi32, #tpu.memory_space<vmem>> -> memref<1x8x64xi32, #tpu.memory_space<vmem>>
            %dma_wait3A_313 = tpu.memref_squeeze %dma_wait3A_312 : memref<1x8x64xi32, #tpu.memory_space<vmem>> -> memref<8x64xi32, #tpu.memory_space<vmem>>
            %dma_wait3A_314 = arith.constant 0 : i32
            %dma_wait3A_315 = tpu.memref_slice %arg2[%add3A_296, %dma_wait3A_314] : memref<5120x64xi32, #tpu.memory_space<hbm>> -> memref<8x64xi32, #tpu.memory_space<hbm>>
            %dma_wait3A_316 = arith.constant 0 : i32
            %dma_wait3A_317 = arith.constant 0 : i32
            %dma_wait3A_318 = tpu.memref_slice %arg7[%sub3A_88, %dma_wait3A_316, %dma_wait3A_317] : memref<2x8x64xi32, #tpu.memory_space<vmem>> -> memref<1x8x64xi32, #tpu.memory_space<vmem>>
            %dma_wait3A_319 = tpu.memref_squeeze %dma_wait3A_318 : memref<1x8x64xi32, #tpu.memory_space<vmem>> -> memref<8x64xi32, #tpu.memory_space<vmem>>
            %dma_wait3A_320 = arith.constant 0 : i32
            %dma_wait3A_321 = tpu.memref_slice %arg2[%add3A_296, %dma_wait3A_320] : memref<5120x64xi32, #tpu.memory_space<hbm>> -> memref<8x64xi32, #tpu.memory_space<hbm>>
            tpu.wait_dma2 semaphore(%run_scoped3A_297 : memref<!tpu.dma_semaphore, #tpu.memory_space<semaphore_mem>>) src(%dma_wait3A_321 : memref<8x64xi32, #tpu.memory_space<hbm>>) dst(%dma_wait3A_319 : memref<8x64xi32, #tpu.memory_space<vmem>>)
            tpu.yield
          }) : () -> ()
          "tpu.region"() ({
            %run_scoped3A_297 = tpu.sem_alloc : memref<!tpu.dma_semaphore, #tpu.memory_space<semaphore_mem>>
            %dma_start3A_298 = arith.constant 0 : i32
            %dma_start3A_299 = arith.constant 0 : i32
            %dma_start3A_300 = tpu.memref_slice %arg8[%sub3A_88, %dma_start3A_298, %dma_start3A_299] : memref<2x8x64xi32, #tpu.memory_space<vmem>> -> memref<1x8x64xi32, #tpu.memory_space<vmem>>
            %dma_start3A_301 = tpu.memref_squeeze %dma_start3A_300 : memref<1x8x64xi32, #tpu.memory_space<vmem>> -> memref<8x64xi32, #tpu.memory_space<vmem>>
            %dma_start3A_302 = arith.constant 0 : i32
            %dma_start3A_303 = tpu.memref_slice %arg3[%add3A_296, %dma_start3A_302] : memref<5120x64xi32, #tpu.memory_space<hbm>> -> memref<8x64xi32, #tpu.memory_space<hbm>>
            %dma_start3A_304 = arith.constant 0 : i32
            %dma_start3A_305 = arith.constant 0 : i32
            %dma_start3A_306 = tpu.memref_slice %arg8[%sub3A_88, %dma_start3A_304, %dma_start3A_305] : memref<2x8x64xi32, #tpu.memory_space<vmem>> -> memref<1x8x64xi32, #tpu.memory_space<vmem>>
            %dma_start3A_307 = tpu.memref_squeeze %dma_start3A_306 : memref<1x8x64xi32, #tpu.memory_space<vmem>> -> memref<8x64xi32, #tpu.memory_space<vmem>>
            %dma_start3A_308 = arith.constant 0 : i32
            %dma_start3A_309 = tpu.memref_slice %arg3[%add3A_296, %dma_start3A_308] : memref<5120x64xi32, #tpu.memory_space<hbm>> -> memref<8x64xi32, #tpu.memory_space<hbm>>
            tpu.enqueue_dma source(%dma_start3A_309 : memref<8x64xi32, #tpu.memory_space<hbm>>) target(%dma_start3A_307 : memref<8x64xi32, #tpu.memory_space<vmem>>) target_semaphore(%run_scoped3A_297 : memref<!tpu.dma_semaphore, #tpu.memory_space<semaphore_mem>>)
            %dma_wait3A_310 = arith.constant 0 : i32
            %dma_wait3A_311 = arith.constant 0 : i32
            %dma_wait3A_312 = tpu.memref_slice %arg8[%sub3A_88, %dma_wait3A_310, %dma_wait3A_311] : memref<2x8x64xi32, #tpu.memory_space<vmem>> -> memref<1x8x64xi32, #tpu.memory_space<vmem>>
            %dma_wait3A_313 = tpu.memref_squeeze %dma_wait3A_312 : memref<1x8x64xi32, #tpu.memory_space<vmem>> -> memref<8x64xi32, #tpu.memory_space<vmem>>
            %dma_wait3A_314 = arith.constant 0 : i32
            %dma_wait3A_315 = tpu.memref_slice %arg3[%add3A_296, %dma_wait3A_314] : memref<5120x64xi32, #tpu.memory_space<hbm>> -> memref<8x64xi32, #tpu.memory_space<hbm>>
            %dma_wait3A_316 = arith.constant 0 : i32
            %dma_wait3A_317 = arith.constant 0 : i32
            %dma_wait3A_318 = tpu.memref_slice %arg8[%sub3A_88, %dma_wait3A_316, %dma_wait3A_317] : memref<2x8x64xi32, #tpu.memory_space<vmem>> -> memref<1x8x64xi32, #tpu.memory_space<vmem>>
            %dma_wait3A_319 = tpu.memref_squeeze %dma_wait3A_318 : memref<1x8x64xi32, #tpu.memory_space<vmem>> -> memref<8x64xi32, #tpu.memory_space<vmem>>
            %dma_wait3A_320 = arith.constant 0 : i32
            %dma_wait3A_321 = tpu.memref_slice %arg3[%add3A_296, %dma_wait3A_320] : memref<5120x64xi32, #tpu.memory_space<hbm>> -> memref<8x64xi32, #tpu.memory_space<hbm>>
            tpu.wait_dma2 semaphore(%run_scoped3A_297 : memref<!tpu.dma_semaphore, #tpu.memory_space<semaphore_mem>>) src(%dma_wait3A_321 : memref<8x64xi32, #tpu.memory_space<hbm>>) dst(%dma_wait3A_319 : memref<8x64xi32, #tpu.memory_space<vmem>>)
            tpu.yield
          }) : () -> ()
        } else {
        }
        %dma_wait3A = arith.constant 0 : i32
        %dma_wait3A_94 = arith.constant 0 : i32
        %dma_wait3A_95 = arith.constant 0 : i32
        %dma_wait3A_96 = arith.constant 0 : i32
        %dma_wait3A_97 = arith.constant 0 : i32
        %dma_wait3A_98 = tpu.memref_slice %arg9[%dma_wait3A_95, %dma_wait3A_96, %dma_wait3A_97] : memref<4x64x128xf32, #tpu.memory_space<vmem>> -> memref<1x64x128xf32, #tpu.memory_space<vmem>>
        %dma_wait3A_99 = tpu.memref_squeeze %dma_wait3A_98 : memref<1x64x128xf32, #tpu.memory_space<vmem>> -> memref<64x128xf32, #tpu.memory_space<vmem>>
        %dma_wait3A_100 = arith.constant 0 : i32
        %dma_wait3A_101 = tpu.memref_slice %arg7[%dma_wait3A, %dma_wait3A_94, %dma_wait3A_100] : memref<2x8x64xi32, #tpu.memory_space<vmem>> -> memref<1x1x64xi32, #tpu.memory_space<vmem>>
        %dma_wait3A_102 = tpu.memref_squeeze %dma_wait3A_101 : memref<1x1x64xi32, #tpu.memory_space<vmem>> -> memref<64xi32, #tpu.memory_space<vmem>>
        %dma_wait3A_103 = arith.constant 0 : i32
        %dma_wait3A_104 = arith.constant 0 : i32
        %dma_wait3A_105 = tpu.memref_slice %arg4[%dma_wait3A_103, %dma_wait3A_104] : memref<10240x128xf32, #tpu.memory_space<hbm>> -> memref<10240x128xf32, #tpu.memory_space<hbm>>
        tpu.wait_indirect_dma semaphore(%arg12 : memref<!tpu.dma_semaphore, #tpu.memory_space<semaphore_mem>>) src(%dma_wait3A_105 : memref<10240x128xf32, #tpu.memory_space<hbm>>) dst(%dma_wait3A_99 : memref<64x128xf32, #tpu.memory_space<vmem>>)
        %dma_start3A_106 = arith.constant 3 : i32
        %dma_start3A_107 = arith.constant 3 : i32
        %dma_start3A_108 = arith.constant 0 : i32
        %dma_start3A_109 = arith.constant 0 : i32
        %dma_start3A_110 = tpu.memref_slice %arg9[%dma_start3A_107, %dma_start3A_108, %dma_start3A_109] : memref<4x64x128xf32, #tpu.memory_space<vmem>> -> memref<1x64x128xf32, #tpu.memory_space<vmem>>
        %dma_start3A_111 = tpu.memref_squeeze %dma_start3A_110 : memref<1x64x128xf32, #tpu.memory_space<vmem>> -> memref<64x128xf32, #tpu.memory_space<vmem>>
        %dma_start3A_112 = arith.constant 0 : i32
        %dma_start3A_113 = tpu.memref_slice %arg7[%rem3A_87, %dma_start3A_106, %dma_start3A_112] : memref<2x8x64xi32, #tpu.memory_space<vmem>> -> memref<1x1x64xi32, #tpu.memory_space<vmem>>
        %dma_start3A_114 = tpu.memref_squeeze %dma_start3A_113 : memref<1x1x64xi32, #tpu.memory_space<vmem>> -> memref<64xi32, #tpu.memory_space<vmem>>
        %dma_start3A_115 = arith.constant 0 : i32
        %dma_start3A_116 = arith.constant 0 : i32
        %dma_start3A_117 = tpu.memref_slice %arg4[%dma_start3A_115, %dma_start3A_116] : memref<10240x128xf32, #tpu.memory_space<hbm>> -> memref<10240x128xf32, #tpu.memory_space<hbm>>
        tpu.enqueue_indirect_dma source(%dma_start3A_117 : memref<10240x128xf32, #tpu.memory_space<hbm>>) target(%dma_start3A_111 : memref<64x128xf32, #tpu.memory_space<vmem>>) offsets(%dma_start3A_114 : memref<64xi32, #tpu.memory_space<vmem>>) semaphore(%arg15 : memref<!tpu.dma_semaphore, #tpu.memory_space<semaphore_mem>>)
        %run_scoped3A_118 = arith.constant 0 : i32
        %run_scoped3A_119 = arith.constant 0 : i32
        "tpu.region"() ({
          %run_scoped3A_292 = tpu.sem_alloc : memref<!tpu.dma_semaphore, #tpu.memory_space<semaphore_mem>>
          %dma_start3A_293 = arith.constant 0 : i32
          %dma_start3A_294 = arith.constant 0 : i32
          %dma_start3A_295 = tpu.memref_slice %arg9[%run_scoped3A_118, %dma_start3A_293, %dma_start3A_294] : memref<4x64x128xf32, #tpu.memory_space<vmem>> -> memref<1x64x128xf32, #tpu.memory_space<vmem>>
          %dma_start3A_296 = tpu.memref_squeeze %dma_start3A_295 : memref<1x64x128xf32, #tpu.memory_space<vmem>> -> memref<64x128xf32, #tpu.memory_space<vmem>>
          %dma_start3A_297 = arith.constant 0 : i32
          %dma_start3A_298 = tpu.memref_slice %arg8[%rem3A_87, %run_scoped3A_119, %dma_start3A_297] : memref<2x8x64xi32, #tpu.memory_space<vmem>> -> memref<1x1x64xi32, #tpu.memory_space<vmem>>
          %dma_start3A_299 = tpu.memref_squeeze %dma_start3A_298 : memref<1x1x64xi32, #tpu.memory_space<vmem>> -> memref<64xi32, #tpu.memory_space<vmem>>
          %dma_start3A_300 = arith.constant 0 : i32
          %dma_start3A_301 = arith.constant 0 : i32
          %dma_start3A_302 = tpu.memref_slice %arg11[%dma_start3A_300, %dma_start3A_301] : memref<10240x128xf32, #tpu.memory_space<vmem_shared>> -> memref<10240x128xf32, #tpu.memory_space<vmem_shared>>
          tpu.enqueue_indirect_dma source(%dma_start3A_296 : memref<64x128xf32, #tpu.memory_space<vmem>>) target(%dma_start3A_302 : memref<10240x128xf32, #tpu.memory_space<vmem_shared>>) offsets(%dma_start3A_299 : memref<64xi32, #tpu.memory_space<vmem>>) semaphore(%run_scoped3A_292 : memref<!tpu.dma_semaphore, #tpu.memory_space<semaphore_mem>>) {add = true}
          %dma_wait3A_303 = arith.constant 0 : i32
          %dma_wait3A_304 = arith.constant 0 : i32
          %dma_wait3A_305 = tpu.memref_slice %arg9[%run_scoped3A_118, %dma_wait3A_303, %dma_wait3A_304] : memref<4x64x128xf32, #tpu.memory_space<vmem>> -> memref<1x64x128xf32, #tpu.memory_space<vmem>>
          %dma_wait3A_306 = tpu.memref_squeeze %dma_wait3A_305 : memref<1x64x128xf32, #tpu.memory_space<vmem>> -> memref<64x128xf32, #tpu.memory_space<vmem>>
          %dma_wait3A_307 = arith.constant 0 : i32
          %dma_wait3A_308 = tpu.memref_slice %arg8[%rem3A_87, %run_scoped3A_119, %dma_wait3A_307] : memref<2x8x64xi32, #tpu.memory_space<vmem>> -> memref<1x1x64xi32, #tpu.memory_space<vmem>>
          %dma_wait3A_309 = tpu.memref_squeeze %dma_wait3A_308 : memref<1x1x64xi32, #tpu.memory_space<vmem>> -> memref<64xi32, #tpu.memory_space<vmem>>
          %dma_wait3A_310 = arith.constant 0 : i32
          %dma_wait3A_311 = arith.constant 0 : i32
          %dma_wait3A_312 = tpu.memref_slice %arg11[%dma_wait3A_310, %dma_wait3A_311] : memref<10240x128xf32, #tpu.memory_space<vmem_shared>> -> memref<10240x128xf32, #tpu.memory_space<vmem_shared>>
          tpu.wait_indirect_dma semaphore(%run_scoped3A_292 : memref<!tpu.dma_semaphore, #tpu.memory_space<semaphore_mem>>) src(%dma_wait3A_306 : memref<64x128xf32, #tpu.memory_space<vmem>>) dst(%dma_wait3A_312 : memref<10240x128xf32, #tpu.memory_space<vmem_shared>>)
          tpu.yield
        }) : () -> ()
        %dma_wait3A_120 = arith.constant 0 : i32
        %dma_wait3A_121 = arith.constant 0 : i32
        %dma_wait3A_122 = arith.constant 1 : i32
        %dma_wait3A_123 = arith.constant 0 : i32
        %dma_wait3A_124 = arith.constant 0 : i32
        %dma_wait3A_125 = tpu.memref_slice %arg9[%dma_wait3A_122, %dma_wait3A_123, %dma_wait3A_124] : memref<4x64x128xf32, #tpu.memory_space<vmem>> -> memref<1x64x128xf32, #tpu.memory_space<vmem>>
        %dma_wait3A_126 = tpu.memref_squeeze %dma_wait3A_125 : memref<1x64x128xf32, #tpu.memory_space<vmem>> -> memref<64x128xf32, #tpu.memory_space<vmem>>
        %dma_wait3A_127 = arith.constant 0 : i32
        %dma_wait3A_128 = tpu.memref_slice %arg7[%dma_wait3A_120, %dma_wait3A_121, %dma_wait3A_127] : memref<2x8x64xi32, #tpu.memory_space<vmem>> -> memref<1x1x64xi32, #tpu.memory_space<vmem>>
        %dma_wait3A_129 = tpu.memref_squeeze %dma_wait3A_128 : memref<1x1x64xi32, #tpu.memory_space<vmem>> -> memref<64xi32, #tpu.memory_space<vmem>>
        %dma_wait3A_130 = arith.constant 0 : i32
        %dma_wait3A_131 = arith.constant 0 : i32
        %dma_wait3A_132 = tpu.memref_slice %arg4[%dma_wait3A_130, %dma_wait3A_131] : memref<10240x128xf32, #tpu.memory_space<hbm>> -> memref<10240x128xf32, #tpu.memory_space<hbm>>
        tpu.wait_indirect_dma semaphore(%arg13 : memref<!tpu.dma_semaphore, #tpu.memory_space<semaphore_mem>>) src(%dma_wait3A_132 : memref<10240x128xf32, #tpu.memory_space<hbm>>) dst(%dma_wait3A_126 : memref<64x128xf32, #tpu.memory_space<vmem>>)
        %dma_start3A_133 = arith.constant 4 : i32
        %dma_start3A_134 = arith.constant 0 : i32
        %dma_start3A_135 = arith.constant 0 : i32
        %dma_start3A_136 = arith.constant 0 : i32
        %dma_start3A_137 = tpu.memref_slice %arg9[%dma_start3A_134, %dma_start3A_135, %dma_start3A_136] : memref<4x64x128xf32, #tpu.memory_space<vmem>> -> memref<1x64x128xf32, #tpu.memory_space<vmem>>
        %dma_start3A_138 = tpu.memref_squeeze %dma_start3A_137 : memref<1x64x128xf32, #tpu.memory_space<vmem>> -> memref<64x128xf32, #tpu.memory_space<vmem>>
        %dma_start3A_139 = arith.constant 0 : i32
        %dma_start3A_140 = tpu.memref_slice %arg7[%rem3A_87, %dma_start3A_133, %dma_start3A_139] : memref<2x8x64xi32, #tpu.memory_space<vmem>> -> memref<1x1x64xi32, #tpu.memory_space<vmem>>
        %dma_start3A_141 = tpu.memref_squeeze %dma_start3A_140 : memref<1x1x64xi32, #tpu.memory_space<vmem>> -> memref<64xi32, #tpu.memory_space<vmem>>
        %dma_start3A_142 = arith.constant 0 : i32
        %dma_start3A_143 = arith.constant 0 : i32
        %dma_start3A_144 = tpu.memref_slice %arg4[%dma_start3A_142, %dma_start3A_143] : memref<10240x128xf32, #tpu.memory_space<hbm>> -> memref<10240x128xf32, #tpu.memory_space<hbm>>
        tpu.enqueue_indirect_dma source(%dma_start3A_144 : memref<10240x128xf32, #tpu.memory_space<hbm>>) target(%dma_start3A_138 : memref<64x128xf32, #tpu.memory_space<vmem>>) offsets(%dma_start3A_141 : memref<64xi32, #tpu.memory_space<vmem>>) semaphore(%arg12 : memref<!tpu.dma_semaphore, #tpu.memory_space<semaphore_mem>>)
        %run_scoped3A_145 = arith.constant 1 : i32
        %run_scoped3A_146 = arith.constant 1 : i32
        "tpu.region"() ({
          %run_scoped3A_292 = tpu.sem_alloc : memref<!tpu.dma_semaphore, #tpu.memory_space<semaphore_mem>>
          %dma_start3A_293 = arith.constant 0 : i32
          %dma_start3A_294 = arith.constant 0 : i32
          %dma_start3A_295 = tpu.memref_slice %arg9[%run_scoped3A_145, %dma_start3A_293, %dma_start3A_294] : memref<4x64x128xf32, #tpu.memory_space<vmem>> -> memref<1x64x128xf32, #tpu.memory_space<vmem>>
          %dma_start3A_296 = tpu.memref_squeeze %dma_start3A_295 : memref<1x64x128xf32, #tpu.memory_space<vmem>> -> memref<64x128xf32, #tpu.memory_space<vmem>>
          %dma_start3A_297 = arith.constant 0 : i32
          %dma_start3A_298 = tpu.memref_slice %arg8[%rem3A_87, %run_scoped3A_146, %dma_start3A_297] : memref<2x8x64xi32, #tpu.memory_space<vmem>> -> memref<1x1x64xi32, #tpu.memory_space<vmem>>
          %dma_start3A_299 = tpu.memref_squeeze %dma_start3A_298 : memref<1x1x64xi32, #tpu.memory_space<vmem>> -> memref<64xi32, #tpu.memory_space<vmem>>
          %dma_start3A_300 = arith.constant 0 : i32
          %dma_start3A_301 = arith.constant 0 : i32
          %dma_start3A_302 = tpu.memref_slice %arg11[%dma_start3A_300, %dma_start3A_301] : memref<10240x128xf32, #tpu.memory_space<vmem_shared>> -> memref<10240x128xf32, #tpu.memory_space<vmem_shared>>
          tpu.enqueue_indirect_dma source(%dma_start3A_296 : memref<64x128xf32, #tpu.memory_space<vmem>>) target(%dma_start3A_302 : memref<10240x128xf32, #tpu.memory_space<vmem_shared>>) offsets(%dma_start3A_299 : memref<64xi32, #tpu.memory_space<vmem>>) semaphore(%run_scoped3A_292 : memref<!tpu.dma_semaphore, #tpu.memory_space<semaphore_mem>>) {add = true}
          %dma_wait3A_303 = arith.constant 0 : i32
          %dma_wait3A_304 = arith.constant 0 : i32
          %dma_wait3A_305 = tpu.memref_slice %arg9[%run_scoped3A_145, %dma_wait3A_303, %dma_wait3A_304] : memref<4x64x128xf32, #tpu.memory_space<vmem>> -> memref<1x64x128xf32, #tpu.memory_space<vmem>>
          %dma_wait3A_306 = tpu.memref_squeeze %dma_wait3A_305 : memref<1x64x128xf32, #tpu.memory_space<vmem>> -> memref<64x128xf32, #tpu.memory_space<vmem>>
          %dma_wait3A_307 = arith.constant 0 : i32
          %dma_wait3A_308 = tpu.memref_slice %arg8[%rem3A_87, %run_scoped3A_146, %dma_wait3A_307] : memref<2x8x64xi32, #tpu.memory_space<vmem>> -> memref<1x1x64xi32, #tpu.memory_space<vmem>>
          %dma_wait3A_309 = tpu.memref_squeeze %dma_wait3A_308 : memref<1x1x64xi32, #tpu.memory_space<vmem>> -> memref<64xi32, #tpu.memory_space<vmem>>
          %dma_wait3A_310 = arith.constant 0 : i32
          %dma_wait3A_311 = arith.constant 0 : i32
          %dma_wait3A_312 = tpu.memref_slice %arg11[%dma_wait3A_310, %dma_wait3A_311] : memref<10240x128xf32, #tpu.memory_space<vmem_shared>> -> memref<10240x128xf32, #tpu.memory_space<vmem_shared>>
          tpu.wait_indirect_dma semaphore(%run_scoped3A_292 : memref<!tpu.dma_semaphore, #tpu.memory_space<semaphore_mem>>) src(%dma_wait3A_306 : memref<64x128xf32, #tpu.memory_space<vmem>>) dst(%dma_wait3A_312 : memref<10240x128xf32, #tpu.memory_space<vmem_shared>>)
          tpu.yield
        }) : () -> ()
        %dma_wait3A_147 = arith.constant 0 : i32
        %dma_wait3A_148 = arith.constant 0 : i32
        %dma_wait3A_149 = arith.constant 2 : i32
        %dma_wait3A_150 = arith.constant 0 : i32
        %dma_wait3A_151 = arith.constant 0 : i32
        %dma_wait3A_152 = tpu.memref_slice %arg9[%dma_wait3A_149, %dma_wait3A_150, %dma_wait3A_151] : memref<4x64x128xf32, #tpu.memory_space<vmem>> -> memref<1x64x128xf32, #tpu.memory_space<vmem>>
        %dma_wait3A_153 = tpu.memref_squeeze %dma_wait3A_152 : memref<1x64x128xf32, #tpu.memory_space<vmem>> -> memref<64x128xf32, #tpu.memory_space<vmem>>
        %dma_wait3A_154 = arith.constant 0 : i32
        %dma_wait3A_155 = tpu.memref_slice %arg7[%dma_wait3A_147, %dma_wait3A_148, %dma_wait3A_154] : memref<2x8x64xi32, #tpu.memory_space<vmem>> -> memref<1x1x64xi32, #tpu.memory_space<vmem>>
        %dma_wait3A_156 = tpu.memref_squeeze %dma_wait3A_155 : memref<1x1x64xi32, #tpu.memory_space<vmem>> -> memref<64xi32, #tpu.memory_space<vmem>>
        %dma_wait3A_157 = arith.constant 0 : i32
        %dma_wait3A_158 = arith.constant 0 : i32
        %dma_wait3A_159 = tpu.memref_slice %arg4[%dma_wait3A_157, %dma_wait3A_158] : memref<10240x128xf32, #tpu.memory_space<hbm>> -> memref<10240x128xf32, #tpu.memory_space<hbm>>
        tpu.wait_indirect_dma semaphore(%arg14 : memref<!tpu.dma_semaphore, #tpu.memory_space<semaphore_mem>>) src(%dma_wait3A_159 : memref<10240x128xf32, #tpu.memory_space<hbm>>) dst(%dma_wait3A_153 : memref<64x128xf32, #tpu.memory_space<vmem>>)
        %dma_start3A_160 = arith.constant 5 : i32
        %dma_start3A_161 = arith.constant 1 : i32
        %dma_start3A_162 = arith.constant 0 : i32
        %dma_start3A_163 = arith.constant 0 : i32
        %dma_start3A_164 = tpu.memref_slice %arg9[%dma_start3A_161, %dma_start3A_162, %dma_start3A_163] : memref<4x64x128xf32, #tpu.memory_space<vmem>> -> memref<1x64x128xf32, #tpu.memory_space<vmem>>
        %dma_start3A_165 = tpu.memref_squeeze %dma_start3A_164 : memref<1x64x128xf32, #tpu.memory_space<vmem>> -> memref<64x128xf32, #tpu.memory_space<vmem>>
        %dma_start3A_166 = arith.constant 0 : i32
        %dma_start3A_167 = tpu.memref_slice %arg7[%rem3A_87, %dma_start3A_160, %dma_start3A_166] : memref<2x8x64xi32, #tpu.memory_space<vmem>> -> memref<1x1x64xi32, #tpu.memory_space<vmem>>
        %dma_start3A_168 = tpu.memref_squeeze %dma_start3A_167 : memref<1x1x64xi32, #tpu.memory_space<vmem>> -> memref<64xi32, #tpu.memory_space<vmem>>
        %dma_start3A_169 = arith.constant 0 : i32
        %dma_start3A_170 = arith.constant 0 : i32
        %dma_start3A_171 = tpu.memref_slice %arg4[%dma_start3A_169, %dma_start3A_170] : memref<10240x128xf32, #tpu.memory_space<hbm>> -> memref<10240x128xf32, #tpu.memory_space<hbm>>
        tpu.enqueue_indirect_dma source(%dma_start3A_171 : memref<10240x128xf32, #tpu.memory_space<hbm>>) target(%dma_start3A_165 : memref<64x128xf32, #tpu.memory_space<vmem>>) offsets(%dma_start3A_168 : memref<64xi32, #tpu.memory_space<vmem>>) semaphore(%arg13 : memref<!tpu.dma_semaphore, #tpu.memory_space<semaphore_mem>>)
        %run_scoped3A_172 = arith.constant 2 : i32
        %run_scoped3A_173 = arith.constant 2 : i32
        "tpu.region"() ({
          %run_scoped3A_292 = tpu.sem_alloc : memref<!tpu.dma_semaphore, #tpu.memory_space<semaphore_mem>>
          %dma_start3A_293 = arith.constant 0 : i32
          %dma_start3A_294 = arith.constant 0 : i32
          %dma_start3A_295 = tpu.memref_slice %arg9[%run_scoped3A_172, %dma_start3A_293, %dma_start3A_294] : memref<4x64x128xf32, #tpu.memory_space<vmem>> -> memref<1x64x128xf32, #tpu.memory_space<vmem>>
          %dma_start3A_296 = tpu.memref_squeeze %dma_start3A_295 : memref<1x64x128xf32, #tpu.memory_space<vmem>> -> memref<64x128xf32, #tpu.memory_space<vmem>>
          %dma_start3A_297 = arith.constant 0 : i32
          %dma_start3A_298 = tpu.memref_slice %arg8[%rem3A_87, %run_scoped3A_173, %dma_start3A_297] : memref<2x8x64xi32, #tpu.memory_space<vmem>> -> memref<1x1x64xi32, #tpu.memory_space<vmem>>
          %dma_start3A_299 = tpu.memref_squeeze %dma_start3A_298 : memref<1x1x64xi32, #tpu.memory_space<vmem>> -> memref<64xi32, #tpu.memory_space<vmem>>
          %dma_start3A_300 = arith.constant 0 : i32
          %dma_start3A_301 = arith.constant 0 : i32
          %dma_start3A_302 = tpu.memref_slice %arg11[%dma_start3A_300, %dma_start3A_301] : memref<10240x128xf32, #tpu.memory_space<vmem_shared>> -> memref<10240x128xf32, #tpu.memory_space<vmem_shared>>
          tpu.enqueue_indirect_dma source(%dma_start3A_296 : memref<64x128xf32, #tpu.memory_space<vmem>>) target(%dma_start3A_302 : memref<10240x128xf32, #tpu.memory_space<vmem_shared>>) offsets(%dma_start3A_299 : memref<64xi32, #tpu.memory_space<vmem>>) semaphore(%run_scoped3A_292 : memref<!tpu.dma_semaphore, #tpu.memory_space<semaphore_mem>>) {add = true}
          %dma_wait3A_303 = arith.constant 0 : i32
          %dma_wait3A_304 = arith.constant 0 : i32
          %dma_wait3A_305 = tpu.memref_slice %arg9[%run_scoped3A_172, %dma_wait3A_303, %dma_wait3A_304] : memref<4x64x128xf32, #tpu.memory_space<vmem>> -> memref<1x64x128xf32, #tpu.memory_space<vmem>>
          %dma_wait3A_306 = tpu.memref_squeeze %dma_wait3A_305 : memref<1x64x128xf32, #tpu.memory_space<vmem>> -> memref<64x128xf32, #tpu.memory_space<vmem>>
          %dma_wait3A_307 = arith.constant 0 : i32
          %dma_wait3A_308 = tpu.memref_slice %arg8[%rem3A_87, %run_scoped3A_173, %dma_wait3A_307] : memref<2x8x64xi32, #tpu.memory_space<vmem>> -> memref<1x1x64xi32, #tpu.memory_space<vmem>>
          %dma_wait3A_309 = tpu.memref_squeeze %dma_wait3A_308 : memref<1x1x64xi32, #tpu.memory_space<vmem>> -> memref<64xi32, #tpu.memory_space<vmem>>
          %dma_wait3A_310 = arith.constant 0 : i32
          %dma_wait3A_311 = arith.constant 0 : i32
          %dma_wait3A_312 = tpu.memref_slice %arg11[%dma_wait3A_310, %dma_wait3A_311] : memref<10240x128xf32, #tpu.memory_space<vmem_shared>> -> memref<10240x128xf32, #tpu.memory_space<vmem_shared>>
          tpu.wait_indirect_dma semaphore(%run_scoped3A_292 : memref<!tpu.dma_semaphore, #tpu.memory_space<semaphore_mem>>) src(%dma_wait3A_306 : memref<64x128xf32, #tpu.memory_space<vmem>>) dst(%dma_wait3A_312 : memref<10240x128xf32, #tpu.memory_space<vmem_shared>>)
          tpu.yield
        }) : () -> ()
        %dma_wait3A_174 = arith.constant 0 : i32
        %dma_wait3A_175 = arith.constant 0 : i32
        %dma_wait3A_176 = arith.constant 3 : i32
        %dma_wait3A_177 = arith.constant 0 : i32
        %dma_wait3A_178 = arith.constant 0 : i32
        %dma_wait3A_179 = tpu.memref_slice %arg9[%dma_wait3A_176, %dma_wait3A_177, %dma_wait3A_178] : memref<4x64x128xf32, #tpu.memory_space<vmem>> -> memref<1x64x128xf32, #tpu.memory_space<vmem>>
        %dma_wait3A_180 = tpu.memref_squeeze %dma_wait3A_179 : memref<1x64x128xf32, #tpu.memory_space<vmem>> -> memref<64x128xf32, #tpu.memory_space<vmem>>
        %dma_wait3A_181 = arith.constant 0 : i32
        %dma_wait3A_182 = tpu.memref_slice %arg7[%dma_wait3A_174, %dma_wait3A_175, %dma_wait3A_181] : memref<2x8x64xi32, #tpu.memory_space<vmem>> -> memref<1x1x64xi32, #tpu.memory_space<vmem>>
        %dma_wait3A_183 = tpu.memref_squeeze %dma_wait3A_182 : memref<1x1x64xi32, #tpu.memory_space<vmem>> -> memref<64xi32, #tpu.memory_space<vmem>>
        %dma_wait3A_184 = arith.constant 0 : i32
        %dma_wait3A_185 = arith.constant 0 : i32
        %dma_wait3A_186 = tpu.memref_slice %arg4[%dma_wait3A_184, %dma_wait3A_185] : memref<10240x128xf32, #tpu.memory_space<hbm>> -> memref<10240x128xf32, #tpu.memory_space<hbm>>
        tpu.wait_indirect_dma semaphore(%arg15 : memref<!tpu.dma_semaphore, #tpu.memory_space<semaphore_mem>>) src(%dma_wait3A_186 : memref<10240x128xf32, #tpu.memory_space<hbm>>) dst(%dma_wait3A_180 : memref<64x128xf32, #tpu.memory_space<vmem>>)
        %dma_start3A_187 = arith.constant 6 : i32
        %dma_start3A_188 = arith.constant 2 : i32
        %dma_start3A_189 = arith.constant 0 : i32
        %dma_start3A_190 = arith.constant 0 : i32
        %dma_start3A_191 = tpu.memref_slice %arg9[%dma_start3A_188, %dma_start3A_189, %dma_start3A_190] : memref<4x64x128xf32, #tpu.memory_space<vmem>> -> memref<1x64x128xf32, #tpu.memory_space<vmem>>
        %dma_start3A_192 = tpu.memref_squeeze %dma_start3A_191 : memref<1x64x128xf32, #tpu.memory_space<vmem>> -> memref<64x128xf32, #tpu.memory_space<vmem>>
        %dma_start3A_193 = arith.constant 0 : i32
        %dma_start3A_194 = tpu.memref_slice %arg7[%rem3A_87, %dma_start3A_187, %dma_start3A_193] : memref<2x8x64xi32, #tpu.memory_space<vmem>> -> memref<1x1x64xi32, #tpu.memory_space<vmem>>
        %dma_start3A_195 = tpu.memref_squeeze %dma_start3A_194 : memref<1x1x64xi32, #tpu.memory_space<vmem>> -> memref<64xi32, #tpu.memory_space<vmem>>
        %dma_start3A_196 = arith.constant 0 : i32
        %dma_start3A_197 = arith.constant 0 : i32
        %dma_start3A_198 = tpu.memref_slice %arg4[%dma_start3A_196, %dma_start3A_197] : memref<10240x128xf32, #tpu.memory_space<hbm>> -> memref<10240x128xf32, #tpu.memory_space<hbm>>
        tpu.enqueue_indirect_dma source(%dma_start3A_198 : memref<10240x128xf32, #tpu.memory_space<hbm>>) target(%dma_start3A_192 : memref<64x128xf32, #tpu.memory_space<vmem>>) offsets(%dma_start3A_195 : memref<64xi32, #tpu.memory_space<vmem>>) semaphore(%arg14 : memref<!tpu.dma_semaphore, #tpu.memory_space<semaphore_mem>>)
        %run_scoped3A_199 = arith.constant 3 : i32
        %run_scoped3A_200 = arith.constant 3 : i32
        "tpu.region"() ({
          %run_scoped3A_292 = tpu.sem_alloc : memref<!tpu.dma_semaphore, #tpu.memory_space<semaphore_mem>>
          %dma_start3A_293 = arith.constant 0 : i32
          %dma_start3A_294 = arith.constant 0 : i32
          %dma_start3A_295 = tpu.memref_slice %arg9[%run_scoped3A_199, %dma_start3A_293, %dma_start3A_294] : memref<4x64x128xf32, #tpu.memory_space<vmem>> -> memref<1x64x128xf32, #tpu.memory_space<vmem>>
          %dma_start3A_296 = tpu.memref_squeeze %dma_start3A_295 : memref<1x64x128xf32, #tpu.memory_space<vmem>> -> memref<64x128xf32, #tpu.memory_space<vmem>>
          %dma_start3A_297 = arith.constant 0 : i32
          %dma_start3A_298 = tpu.memref_slice %arg8[%rem3A_87, %run_scoped3A_200, %dma_start3A_297] : memref<2x8x64xi32, #tpu.memory_space<vmem>> -> memref<1x1x64xi32, #tpu.memory_space<vmem>>
          %dma_start3A_299 = tpu.memref_squeeze %dma_start3A_298 : memref<1x1x64xi32, #tpu.memory_space<vmem>> -> memref<64xi32, #tpu.memory_space<vmem>>
          %dma_start3A_300 = arith.constant 0 : i32
          %dma_start3A_301 = arith.constant 0 : i32
          %dma_start3A_302 = tpu.memref_slice %arg11[%dma_start3A_300, %dma_start3A_301] : memref<10240x128xf32, #tpu.memory_space<vmem_shared>> -> memref<10240x128xf32, #tpu.memory_space<vmem_shared>>
          tpu.enqueue_indirect_dma source(%dma_start3A_296 : memref<64x128xf32, #tpu.memory_space<vmem>>) target(%dma_start3A_302 : memref<10240x128xf32, #tpu.memory_space<vmem_shared>>) offsets(%dma_start3A_299 : memref<64xi32, #tpu.memory_space<vmem>>) semaphore(%run_scoped3A_292 : memref<!tpu.dma_semaphore, #tpu.memory_space<semaphore_mem>>) {add = true}
          %dma_wait3A_303 = arith.constant 0 : i32
          %dma_wait3A_304 = arith.constant 0 : i32
          %dma_wait3A_305 = tpu.memref_slice %arg9[%run_scoped3A_199, %dma_wait3A_303, %dma_wait3A_304] : memref<4x64x128xf32, #tpu.memory_space<vmem>> -> memref<1x64x128xf32, #tpu.memory_space<vmem>>
          %dma_wait3A_306 = tpu.memref_squeeze %dma_wait3A_305 : memref<1x64x128xf32, #tpu.memory_space<vmem>> -> memref<64x128xf32, #tpu.memory_space<vmem>>
          %dma_wait3A_307 = arith.constant 0 : i32
          %dma_wait3A_308 = tpu.memref_slice %arg8[%rem3A_87, %run_scoped3A_200, %dma_wait3A_307] : memref<2x8x64xi32, #tpu.memory_space<vmem>> -> memref<1x1x64xi32, #tpu.memory_space<vmem>>
          %dma_wait3A_309 = tpu.memref_squeeze %dma_wait3A_308 : memref<1x1x64xi32, #tpu.memory_space<vmem>> -> memref<64xi32, #tpu.memory_space<vmem>>
          %dma_wait3A_310 = arith.constant 0 : i32
          %dma_wait3A_311 = arith.constant 0 : i32
          %dma_wait3A_312 = tpu.memref_slice %arg11[%dma_wait3A_310, %dma_wait3A_311] : memref<10240x128xf32, #tpu.memory_space<vmem_shared>> -> memref<10240x128xf32, #tpu.memory_space<vmem_shared>>
          tpu.wait_indirect_dma semaphore(%run_scoped3A_292 : memref<!tpu.dma_semaphore, #tpu.memory_space<semaphore_mem>>) src(%dma_wait3A_306 : memref<64x128xf32, #tpu.memory_space<vmem>>) dst(%dma_wait3A_312 : memref<10240x128xf32, #tpu.memory_space<vmem_shared>>)
          tpu.yield
        }) : () -> ()
        %dma_wait3A_201 = arith.constant 0 : i32
        %dma_wait3A_202 = arith.constant 0 : i32
        %dma_wait3A_203 = arith.constant 0 : i32
        %dma_wait3A_204 = arith.constant 0 : i32
        %dma_wait3A_205 = arith.constant 0 : i32
        %dma_wait3A_206 = tpu.memref_slice %arg9[%dma_wait3A_203, %dma_wait3A_204, %dma_wait3A_205] : memref<4x64x128xf32, #tpu.memory_space<vmem>> -> memref<1x64x128xf32, #tpu.memory_space<vmem>>
        %dma_wait3A_207 = tpu.memref_squeeze %dma_wait3A_206 : memref<1x64x128xf32, #tpu.memory_space<vmem>> -> memref<64x128xf32, #tpu.memory_space<vmem>>
        %dma_wait3A_208 = arith.constant 0 : i32
        %dma_wait3A_209 = tpu.memref_slice %arg7[%dma_wait3A_201, %dma_wait3A_202, %dma_wait3A_208] : memref<2x8x64xi32, #tpu.memory_space<vmem>> -> memref<1x1x64xi32, #tpu.memory_space<vmem>>
        %dma_wait3A_210 = tpu.memref_squeeze %dma_wait3A_209 : memref<1x1x64xi32, #tpu.memory_space<vmem>> -> memref<64xi32, #tpu.memory_space<vmem>>
        %dma_wait3A_211 = arith.constant 0 : i32
        %dma_wait3A_212 = arith.constant 0 : i32
        %dma_wait3A_213 = tpu.memref_slice %arg4[%dma_wait3A_211, %dma_wait3A_212] : memref<10240x128xf32, #tpu.memory_space<hbm>> -> memref<10240x128xf32, #tpu.memory_space<hbm>>
        tpu.wait_indirect_dma semaphore(%arg12 : memref<!tpu.dma_semaphore, #tpu.memory_space<semaphore_mem>>) src(%dma_wait3A_213 : memref<10240x128xf32, #tpu.memory_space<hbm>>) dst(%dma_wait3A_207 : memref<64x128xf32, #tpu.memory_space<vmem>>)
        %dma_start3A_214 = arith.constant 7 : i32
        %dma_start3A_215 = arith.constant 3 : i32
        %dma_start3A_216 = arith.constant 0 : i32
        %dma_start3A_217 = arith.constant 0 : i32
        %dma_start3A_218 = tpu.memref_slice %arg9[%dma_start3A_215, %dma_start3A_216, %dma_start3A_217] : memref<4x64x128xf32, #tpu.memory_space<vmem>> -> memref<1x64x128xf32, #tpu.memory_space<vmem>>
        %dma_start3A_219 = tpu.memref_squeeze %dma_start3A_218 : memref<1x64x128xf32, #tpu.memory_space<vmem>> -> memref<64x128xf32, #tpu.memory_space<vmem>>
        %dma_start3A_220 = arith.constant 0 : i32
        %dma_start3A_221 = tpu.memref_slice %arg7[%rem3A_87, %dma_start3A_214, %dma_start3A_220] : memref<2x8x64xi32, #tpu.memory_space<vmem>> -> memref<1x1x64xi32, #tpu.memory_space<vmem>>
        %dma_start3A_222 = tpu.memref_squeeze %dma_start3A_221 : memref<1x1x64xi32, #tpu.memory_space<vmem>> -> memref<64xi32, #tpu.memory_space<vmem>>
        %dma_start3A_223 = arith.constant 0 : i32
        %dma_start3A_224 = arith.constant 0 : i32
        %dma_start3A_225 = tpu.memref_slice %arg4[%dma_start3A_223, %dma_start3A_224] : memref<10240x128xf32, #tpu.memory_space<hbm>> -> memref<10240x128xf32, #tpu.memory_space<hbm>>
        tpu.enqueue_indirect_dma source(%dma_start3A_225 : memref<10240x128xf32, #tpu.memory_space<hbm>>) target(%dma_start3A_219 : memref<64x128xf32, #tpu.memory_space<vmem>>) offsets(%dma_start3A_222 : memref<64xi32, #tpu.memory_space<vmem>>) semaphore(%arg15 : memref<!tpu.dma_semaphore, #tpu.memory_space<semaphore_mem>>)
        %run_scoped3A_226 = arith.constant 0 : i32
        %run_scoped3A_227 = arith.constant 4 : i32
        "tpu.region"() ({
          %run_scoped3A_292 = tpu.sem_alloc : memref<!tpu.dma_semaphore, #tpu.memory_space<semaphore_mem>>
          %dma_start3A_293 = arith.constant 0 : i32
          %dma_start3A_294 = arith.constant 0 : i32
          %dma_start3A_295 = tpu.memref_slice %arg9[%run_scoped3A_226, %dma_start3A_293, %dma_start3A_294] : memref<4x64x128xf32, #tpu.memory_space<vmem>> -> memref<1x64x128xf32, #tpu.memory_space<vmem>>
          %dma_start3A_296 = tpu.memref_squeeze %dma_start3A_295 : memref<1x64x128xf32, #tpu.memory_space<vmem>> -> memref<64x128xf32, #tpu.memory_space<vmem>>
          %dma_start3A_297 = arith.constant 0 : i32
          %dma_start3A_298 = tpu.memref_slice %arg8[%rem3A_87, %run_scoped3A_227, %dma_start3A_297] : memref<2x8x64xi32, #tpu.memory_space<vmem>> -> memref<1x1x64xi32, #tpu.memory_space<vmem>>
          %dma_start3A_299 = tpu.memref_squeeze %dma_start3A_298 : memref<1x1x64xi32, #tpu.memory_space<vmem>> -> memref<64xi32, #tpu.memory_space<vmem>>
          %dma_start3A_300 = arith.constant 0 : i32
          %dma_start3A_301 = arith.constant 0 : i32
          %dma_start3A_302 = tpu.memref_slice %arg11[%dma_start3A_300, %dma_start3A_301] : memref<10240x128xf32, #tpu.memory_space<vmem_shared>> -> memref<10240x128xf32, #tpu.memory_space<vmem_shared>>
          tpu.enqueue_indirect_dma source(%dma_start3A_296 : memref<64x128xf32, #tpu.memory_space<vmem>>) target(%dma_start3A_302 : memref<10240x128xf32, #tpu.memory_space<vmem_shared>>) offsets(%dma_start3A_299 : memref<64xi32, #tpu.memory_space<vmem>>) semaphore(%run_scoped3A_292 : memref<!tpu.dma_semaphore, #tpu.memory_space<semaphore_mem>>) {add = true}
          %dma_wait3A_303 = arith.constant 0 : i32
          %dma_wait3A_304 = arith.constant 0 : i32
          %dma_wait3A_305 = tpu.memref_slice %arg9[%run_scoped3A_226, %dma_wait3A_303, %dma_wait3A_304] : memref<4x64x128xf32, #tpu.memory_space<vmem>> -> memref<1x64x128xf32, #tpu.memory_space<vmem>>
          %dma_wait3A_306 = tpu.memref_squeeze %dma_wait3A_305 : memref<1x64x128xf32, #tpu.memory_space<vmem>> -> memref<64x128xf32, #tpu.memory_space<vmem>>
          %dma_wait3A_307 = arith.constant 0 : i32
          %dma_wait3A_308 = tpu.memref_slice %arg8[%rem3A_87, %run_scoped3A_227, %dma_wait3A_307] : memref<2x8x64xi32, #tpu.memory_space<vmem>> -> memref<1x1x64xi32, #tpu.memory_space<vmem>>
          %dma_wait3A_309 = tpu.memref_squeeze %dma_wait3A_308 : memref<1x1x64xi32, #tpu.memory_space<vmem>> -> memref<64xi32, #tpu.memory_space<vmem>>
          %dma_wait3A_310 = arith.constant 0 : i32
          %dma_wait3A_311 = arith.constant 0 : i32
          %dma_wait3A_312 = tpu.memref_slice %arg11[%dma_wait3A_310, %dma_wait3A_311] : memref<10240x128xf32, #tpu.memory_space<vmem_shared>> -> memref<10240x128xf32, #tpu.memory_space<vmem_shared>>
          tpu.wait_indirect_dma semaphore(%run_scoped3A_292 : memref<!tpu.dma_semaphore, #tpu.memory_space<semaphore_mem>>) src(%dma_wait3A_306 : memref<64x128xf32, #tpu.memory_space<vmem>>) dst(%dma_wait3A_312 : memref<10240x128xf32, #tpu.memory_space<vmem_shared>>)
          tpu.yield
        }) : () -> ()
        %dma_wait3A_228 = arith.constant 0 : i32
        %dma_wait3A_229 = arith.constant 0 : i32
        %dma_wait3A_230 = arith.constant 1 : i32
        %dma_wait3A_231 = arith.constant 0 : i32
        %dma_wait3A_232 = arith.constant 0 : i32
        %dma_wait3A_233 = tpu.memref_slice %arg9[%dma_wait3A_230, %dma_wait3A_231, %dma_wait3A_232] : memref<4x64x128xf32, #tpu.memory_space<vmem>> -> memref<1x64x128xf32, #tpu.memory_space<vmem>>
        %dma_wait3A_234 = tpu.memref_squeeze %dma_wait3A_233 : memref<1x64x128xf32, #tpu.memory_space<vmem>> -> memref<64x128xf32, #tpu.memory_space<vmem>>
        %dma_wait3A_235 = arith.constant 0 : i32
        %dma_wait3A_236 = tpu.memref_slice %arg7[%dma_wait3A_228, %dma_wait3A_229, %dma_wait3A_235] : memref<2x8x64xi32, #tpu.memory_space<vmem>> -> memref<1x1x64xi32, #tpu.memory_space<vmem>>
        %dma_wait3A_237 = tpu.memref_squeeze %dma_wait3A_236 : memref<1x1x64xi32, #tpu.memory_space<vmem>> -> memref<64xi32, #tpu.memory_space<vmem>>
        %dma_wait3A_238 = arith.constant 0 : i32
        %dma_wait3A_239 = arith.constant 0 : i32
        %dma_wait3A_240 = tpu.memref_slice %arg4[%dma_wait3A_238, %dma_wait3A_239] : memref<10240x128xf32, #tpu.memory_space<hbm>> -> memref<10240x128xf32, #tpu.memory_space<hbm>>
        tpu.wait_indirect_dma semaphore(%arg13 : memref<!tpu.dma_semaphore, #tpu.memory_space<semaphore_mem>>) src(%dma_wait3A_240 : memref<10240x128xf32, #tpu.memory_space<hbm>>) dst(%dma_wait3A_234 : memref<64x128xf32, #tpu.memory_space<vmem>>)
        %add3A_241 = arith.constant 1 : i32
        %add3A_242 = arith.addi %while3A_85, %add3A_241 : i32
        %lt3A_243 = arith.cmpi slt, %add3A_242, %select_n3A_21 : i32
        %convert_element_type3A_244 = arith.extui %lt3A_243 : i1 to i32
        %cond3A_245 = arith.constant 0 : i32
        %cond3A_246 = arith.cmpi ne, %convert_element_type3A_244, %cond3A_245 : i32
        scf.if %cond3A_246 {
          %dma_start3A_292 = arith.constant 0 : i32
          %dma_start3A_293 = arith.constant 0 : i32
          %dma_start3A_294 = arith.constant 0 : i32
          %dma_start3A_295 = arith.constant 0 : i32
          %dma_start3A_296 = tpu.memref_slice %arg9[%dma_start3A_293, %dma_start3A_294, %dma_start3A_295] : memref<4x64x128xf32, #tpu.memory_space<vmem>> -> memref<1x64x128xf32, #tpu.memory_space<vmem>>
          %dma_start3A_297 = tpu.memref_squeeze %dma_start3A_296 : memref<1x64x128xf32, #tpu.memory_space<vmem>> -> memref<64x128xf32, #tpu.memory_space<vmem>>
          %dma_start3A_298 = arith.constant 0 : i32
          %dma_start3A_299 = tpu.memref_slice %arg7[%sub3A_88, %dma_start3A_292, %dma_start3A_298] : memref<2x8x64xi32, #tpu.memory_space<vmem>> -> memref<1x1x64xi32, #tpu.memory_space<vmem>>
          %dma_start3A_300 = tpu.memref_squeeze %dma_start3A_299 : memref<1x1x64xi32, #tpu.memory_space<vmem>> -> memref<64xi32, #tpu.memory_space<vmem>>
          %dma_start3A_301 = arith.constant 0 : i32
          %dma_start3A_302 = arith.constant 0 : i32
          %dma_start3A_303 = tpu.memref_slice %arg4[%dma_start3A_301, %dma_start3A_302] : memref<10240x128xf32, #tpu.memory_space<hbm>> -> memref<10240x128xf32, #tpu.memory_space<hbm>>
          tpu.enqueue_indirect_dma source(%dma_start3A_303 : memref<10240x128xf32, #tpu.memory_space<hbm>>) target(%dma_start3A_297 : memref<64x128xf32, #tpu.memory_space<vmem>>) offsets(%dma_start3A_300 : memref<64xi32, #tpu.memory_space<vmem>>) semaphore(%arg12 : memref<!tpu.dma_semaphore, #tpu.memory_space<semaphore_mem>>)
        } else {
        }
        %run_scoped3A_247 = arith.constant 1 : i32
        %run_scoped3A_248 = arith.constant 5 : i32
        "tpu.region"() ({
          %run_scoped3A_292 = tpu.sem_alloc : memref<!tpu.dma_semaphore, #tpu.memory_space<semaphore_mem>>
          %dma_start3A_293 = arith.constant 0 : i32
          %dma_start3A_294 = arith.constant 0 : i32
          %dma_start3A_295 = tpu.memref_slice %arg9[%run_scoped3A_247, %dma_start3A_293, %dma_start3A_294] : memref<4x64x128xf32, #tpu.memory_space<vmem>> -> memref<1x64x128xf32, #tpu.memory_space<vmem>>
          %dma_start3A_296 = tpu.memref_squeeze %dma_start3A_295 : memref<1x64x128xf32, #tpu.memory_space<vmem>> -> memref<64x128xf32, #tpu.memory_space<vmem>>
          %dma_start3A_297 = arith.constant 0 : i32
          %dma_start3A_298 = tpu.memref_slice %arg8[%rem3A_87, %run_scoped3A_248, %dma_start3A_297] : memref<2x8x64xi32, #tpu.memory_space<vmem>> -> memref<1x1x64xi32, #tpu.memory_space<vmem>>
          %dma_start3A_299 = tpu.memref_squeeze %dma_start3A_298 : memref<1x1x64xi32, #tpu.memory_space<vmem>> -> memref<64xi32, #tpu.memory_space<vmem>>
          %dma_start3A_300 = arith.constant 0 : i32
          %dma_start3A_301 = arith.constant 0 : i32
          %dma_start3A_302 = tpu.memref_slice %arg11[%dma_start3A_300, %dma_start3A_301] : memref<10240x128xf32, #tpu.memory_space<vmem_shared>> -> memref<10240x128xf32, #tpu.memory_space<vmem_shared>>
          tpu.enqueue_indirect_dma source(%dma_start3A_296 : memref<64x128xf32, #tpu.memory_space<vmem>>) target(%dma_start3A_302 : memref<10240x128xf32, #tpu.memory_space<vmem_shared>>) offsets(%dma_start3A_299 : memref<64xi32, #tpu.memory_space<vmem>>) semaphore(%run_scoped3A_292 : memref<!tpu.dma_semaphore, #tpu.memory_space<semaphore_mem>>) {add = true}
          %dma_wait3A_303 = arith.constant 0 : i32
          %dma_wait3A_304 = arith.constant 0 : i32
          %dma_wait3A_305 = tpu.memref_slice %arg9[%run_scoped3A_247, %dma_wait3A_303, %dma_wait3A_304] : memref<4x64x128xf32, #tpu.memory_space<vmem>> -> memref<1x64x128xf32, #tpu.memory_space<vmem>>
          %dma_wait3A_306 = tpu.memref_squeeze %dma_wait3A_305 : memref<1x64x128xf32, #tpu.memory_space<vmem>> -> memref<64x128xf32, #tpu.memory_space<vmem>>
          %dma_wait3A_307 = arith.constant 0 : i32
          %dma_wait3A_308 = tpu.memref_slice %arg8[%rem3A_87, %run_scoped3A_248, %dma_wait3A_307] : memref<2x8x64xi32, #tpu.memory_space<vmem>> -> memref<1x1x64xi32, #tpu.memory_space<vmem>>
          %dma_wait3A_309 = tpu.memref_squeeze %dma_wait3A_308 : memref<1x1x64xi32, #tpu.memory_space<vmem>> -> memref<64xi32, #tpu.memory_space<vmem>>
          %dma_wait3A_310 = arith.constant 0 : i32
          %dma_wait3A_311 = arith.constant 0 : i32
          %dma_wait3A_312 = tpu.memref_slice %arg11[%dma_wait3A_310, %dma_wait3A_311] : memref<10240x128xf32, #tpu.memory_space<vmem_shared>> -> memref<10240x128xf32, #tpu.memory_space<vmem_shared>>
          tpu.wait_indirect_dma semaphore(%run_scoped3A_292 : memref<!tpu.dma_semaphore, #tpu.memory_space<semaphore_mem>>) src(%dma_wait3A_306 : memref<64x128xf32, #tpu.memory_space<vmem>>) dst(%dma_wait3A_312 : memref<10240x128xf32, #tpu.memory_space<vmem_shared>>)
          tpu.yield
        }) : () -> ()
        %dma_wait3A_249 = arith.constant 0 : i32
        %dma_wait3A_250 = arith.constant 0 : i32
        %dma_wait3A_251 = arith.constant 2 : i32
        %dma_wait3A_252 = arith.constant 0 : i32
        %dma_wait3A_253 = arith.constant 0 : i32
        %dma_wait3A_254 = tpu.memref_slice %arg9[%dma_wait3A_251, %dma_wait3A_252, %dma_wait3A_253] : memref<4x64x128xf32, #tpu.memory_space<vmem>> -> memref<1x64x128xf32, #tpu.memory_space<vmem>>
        %dma_wait3A_255 = tpu.memref_squeeze %dma_wait3A_254 : memref<1x64x128xf32, #tpu.memory_space<vmem>> -> memref<64x128xf32, #tpu.memory_space<vmem>>
        %dma_wait3A_256 = arith.constant 0 : i32
        %dma_wait3A_257 = tpu.memref_slice %arg7[%dma_wait3A_249, %dma_wait3A_250, %dma_wait3A_256] : memref<2x8x64xi32, #tpu.memory_space<vmem>> -> memref<1x1x64xi32, #tpu.memory_space<vmem>>
        %dma_wait3A_258 = tpu.memref_squeeze %dma_wait3A_257 : memref<1x1x64xi32, #tpu.memory_space<vmem>> -> memref<64xi32, #tpu.memory_space<vmem>>
        %dma_wait3A_259 = arith.constant 0 : i32
        %dma_wait3A_260 = arith.constant 0 : i32
        %dma_wait3A_261 = tpu.memref_slice %arg4[%dma_wait3A_259, %dma_wait3A_260] : memref<10240x128xf32, #tpu.memory_space<hbm>> -> memref<10240x128xf32, #tpu.memory_space<hbm>>
        tpu.wait_indirect_dma semaphore(%arg14 : memref<!tpu.dma_semaphore, #tpu.memory_space<semaphore_mem>>) src(%dma_wait3A_261 : memref<10240x128xf32, #tpu.memory_space<hbm>>) dst(%dma_wait3A_255 : memref<64x128xf32, #tpu.memory_space<vmem>>)
        %add3A_262 = arith.constant 1 : i32
        %add3A_263 = arith.addi %while3A_85, %add3A_262 : i32
        %lt3A_264 = arith.cmpi slt, %add3A_263, %select_n3A_21 : i32
        %convert_element_type3A_265 = arith.extui %lt3A_264 : i1 to i32
        %cond3A_266 = arith.constant 0 : i32
        %cond3A_267 = arith.cmpi ne, %convert_element_type3A_265, %cond3A_266 : i32
        scf.if %cond3A_267 {
          %dma_start3A_292 = arith.constant 1 : i32
          %dma_start3A_293 = arith.constant 1 : i32
          %dma_start3A_294 = arith.constant 0 : i32
          %dma_start3A_295 = arith.constant 0 : i32
          %dma_start3A_296 = tpu.memref_slice %arg9[%dma_start3A_293, %dma_start3A_294, %dma_start3A_295] : memref<4x64x128xf32, #tpu.memory_space<vmem>> -> memref<1x64x128xf32, #tpu.memory_space<vmem>>
          %dma_start3A_297 = tpu.memref_squeeze %dma_start3A_296 : memref<1x64x128xf32, #tpu.memory_space<vmem>> -> memref<64x128xf32, #tpu.memory_space<vmem>>
          %dma_start3A_298 = arith.constant 0 : i32
          %dma_start3A_299 = tpu.memref_slice %arg7[%sub3A_88, %dma_start3A_292, %dma_start3A_298] : memref<2x8x64xi32, #tpu.memory_space<vmem>> -> memref<1x1x64xi32, #tpu.memory_space<vmem>>
          %dma_start3A_300 = tpu.memref_squeeze %dma_start3A_299 : memref<1x1x64xi32, #tpu.memory_space<vmem>> -> memref<64xi32, #tpu.memory_space<vmem>>
          %dma_start3A_301 = arith.constant 0 : i32
          %dma_start3A_302 = arith.constant 0 : i32
          %dma_start3A_303 = tpu.memref_slice %arg4[%dma_start3A_301, %dma_start3A_302] : memref<10240x128xf32, #tpu.memory_space<hbm>> -> memref<10240x128xf32, #tpu.memory_space<hbm>>
          tpu.enqueue_indirect_dma source(%dma_start3A_303 : memref<10240x128xf32, #tpu.memory_space<hbm>>) target(%dma_start3A_297 : memref<64x128xf32, #tpu.memory_space<vmem>>) offsets(%dma_start3A_300 : memref<64xi32, #tpu.memory_space<vmem>>) semaphore(%arg13 : memref<!tpu.dma_semaphore, #tpu.memory_space<semaphore_mem>>)
        } else {
        }
        %run_scoped3A_268 = arith.constant 2 : i32
        %run_scoped3A_269 = arith.constant 6 : i32
        "tpu.region"() ({
          %run_scoped3A_292 = tpu.sem_alloc : memref<!tpu.dma_semaphore, #tpu.memory_space<semaphore_mem>>
          %dma_start3A_293 = arith.constant 0 : i32
          %dma_start3A_294 = arith.constant 0 : i32
          %dma_start3A_295 = tpu.memref_slice %arg9[%run_scoped3A_268, %dma_start3A_293, %dma_start3A_294] : memref<4x64x128xf32, #tpu.memory_space<vmem>> -> memref<1x64x128xf32, #tpu.memory_space<vmem>>
          %dma_start3A_296 = tpu.memref_squeeze %dma_start3A_295 : memref<1x64x128xf32, #tpu.memory_space<vmem>> -> memref<64x128xf32, #tpu.memory_space<vmem>>
          %dma_start3A_297 = arith.constant 0 : i32
          %dma_start3A_298 = tpu.memref_slice %arg8[%rem3A_87, %run_scoped3A_269, %dma_start3A_297] : memref<2x8x64xi32, #tpu.memory_space<vmem>> -> memref<1x1x64xi32, #tpu.memory_space<vmem>>
          %dma_start3A_299 = tpu.memref_squeeze %dma_start3A_298 : memref<1x1x64xi32, #tpu.memory_space<vmem>> -> memref<64xi32, #tpu.memory_space<vmem>>
          %dma_start3A_300 = arith.constant 0 : i32
          %dma_start3A_301 = arith.constant 0 : i32
          %dma_start3A_302 = tpu.memref_slice %arg11[%dma_start3A_300, %dma_start3A_301] : memref<10240x128xf32, #tpu.memory_space<vmem_shared>> -> memref<10240x128xf32, #tpu.memory_space<vmem_shared>>
          tpu.enqueue_indirect_dma source(%dma_start3A_296 : memref<64x128xf32, #tpu.memory_space<vmem>>) target(%dma_start3A_302 : memref<10240x128xf32, #tpu.memory_space<vmem_shared>>) offsets(%dma_start3A_299 : memref<64xi32, #tpu.memory_space<vmem>>) semaphore(%run_scoped3A_292 : memref<!tpu.dma_semaphore, #tpu.memory_space<semaphore_mem>>) {add = true}
          %dma_wait3A_303 = arith.constant 0 : i32
          %dma_wait3A_304 = arith.constant 0 : i32
          %dma_wait3A_305 = tpu.memref_slice %arg9[%run_scoped3A_268, %dma_wait3A_303, %dma_wait3A_304] : memref<4x64x128xf32, #tpu.memory_space<vmem>> -> memref<1x64x128xf32, #tpu.memory_space<vmem>>
          %dma_wait3A_306 = tpu.memref_squeeze %dma_wait3A_305 : memref<1x64x128xf32, #tpu.memory_space<vmem>> -> memref<64x128xf32, #tpu.memory_space<vmem>>
          %dma_wait3A_307 = arith.constant 0 : i32
          %dma_wait3A_308 = tpu.memref_slice %arg8[%rem3A_87, %run_scoped3A_269, %dma_wait3A_307] : memref<2x8x64xi32, #tpu.memory_space<vmem>> -> memref<1x1x64xi32, #tpu.memory_space<vmem>>
          %dma_wait3A_309 = tpu.memref_squeeze %dma_wait3A_308 : memref<1x1x64xi32, #tpu.memory_space<vmem>> -> memref<64xi32, #tpu.memory_space<vmem>>
          %dma_wait3A_310 = arith.constant 0 : i32
          %dma_wait3A_311 = arith.constant 0 : i32
          %dma_wait3A_312 = tpu.memref_slice %arg11[%dma_wait3A_310, %dma_wait3A_311] : memref<10240x128xf32, #tpu.memory_space<vmem_shared>> -> memref<10240x128xf32, #tpu.memory_space<vmem_shared>>
          tpu.wait_indirect_dma semaphore(%run_scoped3A_292 : memref<!tpu.dma_semaphore, #tpu.memory_space<semaphore_mem>>) src(%dma_wait3A_306 : memref<64x128xf32, #tpu.memory_space<vmem>>) dst(%dma_wait3A_312 : memref<10240x128xf32, #tpu.memory_space<vmem_shared>>)
          tpu.yield
        }) : () -> ()
        %dma_wait3A_270 = arith.constant 0 : i32
        %dma_wait3A_271 = arith.constant 0 : i32
        %dma_wait3A_272 = arith.constant 3 : i32
        %dma_wait3A_273 = arith.constant 0 : i32
        %dma_wait3A_274 = arith.constant 0 : i32
        %dma_wait3A_275 = tpu.memref_slice %arg9[%dma_wait3A_272, %dma_wait3A_273, %dma_wait3A_274] : memref<4x64x128xf32, #tpu.memory_space<vmem>> -> memref<1x64x128xf32, #tpu.memory_space<vmem>>
        %dma_wait3A_276 = tpu.memref_squeeze %dma_wait3A_275 : memref<1x64x128xf32, #tpu.memory_space<vmem>> -> memref<64x128xf32, #tpu.memory_space<vmem>>
        %dma_wait3A_277 = arith.constant 0 : i32
        %dma_wait3A_278 = tpu.memref_slice %arg7[%dma_wait3A_270, %dma_wait3A_271, %dma_wait3A_277] : memref<2x8x64xi32, #tpu.memory_space<vmem>> -> memref<1x1x64xi32, #tpu.memory_space<vmem>>
        %dma_wait3A_279 = tpu.memref_squeeze %dma_wait3A_278 : memref<1x1x64xi32, #tpu.memory_space<vmem>> -> memref<64xi32, #tpu.memory_space<vmem>>
        %dma_wait3A_280 = arith.constant 0 : i32
        %dma_wait3A_281 = arith.constant 0 : i32
        %dma_wait3A_282 = tpu.memref_slice %arg4[%dma_wait3A_280, %dma_wait3A_281] : memref<10240x128xf32, #tpu.memory_space<hbm>> -> memref<10240x128xf32, #tpu.memory_space<hbm>>
        tpu.wait_indirect_dma semaphore(%arg15 : memref<!tpu.dma_semaphore, #tpu.memory_space<semaphore_mem>>) src(%dma_wait3A_282 : memref<10240x128xf32, #tpu.memory_space<hbm>>) dst(%dma_wait3A_276 : memref<64x128xf32, #tpu.memory_space<vmem>>)
        %add3A_283 = arith.constant 1 : i32
        %add3A_284 = arith.addi %while3A_85, %add3A_283 : i32
        %lt3A_285 = arith.cmpi slt, %add3A_284, %select_n3A_21 : i32
        %convert_element_type3A_286 = arith.extui %lt3A_285 : i1 to i32
        %cond3A_287 = arith.constant 0 : i32
        %cond3A_288 = arith.cmpi ne, %convert_element_type3A_286, %cond3A_287 : i32
        scf.if %cond3A_288 {
          %dma_start3A_292 = arith.constant 2 : i32
          %dma_start3A_293 = arith.constant 2 : i32
          %dma_start3A_294 = arith.constant 0 : i32
          %dma_start3A_295 = arith.constant 0 : i32
          %dma_start3A_296 = tpu.memref_slice %arg9[%dma_start3A_293, %dma_start3A_294, %dma_start3A_295] : memref<4x64x128xf32, #tpu.memory_space<vmem>> -> memref<1x64x128xf32, #tpu.memory_space<vmem>>
          %dma_start3A_297 = tpu.memref_squeeze %dma_start3A_296 : memref<1x64x128xf32, #tpu.memory_space<vmem>> -> memref<64x128xf32, #tpu.memory_space<vmem>>
          %dma_start3A_298 = arith.constant 0 : i32
          %dma_start3A_299 = tpu.memref_slice %arg7[%sub3A_88, %dma_start3A_292, %dma_start3A_298] : memref<2x8x64xi32, #tpu.memory_space<vmem>> -> memref<1x1x64xi32, #tpu.memory_space<vmem>>
          %dma_start3A_300 = tpu.memref_squeeze %dma_start3A_299 : memref<1x1x64xi32, #tpu.memory_space<vmem>> -> memref<64xi32, #tpu.memory_space<vmem>>
          %dma_start3A_301 = arith.constant 0 : i32
          %dma_start3A_302 = arith.constant 0 : i32
          %dma_start3A_303 = tpu.memref_slice %arg4[%dma_start3A_301, %dma_start3A_302] : memref<10240x128xf32, #tpu.memory_space<hbm>> -> memref<10240x128xf32, #tpu.memory_space<hbm>>
          tpu.enqueue_indirect_dma source(%dma_start3A_303 : memref<10240x128xf32, #tpu.memory_space<hbm>>) target(%dma_start3A_297 : memref<64x128xf32, #tpu.memory_space<vmem>>) offsets(%dma_start3A_300 : memref<64xi32, #tpu.memory_space<vmem>>) semaphore(%arg14 : memref<!tpu.dma_semaphore, #tpu.memory_space<semaphore_mem>>)
        } else {
        }
        %run_scoped3A_289 = arith.constant 3 : i32
        %run_scoped3A_290 = arith.constant 7 : i32
        "tpu.region"() ({
          %run_scoped3A_292 = tpu.sem_alloc : memref<!tpu.dma_semaphore, #tpu.memory_space<semaphore_mem>>
          %dma_start3A_293 = arith.constant 0 : i32
          %dma_start3A_294 = arith.constant 0 : i32
          %dma_start3A_295 = tpu.memref_slice %arg9[%run_scoped3A_289, %dma_start3A_293, %dma_start3A_294] : memref<4x64x128xf32, #tpu.memory_space<vmem>> -> memref<1x64x128xf32, #tpu.memory_space<vmem>>
          %dma_start3A_296 = tpu.memref_squeeze %dma_start3A_295 : memref<1x64x128xf32, #tpu.memory_space<vmem>> -> memref<64x128xf32, #tpu.memory_space<vmem>>
          %dma_start3A_297 = arith.constant 0 : i32
          %dma_start3A_298 = tpu.memref_slice %arg8[%rem3A_87, %run_scoped3A_290, %dma_start3A_297] : memref<2x8x64xi32, #tpu.memory_space<vmem>> -> memref<1x1x64xi32, #tpu.memory_space<vmem>>
          %dma_start3A_299 = tpu.memref_squeeze %dma_start3A_298 : memref<1x1x64xi32, #tpu.memory_space<vmem>> -> memref<64xi32, #tpu.memory_space<vmem>>
          %dma_start3A_300 = arith.constant 0 : i32
          %dma_start3A_301 = arith.constant 0 : i32
          %dma_start3A_302 = tpu.memref_slice %arg11[%dma_start3A_300, %dma_start3A_301] : memref<10240x128xf32, #tpu.memory_space<vmem_shared>> -> memref<10240x128xf32, #tpu.memory_space<vmem_shared>>
          tpu.enqueue_indirect_dma source(%dma_start3A_296 : memref<64x128xf32, #tpu.memory_space<vmem>>) target(%dma_start3A_302 : memref<10240x128xf32, #tpu.memory_space<vmem_shared>>) offsets(%dma_start3A_299 : memref<64xi32, #tpu.memory_space<vmem>>) semaphore(%run_scoped3A_292 : memref<!tpu.dma_semaphore, #tpu.memory_space<semaphore_mem>>) {add = true}
          %dma_wait3A_303 = arith.constant 0 : i32
          %dma_wait3A_304 = arith.constant 0 : i32
          %dma_wait3A_305 = tpu.memref_slice %arg9[%run_scoped3A_289, %dma_wait3A_303, %dma_wait3A_304] : memref<4x64x128xf32, #tpu.memory_space<vmem>> -> memref<1x64x128xf32, #tpu.memory_space<vmem>>
          %dma_wait3A_306 = tpu.memref_squeeze %dma_wait3A_305 : memref<1x64x128xf32, #tpu.memory_space<vmem>> -> memref<64x128xf32, #tpu.memory_space<vmem>>
          %dma_wait3A_307 = arith.constant 0 : i32
          %dma_wait3A_308 = tpu.memref_slice %arg8[%rem3A_87, %run_scoped3A_290, %dma_wait3A_307] : memref<2x8x64xi32, #tpu.memory_space<vmem>> -> memref<1x1x64xi32, #tpu.memory_space<vmem>>
          %dma_wait3A_309 = tpu.memref_squeeze %dma_wait3A_308 : memref<1x1x64xi32, #tpu.memory_space<vmem>> -> memref<64xi32, #tpu.memory_space<vmem>>
          %dma_wait3A_310 = arith.constant 0 : i32
          %dma_wait3A_311 = arith.constant 0 : i32
          %dma_wait3A_312 = tpu.memref_slice %arg11[%dma_wait3A_310, %dma_wait3A_311] : memref<10240x128xf32, #tpu.memory_space<vmem_shared>> -> memref<10240x128xf32, #tpu.memory_space<vmem_shared>>
          tpu.wait_indirect_dma semaphore(%run_scoped3A_292 : memref<!tpu.dma_semaphore, #tpu.memory_space<semaphore_mem>>) src(%dma_wait3A_306 : memref<64x128xf32, #tpu.memory_space<vmem>>) dst(%dma_wait3A_312 : memref<10240x128xf32, #tpu.memory_space<vmem_shared>>)
          tpu.yield
        }) : () -> ()
        %while3A_291 = arith.constant 0 : i32
        scf.yield %while3A_291 : i32
      }
      %while3A_83 = arith.constant 1 : i32
      %while3A_84 = scf.for %while3A_85 = %while3A_80 to %while3A_76 step %while3A_83 iter_args(%while3A_86 = %while3A_82) -> (i32)  : i32 {
        %rem3A = arith.constant 2 : i32
        %rem3A_87 = arith.remsi %while3A_85, %rem3A : i32
        %sub3A = arith.constant 1 : i32
        %sub3A_88 = arith.subi %sub3A, %rem3A_87 : i32
        %add3A_89 = arith.constant 1 : i32
        %add3A_90 = arith.addi %while3A_85, %add3A_89 : i32
        %lt3A = arith.cmpi slt, %add3A_90, %select_n3A_21 : i32
        %convert_element_type3A_91 = arith.extui %lt3A : i1 to i32
        %cond3A_92 = arith.constant 0 : i32
        %cond3A_93 = arith.cmpi ne, %convert_element_type3A_91, %cond3A_92 : i32
        scf.if %cond3A_93 {
          %add3A_292 = arith.constant 1 : i32
          %add3A_293 = arith.addi %while3A_85, %add3A_292 : i32
          %mul3A_294 = arith.constant 8 : i32
          %mul3A_295 = arith.muli %add3A_293, %mul3A_294 : i32
          %add3A_296 = arith.addi %select_n3A, %mul3A_295 : i32
          "tpu.region"() ({
            %run_scoped3A_297 = tpu.sem_alloc : memref<!tpu.dma_semaphore, #tpu.memory_space<semaphore_mem>>
            %dma_start3A_298 = arith.constant 0 : i32
            %dma_start3A_299 = arith.constant 0 : i32
            %dma_start3A_300 = tpu.memref_slice %arg7[%sub3A_88, %dma_start3A_298, %dma_start3A_299] : memref<2x8x64xi32, #tpu.memory_space<vmem>> -> memref<1x8x64xi32, #tpu.memory_space<vmem>>
            %dma_start3A_301 = tpu.memref_squeeze %dma_start3A_300 : memref<1x8x64xi32, #tpu.memory_space<vmem>> -> memref<8x64xi32, #tpu.memory_space<vmem>>
            %dma_start3A_302 = arith.constant 0 : i32
            %dma_start3A_303 = tpu.memref_slice %arg2[%add3A_296, %dma_start3A_302] : memref<5120x64xi32, #tpu.memory_space<hbm>> -> memref<8x64xi32, #tpu.memory_space<hbm>>
            %dma_start3A_304 = arith.constant 0 : i32
            %dma_start3A_305 = arith.constant 0 : i32
            %dma_start3A_306 = tpu.memref_slice %arg7[%sub3A_88, %dma_start3A_304, %dma_start3A_305] : memref<2x8x64xi32, #tpu.memory_space<vmem>> -> memref<1x8x64xi32, #tpu.memory_space<vmem>>
            %dma_start3A_307 = tpu.memref_squeeze %dma_start3A_306 : memref<1x8x64xi32, #tpu.memory_space<vmem>> -> memref<8x64xi32, #tpu.memory_space<vmem>>
            %dma_start3A_308 = arith.constant 0 : i32
            %dma_start3A_309 = tpu.memref_slice %arg2[%add3A_296, %dma_start3A_308] : memref<5120x64xi32, #tpu.memory_space<hbm>> -> memref<8x64xi32, #tpu.memory_space<hbm>>
            tpu.enqueue_dma source(%dma_start3A_309 : memref<8x64xi32, #tpu.memory_space<hbm>>) target(%dma_start3A_307 : memref<8x64xi32, #tpu.memory_space<vmem>>) target_semaphore(%run_scoped3A_297 : memref<!tpu.dma_semaphore, #tpu.memory_space<semaphore_mem>>)
            %dma_wait3A_310 = arith.constant 0 : i32
            %dma_wait3A_311 = arith.constant 0 : i32
            %dma_wait3A_312 = tpu.memref_slice %arg7[%sub3A_88, %dma_wait3A_310, %dma_wait3A_311] : memref<2x8x64xi32, #tpu.memory_space<vmem>> -> memref<1x8x64xi32, #tpu.memory_space<vmem>>
            %dma_wait3A_313 = tpu.memref_squeeze %dma_wait3A_312 : memref<1x8x64xi32, #tpu.memory_space<vmem>> -> memref<8x64xi32, #tpu.memory_space<vmem>>
            %dma_wait3A_314 = arith.constant 0 : i32
            %dma_wait3A_315 = tpu.memref_slice %arg2[%add3A_296, %dma_wait3A_314] : memref<5120x64xi32, #tpu.memory_space<hbm>> -> memref<8x64xi32, #tpu.memory_space<hbm>>
            %dma_wait3A_316 = arith.constant 0 : i32
            %dma_wait3A_317 = arith.constant 0 : i32
            %dma_wait3A_318 = tpu.memref_slice %arg7[%sub3A_88, %dma_wait3A_316, %dma_wait3A_317] : memref<2x8x64xi32, #tpu.memory_space<vmem>> -> memref<1x8x64xi32, #tpu.memory_space<vmem>>
            %dma_wait3A_319 = tpu.memref_squeeze %dma_wait3A_318 : memref<1x8x64xi32, #tpu.memory_space<vmem>> -> memref<8x64xi32, #tpu.memory_space<vmem>>
            %dma_wait3A_320 = arith.constant 0 : i32
            %dma_wait3A_321 = tpu.memref_slice %arg2[%add3A_296, %dma_wait3A_320] : memref<5120x64xi32, #tpu.memory_space<hbm>> -> memref<8x64xi32, #tpu.memory_space<hbm>>
            tpu.wait_dma2 semaphore(%run_scoped3A_297 : memref<!tpu.dma_semaphore, #tpu.memory_space<semaphore_mem>>) src(%dma_wait3A_321 : memref<8x64xi32, #tpu.memory_space<hbm>>) dst(%dma_wait3A_319 : memref<8x64xi32, #tpu.memory_space<vmem>>)
            tpu.yield
          }) : () -> ()
          "tpu.region"() ({
            %run_scoped3A_297 = tpu.sem_alloc : memref<!tpu.dma_semaphore, #tpu.memory_space<semaphore_mem>>
            %dma_start3A_298 = arith.constant 0 : i32
            %dma_start3A_299 = arith.constant 0 : i32
            %dma_start3A_300 = tpu.memref_slice %arg8[%sub3A_88, %dma_start3A_298, %dma_start3A_299] : memref<2x8x64xi32, #tpu.memory_space<vmem>> -> memref<1x8x64xi32, #tpu.memory_space<vmem>>
            %dma_start3A_301 = tpu.memref_squeeze %dma_start3A_300 : memref<1x8x64xi32, #tpu.memory_space<vmem>> -> memref<8x64xi32, #tpu.memory_space<vmem>>
            %dma_start3A_302 = arith.constant 0 : i32
            %dma_start3A_303 = tpu.memref_slice %arg3[%add3A_296, %dma_start3A_302] : memref<5120x64xi32, #tpu.memory_space<hbm>> -> memref<8x64xi32, #tpu.memory_space<hbm>>
            %dma_start3A_304 = arith.constant 0 : i32
            %dma_start3A_305 = arith.constant 0 : i32
            %dma_start3A_306 = tpu.memref_slice %arg8[%sub3A_88, %dma_start3A_304, %dma_start3A_305] : memref<2x8x64xi32, #tpu.memory_space<vmem>> -> memref<1x8x64xi32, #tpu.memory_space<vmem>>
            %dma_start3A_307 = tpu.memref_squeeze %dma_start3A_306 : memref<1x8x64xi32, #tpu.memory_space<vmem>> -> memref<8x64xi32, #tpu.memory_space<vmem>>
            %dma_start3A_308 = arith.constant 0 : i32
            %dma_start3A_309 = tpu.memref_slice %arg3[%add3A_296, %dma_start3A_308] : memref<5120x64xi32, #tpu.memory_space<hbm>> -> memref<8x64xi32, #tpu.memory_space<hbm>>
            tpu.enqueue_dma source(%dma_start3A_309 : memref<8x64xi32, #tpu.memory_space<hbm>>) target(%dma_start3A_307 : memref<8x64xi32, #tpu.memory_space<vmem>>) target_semaphore(%run_scoped3A_297 : memref<!tpu.dma_semaphore, #tpu.memory_space<semaphore_mem>>)
            %dma_wait3A_310 = arith.constant 0 : i32
            %dma_wait3A_311 = arith.constant 0 : i32
            %dma_wait3A_312 = tpu.memref_slice %arg8[%sub3A_88, %dma_wait3A_310, %dma_wait3A_311] : memref<2x8x64xi32, #tpu.memory_space<vmem>> -> memref<1x8x64xi32, #tpu.memory_space<vmem>>
            %dma_wait3A_313 = tpu.memref_squeeze %dma_wait3A_312 : memref<1x8x64xi32, #tpu.memory_space<vmem>> -> memref<8x64xi32, #tpu.memory_space<vmem>>
            %dma_wait3A_314 = arith.constant 0 : i32
            %dma_wait3A_315 = tpu.memref_slice %arg3[%add3A_296, %dma_wait3A_314] : memref<5120x64xi32, #tpu.memory_space<hbm>> -> memref<8x64xi32, #tpu.memory_space<hbm>>
            %dma_wait3A_316 = arith.constant 0 : i32
            %dma_wait3A_317 = arith.constant 0 : i32
            %dma_wait3A_318 = tpu.memref_slice %arg8[%sub3A_88, %dma_wait3A_316, %dma_wait3A_317] : memref<2x8x64xi32, #tpu.memory_space<vmem>> -> memref<1x8x64xi32, #tpu.memory_space<vmem>>
            %dma_wait3A_319 = tpu.memref_squeeze %dma_wait3A_318 : memref<1x8x64xi32, #tpu.memory_space<vmem>> -> memref<8x64xi32, #tpu.memory_space<vmem>>
            %dma_wait3A_320 = arith.constant 0 : i32
            %dma_wait3A_321 = tpu.memref_slice %arg3[%add3A_296, %dma_wait3A_320] : memref<5120x64xi32, #tpu.memory_space<hbm>> -> memref<8x64xi32, #tpu.memory_space<hbm>>
            tpu.wait_dma2 semaphore(%run_scoped3A_297 : memref<!tpu.dma_semaphore, #tpu.memory_space<semaphore_mem>>) src(%dma_wait3A_321 : memref<8x64xi32, #tpu.memory_space<hbm>>) dst(%dma_wait3A_319 : memref<8x64xi32, #tpu.memory_space<vmem>>)
            tpu.yield
          }) : () -> ()
        } else {
        }
        %dma_wait3A = arith.constant 0 : i32
        %dma_wait3A_94 = arith.constant 0 : i32
        %dma_wait3A_95 = arith.constant 0 : i32
        %dma_wait3A_96 = arith.constant 0 : i32
        %dma_wait3A_97 = arith.constant 0 : i32
        %dma_wait3A_98 = tpu.memref_slice %arg9[%dma_wait3A_95, %dma_wait3A_96, %dma_wait3A_97] : memref<4x64x128xf32, #tpu.memory_space<vmem>> -> memref<1x64x128xf32, #tpu.memory_space<vmem>>
        %dma_wait3A_99 = tpu.memref_squeeze %dma_wait3A_98 : memref<1x64x128xf32, #tpu.memory_space<vmem>> -> memref<64x128xf32, #tpu.memory_space<vmem>>
        %dma_wait3A_100 = arith.constant 0 : i32
        %dma_wait3A_101 = tpu.memref_slice %arg7[%dma_wait3A, %dma_wait3A_94, %dma_wait3A_100] : memref<2x8x64xi32, #tpu.memory_space<vmem>> -> memref<1x1x64xi32, #tpu.memory_space<vmem>>
        %dma_wait3A_102 = tpu.memref_squeeze %dma_wait3A_101 : memref<1x1x64xi32, #tpu.memory_space<vmem>> -> memref<64xi32, #tpu.memory_space<vmem>>
        %dma_wait3A_103 = arith.constant 0 : i32
        %dma_wait3A_104 = arith.constant 0 : i32
        %dma_wait3A_105 = tpu.memref_slice %arg4[%dma_wait3A_103, %dma_wait3A_104] : memref<10240x128xf32, #tpu.memory_space<hbm>> -> memref<10240x128xf32, #tpu.memory_space<hbm>>
        tpu.wait_indirect_dma semaphore(%arg12 : memref<!tpu.dma_semaphore, #tpu.memory_space<semaphore_mem>>) src(%dma_wait3A_105 : memref<10240x128xf32, #tpu.memory_space<hbm>>) dst(%dma_wait3A_99 : memref<64x128xf32, #tpu.memory_space<vmem>>)
        %dma_start3A_106 = arith.constant 3 : i32
        %dma_start3A_107 = arith.constant 3 : i32
        %dma_start3A_108 = arith.constant 0 : i32
        %dma_start3A_109 = arith.constant 0 : i32
        %dma_start3A_110 = tpu.memref_slice %arg9[%dma_start3A_107, %dma_start3A_108, %dma_start3A_109] : memref<4x64x128xf32, #tpu.memory_space<vmem>> -> memref<1x64x128xf32, #tpu.memory_space<vmem>>
        %dma_start3A_111 = tpu.memref_squeeze %dma_start3A_110 : memref<1x64x128xf32, #tpu.memory_space<vmem>> -> memref<64x128xf32, #tpu.memory_space<vmem>>
        %dma_start3A_112 = arith.constant 0 : i32
        %dma_start3A_113 = tpu.memref_slice %arg7[%rem3A_87, %dma_start3A_106, %dma_start3A_112] : memref<2x8x64xi32, #tpu.memory_space<vmem>> -> memref<1x1x64xi32, #tpu.memory_space<vmem>>
        %dma_start3A_114 = tpu.memref_squeeze %dma_start3A_113 : memref<1x1x64xi32, #tpu.memory_space<vmem>> -> memref<64xi32, #tpu.memory_space<vmem>>
        %dma_start3A_115 = arith.constant 0 : i32
        %dma_start3A_116 = arith.constant 0 : i32
        %dma_start3A_117 = tpu.memref_slice %arg4[%dma_start3A_115, %dma_start3A_116] : memref<10240x128xf32, #tpu.memory_space<hbm>> -> memref<10240x128xf32, #tpu.memory_space<hbm>>
        tpu.enqueue_indirect_dma source(%dma_start3A_117 : memref<10240x128xf32, #tpu.memory_space<hbm>>) target(%dma_start3A_111 : memref<64x128xf32, #tpu.memory_space<vmem>>) offsets(%dma_start3A_114 : memref<64xi32, #tpu.memory_space<vmem>>) semaphore(%arg15 : memref<!tpu.dma_semaphore, #tpu.memory_space<semaphore_mem>>)
        %run_scoped3A_118 = arith.constant 0 : i32
        %run_scoped3A_119 = arith.constant 0 : i32
        "tpu.region"() ({
          %run_scoped3A_292 = tpu.sem_alloc : memref<!tpu.dma_semaphore, #tpu.memory_space<semaphore_mem>>
          %dma_start3A_293 = arith.constant 0 : i32
          %dma_start3A_294 = arith.constant 0 : i32
          %dma_start3A_295 = tpu.memref_slice %arg9[%run_scoped3A_118, %dma_start3A_293, %dma_start3A_294] : memref<4x64x128xf32, #tpu.memory_space<vmem>> -> memref<1x64x128xf32, #tpu.memory_space<vmem>>
          %dma_start3A_296 = tpu.memref_squeeze %dma_start3A_295 : memref<1x64x128xf32, #tpu.memory_space<vmem>> -> memref<64x128xf32, #tpu.memory_space<vmem>>
          %dma_start3A_297 = arith.constant 0 : i32
          %dma_start3A_298 = tpu.memref_slice %arg8[%rem3A_87, %run_scoped3A_119, %dma_start3A_297] : memref<2x8x64xi32, #tpu.memory_space<vmem>> -> memref<1x1x64xi32, #tpu.memory_space<vmem>>
          %dma_start3A_299 = tpu.memref_squeeze %dma_start3A_298 : memref<1x1x64xi32, #tpu.memory_space<vmem>> -> memref<64xi32, #tpu.memory_space<vmem>>
          %dma_start3A_300 = arith.constant 0 : i32
          %dma_start3A_301 = arith.constant 0 : i32
          %dma_start3A_302 = tpu.memref_slice %arg11[%dma_start3A_300, %dma_start3A_301] : memref<10240x128xf32, #tpu.memory_space<vmem_shared>> -> memref<10240x128xf32, #tpu.memory_space<vmem_shared>>
          tpu.enqueue_indirect_dma source(%dma_start3A_296 : memref<64x128xf32, #tpu.memory_space<vmem>>) target(%dma_start3A_302 : memref<10240x128xf32, #tpu.memory_space<vmem_shared>>) offsets(%dma_start3A_299 : memref<64xi32, #tpu.memory_space<vmem>>) semaphore(%run_scoped3A_292 : memref<!tpu.dma_semaphore, #tpu.memory_space<semaphore_mem>>) {add = true}
          %dma_wait3A_303 = arith.constant 0 : i32
          %dma_wait3A_304 = arith.constant 0 : i32
          %dma_wait3A_305 = tpu.memref_slice %arg9[%run_scoped3A_118, %dma_wait3A_303, %dma_wait3A_304] : memref<4x64x128xf32, #tpu.memory_space<vmem>> -> memref<1x64x128xf32, #tpu.memory_space<vmem>>
          %dma_wait3A_306 = tpu.memref_squeeze %dma_wait3A_305 : memref<1x64x128xf32, #tpu.memory_space<vmem>> -> memref<64x128xf32, #tpu.memory_space<vmem>>
          %dma_wait3A_307 = arith.constant 0 : i32
          %dma_wait3A_308 = tpu.memref_slice %arg8[%rem3A_87, %run_scoped3A_119, %dma_wait3A_307] : memref<2x8x64xi32, #tpu.memory_space<vmem>> -> memref<1x1x64xi32, #tpu.memory_space<vmem>>
          %dma_wait3A_309 = tpu.memref_squeeze %dma_wait3A_308 : memref<1x1x64xi32, #tpu.memory_space<vmem>> -> memref<64xi32, #tpu.memory_space<vmem>>
          %dma_wait3A_310 = arith.constant 0 : i32
          %dma_wait3A_311 = arith.constant 0 : i32
          %dma_wait3A_312 = tpu.memref_slice %arg11[%dma_wait3A_310, %dma_wait3A_311] : memref<10240x128xf32, #tpu.memory_space<vmem_shared>> -> memref<10240x128xf32, #tpu.memory_space<vmem_shared>>
          tpu.wait_indirect_dma semaphore(%run_scoped3A_292 : memref<!tpu.dma_semaphore, #tpu.memory_space<semaphore_mem>>) src(%dma_wait3A_306 : memref<64x128xf32, #tpu.memory_space<vmem>>) dst(%dma_wait3A_312 : memref<10240x128xf32, #tpu.memory_space<vmem_shared>>)
          tpu.yield
        }) : () -> ()
        %dma_wait3A_120 = arith.constant 0 : i32
        %dma_wait3A_121 = arith.constant 0 : i32
        %dma_wait3A_122 = arith.constant 1 : i32
        %dma_wait3A_123 = arith.constant 0 : i32
        %dma_wait3A_124 = arith.constant 0 : i32
        %dma_wait3A_125 = tpu.memref_slice %arg9[%dma_wait3A_122, %dma_wait3A_123, %dma_wait3A_124] : memref<4x64x128xf32, #tpu.memory_space<vmem>> -> memref<1x64x128xf32, #tpu.memory_space<vmem>>
        %dma_wait3A_126 = tpu.memref_squeeze %dma_wait3A_125 : memref<1x64x128xf32, #tpu.memory_space<vmem>> -> memref<64x128xf32, #tpu.memory_space<vmem>>
        %dma_wait3A_127 = arith.constant 0 : i32
        %dma_wait3A_128 = tpu.memref_slice %arg7[%dma_wait3A_120, %dma_wait3A_121, %dma_wait3A_127] : memref<2x8x64xi32, #tpu.memory_space<vmem>> -> memref<1x1x64xi32, #tpu.memory_space<vmem>>
        %dma_wait3A_129 = tpu.memref_squeeze %dma_wait3A_128 : memref<1x1x64xi32, #tpu.memory_space<vmem>> -> memref<64xi32, #tpu.memory_space<vmem>>
        %dma_wait3A_130 = arith.constant 0 : i32
        %dma_wait3A_131 = arith.constant 0 : i32
        %dma_wait3A_132 = tpu.memref_slice %arg4[%dma_wait3A_130, %dma_wait3A_131] : memref<10240x128xf32, #tpu.memory_space<hbm>> -> memref<10240x128xf32, #tpu.memory_space<hbm>>
        tpu.wait_indirect_dma semaphore(%arg13 : memref<!tpu.dma_semaphore, #tpu.memory_space<semaphore_mem>>) src(%dma_wait3A_132 : memref<10240x128xf32, #tpu.memory_space<hbm>>) dst(%dma_wait3A_126 : memref<64x128xf32, #tpu.memory_space<vmem>>)
        %dma_start3A_133 = arith.constant 4 : i32
        %dma_start3A_134 = arith.constant 0 : i32
        %dma_start3A_135 = arith.constant 0 : i32
        %dma_start3A_136 = arith.constant 0 : i32
        %dma_start3A_137 = tpu.memref_slice %arg9[%dma_start3A_134, %dma_start3A_135, %dma_start3A_136] : memref<4x64x128xf32, #tpu.memory_space<vmem>> -> memref<1x64x128xf32, #tpu.memory_space<vmem>>
        %dma_start3A_138 = tpu.memref_squeeze %dma_start3A_137 : memref<1x64x128xf32, #tpu.memory_space<vmem>> -> memref<64x128xf32, #tpu.memory_space<vmem>>
        %dma_start3A_139 = arith.constant 0 : i32
        %dma_start3A_140 = tpu.memref_slice %arg7[%rem3A_87, %dma_start3A_133, %dma_start3A_139] : memref<2x8x64xi32, #tpu.memory_space<vmem>> -> memref<1x1x64xi32, #tpu.memory_space<vmem>>
        %dma_start3A_141 = tpu.memref_squeeze %dma_start3A_140 : memref<1x1x64xi32, #tpu.memory_space<vmem>> -> memref<64xi32, #tpu.memory_space<vmem>>
        %dma_start3A_142 = arith.constant 0 : i32
        %dma_start3A_143 = arith.constant 0 : i32
        %dma_start3A_144 = tpu.memref_slice %arg4[%dma_start3A_142, %dma_start3A_143] : memref<10240x128xf32, #tpu.memory_space<hbm>> -> memref<10240x128xf32, #tpu.memory_space<hbm>>
        tpu.enqueue_indirect_dma source(%dma_start3A_144 : memref<10240x128xf32, #tpu.memory_space<hbm>>) target(%dma_start3A_138 : memref<64x128xf32, #tpu.memory_space<vmem>>) offsets(%dma_start3A_141 : memref<64xi32, #tpu.memory_space<vmem>>) semaphore(%arg12 : memref<!tpu.dma_semaphore, #tpu.memory_space<semaphore_mem>>)
        %run_scoped3A_145 = arith.constant 1 : i32
        %run_scoped3A_146 = arith.constant 1 : i32
        "tpu.region"() ({
          %run_scoped3A_292 = tpu.sem_alloc : memref<!tpu.dma_semaphore, #tpu.memory_space<semaphore_mem>>
          %dma_start3A_293 = arith.constant 0 : i32
          %dma_start3A_294 = arith.constant 0 : i32
          %dma_start3A_295 = tpu.memref_slice %arg9[%run_scoped3A_145, %dma_start3A_293, %dma_start3A_294] : memref<4x64x128xf32, #tpu.memory_space<vmem>> -> memref<1x64x128xf32, #tpu.memory_space<vmem>>
          %dma_start3A_296 = tpu.memref_squeeze %dma_start3A_295 : memref<1x64x128xf32, #tpu.memory_space<vmem>> -> memref<64x128xf32, #tpu.memory_space<vmem>>
          %dma_start3A_297 = arith.constant 0 : i32
          %dma_start3A_298 = tpu.memref_slice %arg8[%rem3A_87, %run_scoped3A_146, %dma_start3A_297] : memref<2x8x64xi32, #tpu.memory_space<vmem>> -> memref<1x1x64xi32, #tpu.memory_space<vmem>>
          %dma_start3A_299 = tpu.memref_squeeze %dma_start3A_298 : memref<1x1x64xi32, #tpu.memory_space<vmem>> -> memref<64xi32, #tpu.memory_space<vmem>>
          %dma_start3A_300 = arith.constant 0 : i32
          %dma_start3A_301 = arith.constant 0 : i32
          %dma_start3A_302 = tpu.memref_slice %arg11[%dma_start3A_300, %dma_start3A_301] : memref<10240x128xf32, #tpu.memory_space<vmem_shared>> -> memref<10240x128xf32, #tpu.memory_space<vmem_shared>>
          tpu.enqueue_indirect_dma source(%dma_start3A_296 : memref<64x128xf32, #tpu.memory_space<vmem>>) target(%dma_start3A_302 : memref<10240x128xf32, #tpu.memory_space<vmem_shared>>) offsets(%dma_start3A_299 : memref<64xi32, #tpu.memory_space<vmem>>) semaphore(%run_scoped3A_292 : memref<!tpu.dma_semaphore, #tpu.memory_space<semaphore_mem>>) {add = true}
          %dma_wait3A_303 = arith.constant 0 : i32
          %dma_wait3A_304 = arith.constant 0 : i32
          %dma_wait3A_305 = tpu.memref_slice %arg9[%run_scoped3A_145, %dma_wait3A_303, %dma_wait3A_304] : memref<4x64x128xf32, #tpu.memory_space<vmem>> -> memref<1x64x128xf32, #tpu.memory_space<vmem>>
          %dma_wait3A_306 = tpu.memref_squeeze %dma_wait3A_305 : memref<1x64x128xf32, #tpu.memory_space<vmem>> -> memref<64x128xf32, #tpu.memory_space<vmem>>
          %dma_wait3A_307 = arith.constant 0 : i32
          %dma_wait3A_308 = tpu.memref_slice %arg8[%rem3A_87, %run_scoped3A_146, %dma_wait3A_307] : memref<2x8x64xi32, #tpu.memory_space<vmem>> -> memref<1x1x64xi32, #tpu.memory_space<vmem>>
          %dma_wait3A_309 = tpu.memref_squeeze %dma_wait3A_308 : memref<1x1x64xi32, #tpu.memory_space<vmem>> -> memref<64xi32, #tpu.memory_space<vmem>>
          %dma_wait3A_310 = arith.constant 0 : i32
          %dma_wait3A_311 = arith.constant 0 : i32
          %dma_wait3A_312 = tpu.memref_slice %arg11[%dma_wait3A_310, %dma_wait3A_311] : memref<10240x128xf32, #tpu.memory_space<vmem_shared>> -> memref<10240x128xf32, #tpu.memory_space<vmem_shared>>
          tpu.wait_indirect_dma semaphore(%run_scoped3A_292 : memref<!tpu.dma_semaphore, #tpu.memory_space<semaphore_mem>>) src(%dma_wait3A_306 : memref<64x128xf32, #tpu.memory_space<vmem>>) dst(%dma_wait3A_312 : memref<10240x128xf32, #tpu.memory_space<vmem_shared>>)
          tpu.yield
        }) : () -> ()
        %dma_wait3A_147 = arith.constant 0 : i32
        %dma_wait3A_148 = arith.constant 0 : i32
        %dma_wait3A_149 = arith.constant 2 : i32
        %dma_wait3A_150 = arith.constant 0 : i32
        %dma_wait3A_151 = arith.constant 0 : i32
        %dma_wait3A_152 = tpu.memref_slice %arg9[%dma_wait3A_149, %dma_wait3A_150, %dma_wait3A_151] : memref<4x64x128xf32, #tpu.memory_space<vmem>> -> memref<1x64x128xf32, #tpu.memory_space<vmem>>
        %dma_wait3A_153 = tpu.memref_squeeze %dma_wait3A_152 : memref<1x64x128xf32, #tpu.memory_space<vmem>> -> memref<64x128xf32, #tpu.memory_space<vmem>>
        %dma_wait3A_154 = arith.constant 0 : i32
        %dma_wait3A_155 = tpu.memref_slice %arg7[%dma_wait3A_147, %dma_wait3A_148, %dma_wait3A_154] : memref<2x8x64xi32, #tpu.memory_space<vmem>> -> memref<1x1x64xi32, #tpu.memory_space<vmem>>
        %dma_wait3A_156 = tpu.memref_squeeze %dma_wait3A_155 : memref<1x1x64xi32, #tpu.memory_space<vmem>> -> memref<64xi32, #tpu.memory_space<vmem>>
        %dma_wait3A_157 = arith.constant 0 : i32
        %dma_wait3A_158 = arith.constant 0 : i32
        %dma_wait3A_159 = tpu.memref_slice %arg4[%dma_wait3A_157, %dma_wait3A_158] : memref<10240x128xf32, #tpu.memory_space<hbm>> -> memref<10240x128xf32, #tpu.memory_space<hbm>>
        tpu.wait_indirect_dma semaphore(%arg14 : memref<!tpu.dma_semaphore, #tpu.memory_space<semaphore_mem>>) src(%dma_wait3A_159 : memref<10240x128xf32, #tpu.memory_space<hbm>>) dst(%dma_wait3A_153 : memref<64x128xf32, #tpu.memory_space<vmem>>)
        %dma_start3A_160 = arith.constant 5 : i32
        %dma_start3A_161 = arith.constant 1 : i32
        %dma_start3A_162 = arith.constant 0 : i32
        %dma_start3A_163 = arith.constant 0 : i32
        %dma_start3A_164 = tpu.memref_slice %arg9[%dma_start3A_161, %dma_start3A_162, %dma_start3A_163] : memref<4x64x128xf32, #tpu.memory_space<vmem>> -> memref<1x64x128xf32, #tpu.memory_space<vmem>>
        %dma_start3A_165 = tpu.memref_squeeze %dma_start3A_164 : memref<1x64x128xf32, #tpu.memory_space<vmem>> -> memref<64x128xf32, #tpu.memory_space<vmem>>
        %dma_start3A_166 = arith.constant 0 : i32
        %dma_start3A_167 = tpu.memref_slice %arg7[%rem3A_87, %dma_start3A_160, %dma_start3A_166] : memref<2x8x64xi32, #tpu.memory_space<vmem>> -> memref<1x1x64xi32, #tpu.memory_space<vmem>>
        %dma_start3A_168 = tpu.memref_squeeze %dma_start3A_167 : memref<1x1x64xi32, #tpu.memory_space<vmem>> -> memref<64xi32, #tpu.memory_space<vmem>>
        %dma_start3A_169 = arith.constant 0 : i32
        %dma_start3A_170 = arith.constant 0 : i32
        %dma_start3A_171 = tpu.memref_slice %arg4[%dma_start3A_169, %dma_start3A_170] : memref<10240x128xf32, #tpu.memory_space<hbm>> -> memref<10240x128xf32, #tpu.memory_space<hbm>>
        tpu.enqueue_indirect_dma source(%dma_start3A_171 : memref<10240x128xf32, #tpu.memory_space<hbm>>) target(%dma_start3A_165 : memref<64x128xf32, #tpu.memory_space<vmem>>) offsets(%dma_start3A_168 : memref<64xi32, #tpu.memory_space<vmem>>) semaphore(%arg13 : memref<!tpu.dma_semaphore, #tpu.memory_space<semaphore_mem>>)
        %run_scoped3A_172 = arith.constant 2 : i32
        %run_scoped3A_173 = arith.constant 2 : i32
        "tpu.region"() ({
          %run_scoped3A_292 = tpu.sem_alloc : memref<!tpu.dma_semaphore, #tpu.memory_space<semaphore_mem>>
          %dma_start3A_293 = arith.constant 0 : i32
          %dma_start3A_294 = arith.constant 0 : i32
          %dma_start3A_295 = tpu.memref_slice %arg9[%run_scoped3A_172, %dma_start3A_293, %dma_start3A_294] : memref<4x64x128xf32, #tpu.memory_space<vmem>> -> memref<1x64x128xf32, #tpu.memory_space<vmem>>
          %dma_start3A_296 = tpu.memref_squeeze %dma_start3A_295 : memref<1x64x128xf32, #tpu.memory_space<vmem>> -> memref<64x128xf32, #tpu.memory_space<vmem>>
          %dma_start3A_297 = arith.constant 0 : i32
          %dma_start3A_298 = tpu.memref_slice %arg8[%rem3A_87, %run_scoped3A_173, %dma_start3A_297] : memref<2x8x64xi32, #tpu.memory_space<vmem>> -> memref<1x1x64xi32, #tpu.memory_space<vmem>>
          %dma_start3A_299 = tpu.memref_squeeze %dma_start3A_298 : memref<1x1x64xi32, #tpu.memory_space<vmem>> -> memref<64xi32, #tpu.memory_space<vmem>>
          %dma_start3A_300 = arith.constant 0 : i32
          %dma_start3A_301 = arith.constant 0 : i32
          %dma_start3A_302 = tpu.memref_slice %arg11[%dma_start3A_300, %dma_start3A_301] : memref<10240x128xf32, #tpu.memory_space<vmem_shared>> -> memref<10240x128xf32, #tpu.memory_space<vmem_shared>>
          tpu.enqueue_indirect_dma source(%dma_start3A_296 : memref<64x128xf32, #tpu.memory_space<vmem>>) target(%dma_start3A_302 : memref<10240x128xf32, #tpu.memory_space<vmem_shared>>) offsets(%dma_start3A_299 : memref<64xi32, #tpu.memory_space<vmem>>) semaphore(%run_scoped3A_292 : memref<!tpu.dma_semaphore, #tpu.memory_space<semaphore_mem>>) {add = true}
          %dma_wait3A_303 = arith.constant 0 : i32
          %dma_wait3A_304 = arith.constant 0 : i32
          %dma_wait3A_305 = tpu.memref_slice %arg9[%run_scoped3A_172, %dma_wait3A_303, %dma_wait3A_304] : memref<4x64x128xf32, #tpu.memory_space<vmem>> -> memref<1x64x128xf32, #tpu.memory_space<vmem>>
          %dma_wait3A_306 = tpu.memref_squeeze %dma_wait3A_305 : memref<1x64x128xf32, #tpu.memory_space<vmem>> -> memref<64x128xf32, #tpu.memory_space<vmem>>
          %dma_wait3A_307 = arith.constant 0 : i32
          %dma_wait3A_308 = tpu.memref_slice %arg8[%rem3A_87, %run_scoped3A_173, %dma_wait3A_307] : memref<2x8x64xi32, #tpu.memory_space<vmem>> -> memref<1x1x64xi32, #tpu.memory_space<vmem>>
          %dma_wait3A_309 = tpu.memref_squeeze %dma_wait3A_308 : memref<1x1x64xi32, #tpu.memory_space<vmem>> -> memref<64xi32, #tpu.memory_space<vmem>>
          %dma_wait3A_310 = arith.constant 0 : i32
          %dma_wait3A_311 = arith.constant 0 : i32
          %dma_wait3A_312 = tpu.memref_slice %arg11[%dma_wait3A_310, %dma_wait3A_311] : memref<10240x128xf32, #tpu.memory_space<vmem_shared>> -> memref<10240x128xf32, #tpu.memory_space<vmem_shared>>
          tpu.wait_indirect_dma semaphore(%run_scoped3A_292 : memref<!tpu.dma_semaphore, #tpu.memory_space<semaphore_mem>>) src(%dma_wait3A_306 : memref<64x128xf32, #tpu.memory_space<vmem>>) dst(%dma_wait3A_312 : memref<10240x128xf32, #tpu.memory_space<vmem_shared>>)
          tpu.yield
        }) : () -> ()
        %dma_wait3A_174 = arith.constant 0 : i32
        %dma_wait3A_175 = arith.constant 0 : i32
        %dma_wait3A_176 = arith.constant 3 : i32
        %dma_wait3A_177 = arith.constant 0 : i32
        %dma_wait3A_178 = arith.constant 0 : i32
        %dma_wait3A_179 = tpu.memref_slice %arg9[%dma_wait3A_176, %dma_wait3A_177, %dma_wait3A_178] : memref<4x64x128xf32, #tpu.memory_space<vmem>> -> memref<1x64x128xf32, #tpu.memory_space<vmem>>
        %dma_wait3A_180 = tpu.memref_squeeze %dma_wait3A_179 : memref<1x64x128xf32, #tpu.memory_space<vmem>> -> memref<64x128xf32, #tpu.memory_space<vmem>>
        %dma_wait3A_181 = arith.constant 0 : i32
        %dma_wait3A_182 = tpu.memref_slice %arg7[%dma_wait3A_174, %dma_wait3A_175, %dma_wait3A_181] : memref<2x8x64xi32, #tpu.memory_space<vmem>> -> memref<1x1x64xi32, #tpu.memory_space<vmem>>
        %dma_wait3A_183 = tpu.memref_squeeze %dma_wait3A_182 : memref<1x1x64xi32, #tpu.memory_space<vmem>> -> memref<64xi32, #tpu.memory_space<vmem>>
        %dma_wait3A_184 = arith.constant 0 : i32
        %dma_wait3A_185 = arith.constant 0 : i32
        %dma_wait3A_186 = tpu.memref_slice %arg4[%dma_wait3A_184, %dma_wait3A_185] : memref<10240x128xf32, #tpu.memory_space<hbm>> -> memref<10240x128xf32, #tpu.memory_space<hbm>>
        tpu.wait_indirect_dma semaphore(%arg15 : memref<!tpu.dma_semaphore, #tpu.memory_space<semaphore_mem>>) src(%dma_wait3A_186 : memref<10240x128xf32, #tpu.memory_space<hbm>>) dst(%dma_wait3A_180 : memref<64x128xf32, #tpu.memory_space<vmem>>)
        %dma_start3A_187 = arith.constant 6 : i32
        %dma_start3A_188 = arith.constant 2 : i32
        %dma_start3A_189 = arith.constant 0 : i32
        %dma_start3A_190 = arith.constant 0 : i32
        %dma_start3A_191 = tpu.memref_slice %arg9[%dma_start3A_188, %dma_start3A_189, %dma_start3A_190] : memref<4x64x128xf32, #tpu.memory_space<vmem>> -> memref<1x64x128xf32, #tpu.memory_space<vmem>>
        %dma_start3A_192 = tpu.memref_squeeze %dma_start3A_191 : memref<1x64x128xf32, #tpu.memory_space<vmem>> -> memref<64x128xf32, #tpu.memory_space<vmem>>
        %dma_start3A_193 = arith.constant 0 : i32
        %dma_start3A_194 = tpu.memref_slice %arg7[%rem3A_87, %dma_start3A_187, %dma_start3A_193] : memref<2x8x64xi32, #tpu.memory_space<vmem>> -> memref<1x1x64xi32, #tpu.memory_space<vmem>>
        %dma_start3A_195 = tpu.memref_squeeze %dma_start3A_194 : memref<1x1x64xi32, #tpu.memory_space<vmem>> -> memref<64xi32, #tpu.memory_space<vmem>>
        %dma_start3A_196 = arith.constant 0 : i32
        %dma_start3A_197 = arith.constant 0 : i32
        %dma_start3A_198 = tpu.memref_slice %arg4[%dma_start3A_196, %dma_start3A_197] : memref<10240x128xf32, #tpu.memory_space<hbm>> -> memref<10240x128xf32, #tpu.memory_space<hbm>>
        tpu.enqueue_indirect_dma source(%dma_start3A_198 : memref<10240x128xf32, #tpu.memory_space<hbm>>) target(%dma_start3A_192 : memref<64x128xf32, #tpu.memory_space<vmem>>) offsets(%dma_start3A_195 : memref<64xi32, #tpu.memory_space<vmem>>) semaphore(%arg14 : memref<!tpu.dma_semaphore, #tpu.memory_space<semaphore_mem>>)
        %run_scoped3A_199 = arith.constant 3 : i32
        %run_scoped3A_200 = arith.constant 3 : i32
        "tpu.region"() ({
          %run_scoped3A_292 = tpu.sem_alloc : memref<!tpu.dma_semaphore, #tpu.memory_space<semaphore_mem>>
          %dma_start3A_293 = arith.constant 0 : i32
          %dma_start3A_294 = arith.constant 0 : i32
          %dma_start3A_295 = tpu.memref_slice %arg9[%run_scoped3A_199, %dma_start3A_293, %dma_start3A_294] : memref<4x64x128xf32, #tpu.memory_space<vmem>> -> memref<1x64x128xf32, #tpu.memory_space<vmem>>
          %dma_start3A_296 = tpu.memref_squeeze %dma_start3A_295 : memref<1x64x128xf32, #tpu.memory_space<vmem>> -> memref<64x128xf32, #tpu.memory_space<vmem>>
          %dma_start3A_297 = arith.constant 0 : i32
          %dma_start3A_298 = tpu.memref_slice %arg8[%rem3A_87, %run_scoped3A_200, %dma_start3A_297] : memref<2x8x64xi32, #tpu.memory_space<vmem>> -> memref<1x1x64xi32, #tpu.memory_space<vmem>>
          %dma_start3A_299 = tpu.memref_squeeze %dma_start3A_298 : memref<1x1x64xi32, #tpu.memory_space<vmem>> -> memref<64xi32, #tpu.memory_space<vmem>>
          %dma_start3A_300 = arith.constant 0 : i32
          %dma_start3A_301 = arith.constant 0 : i32
          %dma_start3A_302 = tpu.memref_slice %arg11[%dma_start3A_300, %dma_start3A_301] : memref<10240x128xf32, #tpu.memory_space<vmem_shared>> -> memref<10240x128xf32, #tpu.memory_space<vmem_shared>>
          tpu.enqueue_indirect_dma source(%dma_start3A_296 : memref<64x128xf32, #tpu.memory_space<vmem>>) target(%dma_start3A_302 : memref<10240x128xf32, #tpu.memory_space<vmem_shared>>) offsets(%dma_start3A_299 : memref<64xi32, #tpu.memory_space<vmem>>) semaphore(%run_scoped3A_292 : memref<!tpu.dma_semaphore, #tpu.memory_space<semaphore_mem>>) {add = true}
          %dma_wait3A_303 = arith.constant 0 : i32
          %dma_wait3A_304 = arith.constant 0 : i32
          %dma_wait3A_305 = tpu.memref_slice %arg9[%run_scoped3A_199, %dma_wait3A_303, %dma_wait3A_304] : memref<4x64x128xf32, #tpu.memory_space<vmem>> -> memref<1x64x128xf32, #tpu.memory_space<vmem>>
          %dma_wait3A_306 = tpu.memref_squeeze %dma_wait3A_305 : memref<1x64x128xf32, #tpu.memory_space<vmem>> -> memref<64x128xf32, #tpu.memory_space<vmem>>
          %dma_wait3A_307 = arith.constant 0 : i32
          %dma_wait3A_308 = tpu.memref_slice %arg8[%rem3A_87, %run_scoped3A_200, %dma_wait3A_307] : memref<2x8x64xi32, #tpu.memory_space<vmem>> -> memref<1x1x64xi32, #tpu.memory_space<vmem>>
          %dma_wait3A_309 = tpu.memref_squeeze %dma_wait3A_308 : memref<1x1x64xi32, #tpu.memory_space<vmem>> -> memref<64xi32, #tpu.memory_space<vmem>>
          %dma_wait3A_310 = arith.constant 0 : i32
          %dma_wait3A_311 = arith.constant 0 : i32
          %dma_wait3A_312 = tpu.memref_slice %arg11[%dma_wait3A_310, %dma_wait3A_311] : memref<10240x128xf32, #tpu.memory_space<vmem_shared>> -> memref<10240x128xf32, #tpu.memory_space<vmem_shared>>
          tpu.wait_indirect_dma semaphore(%run_scoped3A_292 : memref<!tpu.dma_semaphore, #tpu.memory_space<semaphore_mem>>) src(%dma_wait3A_306 : memref<64x128xf32, #tpu.memory_space<vmem>>) dst(%dma_wait3A_312 : memref<10240x128xf32, #tpu.memory_space<vmem_shared>>)
          tpu.yield
        }) : () -> ()
        %dma_wait3A_201 = arith.constant 0 : i32
        %dma_wait3A_202 = arith.constant 0 : i32
        %dma_wait3A_203 = arith.constant 0 : i32
        %dma_wait3A_204 = arith.constant 0 : i32
        %dma_wait3A_205 = arith.constant 0 : i32
        %dma_wait3A_206 = tpu.memref_slice %arg9[%dma_wait3A_203, %dma_wait3A_204, %dma_wait3A_205] : memref<4x64x128xf32, #tpu.memory_space<vmem>> -> memref<1x64x128xf32, #tpu.memory_space<vmem>>
        %dma_wait3A_207 = tpu.memref_squeeze %dma_wait3A_206 : memref<1x64x128xf32, #tpu.memory_space<vmem>> -> memref<64x128xf32, #tpu.memory_space<vmem>>
        %dma_wait3A_208 = arith.constant 0 : i32
        %dma_wait3A_209 = tpu.memref_slice %arg7[%dma_wait3A_201, %dma_wait3A_202, %dma_wait3A_208] : memref<2x8x64xi32, #tpu.memory_space<vmem>> -> memref<1x1x64xi32, #tpu.memory_space<vmem>>
        %dma_wait3A_210 = tpu.memref_squeeze %dma_wait3A_209 : memref<1x1x64xi32, #tpu.memory_space<vmem>> -> memref<64xi32, #tpu.memory_space<vmem>>
        %dma_wait3A_211 = arith.constant 0 : i32
        %dma_wait3A_212 = arith.constant 0 : i32
        %dma_wait3A_213 = tpu.memref_slice %arg4[%dma_wait3A_211, %dma_wait3A_212] : memref<10240x128xf32, #tpu.memory_space<hbm>> -> memref<10240x128xf32, #tpu.memory_space<hbm>>
        tpu.wait_indirect_dma semaphore(%arg12 : memref<!tpu.dma_semaphore, #tpu.memory_space<semaphore_mem>>) src(%dma_wait3A_213 : memref<10240x128xf32, #tpu.memory_space<hbm>>) dst(%dma_wait3A_207 : memref<64x128xf32, #tpu.memory_space<vmem>>)
        %dma_start3A_214 = arith.constant 7 : i32
        %dma_start3A_215 = arith.constant 3 : i32
        %dma_start3A_216 = arith.constant 0 : i32
        %dma_start3A_217 = arith.constant 0 : i32
        %dma_start3A_218 = tpu.memref_slice %arg9[%dma_start3A_215, %dma_start3A_216, %dma_start3A_217] : memref<4x64x128xf32, #tpu.memory_space<vmem>> -> memref<1x64x128xf32, #tpu.memory_space<vmem>>
        %dma_start3A_219 = tpu.memref_squeeze %dma_start3A_218 : memref<1x64x128xf32, #tpu.memory_space<vmem>> -> memref<64x128xf32, #tpu.memory_space<vmem>>
        %dma_start3A_220 = arith.constant 0 : i32
        %dma_start3A_221 = tpu.memref_slice %arg7[%rem3A_87, %dma_start3A_214, %dma_start3A_220] : memref<2x8x64xi32, #tpu.memory_space<vmem>> -> memref<1x1x64xi32, #tpu.memory_space<vmem>>
        %dma_start3A_222 = tpu.memref_squeeze %dma_start3A_221 : memref<1x1x64xi32, #tpu.memory_space<vmem>> -> memref<64xi32, #tpu.memory_space<vmem>>
        %dma_start3A_223 = arith.constant 0 : i32
        %dma_start3A_224 = arith.constant 0 : i32
        %dma_start3A_225 = tpu.memref_slice %arg4[%dma_start3A_223, %dma_start3A_224] : memref<10240x128xf32, #tpu.memory_space<hbm>> -> memref<10240x128xf32, #tpu.memory_space<hbm>>
        tpu.enqueue_indirect_dma source(%dma_start3A_225 : memref<10240x128xf32, #tpu.memory_space<hbm>>) target(%dma_start3A_219 : memref<64x128xf32, #tpu.memory_space<vmem>>) offsets(%dma_start3A_222 : memref<64xi32, #tpu.memory_space<vmem>>) semaphore(%arg15 : memref<!tpu.dma_semaphore, #tpu.memory_space<semaphore_mem>>)
        %run_scoped3A_226 = arith.constant 0 : i32
        %run_scoped3A_227 = arith.constant 4 : i32
        "tpu.region"() ({
          %run_scoped3A_292 = tpu.sem_alloc : memref<!tpu.dma_semaphore, #tpu.memory_space<semaphore_mem>>
          %dma_start3A_293 = arith.constant 0 : i32
          %dma_start3A_294 = arith.constant 0 : i32
          %dma_start3A_295 = tpu.memref_slice %arg9[%run_scoped3A_226, %dma_start3A_293, %dma_start3A_294] : memref<4x64x128xf32, #tpu.memory_space<vmem>> -> memref<1x64x128xf32, #tpu.memory_space<vmem>>
          %dma_start3A_296 = tpu.memref_squeeze %dma_start3A_295 : memref<1x64x128xf32, #tpu.memory_space<vmem>> -> memref<64x128xf32, #tpu.memory_space<vmem>>
          %dma_start3A_297 = arith.constant 0 : i32
          %dma_start3A_298 = tpu.memref_slice %arg8[%rem3A_87, %run_scoped3A_227, %dma_start3A_297] : memref<2x8x64xi32, #tpu.memory_space<vmem>> -> memref<1x1x64xi32, #tpu.memory_space<vmem>>
          %dma_start3A_299 = tpu.memref_squeeze %dma_start3A_298 : memref<1x1x64xi32, #tpu.memory_space<vmem>> -> memref<64xi32, #tpu.memory_space<vmem>>
          %dma_start3A_300 = arith.constant 0 : i32
          %dma_start3A_301 = arith.constant 0 : i32
          %dma_start3A_302 = tpu.memref_slice %arg11[%dma_start3A_300, %dma_start3A_301] : memref<10240x128xf32, #tpu.memory_space<vmem_shared>> -> memref<10240x128xf32, #tpu.memory_space<vmem_shared>>
          tpu.enqueue_indirect_dma source(%dma_start3A_296 : memref<64x128xf32, #tpu.memory_space<vmem>>) target(%dma_start3A_302 : memref<10240x128xf32, #tpu.memory_space<vmem_shared>>) offsets(%dma_start3A_299 : memref<64xi32, #tpu.memory_space<vmem>>) semaphore(%run_scoped3A_292 : memref<!tpu.dma_semaphore, #tpu.memory_space<semaphore_mem>>) {add = true}
          %dma_wait3A_303 = arith.constant 0 : i32
          %dma_wait3A_304 = arith.constant 0 : i32
          %dma_wait3A_305 = tpu.memref_slice %arg9[%run_scoped3A_226, %dma_wait3A_303, %dma_wait3A_304] : memref<4x64x128xf32, #tpu.memory_space<vmem>> -> memref<1x64x128xf32, #tpu.memory_space<vmem>>
          %dma_wait3A_306 = tpu.memref_squeeze %dma_wait3A_305 : memref<1x64x128xf32, #tpu.memory_space<vmem>> -> memref<64x128xf32, #tpu.memory_space<vmem>>
          %dma_wait3A_307 = arith.constant 0 : i32
          %dma_wait3A_308 = tpu.memref_slice %arg8[%rem3A_87, %run_scoped3A_227, %dma_wait3A_307] : memref<2x8x64xi32, #tpu.memory_space<vmem>> -> memref<1x1x64xi32, #tpu.memory_space<vmem>>
          %dma_wait3A_309 = tpu.memref_squeeze %dma_wait3A_308 : memref<1x1x64xi32, #tpu.memory_space<vmem>> -> memref<64xi32, #tpu.memory_space<vmem>>
          %dma_wait3A_310 = arith.constant 0 : i32
          %dma_wait3A_311 = arith.constant 0 : i32
          %dma_wait3A_312 = tpu.memref_slice %arg11[%dma_wait3A_310, %dma_wait3A_311] : memref<10240x128xf32, #tpu.memory_space<vmem_shared>> -> memref<10240x128xf32, #tpu.memory_space<vmem_shared>>
          tpu.wait_indirect_dma semaphore(%run_scoped3A_292 : memref<!tpu.dma_semaphore, #tpu.memory_space<semaphore_mem>>) src(%dma_wait3A_306 : memref<64x128xf32, #tpu.memory_space<vmem>>) dst(%dma_wait3A_312 : memref<10240x128xf32, #tpu.memory_space<vmem_shared>>)
          tpu.yield
        }) : () -> ()
        %dma_wait3A_228 = arith.constant 0 : i32
        %dma_wait3A_229 = arith.constant 0 : i32
        %dma_wait3A_230 = arith.constant 1 : i32
        %dma_wait3A_231 = arith.constant 0 : i32
        %dma_wait3A_232 = arith.constant 0 : i32
        %dma_wait3A_233 = tpu.memref_slice %arg9[%dma_wait3A_230, %dma_wait3A_231, %dma_wait3A_232] : memref<4x64x128xf32, #tpu.memory_space<vmem>> -> memref<1x64x128xf32, #tpu.memory_space<vmem>>
        %dma_wait3A_234 = tpu.memref_squeeze %dma_wait3A_233 : memref<1x64x128xf32, #tpu.memory_space<vmem>> -> memref<64x128xf32, #tpu.memory_space<vmem>>
        %dma_wait3A_235 = arith.constant 0 : i32
        %dma_wait3A_236 = tpu.memref_slice %arg7[%dma_wait3A_228, %dma_wait3A_229, %dma_wait3A_235] : memref<2x8x64xi32, #tpu.memory_space<vmem>> -> memref<1x1x64xi32, #tpu.memory_space<vmem>>
        %dma_wait3A_237 = tpu.memref_squeeze %dma_wait3A_236 : memref<1x1x64xi32, #tpu.memory_space<vmem>> -> memref<64xi32, #tpu.memory_space<vmem>>
        %dma_wait3A_238 = arith.constant 0 : i32
        %dma_wait3A_239 = arith.constant 0 : i32
        %dma_wait3A_240 = tpu.memref_slice %arg4[%dma_wait3A_238, %dma_wait3A_239] : memref<10240x128xf32, #tpu.memory_space<hbm>> -> memref<10240x128xf32, #tpu.memory_space<hbm>>
        tpu.wait_indirect_dma semaphore(%arg13 : memref<!tpu.dma_semaphore, #tpu.memory_space<semaphore_mem>>) src(%dma_wait3A_240 : memref<10240x128xf32, #tpu.memory_space<hbm>>) dst(%dma_wait3A_234 : memref<64x128xf32, #tpu.memory_space<vmem>>)
        %add3A_241 = arith.constant 1 : i32
        %add3A_242 = arith.addi %while3A_85, %add3A_241 : i32
        %lt3A_243 = arith.cmpi slt, %add3A_242, %select_n3A_21 : i32
        %convert_element_type3A_244 = arith.extui %lt3A_243 : i1 to i32
        %cond3A_245 = arith.constant 0 : i32
        %cond3A_246 = arith.cmpi ne, %convert_element_type3A_244, %cond3A_245 : i32
        scf.if %cond3A_246 {
          %dma_start3A_292 = arith.constant 0 : i32
          %dma_start3A_293 = arith.constant 0 : i32
          %dma_start3A_294 = arith.constant 0 : i32
          %dma_start3A_295 = arith.constant 0 : i32
          %dma_start3A_296 = tpu.memref_slice %arg9[%dma_start3A_293, %dma_start3A_294, %dma_start3A_295] : memref<4x64x128xf32, #tpu.memory_space<vmem>> -> memref<1x64x128xf32, #tpu.memory_space<vmem>>
          %dma_start3A_297 = tpu.memref_squeeze %dma_start3A_296 : memref<1x64x128xf32, #tpu.memory_space<vmem>> -> memref<64x128xf32, #tpu.memory_space<vmem>>
          %dma_start3A_298 = arith.constant 0 : i32
          %dma_start3A_299 = tpu.memref_slice %arg7[%sub3A_88, %dma_start3A_292, %dma_start3A_298] : memref<2x8x64xi32, #tpu.memory_space<vmem>> -> memref<1x1x64xi32, #tpu.memory_space<vmem>>
          %dma_start3A_300 = tpu.memref_squeeze %dma_start3A_299 : memref<1x1x64xi32, #tpu.memory_space<vmem>> -> memref<64xi32, #tpu.memory_space<vmem>>
          %dma_start3A_301 = arith.constant 0 : i32
          %dma_start3A_302 = arith.constant 0 : i32
          %dma_start3A_303 = tpu.memref_slice %arg4[%dma_start3A_301, %dma_start3A_302] : memref<10240x128xf32, #tpu.memory_space<hbm>> -> memref<10240x128xf32, #tpu.memory_space<hbm>>
          tpu.enqueue_indirect_dma source(%dma_start3A_303 : memref<10240x128xf32, #tpu.memory_space<hbm>>) target(%dma_start3A_297 : memref<64x128xf32, #tpu.memory_space<vmem>>) offsets(%dma_start3A_300 : memref<64xi32, #tpu.memory_space<vmem>>) semaphore(%arg12 : memref<!tpu.dma_semaphore, #tpu.memory_space<semaphore_mem>>)
        } else {
        }
        %run_scoped3A_247 = arith.constant 1 : i32
        %run_scoped3A_248 = arith.constant 5 : i32
        "tpu.region"() ({
          %run_scoped3A_292 = tpu.sem_alloc : memref<!tpu.dma_semaphore, #tpu.memory_space<semaphore_mem>>
          %dma_start3A_293 = arith.constant 0 : i32
          %dma_start3A_294 = arith.constant 0 : i32
          %dma_start3A_295 = tpu.memref_slice %arg9[%run_scoped3A_247, %dma_start3A_293, %dma_start3A_294] : memref<4x64x128xf32, #tpu.memory_space<vmem>> -> memref<1x64x128xf32, #tpu.memory_space<vmem>>
          %dma_start3A_296 = tpu.memref_squeeze %dma_start3A_295 : memref<1x64x128xf32, #tpu.memory_space<vmem>> -> memref<64x128xf32, #tpu.memory_space<vmem>>
          %dma_start3A_297 = arith.constant 0 : i32
          %dma_start3A_298 = tpu.memref_slice %arg8[%rem3A_87, %run_scoped3A_248, %dma_start3A_297] : memref<2x8x64xi32, #tpu.memory_space<vmem>> -> memref<1x1x64xi32, #tpu.memory_space<vmem>>
          %dma_start3A_299 = tpu.memref_squeeze %dma_start3A_298 : memref<1x1x64xi32, #tpu.memory_space<vmem>> -> memref<64xi32, #tpu.memory_space<vmem>>
          %dma_start3A_300 = arith.constant 0 : i32
          %dma_start3A_301 = arith.constant 0 : i32
          %dma_start3A_302 = tpu.memref_slice %arg11[%dma_start3A_300, %dma_start3A_301] : memref<10240x128xf32, #tpu.memory_space<vmem_shared>> -> memref<10240x128xf32, #tpu.memory_space<vmem_shared>>
          tpu.enqueue_indirect_dma source(%dma_start3A_296 : memref<64x128xf32, #tpu.memory_space<vmem>>) target(%dma_start3A_302 : memref<10240x128xf32, #tpu.memory_space<vmem_shared>>) offsets(%dma_start3A_299 : memref<64xi32, #tpu.memory_space<vmem>>) semaphore(%run_scoped3A_292 : memref<!tpu.dma_semaphore, #tpu.memory_space<semaphore_mem>>) {add = true}
          %dma_wait3A_303 = arith.constant 0 : i32
          %dma_wait3A_304 = arith.constant 0 : i32
          %dma_wait3A_305 = tpu.memref_slice %arg9[%run_scoped3A_247, %dma_wait3A_303, %dma_wait3A_304] : memref<4x64x128xf32, #tpu.memory_space<vmem>> -> memref<1x64x128xf32, #tpu.memory_space<vmem>>
          %dma_wait3A_306 = tpu.memref_squeeze %dma_wait3A_305 : memref<1x64x128xf32, #tpu.memory_space<vmem>> -> memref<64x128xf32, #tpu.memory_space<vmem>>
          %dma_wait3A_307 = arith.constant 0 : i32
          %dma_wait3A_308 = tpu.memref_slice %arg8[%rem3A_87, %run_scoped3A_248, %dma_wait3A_307] : memref<2x8x64xi32, #tpu.memory_space<vmem>> -> memref<1x1x64xi32, #tpu.memory_space<vmem>>
          %dma_wait3A_309 = tpu.memref_squeeze %dma_wait3A_308 : memref<1x1x64xi32, #tpu.memory_space<vmem>> -> memref<64xi32, #tpu.memory_space<vmem>>
          %dma_wait3A_310 = arith.constant 0 : i32
          %dma_wait3A_311 = arith.constant 0 : i32
          %dma_wait3A_312 = tpu.memref_slice %arg11[%dma_wait3A_310, %dma_wait3A_311] : memref<10240x128xf32, #tpu.memory_space<vmem_shared>> -> memref<10240x128xf32, #tpu.memory_space<vmem_shared>>
          tpu.wait_indirect_dma semaphore(%run_scoped3A_292 : memref<!tpu.dma_semaphore, #tpu.memory_space<semaphore_mem>>) src(%dma_wait3A_306 : memref<64x128xf32, #tpu.memory_space<vmem>>) dst(%dma_wait3A_312 : memref<10240x128xf32, #tpu.memory_space<vmem_shared>>)
          tpu.yield
        }) : () -> ()
        %dma_wait3A_249 = arith.constant 0 : i32
        %dma_wait3A_250 = arith.constant 0 : i32
        %dma_wait3A_251 = arith.constant 2 : i32
        %dma_wait3A_252 = arith.constant 0 : i32
        %dma_wait3A_253 = arith.constant 0 : i32
        %dma_wait3A_254 = tpu.memref_slice %arg9[%dma_wait3A_251, %dma_wait3A_252, %dma_wait3A_253] : memref<4x64x128xf32, #tpu.memory_space<vmem>> -> memref<1x64x128xf32, #tpu.memory_space<vmem>>
        %dma_wait3A_255 = tpu.memref_squeeze %dma_wait3A_254 : memref<1x64x128xf32, #tpu.memory_space<vmem>> -> memref<64x128xf32, #tpu.memory_space<vmem>>
        %dma_wait3A_256 = arith.constant 0 : i32
        %dma_wait3A_257 = tpu.memref_slice %arg7[%dma_wait3A_249, %dma_wait3A_250, %dma_wait3A_256] : memref<2x8x64xi32, #tpu.memory_space<vmem>> -> memref<1x1x64xi32, #tpu.memory_space<vmem>>
        %dma_wait3A_258 = tpu.memref_squeeze %dma_wait3A_257 : memref<1x1x64xi32, #tpu.memory_space<vmem>> -> memref<64xi32, #tpu.memory_space<vmem>>
        %dma_wait3A_259 = arith.constant 0 : i32
        %dma_wait3A_260 = arith.constant 0 : i32
        %dma_wait3A_261 = tpu.memref_slice %arg4[%dma_wait3A_259, %dma_wait3A_260] : memref<10240x128xf32, #tpu.memory_space<hbm>> -> memref<10240x128xf32, #tpu.memory_space<hbm>>
        tpu.wait_indirect_dma semaphore(%arg14 : memref<!tpu.dma_semaphore, #tpu.memory_space<semaphore_mem>>) src(%dma_wait3A_261 : memref<10240x128xf32, #tpu.memory_space<hbm>>) dst(%dma_wait3A_255 : memref<64x128xf32, #tpu.memory_space<vmem>>)
        %add3A_262 = arith.constant 1 : i32
        %add3A_263 = arith.addi %while3A_85, %add3A_262 : i32
        %lt3A_264 = arith.cmpi slt, %add3A_263, %select_n3A_21 : i32
        %convert_element_type3A_265 = arith.extui %lt3A_264 : i1 to i32
        %cond3A_266 = arith.constant 0 : i32
        %cond3A_267 = arith.cmpi ne, %convert_element_type3A_265, %cond3A_266 : i32
        scf.if %cond3A_267 {
          %dma_start3A_292 = arith.constant 1 : i32
          %dma_start3A_293 = arith.constant 1 : i32
          %dma_start3A_294 = arith.constant 0 : i32
          %dma_start3A_295 = arith.constant 0 : i32
          %dma_start3A_296 = tpu.memref_slice %arg9[%dma_start3A_293, %dma_start3A_294, %dma_start3A_295] : memref<4x64x128xf32, #tpu.memory_space<vmem>> -> memref<1x64x128xf32, #tpu.memory_space<vmem>>
          %dma_start3A_297 = tpu.memref_squeeze %dma_start3A_296 : memref<1x64x128xf32, #tpu.memory_space<vmem>> -> memref<64x128xf32, #tpu.memory_space<vmem>>
          %dma_start3A_298 = arith.constant 0 : i32
          %dma_start3A_299 = tpu.memref_slice %arg7[%sub3A_88, %dma_start3A_292, %dma_start3A_298] : memref<2x8x64xi32, #tpu.memory_space<vmem>> -> memref<1x1x64xi32, #tpu.memory_space<vmem>>
          %dma_start3A_300 = tpu.memref_squeeze %dma_start3A_299 : memref<1x1x64xi32, #tpu.memory_space<vmem>> -> memref<64xi32, #tpu.memory_space<vmem>>
          %dma_start3A_301 = arith.constant 0 : i32
          %dma_start3A_302 = arith.constant 0 : i32
          %dma_start3A_303 = tpu.memref_slice %arg4[%dma_start3A_301, %dma_start3A_302] : memref<10240x128xf32, #tpu.memory_space<hbm>> -> memref<10240x128xf32, #tpu.memory_space<hbm>>
          tpu.enqueue_indirect_dma source(%dma_start3A_303 : memref<10240x128xf32, #tpu.memory_space<hbm>>) target(%dma_start3A_297 : memref<64x128xf32, #tpu.memory_space<vmem>>) offsets(%dma_start3A_300 : memref<64xi32, #tpu.memory_space<vmem>>) semaphore(%arg13 : memref<!tpu.dma_semaphore, #tpu.memory_space<semaphore_mem>>)
        } else {
        }
        %run_scoped3A_268 = arith.constant 2 : i32
        %run_scoped3A_269 = arith.constant 6 : i32
        "tpu.region"() ({
          %run_scoped3A_292 = tpu.sem_alloc : memref<!tpu.dma_semaphore, #tpu.memory_space<semaphore_mem>>
          %dma_start3A_293 = arith.constant 0 : i32
          %dma_start3A_294 = arith.constant 0 : i32
          %dma_start3A_295 = tpu.memref_slice %arg9[%run_scoped3A_268, %dma_start3A_293, %dma_start3A_294] : memref<4x64x128xf32, #tpu.memory_space<vmem>> -> memref<1x64x128xf32, #tpu.memory_space<vmem>>
          %dma_start3A_296 = tpu.memref_squeeze %dma_start3A_295 : memref<1x64x128xf32, #tpu.memory_space<vmem>> -> memref<64x128xf32, #tpu.memory_space<vmem>>
          %dma_start3A_297 = arith.constant 0 : i32
          %dma_start3A_298 = tpu.memref_slice %arg8[%rem3A_87, %run_scoped3A_269, %dma_start3A_297] : memref<2x8x64xi32, #tpu.memory_space<vmem>> -> memref<1x1x64xi32, #tpu.memory_space<vmem>>
          %dma_start3A_299 = tpu.memref_squeeze %dma_start3A_298 : memref<1x1x64xi32, #tpu.memory_space<vmem>> -> memref<64xi32, #tpu.memory_space<vmem>>
          %dma_start3A_300 = arith.constant 0 : i32
          %dma_start3A_301 = arith.constant 0 : i32
          %dma_start3A_302 = tpu.memref_slice %arg11[%dma_start3A_300, %dma_start3A_301] : memref<10240x128xf32, #tpu.memory_space<vmem_shared>> -> memref<10240x128xf32, #tpu.memory_space<vmem_shared>>
          tpu.enqueue_indirect_dma source(%dma_start3A_296 : memref<64x128xf32, #tpu.memory_space<vmem>>) target(%dma_start3A_302 : memref<10240x128xf32, #tpu.memory_space<vmem_shared>>) offsets(%dma_start3A_299 : memref<64xi32, #tpu.memory_space<vmem>>) semaphore(%run_scoped3A_292 : memref<!tpu.dma_semaphore, #tpu.memory_space<semaphore_mem>>) {add = true}
          %dma_wait3A_303 = arith.constant 0 : i32
          %dma_wait3A_304 = arith.constant 0 : i32
          %dma_wait3A_305 = tpu.memref_slice %arg9[%run_scoped3A_268, %dma_wait3A_303, %dma_wait3A_304] : memref<4x64x128xf32, #tpu.memory_space<vmem>> -> memref<1x64x128xf32, #tpu.memory_space<vmem>>
          %dma_wait3A_306 = tpu.memref_squeeze %dma_wait3A_305 : memref<1x64x128xf32, #tpu.memory_space<vmem>> -> memref<64x128xf32, #tpu.memory_space<vmem>>
          %dma_wait3A_307 = arith.constant 0 : i32
          %dma_wait3A_308 = tpu.memref_slice %arg8[%rem3A_87, %run_scoped3A_269, %dma_wait3A_307] : memref<2x8x64xi32, #tpu.memory_space<vmem>> -> memref<1x1x64xi32, #tpu.memory_space<vmem>>
          %dma_wait3A_309 = tpu.memref_squeeze %dma_wait3A_308 : memref<1x1x64xi32, #tpu.memory_space<vmem>> -> memref<64xi32, #tpu.memory_space<vmem>>
          %dma_wait3A_310 = arith.constant 0 : i32
          %dma_wait3A_311 = arith.constant 0 : i32
          %dma_wait3A_312 = tpu.memref_slice %arg11[%dma_wait3A_310, %dma_wait3A_311] : memref<10240x128xf32, #tpu.memory_space<vmem_shared>> -> memref<10240x128xf32, #tpu.memory_space<vmem_shared>>
          tpu.wait_indirect_dma semaphore(%run_scoped3A_292 : memref<!tpu.dma_semaphore, #tpu.memory_space<semaphore_mem>>) src(%dma_wait3A_306 : memref<64x128xf32, #tpu.memory_space<vmem>>) dst(%dma_wait3A_312 : memref<10240x128xf32, #tpu.memory_space<vmem_shared>>)
          tpu.yield
        }) : () -> ()
        %dma_wait3A_270 = arith.constant 0 : i32
        %dma_wait3A_271 = arith.constant 0 : i32
        %dma_wait3A_272 = arith.constant 3 : i32
        %dma_wait3A_273 = arith.constant 0 : i32
        %dma_wait3A_274 = arith.constant 0 : i32
        %dma_wait3A_275 = tpu.memref_slice %arg9[%dma_wait3A_272, %dma_wait3A_273, %dma_wait3A_274] : memref<4x64x128xf32, #tpu.memory_space<vmem>> -> memref<1x64x128xf32, #tpu.memory_space<vmem>>
        %dma_wait3A_276 = tpu.memref_squeeze %dma_wait3A_275 : memref<1x64x128xf32, #tpu.memory_space<vmem>> -> memref<64x128xf32, #tpu.memory_space<vmem>>
        %dma_wait3A_277 = arith.constant 0 : i32
        %dma_wait3A_278 = tpu.memref_slice %arg7[%dma_wait3A_270, %dma_wait3A_271, %dma_wait3A_277] : memref<2x8x64xi32, #tpu.memory_space<vmem>> -> memref<1x1x64xi32, #tpu.memory_space<vmem>>
        %dma_wait3A_279 = tpu.memref_squeeze %dma_wait3A_278 : memref<1x1x64xi32, #tpu.memory_space<vmem>> -> memref<64xi32, #tpu.memory_space<vmem>>
        %dma_wait3A_280 = arith.constant 0 : i32
        %dma_wait3A_281 = arith.constant 0 : i32
        %dma_wait3A_282 = tpu.memref_slice %arg4[%dma_wait3A_280, %dma_wait3A_281] : memref<10240x128xf32, #tpu.memory_space<hbm>> -> memref<10240x128xf32, #tpu.memory_space<hbm>>
        tpu.wait_indirect_dma semaphore(%arg15 : memref<!tpu.dma_semaphore, #tpu.memory_space<semaphore_mem>>) src(%dma_wait3A_282 : memref<10240x128xf32, #tpu.memory_space<hbm>>) dst(%dma_wait3A_276 : memref<64x128xf32, #tpu.memory_space<vmem>>)
        %add3A_283 = arith.constant 1 : i32
        %add3A_284 = arith.addi %while3A_85, %add3A_283 : i32
        %lt3A_285 = arith.cmpi slt, %add3A_284, %select_n3A_21 : i32
        %convert_element_type3A_286 = arith.extui %lt3A_285 : i1 to i32
        %cond3A_287 = arith.constant 0 : i32
        %cond3A_288 = arith.cmpi ne, %convert_element_type3A_286, %cond3A_287 : i32
        scf.if %cond3A_288 {
          %dma_start3A_292 = arith.constant 2 : i32
          %dma_start3A_293 = arith.constant 2 : i32
          %dma_start3A_294 = arith.constant 0 : i32
          %dma_start3A_295 = arith.constant 0 : i32
          %dma_start3A_296 = tpu.memref_slice %arg9[%dma_start3A_293, %dma_start3A_294, %dma_start3A_295] : memref<4x64x128xf32, #tpu.memory_space<vmem>> -> memref<1x64x128xf32, #tpu.memory_space<vmem>>
          %dma_start3A_297 = tpu.memref_squeeze %dma_start3A_296 : memref<1x64x128xf32, #tpu.memory_space<vmem>> -> memref<64x128xf32, #tpu.memory_space<vmem>>
          %dma_start3A_298 = arith.constant 0 : i32
          %dma_start3A_299 = tpu.memref_slice %arg7[%sub3A_88, %dma_start3A_292, %dma_start3A_298] : memref<2x8x64xi32, #tpu.memory_space<vmem>> -> memref<1x1x64xi32, #tpu.memory_space<vmem>>
          %dma_start3A_300 = tpu.memref_squeeze %dma_start3A_299 : memref<1x1x64xi32, #tpu.memory_space<vmem>> -> memref<64xi32, #tpu.memory_space<vmem>>
          %dma_start3A_301 = arith.constant 0 : i32
          %dma_start3A_302 = arith.constant 0 : i32
          %dma_start3A_303 = tpu.memref_slice %arg4[%dma_start3A_301, %dma_start3A_302] : memref<10240x128xf32, #tpu.memory_space<hbm>> -> memref<10240x128xf32, #tpu.memory_space<hbm>>
          tpu.enqueue_indirect_dma source(%dma_start3A_303 : memref<10240x128xf32, #tpu.memory_space<hbm>>) target(%dma_start3A_297 : memref<64x128xf32, #tpu.memory_space<vmem>>) offsets(%dma_start3A_300 : memref<64xi32, #tpu.memory_space<vmem>>) semaphore(%arg14 : memref<!tpu.dma_semaphore, #tpu.memory_space<semaphore_mem>>)
        } else {
        }
        %run_scoped3A_289 = arith.constant 3 : i32
        %run_scoped3A_290 = arith.constant 7 : i32
        "tpu.region"() ({
          %run_scoped3A_292 = tpu.sem_alloc : memref<!tpu.dma_semaphore, #tpu.memory_space<semaphore_mem>>
          %dma_start3A_293 = arith.constant 0 : i32
          %dma_start3A_294 = arith.constant 0 : i32
          %dma_start3A_295 = tpu.memref_slice %arg9[%run_scoped3A_289, %dma_start3A_293, %dma_start3A_294] : memref<4x64x128xf32, #tpu.memory_space<vmem>> -> memref<1x64x128xf32, #tpu.memory_space<vmem>>
          %dma_start3A_296 = tpu.memref_squeeze %dma_start3A_295 : memref<1x64x128xf32, #tpu.memory_space<vmem>> -> memref<64x128xf32, #tpu.memory_space<vmem>>
          %dma_start3A_297 = arith.constant 0 : i32
          %dma_start3A_298 = tpu.memref_slice %arg8[%rem3A_87, %run_scoped3A_290, %dma_start3A_297] : memref<2x8x64xi32, #tpu.memory_space<vmem>> -> memref<1x1x64xi32, #tpu.memory_space<vmem>>
          %dma_start3A_299 = tpu.memref_squeeze %dma_start3A_298 : memref<1x1x64xi32, #tpu.memory_space<vmem>> -> memref<64xi32, #tpu.memory_space<vmem>>
          %dma_start3A_300 = arith.constant 0 : i32
          %dma_start3A_301 = arith.constant 0 : i32
          %dma_start3A_302 = tpu.memref_slice %arg11[%dma_start3A_300, %dma_start3A_301] : memref<10240x128xf32, #tpu.memory_space<vmem_shared>> -> memref<10240x128xf32, #tpu.memory_space<vmem_shared>>
          tpu.enqueue_indirect_dma source(%dma_start3A_296 : memref<64x128xf32, #tpu.memory_space<vmem>>) target(%dma_start3A_302 : memref<10240x128xf32, #tpu.memory_space<vmem_shared>>) offsets(%dma_start3A_299 : memref<64xi32, #tpu.memory_space<vmem>>) semaphore(%run_scoped3A_292 : memref<!tpu.dma_semaphore, #tpu.memory_space<semaphore_mem>>) {add = true}
          %dma_wait3A_303 = arith.constant 0 : i32
          %dma_wait3A_304 = arith.constant 0 : i32
          %dma_wait3A_305 = tpu.memref_slice %arg9[%run_scoped3A_289, %dma_wait3A_303, %dma_wait3A_304] : memref<4x64x128xf32, #tpu.memory_space<vmem>> -> memref<1x64x128xf32, #tpu.memory_space<vmem>>
          %dma_wait3A_306 = tpu.memref_squeeze %dma_wait3A_305 : memref<1x64x128xf32, #tpu.memory_space<vmem>> -> memref<64x128xf32, #tpu.memory_space<vmem>>
          %dma_wait3A_307 = arith.constant 0 : i32
          %dma_wait3A_308 = tpu.memref_slice %arg8[%rem3A_87, %run_scoped3A_290, %dma_wait3A_307] : memref<2x8x64xi32, #tpu.memory_space<vmem>> -> memref<1x1x64xi32, #tpu.memory_space<vmem>>
          %dma_wait3A_309 = tpu.memref_squeeze %dma_wait3A_308 : memref<1x1x64xi32, #tpu.memory_space<vmem>> -> memref<64xi32, #tpu.memory_space<vmem>>
          %dma_wait3A_310 = arith.constant 0 : i32
          %dma_wait3A_311 = arith.constant 0 : i32
          %dma_wait3A_312 = tpu.memref_slice %arg11[%dma_wait3A_310, %dma_wait3A_311] : memref<10240x128xf32, #tpu.memory_space<vmem_shared>> -> memref<10240x128xf32, #tpu.memory_space<vmem_shared>>
          tpu.wait_indirect_dma semaphore(%run_scoped3A_292 : memref<!tpu.dma_semaphore, #tpu.memory_space<semaphore_mem>>) src(%dma_wait3A_306 : memref<64x128xf32, #tpu.memory_space<vmem>>) dst(%dma_wait3A_312 : memref<10240x128xf32, #tpu.memory_space<vmem_shared>>)
          tpu.yield
        }) : () -> ()
        %while3A_291 = arith.constant 0 : i32
        scf.yield %while3A_291 : i32
      }
    } else {
    }
    %barrier3A_24 = arith.constant 0 : index
    tpu.barrier barrier_id(%barrier3A_24)
    %eq3A_25 = arith.constant 0 : i32
    %eq3A_26 = arith.cmpi eq, %arg0, %eq3A_25 : i32
    %convert_element_type3A_27 = arith.extui %eq3A_26 : i1 to i32
    %cond3A_28 = arith.constant 0 : i32
    %cond3A_29 = arith.cmpi ne, %convert_element_type3A_27, %cond3A_28 : i32
    scf.if %cond3A_29 {
      %mul3A_35 = arith.constant 640 : i32
      %mul3A_36 = arith.muli %arg1, %mul3A_35 : i32
      %mul3A_37 = arith.constant 640 : i32
      %mul3A_38 = arith.muli %arg1, %mul3A_37 : i32
      "tpu.region"() ({
        %run_scoped3A = tpu.sem_alloc : memref<!tpu.dma_semaphore, #tpu.memory_space<semaphore_mem>>
        %dma_start3A = arith.constant 0 : i32
        %dma_start3A_39 = tpu.memref_slice %arg5[%mul3A_38, %dma_start3A] : memref<10240x128xf32, #tpu.memory_space<hbm>> -> memref<640x128xf32, #tpu.memory_space<hbm>>
        %dma_start3A_40 = arith.constant 0 : i32
        %dma_start3A_41 = tpu.memref_slice %arg11[%mul3A_36, %dma_start3A_40] : memref<10240x128xf32, #tpu.memory_space<vmem_shared>> -> memref<640x128xf32, #tpu.memory_space<vmem_shared>>
        tpu.enqueue_dma source(%dma_start3A_41 : memref<640x128xf32, #tpu.memory_space<vmem_shared>>) target(%dma_start3A_39 : memref<640x128xf32, #tpu.memory_space<hbm>>) target_semaphore(%run_scoped3A : memref<!tpu.dma_semaphore, #tpu.memory_space<semaphore_mem>>)
        %dma_wait3A = arith.constant 0 : i32
        %dma_wait3A_42 = tpu.memref_slice %arg5[%mul3A_38, %dma_wait3A] : memref<10240x128xf32, #tpu.memory_space<hbm>> -> memref<640x128xf32, #tpu.memory_space<hbm>>
        %dma_wait3A_43 = arith.constant 0 : i32
        %dma_wait3A_44 = tpu.memref_slice %arg11[%mul3A_36, %dma_wait3A_43] : memref<10240x128xf32, #tpu.memory_space<vmem_shared>> -> memref<640x128xf32, #tpu.memory_space<vmem_shared>>
        tpu.wait_dma2 semaphore(%run_scoped3A : memref<!tpu.dma_semaphore, #tpu.memory_space<semaphore_mem>>) src(%dma_wait3A_44 : memref<640x128xf32, #tpu.memory_space<vmem_shared>>) dst(%dma_wait3A_42 : memref<640x128xf32, #tpu.memory_space<hbm>>)
        tpu.yield
      }) : () -> ()
    } else {
    }
    %eq3A_30 = arith.constant 1 : i32
    %eq3A_31 = arith.cmpi eq, %arg0, %eq3A_30 : i32
    %convert_element_type3A_32 = arith.extui %eq3A_31 : i1 to i32
    %cond3A_33 = arith.constant 0 : i32
    %cond3A_34 = arith.cmpi ne, %convert_element_type3A_32, %cond3A_33 : i32
    scf.if %cond3A_34 {
      %mul3A_35 = arith.constant 640 : i32
      %mul3A_36 = arith.muli %arg1, %mul3A_35 : i32
      %mul3A_37 = arith.constant 640 : i32
      %mul3A_38 = arith.muli %arg1, %mul3A_37 : i32
      "tpu.region"() ({
        %run_scoped3A = tpu.sem_alloc : memref<!tpu.dma_semaphore, #tpu.memory_space<semaphore_mem>>
        %dma_start3A = arith.constant 0 : i32
        %dma_start3A_39 = tpu.memref_slice %arg6[%mul3A_38, %dma_start3A] : memref<10240x128xf32, #tpu.memory_space<hbm>> -> memref<640x128xf32, #tpu.memory_space<hbm>>
        %dma_start3A_40 = arith.constant 0 : i32
        %dma_start3A_41 = tpu.memref_slice %arg11[%mul3A_36, %dma_start3A_40] : memref<10240x128xf32, #tpu.memory_space<vmem_shared>> -> memref<640x128xf32, #tpu.memory_space<vmem_shared>>
        tpu.enqueue_dma source(%dma_start3A_41 : memref<640x128xf32, #tpu.memory_space<vmem_shared>>) target(%dma_start3A_39 : memref<640x128xf32, #tpu.memory_space<hbm>>) target_semaphore(%run_scoped3A : memref<!tpu.dma_semaphore, #tpu.memory_space<semaphore_mem>>)
        %dma_wait3A = arith.constant 0 : i32
        %dma_wait3A_42 = tpu.memref_slice %arg6[%mul3A_38, %dma_wait3A] : memref<10240x128xf32, #tpu.memory_space<hbm>> -> memref<640x128xf32, #tpu.memory_space<hbm>>
        %dma_wait3A_43 = arith.constant 0 : i32
        %dma_wait3A_44 = tpu.memref_slice %arg11[%mul3A_36, %dma_wait3A_43] : memref<10240x128xf32, #tpu.memory_space<vmem_shared>> -> memref<640x128xf32, #tpu.memory_space<vmem_shared>>
        tpu.wait_dma2 semaphore(%run_scoped3A : memref<!tpu.dma_semaphore, #tpu.memory_space<semaphore_mem>>) src(%dma_wait3A_44 : memref<640x128xf32, #tpu.memory_space<vmem_shared>>) dst(%dma_wait3A_42 : memref<640x128xf32, #tpu.memory_space<hbm>>)
        tpu.yield
      }) : () -> ()
    } else {
    }
    return
  }
}

#map = affine_map<(d0, d1) -> (0)>
#map1 = affine_map<(d0, d1) -> (0, 0)>
module attributes {stable_mosaic.version = 14 : i64} {
  func.func @k(%arg0: i32, %arg1: i32, %arg2: memref<327680xi32, #tpu.memory_space<hbm>>, %arg3: memref<32x10240xf32, #tpu.memory_space<hbm>>, %arg4: memref<2048xi32, #tpu.memory_space<vmem>>, %arg5: memref<10240xf32, #tpu.memory_space<vmem>>) attributes {dimension_semantics = [#tpu.dimension_semantics<core_parallel>, #tpu.dimension_semantics<subcore_parallel>], iteration_bounds = array<i64: 2, 16>, scalar_prefetch = 0 : i64, scratch_operands = 2 : i64, tpu.core_type = #tpu.core_type<sc_vector_subcore>, window_params = [{transform_indices = #map}, {transform_indices = #map1}]} {
    %mul3A = arith.constant 2 : i32
    %mul3A_0 = arith.muli %arg1, %mul3A : i32
    %add3A = arith.addi %mul3A_0, %arg0 : i32
    %scan3A = arith.constant 0 : i32
    %scan3A_1 = arith.constant 0 : i32
    %scan3A_2 = arith.constant 640 : i32
    %scan3A_3 = arith.addi %scan3A_1, %scan3A_2 : i32
    %scan3A_4 = arith.constant 1 : i32
    %scan3A_5 = scf.for %scan3A_55 = %scan3A_1 to %scan3A_3 step %scan3A_4 iter_args(%scan3A_56 = %scan3A) -> (i32)  : i32 {
      %broadcast_in_dim3A_57 = arith.constant 0.000000e+00 : f32
      %broadcast_in_dim3A_58 = vector.broadcast %broadcast_in_dim3A_57 : f32 to vector<16xf32>
      %mul3A_59 = arith.constant 16 : i32
      %mul3A_60 = arith.muli %scan3A_55, %mul3A_59 : i32
      %swap3A = arith.index_cast %mul3A_60 : i32 to index
      %swap3A_61 = tpu.vector_load %arg5[%swap3A] {strides = array<i32>} : memref<10240xf32, #tpu.memory_space<vmem>>, vector<16xf32>,
      tpu.vector_store %arg5[%swap3A], %broadcast_in_dim3A_58 {strides = array<i32>} : memref<10240xf32, #tpu.memory_space<vmem>>, vector<16xf32>,
      %scan3A_62 = arith.constant 0 : i32
      scf.yield %scan3A_62 : i32
    }
    %scan3A_6 = arith.constant 640 : i32
    %broadcast_in_dim3A = arith.constant 1.000000e+00 : f32
    %broadcast_in_dim3A_7 = vector.broadcast %broadcast_in_dim3A : f32 to vector<16xf32>
    %mul3A_8 = arith.constant 10240 : i32
    %mul3A_9 = arith.muli %add3A, %mul3A_8 : i32
    %add3A_10 = arith.constant 0 : i32
    %add3A_11 = arith.addi %mul3A_9, %add3A_10 : i32
    "tpu.region"() ({
      %run_scoped3A = tpu.sem_alloc : memref<!tpu.dma_semaphore, #tpu.memory_space<semaphore_mem>>
      %dma_start3A = arith.constant 0 : i32
      %dma_start3A_55 = tpu.memref_slice %arg4[%dma_start3A] : memref<2048xi32, #tpu.memory_space<vmem>> -> memref<2048xi32, #tpu.memory_space<vmem>>
      %dma_start3A_56 = tpu.memref_slice %arg2[%add3A_11] : memref<327680xi32, #tpu.memory_space<hbm>> -> memref<2048xi32, #tpu.memory_space<hbm>>
      %dma_start3A_57 = arith.constant 0 : i32
      %dma_start3A_58 = tpu.memref_slice %arg4[%dma_start3A_57] : memref<2048xi32, #tpu.memory_space<vmem>> -> memref<2048xi32, #tpu.memory_space<vmem>>
      %dma_start3A_59 = tpu.memref_slice %arg2[%add3A_11] : memref<327680xi32, #tpu.memory_space<hbm>> -> memref<2048xi32, #tpu.memory_space<hbm>>
      tpu.enqueue_dma source(%dma_start3A_59 : memref<2048xi32, #tpu.memory_space<hbm>>) target(%dma_start3A_58 : memref<2048xi32, #tpu.memory_space<vmem>>) target_semaphore(%run_scoped3A : memref<!tpu.dma_semaphore, #tpu.memory_space<semaphore_mem>>)
      %dma_wait3A = arith.constant 0 : i32
      %dma_wait3A_60 = tpu.memref_slice %arg4[%dma_wait3A] : memref<2048xi32, #tpu.memory_space<vmem>> -> memref<2048xi32, #tpu.memory_space<vmem>>
      %dma_wait3A_61 = tpu.memref_slice %arg2[%add3A_11] : memref<327680xi32, #tpu.memory_space<hbm>> -> memref<2048xi32, #tpu.memory_space<hbm>>
      %dma_wait3A_62 = arith.constant 0 : i32
      %dma_wait3A_63 = tpu.memref_slice %arg4[%dma_wait3A_62] : memref<2048xi32, #tpu.memory_space<vmem>> -> memref<2048xi32, #tpu.memory_space<vmem>>
      %dma_wait3A_64 = tpu.memref_slice %arg2[%add3A_11] : memref<327680xi32, #tpu.memory_space<hbm>> -> memref<2048xi32, #tpu.memory_space<hbm>>
      tpu.wait_dma2 semaphore(%run_scoped3A : memref<!tpu.dma_semaphore, #tpu.memory_space<semaphore_mem>>) src(%dma_wait3A_64 : memref<2048xi32, #tpu.memory_space<hbm>>) dst(%dma_wait3A_63 : memref<2048xi32, #tpu.memory_space<vmem>>)
      tpu.yield
    }) : () -> ()
    %scan3A_12 = arith.constant 0 : i32
    %scan3A_13 = arith.constant 0 : i32
    %scan3A_14 = arith.constant 128 : i32
    %scan3A_15 = arith.addi %scan3A_13, %scan3A_14 : i32
    %scan3A_16 = arith.constant 1 : i32
    %scan3A_17 = scf.for %scan3A_55 = %scan3A_13 to %scan3A_15 step %scan3A_16 iter_args(%scan3A_56 = %scan3A_12) -> (i32)  : i32 {
      %mul3A_57 = arith.constant 16 : i32
      %mul3A_58 = arith.muli %scan3A_55, %mul3A_57 : i32
      %get3A = arith.index_cast %mul3A_58 : i32 to index
      %get3A_59 = tpu.vector_load %arg4[%get3A] {strides = array<i32>} : memref<2048xi32, #tpu.memory_space<vmem>>, vector<16xi32>,
      tpu.vector_store_idx %arg5[%get3A_59], %broadcast_in_dim3A_7 {add = true} : memref<10240xf32, #tpu.memory_space<vmem>>[vector<16xi32>], vector<16xf32>,
      %scan3A_60 = arith.constant 0 : i32
      scf.yield %scan3A_60 : i32
    }
    %scan3A_18 = arith.constant 128 : i32
    %add3A_19 = arith.constant 2048 : i32
    %add3A_20 = arith.addi %mul3A_9, %add3A_19 : i32
    "tpu.region"() ({
      %run_scoped3A = tpu.sem_alloc : memref<!tpu.dma_semaphore, #tpu.memory_space<semaphore_mem>>
      %dma_start3A = arith.constant 0 : i32
      %dma_start3A_55 = tpu.memref_slice %arg4[%dma_start3A] : memref<2048xi32, #tpu.memory_space<vmem>> -> memref<2048xi32, #tpu.memory_space<vmem>>
      %dma_start3A_56 = tpu.memref_slice %arg2[%add3A_20] : memref<327680xi32, #tpu.memory_space<hbm>> -> memref<2048xi32, #tpu.memory_space<hbm>>
      %dma_start3A_57 = arith.constant 0 : i32
      %dma_start3A_58 = tpu.memref_slice %arg4[%dma_start3A_57] : memref<2048xi32, #tpu.memory_space<vmem>> -> memref<2048xi32, #tpu.memory_space<vmem>>
      %dma_start3A_59 = tpu.memref_slice %arg2[%add3A_20] : memref<327680xi32, #tpu.memory_space<hbm>> -> memref<2048xi32, #tpu.memory_space<hbm>>
      tpu.enqueue_dma source(%dma_start3A_59 : memref<2048xi32, #tpu.memory_space<hbm>>) target(%dma_start3A_58 : memref<2048xi32, #tpu.memory_space<vmem>>) target_semaphore(%run_scoped3A : memref<!tpu.dma_semaphore, #tpu.memory_space<semaphore_mem>>)
      %dma_wait3A = arith.constant 0 : i32
      %dma_wait3A_60 = tpu.memref_slice %arg4[%dma_wait3A] : memref<2048xi32, #tpu.memory_space<vmem>> -> memref<2048xi32, #tpu.memory_space<vmem>>
      %dma_wait3A_61 = tpu.memref_slice %arg2[%add3A_20] : memref<327680xi32, #tpu.memory_space<hbm>> -> memref<2048xi32, #tpu.memory_space<hbm>>
      %dma_wait3A_62 = arith.constant 0 : i32
      %dma_wait3A_63 = tpu.memref_slice %arg4[%dma_wait3A_62] : memref<2048xi32, #tpu.memory_space<vmem>> -> memref<2048xi32, #tpu.memory_space<vmem>>
      %dma_wait3A_64 = tpu.memref_slice %arg2[%add3A_20] : memref<327680xi32, #tpu.memory_space<hbm>> -> memref<2048xi32, #tpu.memory_space<hbm>>
      tpu.wait_dma2 semaphore(%run_scoped3A : memref<!tpu.dma_semaphore, #tpu.memory_space<semaphore_mem>>) src(%dma_wait3A_64 : memref<2048xi32, #tpu.memory_space<hbm>>) dst(%dma_wait3A_63 : memref<2048xi32, #tpu.memory_space<vmem>>)
      tpu.yield
    }) : () -> ()
    %scan3A_21 = arith.constant 0 : i32
    %scan3A_22 = arith.constant 0 : i32
    %scan3A_23 = arith.constant 128 : i32
    %scan3A_24 = arith.addi %scan3A_22, %scan3A_23 : i32
    %scan3A_25 = arith.constant 1 : i32
    %scan3A_26 = scf.for %scan3A_55 = %scan3A_22 to %scan3A_24 step %scan3A_25 iter_args(%scan3A_56 = %scan3A_21) -> (i32)  : i32 {
      %mul3A_57 = arith.constant 16 : i32
      %mul3A_58 = arith.muli %scan3A_55, %mul3A_57 : i32
      %get3A = arith.index_cast %mul3A_58 : i32 to index
      %get3A_59 = tpu.vector_load %arg4[%get3A] {strides = array<i32>} : memref<2048xi32, #tpu.memory_space<vmem>>, vector<16xi32>,
      tpu.vector_store_idx %arg5[%get3A_59], %broadcast_in_dim3A_7 {add = true} : memref<10240xf32, #tpu.memory_space<vmem>>[vector<16xi32>], vector<16xf32>,
      %scan3A_60 = arith.constant 0 : i32
      scf.yield %scan3A_60 : i32
    }
    %scan3A_27 = arith.constant 128 : i32
    %add3A_28 = arith.constant 4096 : i32
    %add3A_29 = arith.addi %mul3A_9, %add3A_28 : i32
    "tpu.region"() ({
      %run_scoped3A = tpu.sem_alloc : memref<!tpu.dma_semaphore, #tpu.memory_space<semaphore_mem>>
      %dma_start3A = arith.constant 0 : i32
      %dma_start3A_55 = tpu.memref_slice %arg4[%dma_start3A] : memref<2048xi32, #tpu.memory_space<vmem>> -> memref<2048xi32, #tpu.memory_space<vmem>>
      %dma_start3A_56 = tpu.memref_slice %arg2[%add3A_29] : memref<327680xi32, #tpu.memory_space<hbm>> -> memref<2048xi32, #tpu.memory_space<hbm>>
      %dma_start3A_57 = arith.constant 0 : i32
      %dma_start3A_58 = tpu.memref_slice %arg4[%dma_start3A_57] : memref<2048xi32, #tpu.memory_space<vmem>> -> memref<2048xi32, #tpu.memory_space<vmem>>
      %dma_start3A_59 = tpu.memref_slice %arg2[%add3A_29] : memref<327680xi32, #tpu.memory_space<hbm>> -> memref<2048xi32, #tpu.memory_space<hbm>>
      tpu.enqueue_dma source(%dma_start3A_59 : memref<2048xi32, #tpu.memory_space<hbm>>) target(%dma_start3A_58 : memref<2048xi32, #tpu.memory_space<vmem>>) target_semaphore(%run_scoped3A : memref<!tpu.dma_semaphore, #tpu.memory_space<semaphore_mem>>)
      %dma_wait3A = arith.constant 0 : i32
      %dma_wait3A_60 = tpu.memref_slice %arg4[%dma_wait3A] : memref<2048xi32, #tpu.memory_space<vmem>> -> memref<2048xi32, #tpu.memory_space<vmem>>
      %dma_wait3A_61 = tpu.memref_slice %arg2[%add3A_29] : memref<327680xi32, #tpu.memory_space<hbm>> -> memref<2048xi32, #tpu.memory_space<hbm>>
      %dma_wait3A_62 = arith.constant 0 : i32
      %dma_wait3A_63 = tpu.memref_slice %arg4[%dma_wait3A_62] : memref<2048xi32, #tpu.memory_space<vmem>> -> memref<2048xi32, #tpu.memory_space<vmem>>
      %dma_wait3A_64 = tpu.memref_slice %arg2[%add3A_29] : memref<327680xi32, #tpu.memory_space<hbm>> -> memref<2048xi32, #tpu.memory_space<hbm>>
      tpu.wait_dma2 semaphore(%run_scoped3A : memref<!tpu.dma_semaphore, #tpu.memory_space<semaphore_mem>>) src(%dma_wait3A_64 : memref<2048xi32, #tpu.memory_space<hbm>>) dst(%dma_wait3A_63 : memref<2048xi32, #tpu.memory_space<vmem>>)
      tpu.yield
    }) : () -> ()
    %scan3A_30 = arith.constant 0 : i32
    %scan3A_31 = arith.constant 0 : i32
    %scan3A_32 = arith.constant 128 : i32
    %scan3A_33 = arith.addi %scan3A_31, %scan3A_32 : i32
    %scan3A_34 = arith.constant 1 : i32
    %scan3A_35 = scf.for %scan3A_55 = %scan3A_31 to %scan3A_33 step %scan3A_34 iter_args(%scan3A_56 = %scan3A_30) -> (i32)  : i32 {
      %mul3A_57 = arith.constant 16 : i32
      %mul3A_58 = arith.muli %scan3A_55, %mul3A_57 : i32
      %get3A = arith.index_cast %mul3A_58 : i32 to index
      %get3A_59 = tpu.vector_load %arg4[%get3A] {strides = array<i32>} : memref<2048xi32, #tpu.memory_space<vmem>>, vector<16xi32>,
      tpu.vector_store_idx %arg5[%get3A_59], %broadcast_in_dim3A_7 {add = true} : memref<10240xf32, #tpu.memory_space<vmem>>[vector<16xi32>], vector<16xf32>,
      %scan3A_60 = arith.constant 0 : i32
      scf.yield %scan3A_60 : i32
    }
    %scan3A_36 = arith.constant 128 : i32
    %add3A_37 = arith.constant 6144 : i32
    %add3A_38 = arith.addi %mul3A_9, %add3A_37 : i32
    "tpu.region"() ({
      %run_scoped3A = tpu.sem_alloc : memref<!tpu.dma_semaphore, #tpu.memory_space<semaphore_mem>>
      %dma_start3A = arith.constant 0 : i32
      %dma_start3A_55 = tpu.memref_slice %arg4[%dma_start3A] : memref<2048xi32, #tpu.memory_space<vmem>> -> memref<2048xi32, #tpu.memory_space<vmem>>
      %dma_start3A_56 = tpu.memref_slice %arg2[%add3A_38] : memref<327680xi32, #tpu.memory_space<hbm>> -> memref<2048xi32, #tpu.memory_space<hbm>>
      %dma_start3A_57 = arith.constant 0 : i32
      %dma_start3A_58 = tpu.memref_slice %arg4[%dma_start3A_57] : memref<2048xi32, #tpu.memory_space<vmem>> -> memref<2048xi32, #tpu.memory_space<vmem>>
      %dma_start3A_59 = tpu.memref_slice %arg2[%add3A_38] : memref<327680xi32, #tpu.memory_space<hbm>> -> memref<2048xi32, #tpu.memory_space<hbm>>
      tpu.enqueue_dma source(%dma_start3A_59 : memref<2048xi32, #tpu.memory_space<hbm>>) target(%dma_start3A_58 : memref<2048xi32, #tpu.memory_space<vmem>>) target_semaphore(%run_scoped3A : memref<!tpu.dma_semaphore, #tpu.memory_space<semaphore_mem>>)
      %dma_wait3A = arith.constant 0 : i32
      %dma_wait3A_60 = tpu.memref_slice %arg4[%dma_wait3A] : memref<2048xi32, #tpu.memory_space<vmem>> -> memref<2048xi32, #tpu.memory_space<vmem>>
      %dma_wait3A_61 = tpu.memref_slice %arg2[%add3A_38] : memref<327680xi32, #tpu.memory_space<hbm>> -> memref<2048xi32, #tpu.memory_space<hbm>>
      %dma_wait3A_62 = arith.constant 0 : i32
      %dma_wait3A_63 = tpu.memref_slice %arg4[%dma_wait3A_62] : memref<2048xi32, #tpu.memory_space<vmem>> -> memref<2048xi32, #tpu.memory_space<vmem>>
      %dma_wait3A_64 = tpu.memref_slice %arg2[%add3A_38] : memref<327680xi32, #tpu.memory_space<hbm>> -> memref<2048xi32, #tpu.memory_space<hbm>>
      tpu.wait_dma2 semaphore(%run_scoped3A : memref<!tpu.dma_semaphore, #tpu.memory_space<semaphore_mem>>) src(%dma_wait3A_64 : memref<2048xi32, #tpu.memory_space<hbm>>) dst(%dma_wait3A_63 : memref<2048xi32, #tpu.memory_space<vmem>>)
      tpu.yield
    }) : () -> ()
    %scan3A_39 = arith.constant 0 : i32
    %scan3A_40 = arith.constant 0 : i32
    %scan3A_41 = arith.constant 128 : i32
    %scan3A_42 = arith.addi %scan3A_40, %scan3A_41 : i32
    %scan3A_43 = arith.constant 1 : i32
    %scan3A_44 = scf.for %scan3A_55 = %scan3A_40 to %scan3A_42 step %scan3A_43 iter_args(%scan3A_56 = %scan3A_39) -> (i32)  : i32 {
      %mul3A_57 = arith.constant 16 : i32
      %mul3A_58 = arith.muli %scan3A_55, %mul3A_57 : i32
      %get3A = arith.index_cast %mul3A_58 : i32 to index
      %get3A_59 = tpu.vector_load %arg4[%get3A] {strides = array<i32>} : memref<2048xi32, #tpu.memory_space<vmem>>, vector<16xi32>,
      tpu.vector_store_idx %arg5[%get3A_59], %broadcast_in_dim3A_7 {add = true} : memref<10240xf32, #tpu.memory_space<vmem>>[vector<16xi32>], vector<16xf32>,
      %scan3A_60 = arith.constant 0 : i32
      scf.yield %scan3A_60 : i32
    }
    %scan3A_45 = arith.constant 128 : i32
    %add3A_46 = arith.constant 8192 : i32
    %add3A_47 = arith.addi %mul3A_9, %add3A_46 : i32
    "tpu.region"() ({
      %run_scoped3A = tpu.sem_alloc : memref<!tpu.dma_semaphore, #tpu.memory_space<semaphore_mem>>
      %dma_start3A = arith.constant 0 : i32
      %dma_start3A_55 = tpu.memref_slice %arg4[%dma_start3A] : memref<2048xi32, #tpu.memory_space<vmem>> -> memref<2048xi32, #tpu.memory_space<vmem>>
      %dma_start3A_56 = tpu.memref_slice %arg2[%add3A_47] : memref<327680xi32, #tpu.memory_space<hbm>> -> memref<2048xi32, #tpu.memory_space<hbm>>
      %dma_start3A_57 = arith.constant 0 : i32
      %dma_start3A_58 = tpu.memref_slice %arg4[%dma_start3A_57] : memref<2048xi32, #tpu.memory_space<vmem>> -> memref<2048xi32, #tpu.memory_space<vmem>>
      %dma_start3A_59 = tpu.memref_slice %arg2[%add3A_47] : memref<327680xi32, #tpu.memory_space<hbm>> -> memref<2048xi32, #tpu.memory_space<hbm>>
      tpu.enqueue_dma source(%dma_start3A_59 : memref<2048xi32, #tpu.memory_space<hbm>>) target(%dma_start3A_58 : memref<2048xi32, #tpu.memory_space<vmem>>) target_semaphore(%run_scoped3A : memref<!tpu.dma_semaphore, #tpu.memory_space<semaphore_mem>>)
      %dma_wait3A = arith.constant 0 : i32
      %dma_wait3A_60 = tpu.memref_slice %arg4[%dma_wait3A] : memref<2048xi32, #tpu.memory_space<vmem>> -> memref<2048xi32, #tpu.memory_space<vmem>>
      %dma_wait3A_61 = tpu.memref_slice %arg2[%add3A_47] : memref<327680xi32, #tpu.memory_space<hbm>> -> memref<2048xi32, #tpu.memory_space<hbm>>
      %dma_wait3A_62 = arith.constant 0 : i32
      %dma_wait3A_63 = tpu.memref_slice %arg4[%dma_wait3A_62] : memref<2048xi32, #tpu.memory_space<vmem>> -> memref<2048xi32, #tpu.memory_space<vmem>>
      %dma_wait3A_64 = tpu.memref_slice %arg2[%add3A_47] : memref<327680xi32, #tpu.memory_space<hbm>> -> memref<2048xi32, #tpu.memory_space<hbm>>
      tpu.wait_dma2 semaphore(%run_scoped3A : memref<!tpu.dma_semaphore, #tpu.memory_space<semaphore_mem>>) src(%dma_wait3A_64 : memref<2048xi32, #tpu.memory_space<hbm>>) dst(%dma_wait3A_63 : memref<2048xi32, #tpu.memory_space<vmem>>)
      tpu.yield
    }) : () -> ()
    %scan3A_48 = arith.constant 0 : i32
    %scan3A_49 = arith.constant 0 : i32
    %scan3A_50 = arith.constant 128 : i32
    %scan3A_51 = arith.addi %scan3A_49, %scan3A_50 : i32
    %scan3A_52 = arith.constant 1 : i32
    %scan3A_53 = scf.for %scan3A_55 = %scan3A_49 to %scan3A_51 step %scan3A_52 iter_args(%scan3A_56 = %scan3A_48) -> (i32)  : i32 {
      %mul3A_57 = arith.constant 16 : i32
      %mul3A_58 = arith.muli %scan3A_55, %mul3A_57 : i32
      %get3A = arith.index_cast %mul3A_58 : i32 to index
      %get3A_59 = tpu.vector_load %arg4[%get3A] {strides = array<i32>} : memref<2048xi32, #tpu.memory_space<vmem>>, vector<16xi32>,
      tpu.vector_store_idx %arg5[%get3A_59], %broadcast_in_dim3A_7 {add = true} : memref<10240xf32, #tpu.memory_space<vmem>>[vector<16xi32>], vector<16xf32>,
      %scan3A_60 = arith.constant 0 : i32
      scf.yield %scan3A_60 : i32
    }
    %scan3A_54 = arith.constant 128 : i32
    "tpu.region"() ({
      %run_scoped3A = tpu.sem_alloc : memref<!tpu.dma_semaphore, #tpu.memory_space<semaphore_mem>>
      %dma_start3A = arith.constant 0 : i32
      %dma_start3A_55 = tpu.memref_slice %arg3[%add3A, %dma_start3A] : memref<32x10240xf32, #tpu.memory_space<hbm>> -> memref<1x10240xf32, #tpu.memory_space<hbm>>
      %dma_start3A_56 = tpu.memref_squeeze %dma_start3A_55 : memref<1x10240xf32, #tpu.memory_space<hbm>> -> memref<10240xf32, #tpu.memory_space<hbm>>
      %dma_start3A_57 = arith.constant 0 : i32
      %dma_start3A_58 = tpu.memref_slice %arg3[%add3A, %dma_start3A_57] : memref<32x10240xf32, #tpu.memory_space<hbm>> -> memref<1x10240xf32, #tpu.memory_space<hbm>>
      %dma_start3A_59 = tpu.memref_squeeze %dma_start3A_58 : memref<1x10240xf32, #tpu.memory_space<hbm>> -> memref<10240xf32, #tpu.memory_space<hbm>>
      tpu.enqueue_dma source(%arg5 : memref<10240xf32, #tpu.memory_space<vmem>>) target(%dma_start3A_59 : memref<10240xf32, #tpu.memory_space<hbm>>) target_semaphore(%run_scoped3A : memref<!tpu.dma_semaphore, #tpu.memory_space<semaphore_mem>>)
      %dma_wait3A = arith.constant 0 : i32
      %dma_wait3A_60 = tpu.memref_slice %arg3[%add3A, %dma_wait3A] : memref<32x10240xf32, #tpu.memory_space<hbm>> -> memref<1x10240xf32, #tpu.memory_space<hbm>>
      %dma_wait3A_61 = tpu.memref_squeeze %dma_wait3A_60 : memref<1x10240xf32, #tpu.memory_space<hbm>> -> memref<10240xf32, #tpu.memory_space<hbm>>
      %dma_wait3A_62 = arith.constant 0 : i32
      %dma_wait3A_63 = tpu.memref_slice %arg3[%add3A, %dma_wait3A_62] : memref<32x10240xf32, #tpu.memory_space<hbm>> -> memref<1x10240xf32, #tpu.memory_space<hbm>>
      %dma_wait3A_64 = tpu.memref_squeeze %dma_wait3A_63 : memref<1x10240xf32, #tpu.memory_space<hbm>> -> memref<10240xf32, #tpu.memory_space<hbm>>
      tpu.wait_dma2 semaphore(%run_scoped3A : memref<!tpu.dma_semaphore, #tpu.memory_space<semaphore_mem>>) src(%arg5 : memref<10240xf32, #tpu.memory_space<vmem>>) dst(%dma_wait3A_64 : memref<10240xf32, #tpu.memory_space<hbm>>)
      tpu.yield
    }) : () -> ()
    return
  }
}

#map = affine_map<(d0, d1) -> (0, 0)>
module attributes {stable_mosaic.version = 14 : i64} {
  func.func @k(%arg0: i32, %arg1: i32, %arg2: memref<5120x64xi32, #tpu.memory_space<hbm>>, %arg3: memref<5120x64xi32, #tpu.memory_space<hbm>>, %arg4: memref<10240x128xf32, #tpu.memory_space<hbm>>, %arg5: memref<10240x128xf32, #tpu.memory_space<hbm>>, %arg6: memref<10240x128xf32, #tpu.memory_space<hbm>>, %arg7: memref<10240x128xf32, #tpu.memory_space<hbm>>, %arg8: memref<2x8x64xi32, #tpu.memory_space<vmem>>, %arg9: memref<2x8x64xi32, #tpu.memory_space<vmem>>, %arg10: memref<4x64x128xf32, #tpu.memory_space<vmem>>, %arg11: memref<32x128xf32, #tpu.memory_space<vmem>>, %arg12: memref<10240x128xf32, #tpu.memory_space<vmem_shared>>, %arg13: memref<!tpu.dma_semaphore, #tpu.memory_space<semaphore_mem>>, %arg14: memref<!tpu.dma_semaphore, #tpu.memory_space<semaphore_mem>>, %arg15: memref<!tpu.dma_semaphore, #tpu.memory_space<semaphore_mem>>, %arg16: memref<!tpu.dma_semaphore, #tpu.memory_space<semaphore_mem>>) attributes {dimension_semantics = [#tpu.dimension_semantics<core_parallel>, #tpu.dimension_semantics<subcore_parallel>], iteration_bounds = array<i64: 2, 16>, scalar_prefetch = 0 : i64, scratch_operands = 9 : i64, tpu.core_type = #tpu.core_type<sc_vector_subcore>, window_params = [{transform_indices = #map}, {transform_indices = #map}, {transform_indices = #map}, {transform_indices = #map}, {transform_indices = #map}, {transform_indices = #map}]} {
    %scan3A = arith.constant 0 : i32
    %scan3A_0 = arith.constant 0 : i32
    %scan3A_1 = arith.constant 32 : i32
    %scan3A_2 = arith.addi %scan3A_0, %scan3A_1 : i32
    %scan3A_3 = arith.constant 1 : i32
    %scan3A_4 = scf.for %scan3A_21 = %scan3A_0 to %scan3A_2 step %scan3A_3 iter_args(%scan3A_22 = %scan3A) -> (i32)  : i32 {
      %scan3A_23 = arith.constant 0 : i32
      %scan3A_24 = arith.constant 0 : i32
      %scan3A_25 = arith.constant 8 : i32
      %scan3A_26 = arith.addi %scan3A_24, %scan3A_25 : i32
      %scan3A_27 = arith.constant 1 : i32
      %scan3A_28 = scf.for %scan3A_31 = %scan3A_24 to %scan3A_26 step %scan3A_27 iter_args(%scan3A_32 = %scan3A_23) -> (i32)  : i32 {
        %broadcast_in_dim3A = arith.constant 0.000000e+00 : f32
        %broadcast_in_dim3A_33 = vector.broadcast %broadcast_in_dim3A : f32 to vector<16xf32>
        %mul3A_34 = arith.constant 16 : i32
        %mul3A_35 = arith.muli %scan3A_31, %mul3A_34 : i32
        %swap3A = arith.index_cast %scan3A_21 : i32 to index
        %swap3A_36 = arith.index_cast %mul3A_35 : i32 to index
        %swap3A_37 = tpu.vector_load %arg11[%swap3A, %swap3A_36] {strides = array<i32>} : memref<32x128xf32, #tpu.memory_space<vmem>>, vector<1x16xf32>,
        %swap3A_38 = vector.shape_cast %swap3A_37 : vector<1x16xf32> to vector<16xf32>
        %swap3A_39 = vector.shape_cast %broadcast_in_dim3A_33 : vector<16xf32> to vector<1x16xf32>
        tpu.vector_store %arg11[%swap3A, %swap3A_36], %swap3A_39 {strides = array<i32>} : memref<32x128xf32, #tpu.memory_space<vmem>>, vector<1x16xf32>,
        %scan3A_40 = arith.constant 0 : i32
        scf.yield %scan3A_40 : i32
      }
      %scan3A_29 = arith.constant 8 : i32
      %scan3A_30 = arith.constant 0 : i32
      scf.yield %scan3A_30 : i32
    }
    %scan3A_5 = arith.constant 32 : i32
    %scan3A_6 = arith.constant 0 : i32
    %scan3A_7 = arith.constant 0 : i32
    %scan3A_8 = arith.constant 20 : i32
    %scan3A_9 = arith.addi %scan3A_7, %scan3A_8 : i32
    %scan3A_10 = arith.constant 1 : i32
    %scan3A_11 = scf.for %scan3A_21 = %scan3A_7 to %scan3A_9 step %scan3A_10 iter_args(%scan3A_22 = %scan3A_6) -> (i32)  : i32 {
      %mul3A_23 = arith.constant 640 : i32
      %mul3A_24 = arith.muli %arg1, %mul3A_23 : i32
      %mul3A_25 = arith.constant 32 : i32
      %mul3A_26 = arith.muli %scan3A_21, %mul3A_25 : i32
      %add3A = arith.addi %mul3A_24, %mul3A_26 : i32
      "tpu.region"() ({
        %run_scoped3A = tpu.sem_alloc : memref<!tpu.dma_semaphore, #tpu.memory_space<semaphore_mem>>
        %dma_start3A = arith.constant 0 : i32
        %dma_start3A_28 = tpu.memref_slice %arg12[%add3A, %dma_start3A] : memref<10240x128xf32, #tpu.memory_space<vmem_shared>> -> memref<32x128xf32, #tpu.memory_space<vmem_shared>>
        %dma_start3A_29 = arith.constant 0 : i32
        %dma_start3A_30 = tpu.memref_slice %arg12[%add3A, %dma_start3A_29] : memref<10240x128xf32, #tpu.memory_space<vmem_shared>> -> memref<32x128xf32, #tpu.memory_space<vmem_shared>>
        tpu.enqueue_dma source(%arg11 : memref<32x128xf32, #tpu.memory_space<vmem>>) target(%dma_start3A_30 : memref<32x128xf32, #tpu.memory_space<vmem_shared>>) target_semaphore(%run_scoped3A : memref<!tpu.dma_semaphore, #tpu.memory_space<semaphore_mem>>)
        %dma_wait3A = arith.constant 0 : i32
        %dma_wait3A_31 = tpu.memref_slice %arg12[%add3A, %dma_wait3A] : memref<10240x128xf32, #tpu.memory_space<vmem_shared>> -> memref<32x128xf32, #tpu.memory_space<vmem_shared>>
        %dma_wait3A_32 = arith.constant 0 : i32
        %dma_wait3A_33 = tpu.memref_slice %arg12[%add3A, %dma_wait3A_32] : memref<10240x128xf32, #tpu.memory_space<vmem_shared>> -> memref<32x128xf32, #tpu.memory_space<vmem_shared>>
        tpu.wait_dma2 semaphore(%run_scoped3A : memref<!tpu.dma_semaphore, #tpu.memory_space<semaphore_mem>>) src(%arg11 : memref<32x128xf32, #tpu.memory_space<vmem>>) dst(%dma_wait3A_33 : memref<32x128xf32, #tpu.memory_space<vmem_shared>>)
        tpu.yield
      }) : () -> ()
      %scan3A_27 = arith.constant 0 : i32
      scf.yield %scan3A_27 : i32
    }
    %scan3A_12 = arith.constant 20 : i32
    %barrier3A = arith.constant 0 : index
    tpu.barrier barrier_id(%barrier3A)
    %mul3A = arith.constant 320 : i32
    %mul3A_13 = arith.muli %arg1, %mul3A : i32
    %eq3A = arith.constant 0 : i32
    %eq3A_14 = arith.cmpi eq, %arg0, %eq3A : i32
    %convert_element_type3A = arith.extui %eq3A_14 : i1 to i32
    %cond3A = arith.constant 0 : i32
    %cond3A_15 = arith.cmpi ne, %convert_element_type3A, %cond3A : i32
    scf.if %cond3A_15 {
      %run_scoped3A = arith.constant 0 : i32
      "tpu.region"() ({
        %run_scoped3A_72 = tpu.sem_alloc : memref<!tpu.dma_semaphore, #tpu.memory_space<semaphore_mem>>
        %dma_start3A_73 = arith.constant 0 : i32
        %dma_start3A_74 = arith.constant 0 : i32
        %dma_start3A_75 = tpu.memref_slice %arg8[%run_scoped3A, %dma_start3A_73, %dma_start3A_74] : memref<2x8x64xi32, #tpu.memory_space<vmem>> -> memref<1x8x64xi32, #tpu.memory_space<vmem>>
        %dma_start3A_76 = tpu.memref_squeeze %dma_start3A_75 : memref<1x8x64xi32, #tpu.memory_space<vmem>> -> memref<8x64xi32, #tpu.memory_space<vmem>>
        %dma_start3A_77 = arith.constant 0 : i32
        %dma_start3A_78 = tpu.memref_slice %arg2[%mul3A_13, %dma_start3A_77] : memref<5120x64xi32, #tpu.memory_space<hbm>> -> memref<8x64xi32, #tpu.memory_space<hbm>>
        %dma_start3A_79 = arith.constant 0 : i32
        %dma_start3A_80 = arith.constant 0 : i32
        %dma_start3A_81 = tpu.memref_slice %arg8[%run_scoped3A, %dma_start3A_79, %dma_start3A_80] : memref<2x8x64xi32, #tpu.memory_space<vmem>> -> memref<1x8x64xi32, #tpu.memory_space<vmem>>
        %dma_start3A_82 = tpu.memref_squeeze %dma_start3A_81 : memref<1x8x64xi32, #tpu.memory_space<vmem>> -> memref<8x64xi32, #tpu.memory_space<vmem>>
        %dma_start3A_83 = arith.constant 0 : i32
        %dma_start3A_84 = tpu.memref_slice %arg2[%mul3A_13, %dma_start3A_83] : memref<5120x64xi32, #tpu.memory_space<hbm>> -> memref<8x64xi32, #tpu.memory_space<hbm>>
        tpu.enqueue_dma source(%dma_start3A_84 : memref<8x64xi32, #tpu.memory_space<hbm>>) target(%dma_start3A_82 : memref<8x64xi32, #tpu.memory_space<vmem>>) target_semaphore(%run_scoped3A_72 : memref<!tpu.dma_semaphore, #tpu.memory_space<semaphore_mem>>)
        %dma_wait3A = arith.constant 0 : i32
        %dma_wait3A_85 = arith.constant 0 : i32
        %dma_wait3A_86 = tpu.memref_slice %arg8[%run_scoped3A, %dma_wait3A, %dma_wait3A_85] : memref<2x8x64xi32, #tpu.memory_space<vmem>> -> memref<1x8x64xi32, #tpu.memory_space<vmem>>
        %dma_wait3A_87 = tpu.memref_squeeze %dma_wait3A_86 : memref<1x8x64xi32, #tpu.memory_space<vmem>> -> memref<8x64xi32, #tpu.memory_space<vmem>>
        %dma_wait3A_88 = arith.constant 0 : i32
        %dma_wait3A_89 = tpu.memref_slice %arg2[%mul3A_13, %dma_wait3A_88] : memref<5120x64xi32, #tpu.memory_space<hbm>> -> memref<8x64xi32, #tpu.memory_space<hbm>>
        %dma_wait3A_90 = arith.constant 0 : i32
        %dma_wait3A_91 = arith.constant 0 : i32
        %dma_wait3A_92 = tpu.memref_slice %arg8[%run_scoped3A, %dma_wait3A_90, %dma_wait3A_91] : memref<2x8x64xi32, #tpu.memory_space<vmem>> -> memref<1x8x64xi32, #tpu.memory_space<vmem>>
        %dma_wait3A_93 = tpu.memref_squeeze %dma_wait3A_92 : memref<1x8x64xi32, #tpu.memory_space<vmem>> -> memref<8x64xi32, #tpu.memory_space<vmem>>
        %dma_wait3A_94 = arith.constant 0 : i32
        %dma_wait3A_95 = tpu.memref_slice %arg2[%mul3A_13, %dma_wait3A_94] : memref<5120x64xi32, #tpu.memory_space<hbm>> -> memref<8x64xi32, #tpu.memory_space<hbm>>
        tpu.wait_dma2 semaphore(%run_scoped3A_72 : memref<!tpu.dma_semaphore, #tpu.memory_space<semaphore_mem>>) src(%dma_wait3A_95 : memref<8x64xi32, #tpu.memory_space<hbm>>) dst(%dma_wait3A_93 : memref<8x64xi32, #tpu.memory_space<vmem>>)
        tpu.yield
      }) : () -> ()
      %run_scoped3A_21 = arith.constant 0 : i32
      "tpu.region"() ({
        %run_scoped3A_72 = tpu.sem_alloc : memref<!tpu.dma_semaphore, #tpu.memory_space<semaphore_mem>>
        %dma_start3A_73 = arith.constant 0 : i32
        %dma_start3A_74 = arith.constant 0 : i32
        %dma_start3A_75 = tpu.memref_slice %arg9[%run_scoped3A_21, %dma_start3A_73, %dma_start3A_74] : memref<2x8x64xi32, #tpu.memory_space<vmem>> -> memref<1x8x64xi32, #tpu.memory_space<vmem>>
        %dma_start3A_76 = tpu.memref_squeeze %dma_start3A_75 : memref<1x8x64xi32, #tpu.memory_space<vmem>> -> memref<8x64xi32, #tpu.memory_space<vmem>>
        %dma_start3A_77 = arith.constant 0 : i32
        %dma_start3A_78 = tpu.memref_slice %arg3[%mul3A_13, %dma_start3A_77] : memref<5120x64xi32, #tpu.memory_space<hbm>> -> memref<8x64xi32, #tpu.memory_space<hbm>>
        %dma_start3A_79 = arith.constant 0 : i32
        %dma_start3A_80 = arith.constant 0 : i32
        %dma_start3A_81 = tpu.memref_slice %arg9[%run_scoped3A_21, %dma_start3A_79, %dma_start3A_80] : memref<2x8x64xi32, #tpu.memory_space<vmem>> -> memref<1x8x64xi32, #tpu.memory_space<vmem>>
        %dma_start3A_82 = tpu.memref_squeeze %dma_start3A_81 : memref<1x8x64xi32, #tpu.memory_space<vmem>> -> memref<8x64xi32, #tpu.memory_space<vmem>>
        %dma_start3A_83 = arith.constant 0 : i32
        %dma_start3A_84 = tpu.memref_slice %arg3[%mul3A_13, %dma_start3A_83] : memref<5120x64xi32, #tpu.memory_space<hbm>> -> memref<8x64xi32, #tpu.memory_space<hbm>>
        tpu.enqueue_dma source(%dma_start3A_84 : memref<8x64xi32, #tpu.memory_space<hbm>>) target(%dma_start3A_82 : memref<8x64xi32, #tpu.memory_space<vmem>>) target_semaphore(%run_scoped3A_72 : memref<!tpu.dma_semaphore, #tpu.memory_space<semaphore_mem>>)
        %dma_wait3A = arith.constant 0 : i32
        %dma_wait3A_85 = arith.constant 0 : i32
        %dma_wait3A_86 = tpu.memref_slice %arg9[%run_scoped3A_21, %dma_wait3A, %dma_wait3A_85] : memref<2x8x64xi32, #tpu.memory_space<vmem>> -> memref<1x8x64xi32, #tpu.memory_space<vmem>>
        %dma_wait3A_87 = tpu.memref_squeeze %dma_wait3A_86 : memref<1x8x64xi32, #tpu.memory_space<vmem>> -> memref<8x64xi32, #tpu.memory_space<vmem>>
        %dma_wait3A_88 = arith.constant 0 : i32
        %dma_wait3A_89 = tpu.memref_slice %arg3[%mul3A_13, %dma_wait3A_88] : memref<5120x64xi32, #tpu.memory_space<hbm>> -> memref<8x64xi32, #tpu.memory_space<hbm>>
        %dma_wait3A_90 = arith.constant 0 : i32
        %dma_wait3A_91 = arith.constant 0 : i32
        %dma_wait3A_92 = tpu.memref_slice %arg9[%run_scoped3A_21, %dma_wait3A_90, %dma_wait3A_91] : memref<2x8x64xi32, #tpu.memory_space<vmem>> -> memref<1x8x64xi32, #tpu.memory_space<vmem>>
        %dma_wait3A_93 = tpu.memref_squeeze %dma_wait3A_92 : memref<1x8x64xi32, #tpu.memory_space<vmem>> -> memref<8x64xi32, #tpu.memory_space<vmem>>
        %dma_wait3A_94 = arith.constant 0 : i32
        %dma_wait3A_95 = tpu.memref_slice %arg3[%mul3A_13, %dma_wait3A_94] : memref<5120x64xi32, #tpu.memory_space<hbm>> -> memref<8x64xi32, #tpu.memory_space<hbm>>
        tpu.wait_dma2 semaphore(%run_scoped3A_72 : memref<!tpu.dma_semaphore, #tpu.memory_space<semaphore_mem>>) src(%dma_wait3A_95 : memref<8x64xi32, #tpu.memory_space<hbm>>) dst(%dma_wait3A_93 : memref<8x64xi32, #tpu.memory_space<vmem>>)
        tpu.yield
      }) : () -> ()
      %dma_start3A = arith.constant 0 : i32
      %dma_start3A_22 = arith.constant 0 : i32
      %dma_start3A_23 = arith.constant 0 : i32
      %dma_start3A_24 = arith.constant 0 : i32
      %dma_start3A_25 = arith.constant 0 : i32
      %dma_start3A_26 = tpu.memref_slice %arg10[%dma_start3A_23, %dma_start3A_24, %dma_start3A_25] : memref<4x64x128xf32, #tpu.memory_space<vmem>> -> memref<1x64x128xf32, #tpu.memory_space<vmem>>
      %dma_start3A_27 = tpu.memref_squeeze %dma_start3A_26 : memref<1x64x128xf32, #tpu.memory_space<vmem>> -> memref<64x128xf32, #tpu.memory_space<vmem>>
      %dma_start3A_28 = arith.constant 0 : i32
      %dma_start3A_29 = tpu.memref_slice %arg8[%dma_start3A, %dma_start3A_22, %dma_start3A_28] : memref<2x8x64xi32, #tpu.memory_space<vmem>> -> memref<1x1x64xi32, #tpu.memory_space<vmem>>
      %dma_start3A_30 = tpu.memref_squeeze %dma_start3A_29 : memref<1x1x64xi32, #tpu.memory_space<vmem>> -> memref<64xi32, #tpu.memory_space<vmem>>
      %dma_start3A_31 = arith.constant 0 : i32
      %dma_start3A_32 = arith.constant 0 : i32
      %dma_start3A_33 = tpu.memref_slice %arg4[%dma_start3A_31, %dma_start3A_32] : memref<10240x128xf32, #tpu.memory_space<hbm>> -> memref<10240x128xf32, #tpu.memory_space<hbm>>
      tpu.enqueue_indirect_dma source(%dma_start3A_33 : memref<10240x128xf32, #tpu.memory_space<hbm>>) target(%dma_start3A_27 : memref<64x128xf32, #tpu.memory_space<vmem>>) offsets(%dma_start3A_30 : memref<64xi32, #tpu.memory_space<vmem>>) semaphore(%arg13 : memref<!tpu.dma_semaphore, #tpu.memory_space<semaphore_mem>>)
      %dma_start3A_34 = arith.constant 0 : i32
      %dma_start3A_35 = arith.constant 1 : i32
      %dma_start3A_36 = arith.constant 1 : i32
      %dma_start3A_37 = arith.constant 0 : i32
      %dma_start3A_38 = arith.constant 0 : i32
      %dma_start3A_39 = tpu.memref_slice %arg10[%dma_start3A_36, %dma_start3A_37, %dma_start3A_38] : memref<4x64x128xf32, #tpu.memory_space<vmem>> -> memref<1x64x128xf32, #tpu.memory_space<vmem>>
      %dma_start3A_40 = tpu.memref_squeeze %dma_start3A_39 : memref<1x64x128xf32, #tpu.memory_space<vmem>> -> memref<64x128xf32, #tpu.memory_space<vmem>>
      %dma_start3A_41 = arith.constant 0 : i32
      %dma_start3A_42 = tpu.memref_slice %arg8[%dma_start3A_34, %dma_start3A_35, %dma_start3A_41] : memref<2x8x64xi32, #tpu.memory_space<vmem>> -> memref<1x1x64xi32, #tpu.memory_space<vmem>>
      %dma_start3A_43 = tpu.memref_squeeze %dma_start3A_42 : memref<1x1x64xi32, #tpu.memory_space<vmem>> -> memref<64xi32, #tpu.memory_space<vmem>>
      %dma_start3A_44 = arith.constant 0 : i32
      %dma_start3A_45 = arith.constant 0 : i32
      %dma_start3A_46 = tpu.memref_slice %arg4[%dma_start3A_44, %dma_start3A_45] : memref<10240x128xf32, #tpu.memory_space<hbm>> -> memref<10240x128xf32, #tpu.memory_space<hbm>>
      tpu.enqueue_indirect_dma source(%dma_start3A_46 : memref<10240x128xf32, #tpu.memory_space<hbm>>) target(%dma_start3A_40 : memref<64x128xf32, #tpu.memory_space<vmem>>) offsets(%dma_start3A_43 : memref<64xi32, #tpu.memory_space<vmem>>) semaphore(%arg14 : memref<!tpu.dma_semaphore, #tpu.memory_space<semaphore_mem>>)
      %dma_start3A_47 = arith.constant 0 : i32
      %dma_start3A_48 = arith.constant 2 : i32
      %dma_start3A_49 = arith.constant 2 : i32
      %dma_start3A_50 = arith.constant 0 : i32
      %dma_start3A_51 = arith.constant 0 : i32
      %dma_start3A_52 = tpu.memref_slice %arg10[%dma_start3A_49, %dma_start3A_50, %dma_start3A_51] : memref<4x64x128xf32, #tpu.memory_space<vmem>> -> memref<1x64x128xf32, #tpu.memory_space<vmem>>
      %dma_start3A_53 = tpu.memref_squeeze %dma_start3A_52 : memref<1x64x128xf32, #tpu.memory_space<vmem>> -> memref<64x128xf32, #tpu.memory_space<vmem>>
      %dma_start3A_54 = arith.constant 0 : i32
      %dma_start3A_55 = tpu.memref_slice %arg8[%dma_start3A_47, %dma_start3A_48, %dma_start3A_54] : memref<2x8x64xi32, #tpu.memory_space<vmem>> -> memref<1x1x64xi32, #tpu.memory_space<vmem>>
      %dma_start3A_56 = tpu.memref_squeeze %dma_start3A_55 : memref<1x1x64xi32, #tpu.memory_space<vmem>> -> memref<64xi32, #tpu.memory_space<vmem>>
      %dma_start3A_57 = arith.constant 0 : i32
      %dma_start3A_58 = arith.constant 0 : i32
      %dma_start3A_59 = tpu.memref_slice %arg4[%dma_start3A_57, %dma_start3A_58] : memref<10240x128xf32, #tpu.memory_space<hbm>> -> memref<10240x128xf32, #tpu.memory_space<hbm>>
      tpu.enqueue_indirect_dma source(%dma_start3A_59 : memref<10240x128xf32, #tpu.memory_space<hbm>>) target(%dma_start3A_53 : memref<64x128xf32, #tpu.memory_space<vmem>>) offsets(%dma_start3A_56 : memref<64xi32, #tpu.memory_space<vmem>>) semaphore(%arg15 : memref<!tpu.dma_semaphore, #tpu.memory_space<semaphore_mem>>)
      %scan3A_60 = arith.constant 0 : i32
      %scan3A_61 = arith.constant 0 : i32
      %scan3A_62 = arith.constant 40 : i32
      %scan3A_63 = arith.addi %scan3A_61, %scan3A_62 : i32
      %scan3A_64 = arith.constant 1 : i32
      %scan3A_65 = scf.for %scan3A_72 = %scan3A_61 to %scan3A_63 step %scan3A_64 iter_args(%scan3A_73 = %scan3A_60) -> (i32)  : i32 {
        %rem3A = arith.constant 2 : i32
        %rem3A_74 = arith.remsi %scan3A_72, %rem3A : i32
        %sub3A = arith.constant 1 : i32
        %sub3A_75 = arith.subi %sub3A, %rem3A_74 : i32
        %add3A = arith.constant 1 : i32
        %add3A_76 = arith.addi %scan3A_72, %add3A : i32
        %lt3A = arith.constant 40 : i32
        %lt3A_77 = arith.cmpi slt, %add3A_76, %lt3A : i32
        %convert_element_type3A_78 = arith.extui %lt3A_77 : i1 to i32
        %cond3A_79 = arith.constant 0 : i32
        %cond3A_80 = arith.cmpi ne, %convert_element_type3A_78, %cond3A_79 : i32
        scf.if %cond3A_80 {
          %add3A_282 = arith.constant 1 : i32
          %add3A_283 = arith.addi %scan3A_72, %add3A_282 : i32
          %mul3A_284 = arith.constant 8 : i32
          %mul3A_285 = arith.muli %add3A_283, %mul3A_284 : i32
          %add3A_286 = arith.addi %mul3A_13, %mul3A_285 : i32
          "tpu.region"() ({
            %run_scoped3A_287 = tpu.sem_alloc : memref<!tpu.dma_semaphore, #tpu.memory_space<semaphore_mem>>
            %dma_start3A_288 = arith.constant 0 : i32
            %dma_start3A_289 = arith.constant 0 : i32
            %dma_start3A_290 = tpu.memref_slice %arg8[%sub3A_75, %dma_start3A_288, %dma_start3A_289] : memref<2x8x64xi32, #tpu.memory_space<vmem>> -> memref<1x8x64xi32, #tpu.memory_space<vmem>>
            %dma_start3A_291 = tpu.memref_squeeze %dma_start3A_290 : memref<1x8x64xi32, #tpu.memory_space<vmem>> -> memref<8x64xi32, #tpu.memory_space<vmem>>
            %dma_start3A_292 = arith.constant 0 : i32
            %dma_start3A_293 = tpu.memref_slice %arg2[%add3A_286, %dma_start3A_292] : memref<5120x64xi32, #tpu.memory_space<hbm>> -> memref<8x64xi32, #tpu.memory_space<hbm>>
            %dma_start3A_294 = arith.constant 0 : i32
            %dma_start3A_295 = arith.constant 0 : i32
            %dma_start3A_296 = tpu.memref_slice %arg8[%sub3A_75, %dma_start3A_294, %dma_start3A_295] : memref<2x8x64xi32, #tpu.memory_space<vmem>> -> memref<1x8x64xi32, #tpu.memory_space<vmem>>
            %dma_start3A_297 = tpu.memref_squeeze %dma_start3A_296 : memref<1x8x64xi32, #tpu.memory_space<vmem>> -> memref<8x64xi32, #tpu.memory_space<vmem>>
            %dma_start3A_298 = arith.constant 0 : i32
            %dma_start3A_299 = tpu.memref_slice %arg2[%add3A_286, %dma_start3A_298] : memref<5120x64xi32, #tpu.memory_space<hbm>> -> memref<8x64xi32, #tpu.memory_space<hbm>>
            tpu.enqueue_dma source(%dma_start3A_299 : memref<8x64xi32, #tpu.memory_space<hbm>>) target(%dma_start3A_297 : memref<8x64xi32, #tpu.memory_space<vmem>>) target_semaphore(%run_scoped3A_287 : memref<!tpu.dma_semaphore, #tpu.memory_space<semaphore_mem>>)
            %dma_wait3A_300 = arith.constant 0 : i32
            %dma_wait3A_301 = arith.constant 0 : i32
            %dma_wait3A_302 = tpu.memref_slice %arg8[%sub3A_75, %dma_wait3A_300, %dma_wait3A_301] : memref<2x8x64xi32, #tpu.memory_space<vmem>> -> memref<1x8x64xi32, #tpu.memory_space<vmem>>
            %dma_wait3A_303 = tpu.memref_squeeze %dma_wait3A_302 : memref<1x8x64xi32, #tpu.memory_space<vmem>> -> memref<8x64xi32, #tpu.memory_space<vmem>>
            %dma_wait3A_304 = arith.constant 0 : i32
            %dma_wait3A_305 = tpu.memref_slice %arg2[%add3A_286, %dma_wait3A_304] : memref<5120x64xi32, #tpu.memory_space<hbm>> -> memref<8x64xi32, #tpu.memory_space<hbm>>
            %dma_wait3A_306 = arith.constant 0 : i32
            %dma_wait3A_307 = arith.constant 0 : i32
            %dma_wait3A_308 = tpu.memref_slice %arg8[%sub3A_75, %dma_wait3A_306, %dma_wait3A_307] : memref<2x8x64xi32, #tpu.memory_space<vmem>> -> memref<1x8x64xi32, #tpu.memory_space<vmem>>
            %dma_wait3A_309 = tpu.memref_squeeze %dma_wait3A_308 : memref<1x8x64xi32, #tpu.memory_space<vmem>> -> memref<8x64xi32, #tpu.memory_space<vmem>>
            %dma_wait3A_310 = arith.constant 0 : i32
            %dma_wait3A_311 = tpu.memref_slice %arg2[%add3A_286, %dma_wait3A_310] : memref<5120x64xi32, #tpu.memory_space<hbm>> -> memref<8x64xi32, #tpu.memory_space<hbm>>
            tpu.wait_dma2 semaphore(%run_scoped3A_287 : memref<!tpu.dma_semaphore, #tpu.memory_space<semaphore_mem>>) src(%dma_wait3A_311 : memref<8x64xi32, #tpu.memory_space<hbm>>) dst(%dma_wait3A_309 : memref<8x64xi32, #tpu.memory_space<vmem>>)
            tpu.yield
          }) : () -> ()
          "tpu.region"() ({
            %run_scoped3A_287 = tpu.sem_alloc : memref<!tpu.dma_semaphore, #tpu.memory_space<semaphore_mem>>
            %dma_start3A_288 = arith.constant 0 : i32
            %dma_start3A_289 = arith.constant 0 : i32
            %dma_start3A_290 = tpu.memref_slice %arg9[%sub3A_75, %dma_start3A_288, %dma_start3A_289] : memref<2x8x64xi32, #tpu.memory_space<vmem>> -> memref<1x8x64xi32, #tpu.memory_space<vmem>>
            %dma_start3A_291 = tpu.memref_squeeze %dma_start3A_290 : memref<1x8x64xi32, #tpu.memory_space<vmem>> -> memref<8x64xi32, #tpu.memory_space<vmem>>
            %dma_start3A_292 = arith.constant 0 : i32
            %dma_start3A_293 = tpu.memref_slice %arg3[%add3A_286, %dma_start3A_292] : memref<5120x64xi32, #tpu.memory_space<hbm>> -> memref<8x64xi32, #tpu.memory_space<hbm>>
            %dma_start3A_294 = arith.constant 0 : i32
            %dma_start3A_295 = arith.constant 0 : i32
            %dma_start3A_296 = tpu.memref_slice %arg9[%sub3A_75, %dma_start3A_294, %dma_start3A_295] : memref<2x8x64xi32, #tpu.memory_space<vmem>> -> memref<1x8x64xi32, #tpu.memory_space<vmem>>
            %dma_start3A_297 = tpu.memref_squeeze %dma_start3A_296 : memref<1x8x64xi32, #tpu.memory_space<vmem>> -> memref<8x64xi32, #tpu.memory_space<vmem>>
            %dma_start3A_298 = arith.constant 0 : i32
            %dma_start3A_299 = tpu.memref_slice %arg3[%add3A_286, %dma_start3A_298] : memref<5120x64xi32, #tpu.memory_space<hbm>> -> memref<8x64xi32, #tpu.memory_space<hbm>>
            tpu.enqueue_dma source(%dma_start3A_299 : memref<8x64xi32, #tpu.memory_space<hbm>>) target(%dma_start3A_297 : memref<8x64xi32, #tpu.memory_space<vmem>>) target_semaphore(%run_scoped3A_287 : memref<!tpu.dma_semaphore, #tpu.memory_space<semaphore_mem>>)
            %dma_wait3A_300 = arith.constant 0 : i32
            %dma_wait3A_301 = arith.constant 0 : i32
            %dma_wait3A_302 = tpu.memref_slice %arg9[%sub3A_75, %dma_wait3A_300, %dma_wait3A_301] : memref<2x8x64xi32, #tpu.memory_space<vmem>> -> memref<1x8x64xi32, #tpu.memory_space<vmem>>
            %dma_wait3A_303 = tpu.memref_squeeze %dma_wait3A_302 : memref<1x8x64xi32, #tpu.memory_space<vmem>> -> memref<8x64xi32, #tpu.memory_space<vmem>>
            %dma_wait3A_304 = arith.constant 0 : i32
            %dma_wait3A_305 = tpu.memref_slice %arg3[%add3A_286, %dma_wait3A_304] : memref<5120x64xi32, #tpu.memory_space<hbm>> -> memref<8x64xi32, #tpu.memory_space<hbm>>
            %dma_wait3A_306 = arith.constant 0 : i32
            %dma_wait3A_307 = arith.constant 0 : i32
            %dma_wait3A_308 = tpu.memref_slice %arg9[%sub3A_75, %dma_wait3A_306, %dma_wait3A_307] : memref<2x8x64xi32, #tpu.memory_space<vmem>> -> memref<1x8x64xi32, #tpu.memory_space<vmem>>
            %dma_wait3A_309 = tpu.memref_squeeze %dma_wait3A_308 : memref<1x8x64xi32, #tpu.memory_space<vmem>> -> memref<8x64xi32, #tpu.memory_space<vmem>>
            %dma_wait3A_310 = arith.constant 0 : i32
            %dma_wait3A_311 = tpu.memref_slice %arg3[%add3A_286, %dma_wait3A_310] : memref<5120x64xi32, #tpu.memory_space<hbm>> -> memref<8x64xi32, #tpu.memory_space<hbm>>
            tpu.wait_dma2 semaphore(%run_scoped3A_287 : memref<!tpu.dma_semaphore, #tpu.memory_space<semaphore_mem>>) src(%dma_wait3A_311 : memref<8x64xi32, #tpu.memory_space<hbm>>) dst(%dma_wait3A_309 : memref<8x64xi32, #tpu.memory_space<vmem>>)
            tpu.yield
          }) : () -> ()
        } else {
        }
        %dma_wait3A = arith.constant 0 : i32
        %dma_wait3A_81 = arith.constant 0 : i32
        %dma_wait3A_82 = arith.constant 0 : i32
        %dma_wait3A_83 = arith.constant 0 : i32
        %dma_wait3A_84 = arith.constant 0 : i32
        %dma_wait3A_85 = tpu.memref_slice %arg10[%dma_wait3A_82, %dma_wait3A_83, %dma_wait3A_84] : memref<4x64x128xf32, #tpu.memory_space<vmem>> -> memref<1x64x128xf32, #tpu.memory_space<vmem>>
        %dma_wait3A_86 = tpu.memref_squeeze %dma_wait3A_85 : memref<1x64x128xf32, #tpu.memory_space<vmem>> -> memref<64x128xf32, #tpu.memory_space<vmem>>
        %dma_wait3A_87 = arith.constant 0 : i32
        %dma_wait3A_88 = tpu.memref_slice %arg8[%dma_wait3A, %dma_wait3A_81, %dma_wait3A_87] : memref<2x8x64xi32, #tpu.memory_space<vmem>> -> memref<1x1x64xi32, #tpu.memory_space<vmem>>
        %dma_wait3A_89 = tpu.memref_squeeze %dma_wait3A_88 : memref<1x1x64xi32, #tpu.memory_space<vmem>> -> memref<64xi32, #tpu.memory_space<vmem>>
        %dma_wait3A_90 = arith.constant 0 : i32
        %dma_wait3A_91 = arith.constant 0 : i32
        %dma_wait3A_92 = tpu.memref_slice %arg4[%dma_wait3A_90, %dma_wait3A_91] : memref<10240x128xf32, #tpu.memory_space<hbm>> -> memref<10240x128xf32, #tpu.memory_space<hbm>>
        tpu.wait_indirect_dma semaphore(%arg13 : memref<!tpu.dma_semaphore, #tpu.memory_space<semaphore_mem>>) src(%dma_wait3A_92 : memref<10240x128xf32, #tpu.memory_space<hbm>>) dst(%dma_wait3A_86 : memref<64x128xf32, #tpu.memory_space<vmem>>)
        %dma_start3A_93 = arith.constant 3 : i32
        %dma_start3A_94 = arith.constant 3 : i32
        %dma_start3A_95 = arith.constant 0 : i32
        %dma_start3A_96 = arith.constant 0 : i32
        %dma_start3A_97 = tpu.memref_slice %arg10[%dma_start3A_94, %dma_start3A_95, %dma_start3A_96] : memref<4x64x128xf32, #tpu.memory_space<vmem>> -> memref<1x64x128xf32, #tpu.memory_space<vmem>>
        %dma_start3A_98 = tpu.memref_squeeze %dma_start3A_97 : memref<1x64x128xf32, #tpu.memory_space<vmem>> -> memref<64x128xf32, #tpu.memory_space<vmem>>
        %dma_start3A_99 = arith.constant 0 : i32
        %dma_start3A_100 = tpu.memref_slice %arg8[%rem3A_74, %dma_start3A_93, %dma_start3A_99] : memref<2x8x64xi32, #tpu.memory_space<vmem>> -> memref<1x1x64xi32, #tpu.memory_space<vmem>>
        %dma_start3A_101 = tpu.memref_squeeze %dma_start3A_100 : memref<1x1x64xi32, #tpu.memory_space<vmem>> -> memref<64xi32, #tpu.memory_space<vmem>>
        %dma_start3A_102 = arith.constant 0 : i32
        %dma_start3A_103 = arith.constant 0 : i32
        %dma_start3A_104 = tpu.memref_slice %arg4[%dma_start3A_102, %dma_start3A_103] : memref<10240x128xf32, #tpu.memory_space<hbm>> -> memref<10240x128xf32, #tpu.memory_space<hbm>>
        tpu.enqueue_indirect_dma source(%dma_start3A_104 : memref<10240x128xf32, #tpu.memory_space<hbm>>) target(%dma_start3A_98 : memref<64x128xf32, #tpu.memory_space<vmem>>) offsets(%dma_start3A_101 : memref<64xi32, #tpu.memory_space<vmem>>) semaphore(%arg16 : memref<!tpu.dma_semaphore, #tpu.memory_space<semaphore_mem>>)
        %run_scoped3A_105 = arith.constant 0 : i32
        %run_scoped3A_106 = arith.constant 0 : i32
        "tpu.region"() ({
          %run_scoped3A_282 = tpu.sem_alloc : memref<!tpu.dma_semaphore, #tpu.memory_space<semaphore_mem>>
          %dma_start3A_283 = arith.constant 0 : i32
          %dma_start3A_284 = arith.constant 0 : i32
          %dma_start3A_285 = tpu.memref_slice %arg10[%run_scoped3A_105, %dma_start3A_283, %dma_start3A_284] : memref<4x64x128xf32, #tpu.memory_space<vmem>> -> memref<1x64x128xf32, #tpu.memory_space<vmem>>
          %dma_start3A_286 = tpu.memref_squeeze %dma_start3A_285 : memref<1x64x128xf32, #tpu.memory_space<vmem>> -> memref<64x128xf32, #tpu.memory_space<vmem>>
          %dma_start3A_287 = arith.constant 0 : i32
          %dma_start3A_288 = tpu.memref_slice %arg9[%rem3A_74, %run_scoped3A_106, %dma_start3A_287] : memref<2x8x64xi32, #tpu.memory_space<vmem>> -> memref<1x1x64xi32, #tpu.memory_space<vmem>>
          %dma_start3A_289 = tpu.memref_squeeze %dma_start3A_288 : memref<1x1x64xi32, #tpu.memory_space<vmem>> -> memref<64xi32, #tpu.memory_space<vmem>>
          %dma_start3A_290 = arith.constant 0 : i32
          %dma_start3A_291 = arith.constant 0 : i32
          %dma_start3A_292 = tpu.memref_slice %arg12[%dma_start3A_290, %dma_start3A_291] : memref<10240x128xf32, #tpu.memory_space<vmem_shared>> -> memref<10240x128xf32, #tpu.memory_space<vmem_shared>>
          tpu.enqueue_indirect_dma source(%dma_start3A_286 : memref<64x128xf32, #tpu.memory_space<vmem>>) target(%dma_start3A_292 : memref<10240x128xf32, #tpu.memory_space<vmem_shared>>) offsets(%dma_start3A_289 : memref<64xi32, #tpu.memory_space<vmem>>) semaphore(%run_scoped3A_282 : memref<!tpu.dma_semaphore, #tpu.memory_space<semaphore_mem>>) {add = true}
          %dma_wait3A_293 = arith.constant 0 : i32
          %dma_wait3A_294 = arith.constant 0 : i32
          %dma_wait3A_295 = tpu.memref_slice %arg10[%run_scoped3A_105, %dma_wait3A_293, %dma_wait3A_294] : memref<4x64x128xf32, #tpu.memory_space<vmem>> -> memref<1x64x128xf32, #tpu.memory_space<vmem>>
          %dma_wait3A_296 = tpu.memref_squeeze %dma_wait3A_295 : memref<1x64x128xf32, #tpu.memory_space<vmem>> -> memref<64x128xf32, #tpu.memory_space<vmem>>
          %dma_wait3A_297 = arith.constant 0 : i32
          %dma_wait3A_298 = tpu.memref_slice %arg9[%rem3A_74, %run_scoped3A_106, %dma_wait3A_297] : memref<2x8x64xi32, #tpu.memory_space<vmem>> -> memref<1x1x64xi32, #tpu.memory_space<vmem>>
          %dma_wait3A_299 = tpu.memref_squeeze %dma_wait3A_298 : memref<1x1x64xi32, #tpu.memory_space<vmem>> -> memref<64xi32, #tpu.memory_space<vmem>>
          %dma_wait3A_300 = arith.constant 0 : i32
          %dma_wait3A_301 = arith.constant 0 : i32
          %dma_wait3A_302 = tpu.memref_slice %arg12[%dma_wait3A_300, %dma_wait3A_301] : memref<10240x128xf32, #tpu.memory_space<vmem_shared>> -> memref<10240x128xf32, #tpu.memory_space<vmem_shared>>
          tpu.wait_indirect_dma semaphore(%run_scoped3A_282 : memref<!tpu.dma_semaphore, #tpu.memory_space<semaphore_mem>>) src(%dma_wait3A_296 : memref<64x128xf32, #tpu.memory_space<vmem>>) dst(%dma_wait3A_302 : memref<10240x128xf32, #tpu.memory_space<vmem_shared>>)
          tpu.yield
        }) : () -> ()
        %dma_wait3A_107 = arith.constant 0 : i32
        %dma_wait3A_108 = arith.constant 0 : i32
        %dma_wait3A_109 = arith.constant 1 : i32
        %dma_wait3A_110 = arith.constant 0 : i32
        %dma_wait3A_111 = arith.constant 0 : i32
        %dma_wait3A_112 = tpu.memref_slice %arg10[%dma_wait3A_109, %dma_wait3A_110, %dma_wait3A_111] : memref<4x64x128xf32, #tpu.memory_space<vmem>> -> memref<1x64x128xf32, #tpu.memory_space<vmem>>
        %dma_wait3A_113 = tpu.memref_squeeze %dma_wait3A_112 : memref<1x64x128xf32, #tpu.memory_space<vmem>> -> memref<64x128xf32, #tpu.memory_space<vmem>>
        %dma_wait3A_114 = arith.constant 0 : i32
        %dma_wait3A_115 = tpu.memref_slice %arg8[%dma_wait3A_107, %dma_wait3A_108, %dma_wait3A_114] : memref<2x8x64xi32, #tpu.memory_space<vmem>> -> memref<1x1x64xi32, #tpu.memory_space<vmem>>
        %dma_wait3A_116 = tpu.memref_squeeze %dma_wait3A_115 : memref<1x1x64xi32, #tpu.memory_space<vmem>> -> memref<64xi32, #tpu.memory_space<vmem>>
        %dma_wait3A_117 = arith.constant 0 : i32
        %dma_wait3A_118 = arith.constant 0 : i32
        %dma_wait3A_119 = tpu.memref_slice %arg4[%dma_wait3A_117, %dma_wait3A_118] : memref<10240x128xf32, #tpu.memory_space<hbm>> -> memref<10240x128xf32, #tpu.memory_space<hbm>>
        tpu.wait_indirect_dma semaphore(%arg14 : memref<!tpu.dma_semaphore, #tpu.memory_space<semaphore_mem>>) src(%dma_wait3A_119 : memref<10240x128xf32, #tpu.memory_space<hbm>>) dst(%dma_wait3A_113 : memref<64x128xf32, #tpu.memory_space<vmem>>)
        %dma_start3A_120 = arith.constant 4 : i32
        %dma_start3A_121 = arith.constant 0 : i32
        %dma_start3A_122 = arith.constant 0 : i32
        %dma_start3A_123 = arith.constant 0 : i32
        %dma_start3A_124 = tpu.memref_slice %arg10[%dma_start3A_121, %dma_start3A_122, %dma_start3A_123] : memref<4x64x128xf32, #tpu.memory_space<vmem>> -> memref<1x64x128xf32, #tpu.memory_space<vmem>>
        %dma_start3A_125 = tpu.memref_squeeze %dma_start3A_124 : memref<1x64x128xf32, #tpu.memory_space<vmem>> -> memref<64x128xf32, #tpu.memory_space<vmem>>
        %dma_start3A_126 = arith.constant 0 : i32
        %dma_start3A_127 = tpu.memref_slice %arg8[%rem3A_74, %dma_start3A_120, %dma_start3A_126] : memref<2x8x64xi32, #tpu.memory_space<vmem>> -> memref<1x1x64xi32, #tpu.memory_space<vmem>>
        %dma_start3A_128 = tpu.memref_squeeze %dma_start3A_127 : memref<1x1x64xi32, #tpu.memory_space<vmem>> -> memref<64xi32, #tpu.memory_space<vmem>>
        %dma_start3A_129 = arith.constant 0 : i32
        %dma_start3A_130 = arith.constant 0 : i32
        %dma_start3A_131 = tpu.memref_slice %arg4[%dma_start3A_129, %dma_start3A_130] : memref<10240x128xf32, #tpu.memory_space<hbm>> -> memref<10240x128xf32, #tpu.memory_space<hbm>>
        tpu.enqueue_indirect_dma source(%dma_start3A_131 : memref<10240x128xf32, #tpu.memory_space<hbm>>) target(%dma_start3A_125 : memref<64x128xf32, #tpu.memory_space<vmem>>) offsets(%dma_start3A_128 : memref<64xi32, #tpu.memory_space<vmem>>) semaphore(%arg13 : memref<!tpu.dma_semaphore, #tpu.memory_space<semaphore_mem>>)
        %run_scoped3A_132 = arith.constant 1 : i32
        %run_scoped3A_133 = arith.constant 1 : i32
        "tpu.region"() ({
          %run_scoped3A_282 = tpu.sem_alloc : memref<!tpu.dma_semaphore, #tpu.memory_space<semaphore_mem>>
          %dma_start3A_283 = arith.constant 0 : i32
          %dma_start3A_284 = arith.constant 0 : i32
          %dma_start3A_285 = tpu.memref_slice %arg10[%run_scoped3A_132, %dma_start3A_283, %dma_start3A_284] : memref<4x64x128xf32, #tpu.memory_space<vmem>> -> memref<1x64x128xf32, #tpu.memory_space<vmem>>
          %dma_start3A_286 = tpu.memref_squeeze %dma_start3A_285 : memref<1x64x128xf32, #tpu.memory_space<vmem>> -> memref<64x128xf32, #tpu.memory_space<vmem>>
          %dma_start3A_287 = arith.constant 0 : i32
          %dma_start3A_288 = tpu.memref_slice %arg9[%rem3A_74, %run_scoped3A_133, %dma_start3A_287] : memref<2x8x64xi32, #tpu.memory_space<vmem>> -> memref<1x1x64xi32, #tpu.memory_space<vmem>>
          %dma_start3A_289 = tpu.memref_squeeze %dma_start3A_288 : memref<1x1x64xi32, #tpu.memory_space<vmem>> -> memref<64xi32, #tpu.memory_space<vmem>>
          %dma_start3A_290 = arith.constant 0 : i32
          %dma_start3A_291 = arith.constant 0 : i32
          %dma_start3A_292 = tpu.memref_slice %arg12[%dma_start3A_290, %dma_start3A_291] : memref<10240x128xf32, #tpu.memory_space<vmem_shared>> -> memref<10240x128xf32, #tpu.memory_space<vmem_shared>>
          tpu.enqueue_indirect_dma source(%dma_start3A_286 : memref<64x128xf32, #tpu.memory_space<vmem>>) target(%dma_start3A_292 : memref<10240x128xf32, #tpu.memory_space<vmem_shared>>) offsets(%dma_start3A_289 : memref<64xi32, #tpu.memory_space<vmem>>) semaphore(%run_scoped3A_282 : memref<!tpu.dma_semaphore, #tpu.memory_space<semaphore_mem>>) {add = true}
          %dma_wait3A_293 = arith.constant 0 : i32
          %dma_wait3A_294 = arith.constant 0 : i32
          %dma_wait3A_295 = tpu.memref_slice %arg10[%run_scoped3A_132, %dma_wait3A_293, %dma_wait3A_294] : memref<4x64x128xf32, #tpu.memory_space<vmem>> -> memref<1x64x128xf32, #tpu.memory_space<vmem>>
          %dma_wait3A_296 = tpu.memref_squeeze %dma_wait3A_295 : memref<1x64x128xf32, #tpu.memory_space<vmem>> -> memref<64x128xf32, #tpu.memory_space<vmem>>
          %dma_wait3A_297 = arith.constant 0 : i32
          %dma_wait3A_298 = tpu.memref_slice %arg9[%rem3A_74, %run_scoped3A_133, %dma_wait3A_297] : memref<2x8x64xi32, #tpu.memory_space<vmem>> -> memref<1x1x64xi32, #tpu.memory_space<vmem>>
          %dma_wait3A_299 = tpu.memref_squeeze %dma_wait3A_298 : memref<1x1x64xi32, #tpu.memory_space<vmem>> -> memref<64xi32, #tpu.memory_space<vmem>>
          %dma_wait3A_300 = arith.constant 0 : i32
          %dma_wait3A_301 = arith.constant 0 : i32
          %dma_wait3A_302 = tpu.memref_slice %arg12[%dma_wait3A_300, %dma_wait3A_301] : memref<10240x128xf32, #tpu.memory_space<vmem_shared>> -> memref<10240x128xf32, #tpu.memory_space<vmem_shared>>
          tpu.wait_indirect_dma semaphore(%run_scoped3A_282 : memref<!tpu.dma_semaphore, #tpu.memory_space<semaphore_mem>>) src(%dma_wait3A_296 : memref<64x128xf32, #tpu.memory_space<vmem>>) dst(%dma_wait3A_302 : memref<10240x128xf32, #tpu.memory_space<vmem_shared>>)
          tpu.yield
        }) : () -> ()
        %dma_wait3A_134 = arith.constant 0 : i32
        %dma_wait3A_135 = arith.constant 0 : i32
        %dma_wait3A_136 = arith.constant 2 : i32
        %dma_wait3A_137 = arith.constant 0 : i32
        %dma_wait3A_138 = arith.constant 0 : i32
        %dma_wait3A_139 = tpu.memref_slice %arg10[%dma_wait3A_136, %dma_wait3A_137, %dma_wait3A_138] : memref<4x64x128xf32, #tpu.memory_space<vmem>> -> memref<1x64x128xf32, #tpu.memory_space<vmem>>
        %dma_wait3A_140 = tpu.memref_squeeze %dma_wait3A_139 : memref<1x64x128xf32, #tpu.memory_space<vmem>> -> memref<64x128xf32, #tpu.memory_space<vmem>>
        %dma_wait3A_141 = arith.constant 0 : i32
        %dma_wait3A_142 = tpu.memref_slice %arg8[%dma_wait3A_134, %dma_wait3A_135, %dma_wait3A_141] : memref<2x8x64xi32, #tpu.memory_space<vmem>> -> memref<1x1x64xi32, #tpu.memory_space<vmem>>
        %dma_wait3A_143 = tpu.memref_squeeze %dma_wait3A_142 : memref<1x1x64xi32, #tpu.memory_space<vmem>> -> memref<64xi32, #tpu.memory_space<vmem>>
        %dma_wait3A_144 = arith.constant 0 : i32
        %dma_wait3A_145 = arith.constant 0 : i32
        %dma_wait3A_146 = tpu.memref_slice %arg4[%dma_wait3A_144, %dma_wait3A_145] : memref<10240x128xf32, #tpu.memory_space<hbm>> -> memref<10240x128xf32, #tpu.memory_space<hbm>>
        tpu.wait_indirect_dma semaphore(%arg15 : memref<!tpu.dma_semaphore, #tpu.memory_space<semaphore_mem>>) src(%dma_wait3A_146 : memref<10240x128xf32, #tpu.memory_space<hbm>>) dst(%dma_wait3A_140 : memref<64x128xf32, #tpu.memory_space<vmem>>)
        %dma_start3A_147 = arith.constant 5 : i32
        %dma_start3A_148 = arith.constant 1 : i32
        %dma_start3A_149 = arith.constant 0 : i32
        %dma_start3A_150 = arith.constant 0 : i32
        %dma_start3A_151 = tpu.memref_slice %arg10[%dma_start3A_148, %dma_start3A_149, %dma_start3A_150] : memref<4x64x128xf32, #tpu.memory_space<vmem>> -> memref<1x64x128xf32, #tpu.memory_space<vmem>>
        %dma_start3A_152 = tpu.memref_squeeze %dma_start3A_151 : memref<1x64x128xf32, #tpu.memory_space<vmem>> -> memref<64x128xf32, #tpu.memory_space<vmem>>
        %dma_start3A_153 = arith.constant 0 : i32
        %dma_start3A_154 = tpu.memref_slice %arg8[%rem3A_74, %dma_start3A_147, %dma_start3A_153] : memref<2x8x64xi32, #tpu.memory_space<vmem>> -> memref<1x1x64xi32, #tpu.memory_space<vmem>>
        %dma_start3A_155 = tpu.memref_squeeze %dma_start3A_154 : memref<1x1x64xi32, #tpu.memory_space<vmem>> -> memref<64xi32, #tpu.memory_space<vmem>>
        %dma_start3A_156 = arith.constant 0 : i32
        %dma_start3A_157 = arith.constant 0 : i32
        %dma_start3A_158 = tpu.memref_slice %arg4[%dma_start3A_156, %dma_start3A_157] : memref<10240x128xf32, #tpu.memory_space<hbm>> -> memref<10240x128xf32, #tpu.memory_space<hbm>>
        tpu.enqueue_indirect_dma source(%dma_start3A_158 : memref<10240x128xf32, #tpu.memory_space<hbm>>) target(%dma_start3A_152 : memref<64x128xf32, #tpu.memory_space<vmem>>) offsets(%dma_start3A_155 : memref<64xi32, #tpu.memory_space<vmem>>) semaphore(%arg14 : memref<!tpu.dma_semaphore, #tpu.memory_space<semaphore_mem>>)
        %run_scoped3A_159 = arith.constant 2 : i32
        %run_scoped3A_160 = arith.constant 2 : i32
        "tpu.region"() ({
          %run_scoped3A_282 = tpu.sem_alloc : memref<!tpu.dma_semaphore, #tpu.memory_space<semaphore_mem>>
          %dma_start3A_283 = arith.constant 0 : i32
          %dma_start3A_284 = arith.constant 0 : i32
          %dma_start3A_285 = tpu.memref_slice %arg10[%run_scoped3A_159, %dma_start3A_283, %dma_start3A_284] : memref<4x64x128xf32, #tpu.memory_space<vmem>> -> memref<1x64x128xf32, #tpu.memory_space<vmem>>
          %dma_start3A_286 = tpu.memref_squeeze %dma_start3A_285 : memref<1x64x128xf32, #tpu.memory_space<vmem>> -> memref<64x128xf32, #tpu.memory_space<vmem>>
          %dma_start3A_287 = arith.constant 0 : i32
          %dma_start3A_288 = tpu.memref_slice %arg9[%rem3A_74, %run_scoped3A_160, %dma_start3A_287] : memref<2x8x64xi32, #tpu.memory_space<vmem>> -> memref<1x1x64xi32, #tpu.memory_space<vmem>>
          %dma_start3A_289 = tpu.memref_squeeze %dma_start3A_288 : memref<1x1x64xi32, #tpu.memory_space<vmem>> -> memref<64xi32, #tpu.memory_space<vmem>>
          %dma_start3A_290 = arith.constant 0 : i32
          %dma_start3A_291 = arith.constant 0 : i32
          %dma_start3A_292 = tpu.memref_slice %arg12[%dma_start3A_290, %dma_start3A_291] : memref<10240x128xf32, #tpu.memory_space<vmem_shared>> -> memref<10240x128xf32, #tpu.memory_space<vmem_shared>>
          tpu.enqueue_indirect_dma source(%dma_start3A_286 : memref<64x128xf32, #tpu.memory_space<vmem>>) target(%dma_start3A_292 : memref<10240x128xf32, #tpu.memory_space<vmem_shared>>) offsets(%dma_start3A_289 : memref<64xi32, #tpu.memory_space<vmem>>) semaphore(%run_scoped3A_282 : memref<!tpu.dma_semaphore, #tpu.memory_space<semaphore_mem>>) {add = true}
          %dma_wait3A_293 = arith.constant 0 : i32
          %dma_wait3A_294 = arith.constant 0 : i32
          %dma_wait3A_295 = tpu.memref_slice %arg10[%run_scoped3A_159, %dma_wait3A_293, %dma_wait3A_294] : memref<4x64x128xf32, #tpu.memory_space<vmem>> -> memref<1x64x128xf32, #tpu.memory_space<vmem>>
          %dma_wait3A_296 = tpu.memref_squeeze %dma_wait3A_295 : memref<1x64x128xf32, #tpu.memory_space<vmem>> -> memref<64x128xf32, #tpu.memory_space<vmem>>
          %dma_wait3A_297 = arith.constant 0 : i32
          %dma_wait3A_298 = tpu.memref_slice %arg9[%rem3A_74, %run_scoped3A_160, %dma_wait3A_297] : memref<2x8x64xi32, #tpu.memory_space<vmem>> -> memref<1x1x64xi32, #tpu.memory_space<vmem>>
          %dma_wait3A_299 = tpu.memref_squeeze %dma_wait3A_298 : memref<1x1x64xi32, #tpu.memory_space<vmem>> -> memref<64xi32, #tpu.memory_space<vmem>>
          %dma_wait3A_300 = arith.constant 0 : i32
          %dma_wait3A_301 = arith.constant 0 : i32
          %dma_wait3A_302 = tpu.memref_slice %arg12[%dma_wait3A_300, %dma_wait3A_301] : memref<10240x128xf32, #tpu.memory_space<vmem_shared>> -> memref<10240x128xf32, #tpu.memory_space<vmem_shared>>
          tpu.wait_indirect_dma semaphore(%run_scoped3A_282 : memref<!tpu.dma_semaphore, #tpu.memory_space<semaphore_mem>>) src(%dma_wait3A_296 : memref<64x128xf32, #tpu.memory_space<vmem>>) dst(%dma_wait3A_302 : memref<10240x128xf32, #tpu.memory_space<vmem_shared>>)
          tpu.yield
        }) : () -> ()
        %dma_wait3A_161 = arith.constant 0 : i32
        %dma_wait3A_162 = arith.constant 0 : i32
        %dma_wait3A_163 = arith.constant 3 : i32
        %dma_wait3A_164 = arith.constant 0 : i32
        %dma_wait3A_165 = arith.constant 0 : i32
        %dma_wait3A_166 = tpu.memref_slice %arg10[%dma_wait3A_163, %dma_wait3A_164, %dma_wait3A_165] : memref<4x64x128xf32, #tpu.memory_space<vmem>> -> memref<1x64x128xf32, #tpu.memory_space<vmem>>
        %dma_wait3A_167 = tpu.memref_squeeze %dma_wait3A_166 : memref<1x64x128xf32, #tpu.memory_space<vmem>> -> memref<64x128xf32, #tpu.memory_space<vmem>>
        %dma_wait3A_168 = arith.constant 0 : i32
        %dma_wait3A_169 = tpu.memref_slice %arg8[%dma_wait3A_161, %dma_wait3A_162, %dma_wait3A_168] : memref<2x8x64xi32, #tpu.memory_space<vmem>> -> memref<1x1x64xi32, #tpu.memory_space<vmem>>
        %dma_wait3A_170 = tpu.memref_squeeze %dma_wait3A_169 : memref<1x1x64xi32, #tpu.memory_space<vmem>> -> memref<64xi32, #tpu.memory_space<vmem>>
        %dma_wait3A_171 = arith.constant 0 : i32
        %dma_wait3A_172 = arith.constant 0 : i32
        %dma_wait3A_173 = tpu.memref_slice %arg4[%dma_wait3A_171, %dma_wait3A_172] : memref<10240x128xf32, #tpu.memory_space<hbm>> -> memref<10240x128xf32, #tpu.memory_space<hbm>>
        tpu.wait_indirect_dma semaphore(%arg16 : memref<!tpu.dma_semaphore, #tpu.memory_space<semaphore_mem>>) src(%dma_wait3A_173 : memref<10240x128xf32, #tpu.memory_space<hbm>>) dst(%dma_wait3A_167 : memref<64x128xf32, #tpu.memory_space<vmem>>)
        %dma_start3A_174 = arith.constant 6 : i32
        %dma_start3A_175 = arith.constant 2 : i32
        %dma_start3A_176 = arith.constant 0 : i32
        %dma_start3A_177 = arith.constant 0 : i32
        %dma_start3A_178 = tpu.memref_slice %arg10[%dma_start3A_175, %dma_start3A_176, %dma_start3A_177] : memref<4x64x128xf32, #tpu.memory_space<vmem>> -> memref<1x64x128xf32, #tpu.memory_space<vmem>>
        %dma_start3A_179 = tpu.memref_squeeze %dma_start3A_178 : memref<1x64x128xf32, #tpu.memory_space<vmem>> -> memref<64x128xf32, #tpu.memory_space<vmem>>
        %dma_start3A_180 = arith.constant 0 : i32
        %dma_start3A_181 = tpu.memref_slice %arg8[%rem3A_74, %dma_start3A_174, %dma_start3A_180] : memref<2x8x64xi32, #tpu.memory_space<vmem>> -> memref<1x1x64xi32, #tpu.memory_space<vmem>>
        %dma_start3A_182 = tpu.memref_squeeze %dma_start3A_181 : memref<1x1x64xi32, #tpu.memory_space<vmem>> -> memref<64xi32, #tpu.memory_space<vmem>>
        %dma_start3A_183 = arith.constant 0 : i32
        %dma_start3A_184 = arith.constant 0 : i32
        %dma_start3A_185 = tpu.memref_slice %arg4[%dma_start3A_183, %dma_start3A_184] : memref<10240x128xf32, #tpu.memory_space<hbm>> -> memref<10240x128xf32, #tpu.memory_space<hbm>>
        tpu.enqueue_indirect_dma source(%dma_start3A_185 : memref<10240x128xf32, #tpu.memory_space<hbm>>) target(%dma_start3A_179 : memref<64x128xf32, #tpu.memory_space<vmem>>) offsets(%dma_start3A_182 : memref<64xi32, #tpu.memory_space<vmem>>) semaphore(%arg15 : memref<!tpu.dma_semaphore, #tpu.memory_space<semaphore_mem>>)
        %run_scoped3A_186 = arith.constant 3 : i32
        %run_scoped3A_187 = arith.constant 3 : i32
        "tpu.region"() ({
          %run_scoped3A_282 = tpu.sem_alloc : memref<!tpu.dma_semaphore, #tpu.memory_space<semaphore_mem>>
          %dma_start3A_283 = arith.constant 0 : i32
          %dma_start3A_284 = arith.constant 0 : i32
          %dma_start3A_285 = tpu.memref_slice %arg10[%run_scoped3A_186, %dma_start3A_283, %dma_start3A_284] : memref<4x64x128xf32, #tpu.memory_space<vmem>> -> memref<1x64x128xf32, #tpu.memory_space<vmem>>
          %dma_start3A_286 = tpu.memref_squeeze %dma_start3A_285 : memref<1x64x128xf32, #tpu.memory_space<vmem>> -> memref<64x128xf32, #tpu.memory_space<vmem>>
          %dma_start3A_287 = arith.constant 0 : i32
          %dma_start3A_288 = tpu.memref_slice %arg9[%rem3A_74, %run_scoped3A_187, %dma_start3A_287] : memref<2x8x64xi32, #tpu.memory_space<vmem>> -> memref<1x1x64xi32, #tpu.memory_space<vmem>>
          %dma_start3A_289 = tpu.memref_squeeze %dma_start3A_288 : memref<1x1x64xi32, #tpu.memory_space<vmem>> -> memref<64xi32, #tpu.memory_space<vmem>>
          %dma_start3A_290 = arith.constant 0 : i32
          %dma_start3A_291 = arith.constant 0 : i32
          %dma_start3A_292 = tpu.memref_slice %arg12[%dma_start3A_290, %dma_start3A_291] : memref<10240x128xf32, #tpu.memory_space<vmem_shared>> -> memref<10240x128xf32, #tpu.memory_space<vmem_shared>>
          tpu.enqueue_indirect_dma source(%dma_start3A_286 : memref<64x128xf32, #tpu.memory_space<vmem>>) target(%dma_start3A_292 : memref<10240x128xf32, #tpu.memory_space<vmem_shared>>) offsets(%dma_start3A_289 : memref<64xi32, #tpu.memory_space<vmem>>) semaphore(%run_scoped3A_282 : memref<!tpu.dma_semaphore, #tpu.memory_space<semaphore_mem>>) {add = true}
          %dma_wait3A_293 = arith.constant 0 : i32
          %dma_wait3A_294 = arith.constant 0 : i32
          %dma_wait3A_295 = tpu.memref_slice %arg10[%run_scoped3A_186, %dma_wait3A_293, %dma_wait3A_294] : memref<4x64x128xf32, #tpu.memory_space<vmem>> -> memref<1x64x128xf32, #tpu.memory_space<vmem>>
          %dma_wait3A_296 = tpu.memref_squeeze %dma_wait3A_295 : memref<1x64x128xf32, #tpu.memory_space<vmem>> -> memref<64x128xf32, #tpu.memory_space<vmem>>
          %dma_wait3A_297 = arith.constant 0 : i32
          %dma_wait3A_298 = tpu.memref_slice %arg9[%rem3A_74, %run_scoped3A_187, %dma_wait3A_297] : memref<2x8x64xi32, #tpu.memory_space<vmem>> -> memref<1x1x64xi32, #tpu.memory_space<vmem>>
          %dma_wait3A_299 = tpu.memref_squeeze %dma_wait3A_298 : memref<1x1x64xi32, #tpu.memory_space<vmem>> -> memref<64xi32, #tpu.memory_space<vmem>>
          %dma_wait3A_300 = arith.constant 0 : i32
          %dma_wait3A_301 = arith.constant 0 : i32
          %dma_wait3A_302 = tpu.memref_slice %arg12[%dma_wait3A_300, %dma_wait3A_301] : memref<10240x128xf32, #tpu.memory_space<vmem_shared>> -> memref<10240x128xf32, #tpu.memory_space<vmem_shared>>
          tpu.wait_indirect_dma semaphore(%run_scoped3A_282 : memref<!tpu.dma_semaphore, #tpu.memory_space<semaphore_mem>>) src(%dma_wait3A_296 : memref<64x128xf32, #tpu.memory_space<vmem>>) dst(%dma_wait3A_302 : memref<10240x128xf32, #tpu.memory_space<vmem_shared>>)
          tpu.yield
        }) : () -> ()
        %dma_wait3A_188 = arith.constant 0 : i32
        %dma_wait3A_189 = arith.constant 0 : i32
        %dma_wait3A_190 = arith.constant 0 : i32
        %dma_wait3A_191 = arith.constant 0 : i32
        %dma_wait3A_192 = arith.constant 0 : i32
        %dma_wait3A_193 = tpu.memref_slice %arg10[%dma_wait3A_190, %dma_wait3A_191, %dma_wait3A_192] : memref<4x64x128xf32, #tpu.memory_space<vmem>> -> memref<1x64x128xf32, #tpu.memory_space<vmem>>
        %dma_wait3A_194 = tpu.memref_squeeze %dma_wait3A_193 : memref<1x64x128xf32, #tpu.memory_space<vmem>> -> memref<64x128xf32, #tpu.memory_space<vmem>>
        %dma_wait3A_195 = arith.constant 0 : i32
        %dma_wait3A_196 = tpu.memref_slice %arg8[%dma_wait3A_188, %dma_wait3A_189, %dma_wait3A_195] : memref<2x8x64xi32, #tpu.memory_space<vmem>> -> memref<1x1x64xi32, #tpu.memory_space<vmem>>
        %dma_wait3A_197 = tpu.memref_squeeze %dma_wait3A_196 : memref<1x1x64xi32, #tpu.memory_space<vmem>> -> memref<64xi32, #tpu.memory_space<vmem>>
        %dma_wait3A_198 = arith.constant 0 : i32
        %dma_wait3A_199 = arith.constant 0 : i32
        %dma_wait3A_200 = tpu.memref_slice %arg4[%dma_wait3A_198, %dma_wait3A_199] : memref<10240x128xf32, #tpu.memory_space<hbm>> -> memref<10240x128xf32, #tpu.memory_space<hbm>>
        tpu.wait_indirect_dma semaphore(%arg13 : memref<!tpu.dma_semaphore, #tpu.memory_space<semaphore_mem>>) src(%dma_wait3A_200 : memref<10240x128xf32, #tpu.memory_space<hbm>>) dst(%dma_wait3A_194 : memref<64x128xf32, #tpu.memory_space<vmem>>)
        %dma_start3A_201 = arith.constant 7 : i32
        %dma_start3A_202 = arith.constant 3 : i32
        %dma_start3A_203 = arith.constant 0 : i32
        %dma_start3A_204 = arith.constant 0 : i32
        %dma_start3A_205 = tpu.memref_slice %arg10[%dma_start3A_202, %dma_start3A_203, %dma_start3A_204] : memref<4x64x128xf32, #tpu.memory_space<vmem>> -> memref<1x64x128xf32, #tpu.memory_space<vmem>>
        %dma_start3A_206 = tpu.memref_squeeze %dma_start3A_205 : memref<1x64x128xf32, #tpu.memory_space<vmem>> -> memref<64x128xf32, #tpu.memory_space<vmem>>
        %dma_start3A_207 = arith.constant 0 : i32
        %dma_start3A_208 = tpu.memref_slice %arg8[%rem3A_74, %dma_start3A_201, %dma_start3A_207] : memref<2x8x64xi32, #tpu.memory_space<vmem>> -> memref<1x1x64xi32, #tpu.memory_space<vmem>>
        %dma_start3A_209 = tpu.memref_squeeze %dma_start3A_208 : memref<1x1x64xi32, #tpu.memory_space<vmem>> -> memref<64xi32, #tpu.memory_space<vmem>>
        %dma_start3A_210 = arith.constant 0 : i32
        %dma_start3A_211 = arith.constant 0 : i32
        %dma_start3A_212 = tpu.memref_slice %arg4[%dma_start3A_210, %dma_start3A_211] : memref<10240x128xf32, #tpu.memory_space<hbm>> -> memref<10240x128xf32, #tpu.memory_space<hbm>>
        tpu.enqueue_indirect_dma source(%dma_start3A_212 : memref<10240x128xf32, #tpu.memory_space<hbm>>) target(%dma_start3A_206 : memref<64x128xf32, #tpu.memory_space<vmem>>) offsets(%dma_start3A_209 : memref<64xi32, #tpu.memory_space<vmem>>) semaphore(%arg16 : memref<!tpu.dma_semaphore, #tpu.memory_space<semaphore_mem>>)
        %run_scoped3A_213 = arith.constant 0 : i32
        %run_scoped3A_214 = arith.constant 4 : i32
        "tpu.region"() ({
          %run_scoped3A_282 = tpu.sem_alloc : memref<!tpu.dma_semaphore, #tpu.memory_space<semaphore_mem>>
          %dma_start3A_283 = arith.constant 0 : i32
          %dma_start3A_284 = arith.constant 0 : i32
          %dma_start3A_285 = tpu.memref_slice %arg10[%run_scoped3A_213, %dma_start3A_283, %dma_start3A_284] : memref<4x64x128xf32, #tpu.memory_space<vmem>> -> memref<1x64x128xf32, #tpu.memory_space<vmem>>
          %dma_start3A_286 = tpu.memref_squeeze %dma_start3A_285 : memref<1x64x128xf32, #tpu.memory_space<vmem>> -> memref<64x128xf32, #tpu.memory_space<vmem>>
          %dma_start3A_287 = arith.constant 0 : i32
          %dma_start3A_288 = tpu.memref_slice %arg9[%rem3A_74, %run_scoped3A_214, %dma_start3A_287] : memref<2x8x64xi32, #tpu.memory_space<vmem>> -> memref<1x1x64xi32, #tpu.memory_space<vmem>>
          %dma_start3A_289 = tpu.memref_squeeze %dma_start3A_288 : memref<1x1x64xi32, #tpu.memory_space<vmem>> -> memref<64xi32, #tpu.memory_space<vmem>>
          %dma_start3A_290 = arith.constant 0 : i32
          %dma_start3A_291 = arith.constant 0 : i32
          %dma_start3A_292 = tpu.memref_slice %arg12[%dma_start3A_290, %dma_start3A_291] : memref<10240x128xf32, #tpu.memory_space<vmem_shared>> -> memref<10240x128xf32, #tpu.memory_space<vmem_shared>>
          tpu.enqueue_indirect_dma source(%dma_start3A_286 : memref<64x128xf32, #tpu.memory_space<vmem>>) target(%dma_start3A_292 : memref<10240x128xf32, #tpu.memory_space<vmem_shared>>) offsets(%dma_start3A_289 : memref<64xi32, #tpu.memory_space<vmem>>) semaphore(%run_scoped3A_282 : memref<!tpu.dma_semaphore, #tpu.memory_space<semaphore_mem>>) {add = true}
          %dma_wait3A_293 = arith.constant 0 : i32
          %dma_wait3A_294 = arith.constant 0 : i32
          %dma_wait3A_295 = tpu.memref_slice %arg10[%run_scoped3A_213, %dma_wait3A_293, %dma_wait3A_294] : memref<4x64x128xf32, #tpu.memory_space<vmem>> -> memref<1x64x128xf32, #tpu.memory_space<vmem>>
          %dma_wait3A_296 = tpu.memref_squeeze %dma_wait3A_295 : memref<1x64x128xf32, #tpu.memory_space<vmem>> -> memref<64x128xf32, #tpu.memory_space<vmem>>
          %dma_wait3A_297 = arith.constant 0 : i32
          %dma_wait3A_298 = tpu.memref_slice %arg9[%rem3A_74, %run_scoped3A_214, %dma_wait3A_297] : memref<2x8x64xi32, #tpu.memory_space<vmem>> -> memref<1x1x64xi32, #tpu.memory_space<vmem>>
          %dma_wait3A_299 = tpu.memref_squeeze %dma_wait3A_298 : memref<1x1x64xi32, #tpu.memory_space<vmem>> -> memref<64xi32, #tpu.memory_space<vmem>>
          %dma_wait3A_300 = arith.constant 0 : i32
          %dma_wait3A_301 = arith.constant 0 : i32
          %dma_wait3A_302 = tpu.memref_slice %arg12[%dma_wait3A_300, %dma_wait3A_301] : memref<10240x128xf32, #tpu.memory_space<vmem_shared>> -> memref<10240x128xf32, #tpu.memory_space<vmem_shared>>
          tpu.wait_indirect_dma semaphore(%run_scoped3A_282 : memref<!tpu.dma_semaphore, #tpu.memory_space<semaphore_mem>>) src(%dma_wait3A_296 : memref<64x128xf32, #tpu.memory_space<vmem>>) dst(%dma_wait3A_302 : memref<10240x128xf32, #tpu.memory_space<vmem_shared>>)
          tpu.yield
        }) : () -> ()
        %dma_wait3A_215 = arith.constant 0 : i32
        %dma_wait3A_216 = arith.constant 0 : i32
        %dma_wait3A_217 = arith.constant 1 : i32
        %dma_wait3A_218 = arith.constant 0 : i32
        %dma_wait3A_219 = arith.constant 0 : i32
        %dma_wait3A_220 = tpu.memref_slice %arg10[%dma_wait3A_217, %dma_wait3A_218, %dma_wait3A_219] : memref<4x64x128xf32, #tpu.memory_space<vmem>> -> memref<1x64x128xf32, #tpu.memory_space<vmem>>
        %dma_wait3A_221 = tpu.memref_squeeze %dma_wait3A_220 : memref<1x64x128xf32, #tpu.memory_space<vmem>> -> memref<64x128xf32, #tpu.memory_space<vmem>>
        %dma_wait3A_222 = arith.constant 0 : i32
        %dma_wait3A_223 = tpu.memref_slice %arg8[%dma_wait3A_215, %dma_wait3A_216, %dma_wait3A_222] : memref<2x8x64xi32, #tpu.memory_space<vmem>> -> memref<1x1x64xi32, #tpu.memory_space<vmem>>
        %dma_wait3A_224 = tpu.memref_squeeze %dma_wait3A_223 : memref<1x1x64xi32, #tpu.memory_space<vmem>> -> memref<64xi32, #tpu.memory_space<vmem>>
        %dma_wait3A_225 = arith.constant 0 : i32
        %dma_wait3A_226 = arith.constant 0 : i32
        %dma_wait3A_227 = tpu.memref_slice %arg4[%dma_wait3A_225, %dma_wait3A_226] : memref<10240x128xf32, #tpu.memory_space<hbm>> -> memref<10240x128xf32, #tpu.memory_space<hbm>>
        tpu.wait_indirect_dma semaphore(%arg14 : memref<!tpu.dma_semaphore, #tpu.memory_space<semaphore_mem>>) src(%dma_wait3A_227 : memref<10240x128xf32, #tpu.memory_space<hbm>>) dst(%dma_wait3A_221 : memref<64x128xf32, #tpu.memory_space<vmem>>)
        %add3A_228 = arith.constant 1 : i32
        %add3A_229 = arith.addi %scan3A_72, %add3A_228 : i32
        %lt3A_230 = arith.constant 40 : i32
        %lt3A_231 = arith.cmpi slt, %add3A_229, %lt3A_230 : i32
        %convert_element_type3A_232 = arith.extui %lt3A_231 : i1 to i32
        %cond3A_233 = arith.constant 0 : i32
        %cond3A_234 = arith.cmpi ne, %convert_element_type3A_232, %cond3A_233 : i32
        scf.if %cond3A_234 {
          %dma_start3A_282 = arith.constant 0 : i32
          %dma_start3A_283 = arith.constant 0 : i32
          %dma_start3A_284 = arith.constant 0 : i32
          %dma_start3A_285 = arith.constant 0 : i32
          %dma_start3A_286 = tpu.memref_slice %arg10[%dma_start3A_283, %dma_start3A_284, %dma_start3A_285] : memref<4x64x128xf32, #tpu.memory_space<vmem>> -> memref<1x64x128xf32, #tpu.memory_space<vmem>>
          %dma_start3A_287 = tpu.memref_squeeze %dma_start3A_286 : memref<1x64x128xf32, #tpu.memory_space<vmem>> -> memref<64x128xf32, #tpu.memory_space<vmem>>
          %dma_start3A_288 = arith.constant 0 : i32
          %dma_start3A_289 = tpu.memref_slice %arg8[%sub3A_75, %dma_start3A_282, %dma_start3A_288] : memref<2x8x64xi32, #tpu.memory_space<vmem>> -> memref<1x1x64xi32, #tpu.memory_space<vmem>>
          %dma_start3A_290 = tpu.memref_squeeze %dma_start3A_289 : memref<1x1x64xi32, #tpu.memory_space<vmem>> -> memref<64xi32, #tpu.memory_space<vmem>>
          %dma_start3A_291 = arith.constant 0 : i32
          %dma_start3A_292 = arith.constant 0 : i32
          %dma_start3A_293 = tpu.memref_slice %arg4[%dma_start3A_291, %dma_start3A_292] : memref<10240x128xf32, #tpu.memory_space<hbm>> -> memref<10240x128xf32, #tpu.memory_space<hbm>>
          tpu.enqueue_indirect_dma source(%dma_start3A_293 : memref<10240x128xf32, #tpu.memory_space<hbm>>) target(%dma_start3A_287 : memref<64x128xf32, #tpu.memory_space<vmem>>) offsets(%dma_start3A_290 : memref<64xi32, #tpu.memory_space<vmem>>) semaphore(%arg13 : memref<!tpu.dma_semaphore, #tpu.memory_space<semaphore_mem>>)
        } else {
        }
        %run_scoped3A_235 = arith.constant 1 : i32
        %run_scoped3A_236 = arith.constant 5 : i32
        "tpu.region"() ({
          %run_scoped3A_282 = tpu.sem_alloc : memref<!tpu.dma_semaphore, #tpu.memory_space<semaphore_mem>>
          %dma_start3A_283 = arith.constant 0 : i32
          %dma_start3A_284 = arith.constant 0 : i32
          %dma_start3A_285 = tpu.memref_slice %arg10[%run_scoped3A_235, %dma_start3A_283, %dma_start3A_284] : memref<4x64x128xf32, #tpu.memory_space<vmem>> -> memref<1x64x128xf32, #tpu.memory_space<vmem>>
          %dma_start3A_286 = tpu.memref_squeeze %dma_start3A_285 : memref<1x64x128xf32, #tpu.memory_space<vmem>> -> memref<64x128xf32, #tpu.memory_space<vmem>>
          %dma_start3A_287 = arith.constant 0 : i32
          %dma_start3A_288 = tpu.memref_slice %arg9[%rem3A_74, %run_scoped3A_236, %dma_start3A_287] : memref<2x8x64xi32, #tpu.memory_space<vmem>> -> memref<1x1x64xi32, #tpu.memory_space<vmem>>
          %dma_start3A_289 = tpu.memref_squeeze %dma_start3A_288 : memref<1x1x64xi32, #tpu.memory_space<vmem>> -> memref<64xi32, #tpu.memory_space<vmem>>
          %dma_start3A_290 = arith.constant 0 : i32
          %dma_start3A_291 = arith.constant 0 : i32
          %dma_start3A_292 = tpu.memref_slice %arg12[%dma_start3A_290, %dma_start3A_291] : memref<10240x128xf32, #tpu.memory_space<vmem_shared>> -> memref<10240x128xf32, #tpu.memory_space<vmem_shared>>
          tpu.enqueue_indirect_dma source(%dma_start3A_286 : memref<64x128xf32, #tpu.memory_space<vmem>>) target(%dma_start3A_292 : memref<10240x128xf32, #tpu.memory_space<vmem_shared>>) offsets(%dma_start3A_289 : memref<64xi32, #tpu.memory_space<vmem>>) semaphore(%run_scoped3A_282 : memref<!tpu.dma_semaphore, #tpu.memory_space<semaphore_mem>>) {add = true}
          %dma_wait3A_293 = arith.constant 0 : i32
          %dma_wait3A_294 = arith.constant 0 : i32
          %dma_wait3A_295 = tpu.memref_slice %arg10[%run_scoped3A_235, %dma_wait3A_293, %dma_wait3A_294] : memref<4x64x128xf32, #tpu.memory_space<vmem>> -> memref<1x64x128xf32, #tpu.memory_space<vmem>>
          %dma_wait3A_296 = tpu.memref_squeeze %dma_wait3A_295 : memref<1x64x128xf32, #tpu.memory_space<vmem>> -> memref<64x128xf32, #tpu.memory_space<vmem>>
          %dma_wait3A_297 = arith.constant 0 : i32
          %dma_wait3A_298 = tpu.memref_slice %arg9[%rem3A_74, %run_scoped3A_236, %dma_wait3A_297] : memref<2x8x64xi32, #tpu.memory_space<vmem>> -> memref<1x1x64xi32, #tpu.memory_space<vmem>>
          %dma_wait3A_299 = tpu.memref_squeeze %dma_wait3A_298 : memref<1x1x64xi32, #tpu.memory_space<vmem>> -> memref<64xi32, #tpu.memory_space<vmem>>
          %dma_wait3A_300 = arith.constant 0 : i32
          %dma_wait3A_301 = arith.constant 0 : i32
          %dma_wait3A_302 = tpu.memref_slice %arg12[%dma_wait3A_300, %dma_wait3A_301] : memref<10240x128xf32, #tpu.memory_space<vmem_shared>> -> memref<10240x128xf32, #tpu.memory_space<vmem_shared>>
          tpu.wait_indirect_dma semaphore(%run_scoped3A_282 : memref<!tpu.dma_semaphore, #tpu.memory_space<semaphore_mem>>) src(%dma_wait3A_296 : memref<64x128xf32, #tpu.memory_space<vmem>>) dst(%dma_wait3A_302 : memref<10240x128xf32, #tpu.memory_space<vmem_shared>>)
          tpu.yield
        }) : () -> ()
        %dma_wait3A_237 = arith.constant 0 : i32
        %dma_wait3A_238 = arith.constant 0 : i32
        %dma_wait3A_239 = arith.constant 2 : i32
        %dma_wait3A_240 = arith.constant 0 : i32
        %dma_wait3A_241 = arith.constant 0 : i32
        %dma_wait3A_242 = tpu.memref_slice %arg10[%dma_wait3A_239, %dma_wait3A_240, %dma_wait3A_241] : memref<4x64x128xf32, #tpu.memory_space<vmem>> -> memref<1x64x128xf32, #tpu.memory_space<vmem>>
        %dma_wait3A_243 = tpu.memref_squeeze %dma_wait3A_242 : memref<1x64x128xf32, #tpu.memory_space<vmem>> -> memref<64x128xf32, #tpu.memory_space<vmem>>
        %dma_wait3A_244 = arith.constant 0 : i32
        %dma_wait3A_245 = tpu.memref_slice %arg8[%dma_wait3A_237, %dma_wait3A_238, %dma_wait3A_244] : memref<2x8x64xi32, #tpu.memory_space<vmem>> -> memref<1x1x64xi32, #tpu.memory_space<vmem>>
        %dma_wait3A_246 = tpu.memref_squeeze %dma_wait3A_245 : memref<1x1x64xi32, #tpu.memory_space<vmem>> -> memref<64xi32, #tpu.memory_space<vmem>>
        %dma_wait3A_247 = arith.constant 0 : i32
        %dma_wait3A_248 = arith.constant 0 : i32
        %dma_wait3A_249 = tpu.memref_slice %arg4[%dma_wait3A_247, %dma_wait3A_248] : memref<10240x128xf32, #tpu.memory_space<hbm>> -> memref<10240x128xf32, #tpu.memory_space<hbm>>
        tpu.wait_indirect_dma semaphore(%arg15 : memref<!tpu.dma_semaphore, #tpu.memory_space<semaphore_mem>>) src(%dma_wait3A_249 : memref<10240x128xf32, #tpu.memory_space<hbm>>) dst(%dma_wait3A_243 : memref<64x128xf32, #tpu.memory_space<vmem>>)
        %add3A_250 = arith.constant 1 : i32
        %add3A_251 = arith.addi %scan3A_72, %add3A_250 : i32
        %lt3A_252 = arith.constant 40 : i32
        %lt3A_253 = arith.cmpi slt, %add3A_251, %lt3A_252 : i32
        %convert_element_type3A_254 = arith.extui %lt3A_253 : i1 to i32
        %cond3A_255 = arith.constant 0 : i32
        %cond3A_256 = arith.cmpi ne, %convert_element_type3A_254, %cond3A_255 : i32
        scf.if %cond3A_256 {
          %dma_start3A_282 = arith.constant 1 : i32
          %dma_start3A_283 = arith.constant 1 : i32
          %dma_start3A_284 = arith.constant 0 : i32
          %dma_start3A_285 = arith.constant 0 : i32
          %dma_start3A_286 = tpu.memref_slice %arg10[%dma_start3A_283, %dma_start3A_284, %dma_start3A_285] : memref<4x64x128xf32, #tpu.memory_space<vmem>> -> memref<1x64x128xf32, #tpu.memory_space<vmem>>
          %dma_start3A_287 = tpu.memref_squeeze %dma_start3A_286 : memref<1x64x128xf32, #tpu.memory_space<vmem>> -> memref<64x128xf32, #tpu.memory_space<vmem>>
          %dma_start3A_288 = arith.constant 0 : i32
          %dma_start3A_289 = tpu.memref_slice %arg8[%sub3A_75, %dma_start3A_282, %dma_start3A_288] : memref<2x8x64xi32, #tpu.memory_space<vmem>> -> memref<1x1x64xi32, #tpu.memory_space<vmem>>
          %dma_start3A_290 = tpu.memref_squeeze %dma_start3A_289 : memref<1x1x64xi32, #tpu.memory_space<vmem>> -> memref<64xi32, #tpu.memory_space<vmem>>
          %dma_start3A_291 = arith.constant 0 : i32
          %dma_start3A_292 = arith.constant 0 : i32
          %dma_start3A_293 = tpu.memref_slice %arg4[%dma_start3A_291, %dma_start3A_292] : memref<10240x128xf32, #tpu.memory_space<hbm>> -> memref<10240x128xf32, #tpu.memory_space<hbm>>
          tpu.enqueue_indirect_dma source(%dma_start3A_293 : memref<10240x128xf32, #tpu.memory_space<hbm>>) target(%dma_start3A_287 : memref<64x128xf32, #tpu.memory_space<vmem>>) offsets(%dma_start3A_290 : memref<64xi32, #tpu.memory_space<vmem>>) semaphore(%arg14 : memref<!tpu.dma_semaphore, #tpu.memory_space<semaphore_mem>>)
        } else {
        }
        %run_scoped3A_257 = arith.constant 2 : i32
        %run_scoped3A_258 = arith.constant 6 : i32
        "tpu.region"() ({
          %run_scoped3A_282 = tpu.sem_alloc : memref<!tpu.dma_semaphore, #tpu.memory_space<semaphore_mem>>
          %dma_start3A_283 = arith.constant 0 : i32
          %dma_start3A_284 = arith.constant 0 : i32
          %dma_start3A_285 = tpu.memref_slice %arg10[%run_scoped3A_257, %dma_start3A_283, %dma_start3A_284] : memref<4x64x128xf32, #tpu.memory_space<vmem>> -> memref<1x64x128xf32, #tpu.memory_space<vmem>>
          %dma_start3A_286 = tpu.memref_squeeze %dma_start3A_285 : memref<1x64x128xf32, #tpu.memory_space<vmem>> -> memref<64x128xf32, #tpu.memory_space<vmem>>
          %dma_start3A_287 = arith.constant 0 : i32
          %dma_start3A_288 = tpu.memref_slice %arg9[%rem3A_74, %run_scoped3A_258, %dma_start3A_287] : memref<2x8x64xi32, #tpu.memory_space<vmem>> -> memref<1x1x64xi32, #tpu.memory_space<vmem>>
          %dma_start3A_289 = tpu.memref_squeeze %dma_start3A_288 : memref<1x1x64xi32, #tpu.memory_space<vmem>> -> memref<64xi32, #tpu.memory_space<vmem>>
          %dma_start3A_290 = arith.constant 0 : i32
          %dma_start3A_291 = arith.constant 0 : i32
          %dma_start3A_292 = tpu.memref_slice %arg12[%dma_start3A_290, %dma_start3A_291] : memref<10240x128xf32, #tpu.memory_space<vmem_shared>> -> memref<10240x128xf32, #tpu.memory_space<vmem_shared>>
          tpu.enqueue_indirect_dma source(%dma_start3A_286 : memref<64x128xf32, #tpu.memory_space<vmem>>) target(%dma_start3A_292 : memref<10240x128xf32, #tpu.memory_space<vmem_shared>>) offsets(%dma_start3A_289 : memref<64xi32, #tpu.memory_space<vmem>>) semaphore(%run_scoped3A_282 : memref<!tpu.dma_semaphore, #tpu.memory_space<semaphore_mem>>) {add = true}
          %dma_wait3A_293 = arith.constant 0 : i32
          %dma_wait3A_294 = arith.constant 0 : i32
          %dma_wait3A_295 = tpu.memref_slice %arg10[%run_scoped3A_257, %dma_wait3A_293, %dma_wait3A_294] : memref<4x64x128xf32, #tpu.memory_space<vmem>> -> memref<1x64x128xf32, #tpu.memory_space<vmem>>
          %dma_wait3A_296 = tpu.memref_squeeze %dma_wait3A_295 : memref<1x64x128xf32, #tpu.memory_space<vmem>> -> memref<64x128xf32, #tpu.memory_space<vmem>>
          %dma_wait3A_297 = arith.constant 0 : i32
          %dma_wait3A_298 = tpu.memref_slice %arg9[%rem3A_74, %run_scoped3A_258, %dma_wait3A_297] : memref<2x8x64xi32, #tpu.memory_space<vmem>> -> memref<1x1x64xi32, #tpu.memory_space<vmem>>
          %dma_wait3A_299 = tpu.memref_squeeze %dma_wait3A_298 : memref<1x1x64xi32, #tpu.memory_space<vmem>> -> memref<64xi32, #tpu.memory_space<vmem>>
          %dma_wait3A_300 = arith.constant 0 : i32
          %dma_wait3A_301 = arith.constant 0 : i32
          %dma_wait3A_302 = tpu.memref_slice %arg12[%dma_wait3A_300, %dma_wait3A_301] : memref<10240x128xf32, #tpu.memory_space<vmem_shared>> -> memref<10240x128xf32, #tpu.memory_space<vmem_shared>>
          tpu.wait_indirect_dma semaphore(%run_scoped3A_282 : memref<!tpu.dma_semaphore, #tpu.memory_space<semaphore_mem>>) src(%dma_wait3A_296 : memref<64x128xf32, #tpu.memory_space<vmem>>) dst(%dma_wait3A_302 : memref<10240x128xf32, #tpu.memory_space<vmem_shared>>)
          tpu.yield
        }) : () -> ()
        %dma_wait3A_259 = arith.constant 0 : i32
        %dma_wait3A_260 = arith.constant 0 : i32
        %dma_wait3A_261 = arith.constant 3 : i32
        %dma_wait3A_262 = arith.constant 0 : i32
        %dma_wait3A_263 = arith.constant 0 : i32
        %dma_wait3A_264 = tpu.memref_slice %arg10[%dma_wait3A_261, %dma_wait3A_262, %dma_wait3A_263] : memref<4x64x128xf32, #tpu.memory_space<vmem>> -> memref<1x64x128xf32, #tpu.memory_space<vmem>>
        %dma_wait3A_265 = tpu.memref_squeeze %dma_wait3A_264 : memref<1x64x128xf32, #tpu.memory_space<vmem>> -> memref<64x128xf32, #tpu.memory_space<vmem>>
        %dma_wait3A_266 = arith.constant 0 : i32
        %dma_wait3A_267 = tpu.memref_slice %arg8[%dma_wait3A_259, %dma_wait3A_260, %dma_wait3A_266] : memref<2x8x64xi32, #tpu.memory_space<vmem>> -> memref<1x1x64xi32, #tpu.memory_space<vmem>>
        %dma_wait3A_268 = tpu.memref_squeeze %dma_wait3A_267 : memref<1x1x64xi32, #tpu.memory_space<vmem>> -> memref<64xi32, #tpu.memory_space<vmem>>
        %dma_wait3A_269 = arith.constant 0 : i32
        %dma_wait3A_270 = arith.constant 0 : i32
        %dma_wait3A_271 = tpu.memref_slice %arg4[%dma_wait3A_269, %dma_wait3A_270] : memref<10240x128xf32, #tpu.memory_space<hbm>> -> memref<10240x128xf32, #tpu.memory_space<hbm>>
        tpu.wait_indirect_dma semaphore(%arg16 : memref<!tpu.dma_semaphore, #tpu.memory_space<semaphore_mem>>) src(%dma_wait3A_271 : memref<10240x128xf32, #tpu.memory_space<hbm>>) dst(%dma_wait3A_265 : memref<64x128xf32, #tpu.memory_space<vmem>>)
        %add3A_272 = arith.constant 1 : i32
        %add3A_273 = arith.addi %scan3A_72, %add3A_272 : i32
        %lt3A_274 = arith.constant 40 : i32
        %lt3A_275 = arith.cmpi slt, %add3A_273, %lt3A_274 : i32
        %convert_element_type3A_276 = arith.extui %lt3A_275 : i1 to i32
        %cond3A_277 = arith.constant 0 : i32
        %cond3A_278 = arith.cmpi ne, %convert_element_type3A_276, %cond3A_277 : i32
        scf.if %cond3A_278 {
          %dma_start3A_282 = arith.constant 2 : i32
          %dma_start3A_283 = arith.constant 2 : i32
          %dma_start3A_284 = arith.constant 0 : i32
          %dma_start3A_285 = arith.constant 0 : i32
          %dma_start3A_286 = tpu.memref_slice %arg10[%dma_start3A_283, %dma_start3A_284, %dma_start3A_285] : memref<4x64x128xf32, #tpu.memory_space<vmem>> -> memref<1x64x128xf32, #tpu.memory_space<vmem>>
          %dma_start3A_287 = tpu.memref_squeeze %dma_start3A_286 : memref<1x64x128xf32, #tpu.memory_space<vmem>> -> memref<64x128xf32, #tpu.memory_space<vmem>>
          %dma_start3A_288 = arith.constant 0 : i32
          %dma_start3A_289 = tpu.memref_slice %arg8[%sub3A_75, %dma_start3A_282, %dma_start3A_288] : memref<2x8x64xi32, #tpu.memory_space<vmem>> -> memref<1x1x64xi32, #tpu.memory_space<vmem>>
          %dma_start3A_290 = tpu.memref_squeeze %dma_start3A_289 : memref<1x1x64xi32, #tpu.memory_space<vmem>> -> memref<64xi32, #tpu.memory_space<vmem>>
          %dma_start3A_291 = arith.constant 0 : i32
          %dma_start3A_292 = arith.constant 0 : i32
          %dma_start3A_293 = tpu.memref_slice %arg4[%dma_start3A_291, %dma_start3A_292] : memref<10240x128xf32, #tpu.memory_space<hbm>> -> memref<10240x128xf32, #tpu.memory_space<hbm>>
          tpu.enqueue_indirect_dma source(%dma_start3A_293 : memref<10240x128xf32, #tpu.memory_space<hbm>>) target(%dma_start3A_287 : memref<64x128xf32, #tpu.memory_space<vmem>>) offsets(%dma_start3A_290 : memref<64xi32, #tpu.memory_space<vmem>>) semaphore(%arg15 : memref<!tpu.dma_semaphore, #tpu.memory_space<semaphore_mem>>)
        } else {
        }
        %run_scoped3A_279 = arith.constant 3 : i32
        %run_scoped3A_280 = arith.constant 7 : i32
        "tpu.region"() ({
          %run_scoped3A_282 = tpu.sem_alloc : memref<!tpu.dma_semaphore, #tpu.memory_space<semaphore_mem>>
          %dma_start3A_283 = arith.constant 0 : i32
          %dma_start3A_284 = arith.constant 0 : i32
          %dma_start3A_285 = tpu.memref_slice %arg10[%run_scoped3A_279, %dma_start3A_283, %dma_start3A_284] : memref<4x64x128xf32, #tpu.memory_space<vmem>> -> memref<1x64x128xf32, #tpu.memory_space<vmem>>
          %dma_start3A_286 = tpu.memref_squeeze %dma_start3A_285 : memref<1x64x128xf32, #tpu.memory_space<vmem>> -> memref<64x128xf32, #tpu.memory_space<vmem>>
          %dma_start3A_287 = arith.constant 0 : i32
          %dma_start3A_288 = tpu.memref_slice %arg9[%rem3A_74, %run_scoped3A_280, %dma_start3A_287] : memref<2x8x64xi32, #tpu.memory_space<vmem>> -> memref<1x1x64xi32, #tpu.memory_space<vmem>>
          %dma_start3A_289 = tpu.memref_squeeze %dma_start3A_288 : memref<1x1x64xi32, #tpu.memory_space<vmem>> -> memref<64xi32, #tpu.memory_space<vmem>>
          %dma_start3A_290 = arith.constant 0 : i32
          %dma_start3A_291 = arith.constant 0 : i32
          %dma_start3A_292 = tpu.memref_slice %arg12[%dma_start3A_290, %dma_start3A_291] : memref<10240x128xf32, #tpu.memory_space<vmem_shared>> -> memref<10240x128xf32, #tpu.memory_space<vmem_shared>>
          tpu.enqueue_indirect_dma source(%dma_start3A_286 : memref<64x128xf32, #tpu.memory_space<vmem>>) target(%dma_start3A_292 : memref<10240x128xf32, #tpu.memory_space<vmem_shared>>) offsets(%dma_start3A_289 : memref<64xi32, #tpu.memory_space<vmem>>) semaphore(%run_scoped3A_282 : memref<!tpu.dma_semaphore, #tpu.memory_space<semaphore_mem>>) {add = true}
          %dma_wait3A_293 = arith.constant 0 : i32
          %dma_wait3A_294 = arith.constant 0 : i32
          %dma_wait3A_295 = tpu.memref_slice %arg10[%run_scoped3A_279, %dma_wait3A_293, %dma_wait3A_294] : memref<4x64x128xf32, #tpu.memory_space<vmem>> -> memref<1x64x128xf32, #tpu.memory_space<vmem>>
          %dma_wait3A_296 = tpu.memref_squeeze %dma_wait3A_295 : memref<1x64x128xf32, #tpu.memory_space<vmem>> -> memref<64x128xf32, #tpu.memory_space<vmem>>
          %dma_wait3A_297 = arith.constant 0 : i32
          %dma_wait3A_298 = tpu.memref_slice %arg9[%rem3A_74, %run_scoped3A_280, %dma_wait3A_297] : memref<2x8x64xi32, #tpu.memory_space<vmem>> -> memref<1x1x64xi32, #tpu.memory_space<vmem>>
          %dma_wait3A_299 = tpu.memref_squeeze %dma_wait3A_298 : memref<1x1x64xi32, #tpu.memory_space<vmem>> -> memref<64xi32, #tpu.memory_space<vmem>>
          %dma_wait3A_300 = arith.constant 0 : i32
          %dma_wait3A_301 = arith.constant 0 : i32
          %dma_wait3A_302 = tpu.memref_slice %arg12[%dma_wait3A_300, %dma_wait3A_301] : memref<10240x128xf32, #tpu.memory_space<vmem_shared>> -> memref<10240x128xf32, #tpu.memory_space<vmem_shared>>
          tpu.wait_indirect_dma semaphore(%run_scoped3A_282 : memref<!tpu.dma_semaphore, #tpu.memory_space<semaphore_mem>>) src(%dma_wait3A_296 : memref<64x128xf32, #tpu.memory_space<vmem>>) dst(%dma_wait3A_302 : memref<10240x128xf32, #tpu.memory_space<vmem_shared>>)
          tpu.yield
        }) : () -> ()
        %scan3A_281 = arith.constant 0 : i32
        scf.yield %scan3A_281 : i32
      }
      %scan3A_66 = arith.constant 40 : i32
      %barrier3A_67 = arith.constant 0 : index
      tpu.barrier barrier_id(%barrier3A_67)
      %mul3A_68 = arith.constant 640 : i32
      %mul3A_69 = arith.muli %arg1, %mul3A_68 : i32
      %mul3A_70 = arith.constant 640 : i32
      %mul3A_71 = arith.muli %arg1, %mul3A_70 : i32
      "tpu.region"() ({
        %run_scoped3A_72 = tpu.sem_alloc : memref<!tpu.dma_semaphore, #tpu.memory_space<semaphore_mem>>
        %dma_start3A_73 = arith.constant 0 : i32
        %dma_start3A_74 = tpu.memref_slice %arg6[%mul3A_71, %dma_start3A_73] : memref<10240x128xf32, #tpu.memory_space<hbm>> -> memref<640x128xf32, #tpu.memory_space<hbm>>
        %dma_start3A_75 = arith.constant 0 : i32
        %dma_start3A_76 = tpu.memref_slice %arg12[%mul3A_69, %dma_start3A_75] : memref<10240x128xf32, #tpu.memory_space<vmem_shared>> -> memref<640x128xf32, #tpu.memory_space<vmem_shared>>
        tpu.enqueue_dma source(%dma_start3A_76 : memref<640x128xf32, #tpu.memory_space<vmem_shared>>) target(%dma_start3A_74 : memref<640x128xf32, #tpu.memory_space<hbm>>) target_semaphore(%run_scoped3A_72 : memref<!tpu.dma_semaphore, #tpu.memory_space<semaphore_mem>>)
        %dma_wait3A = arith.constant 0 : i32
        %dma_wait3A_77 = tpu.memref_slice %arg6[%mul3A_71, %dma_wait3A] : memref<10240x128xf32, #tpu.memory_space<hbm>> -> memref<640x128xf32, #tpu.memory_space<hbm>>
        %dma_wait3A_78 = arith.constant 0 : i32
        %dma_wait3A_79 = tpu.memref_slice %arg12[%mul3A_69, %dma_wait3A_78] : memref<10240x128xf32, #tpu.memory_space<vmem_shared>> -> memref<640x128xf32, #tpu.memory_space<vmem_shared>>
        tpu.wait_dma2 semaphore(%run_scoped3A_72 : memref<!tpu.dma_semaphore, #tpu.memory_space<semaphore_mem>>) src(%dma_wait3A_79 : memref<640x128xf32, #tpu.memory_space<vmem_shared>>) dst(%dma_wait3A_77 : memref<640x128xf32, #tpu.memory_space<hbm>>)
        tpu.yield
      }) : () -> ()
    } else {
    }
    %eq3A_16 = arith.constant 1 : i32
    %eq3A_17 = arith.cmpi eq, %arg0, %eq3A_16 : i32
    %convert_element_type3A_18 = arith.extui %eq3A_17 : i1 to i32
    %cond3A_19 = arith.constant 0 : i32
    %cond3A_20 = arith.cmpi ne, %convert_element_type3A_18, %cond3A_19 : i32
    scf.if %cond3A_20 {
      %run_scoped3A = arith.constant 0 : i32
      "tpu.region"() ({
        %run_scoped3A_72 = tpu.sem_alloc : memref<!tpu.dma_semaphore, #tpu.memory_space<semaphore_mem>>
        %dma_start3A_73 = arith.constant 0 : i32
        %dma_start3A_74 = arith.constant 0 : i32
        %dma_start3A_75 = tpu.memref_slice %arg8[%run_scoped3A, %dma_start3A_73, %dma_start3A_74] : memref<2x8x64xi32, #tpu.memory_space<vmem>> -> memref<1x8x64xi32, #tpu.memory_space<vmem>>
        %dma_start3A_76 = tpu.memref_squeeze %dma_start3A_75 : memref<1x8x64xi32, #tpu.memory_space<vmem>> -> memref<8x64xi32, #tpu.memory_space<vmem>>
        %dma_start3A_77 = arith.constant 0 : i32
        %dma_start3A_78 = tpu.memref_slice %arg2[%mul3A_13, %dma_start3A_77] : memref<5120x64xi32, #tpu.memory_space<hbm>> -> memref<8x64xi32, #tpu.memory_space<hbm>>
        %dma_start3A_79 = arith.constant 0 : i32
        %dma_start3A_80 = arith.constant 0 : i32
        %dma_start3A_81 = tpu.memref_slice %arg8[%run_scoped3A, %dma_start3A_79, %dma_start3A_80] : memref<2x8x64xi32, #tpu.memory_space<vmem>> -> memref<1x8x64xi32, #tpu.memory_space<vmem>>
        %dma_start3A_82 = tpu.memref_squeeze %dma_start3A_81 : memref<1x8x64xi32, #tpu.memory_space<vmem>> -> memref<8x64xi32, #tpu.memory_space<vmem>>
        %dma_start3A_83 = arith.constant 0 : i32
        %dma_start3A_84 = tpu.memref_slice %arg2[%mul3A_13, %dma_start3A_83] : memref<5120x64xi32, #tpu.memory_space<hbm>> -> memref<8x64xi32, #tpu.memory_space<hbm>>
        tpu.enqueue_dma source(%dma_start3A_84 : memref<8x64xi32, #tpu.memory_space<hbm>>) target(%dma_start3A_82 : memref<8x64xi32, #tpu.memory_space<vmem>>) target_semaphore(%run_scoped3A_72 : memref<!tpu.dma_semaphore, #tpu.memory_space<semaphore_mem>>)
        %dma_wait3A = arith.constant 0 : i32
        %dma_wait3A_85 = arith.constant 0 : i32
        %dma_wait3A_86 = tpu.memref_slice %arg8[%run_scoped3A, %dma_wait3A, %dma_wait3A_85] : memref<2x8x64xi32, #tpu.memory_space<vmem>> -> memref<1x8x64xi32, #tpu.memory_space<vmem>>
        %dma_wait3A_87 = tpu.memref_squeeze %dma_wait3A_86 : memref<1x8x64xi32, #tpu.memory_space<vmem>> -> memref<8x64xi32, #tpu.memory_space<vmem>>
        %dma_wait3A_88 = arith.constant 0 : i32
        %dma_wait3A_89 = tpu.memref_slice %arg2[%mul3A_13, %dma_wait3A_88] : memref<5120x64xi32, #tpu.memory_space<hbm>> -> memref<8x64xi32, #tpu.memory_space<hbm>>
        %dma_wait3A_90 = arith.constant 0 : i32
        %dma_wait3A_91 = arith.constant 0 : i32
        %dma_wait3A_92 = tpu.memref_slice %arg8[%run_scoped3A, %dma_wait3A_90, %dma_wait3A_91] : memref<2x8x64xi32, #tpu.memory_space<vmem>> -> memref<1x8x64xi32, #tpu.memory_space<vmem>>
        %dma_wait3A_93 = tpu.memref_squeeze %dma_wait3A_92 : memref<1x8x64xi32, #tpu.memory_space<vmem>> -> memref<8x64xi32, #tpu.memory_space<vmem>>
        %dma_wait3A_94 = arith.constant 0 : i32
        %dma_wait3A_95 = tpu.memref_slice %arg2[%mul3A_13, %dma_wait3A_94] : memref<5120x64xi32, #tpu.memory_space<hbm>> -> memref<8x64xi32, #tpu.memory_space<hbm>>
        tpu.wait_dma2 semaphore(%run_scoped3A_72 : memref<!tpu.dma_semaphore, #tpu.memory_space<semaphore_mem>>) src(%dma_wait3A_95 : memref<8x64xi32, #tpu.memory_space<hbm>>) dst(%dma_wait3A_93 : memref<8x64xi32, #tpu.memory_space<vmem>>)
        tpu.yield
      }) : () -> ()
      %run_scoped3A_21 = arith.constant 0 : i32
      "tpu.region"() ({
        %run_scoped3A_72 = tpu.sem_alloc : memref<!tpu.dma_semaphore, #tpu.memory_space<semaphore_mem>>
        %dma_start3A_73 = arith.constant 0 : i32
        %dma_start3A_74 = arith.constant 0 : i32
        %dma_start3A_75 = tpu.memref_slice %arg9[%run_scoped3A_21, %dma_start3A_73, %dma_start3A_74] : memref<2x8x64xi32, #tpu.memory_space<vmem>> -> memref<1x8x64xi32, #tpu.memory_space<vmem>>
        %dma_start3A_76 = tpu.memref_squeeze %dma_start3A_75 : memref<1x8x64xi32, #tpu.memory_space<vmem>> -> memref<8x64xi32, #tpu.memory_space<vmem>>
        %dma_start3A_77 = arith.constant 0 : i32
        %dma_start3A_78 = tpu.memref_slice %arg3[%mul3A_13, %dma_start3A_77] : memref<5120x64xi32, #tpu.memory_space<hbm>> -> memref<8x64xi32, #tpu.memory_space<hbm>>
        %dma_start3A_79 = arith.constant 0 : i32
        %dma_start3A_80 = arith.constant 0 : i32
        %dma_start3A_81 = tpu.memref_slice %arg9[%run_scoped3A_21, %dma_start3A_79, %dma_start3A_80] : memref<2x8x64xi32, #tpu.memory_space<vmem>> -> memref<1x8x64xi32, #tpu.memory_space<vmem>>
        %dma_start3A_82 = tpu.memref_squeeze %dma_start3A_81 : memref<1x8x64xi32, #tpu.memory_space<vmem>> -> memref<8x64xi32, #tpu.memory_space<vmem>>
        %dma_start3A_83 = arith.constant 0 : i32
        %dma_start3A_84 = tpu.memref_slice %arg3[%mul3A_13, %dma_start3A_83] : memref<5120x64xi32, #tpu.memory_space<hbm>> -> memref<8x64xi32, #tpu.memory_space<hbm>>
        tpu.enqueue_dma source(%dma_start3A_84 : memref<8x64xi32, #tpu.memory_space<hbm>>) target(%dma_start3A_82 : memref<8x64xi32, #tpu.memory_space<vmem>>) target_semaphore(%run_scoped3A_72 : memref<!tpu.dma_semaphore, #tpu.memory_space<semaphore_mem>>)
        %dma_wait3A = arith.constant 0 : i32
        %dma_wait3A_85 = arith.constant 0 : i32
        %dma_wait3A_86 = tpu.memref_slice %arg9[%run_scoped3A_21, %dma_wait3A, %dma_wait3A_85] : memref<2x8x64xi32, #tpu.memory_space<vmem>> -> memref<1x8x64xi32, #tpu.memory_space<vmem>>
        %dma_wait3A_87 = tpu.memref_squeeze %dma_wait3A_86 : memref<1x8x64xi32, #tpu.memory_space<vmem>> -> memref<8x64xi32, #tpu.memory_space<vmem>>
        %dma_wait3A_88 = arith.constant 0 : i32
        %dma_wait3A_89 = tpu.memref_slice %arg3[%mul3A_13, %dma_wait3A_88] : memref<5120x64xi32, #tpu.memory_space<hbm>> -> memref<8x64xi32, #tpu.memory_space<hbm>>
        %dma_wait3A_90 = arith.constant 0 : i32
        %dma_wait3A_91 = arith.constant 0 : i32
        %dma_wait3A_92 = tpu.memref_slice %arg9[%run_scoped3A_21, %dma_wait3A_90, %dma_wait3A_91] : memref<2x8x64xi32, #tpu.memory_space<vmem>> -> memref<1x8x64xi32, #tpu.memory_space<vmem>>
        %dma_wait3A_93 = tpu.memref_squeeze %dma_wait3A_92 : memref<1x8x64xi32, #tpu.memory_space<vmem>> -> memref<8x64xi32, #tpu.memory_space<vmem>>
        %dma_wait3A_94 = arith.constant 0 : i32
        %dma_wait3A_95 = tpu.memref_slice %arg3[%mul3A_13, %dma_wait3A_94] : memref<5120x64xi32, #tpu.memory_space<hbm>> -> memref<8x64xi32, #tpu.memory_space<hbm>>
        tpu.wait_dma2 semaphore(%run_scoped3A_72 : memref<!tpu.dma_semaphore, #tpu.memory_space<semaphore_mem>>) src(%dma_wait3A_95 : memref<8x64xi32, #tpu.memory_space<hbm>>) dst(%dma_wait3A_93 : memref<8x64xi32, #tpu.memory_space<vmem>>)
        tpu.yield
      }) : () -> ()
      %dma_start3A = arith.constant 0 : i32
      %dma_start3A_22 = arith.constant 0 : i32
      %dma_start3A_23 = arith.constant 0 : i32
      %dma_start3A_24 = arith.constant 0 : i32
      %dma_start3A_25 = arith.constant 0 : i32
      %dma_start3A_26 = tpu.memref_slice %arg10[%dma_start3A_23, %dma_start3A_24, %dma_start3A_25] : memref<4x64x128xf32, #tpu.memory_space<vmem>> -> memref<1x64x128xf32, #tpu.memory_space<vmem>>
      %dma_start3A_27 = tpu.memref_squeeze %dma_start3A_26 : memref<1x64x128xf32, #tpu.memory_space<vmem>> -> memref<64x128xf32, #tpu.memory_space<vmem>>
      %dma_start3A_28 = arith.constant 0 : i32
      %dma_start3A_29 = tpu.memref_slice %arg8[%dma_start3A, %dma_start3A_22, %dma_start3A_28] : memref<2x8x64xi32, #tpu.memory_space<vmem>> -> memref<1x1x64xi32, #tpu.memory_space<vmem>>
      %dma_start3A_30 = tpu.memref_squeeze %dma_start3A_29 : memref<1x1x64xi32, #tpu.memory_space<vmem>> -> memref<64xi32, #tpu.memory_space<vmem>>
      %dma_start3A_31 = arith.constant 0 : i32
      %dma_start3A_32 = arith.constant 0 : i32
      %dma_start3A_33 = tpu.memref_slice %arg5[%dma_start3A_31, %dma_start3A_32] : memref<10240x128xf32, #tpu.memory_space<hbm>> -> memref<10240x128xf32, #tpu.memory_space<hbm>>
      tpu.enqueue_indirect_dma source(%dma_start3A_33 : memref<10240x128xf32, #tpu.memory_space<hbm>>) target(%dma_start3A_27 : memref<64x128xf32, #tpu.memory_space<vmem>>) offsets(%dma_start3A_30 : memref<64xi32, #tpu.memory_space<vmem>>) semaphore(%arg13 : memref<!tpu.dma_semaphore, #tpu.memory_space<semaphore_mem>>)
      %dma_start3A_34 = arith.constant 0 : i32
      %dma_start3A_35 = arith.constant 1 : i32
      %dma_start3A_36 = arith.constant 1 : i32
      %dma_start3A_37 = arith.constant 0 : i32
      %dma_start3A_38 = arith.constant 0 : i32
      %dma_start3A_39 = tpu.memref_slice %arg10[%dma_start3A_36, %dma_start3A_37, %dma_start3A_38] : memref<4x64x128xf32, #tpu.memory_space<vmem>> -> memref<1x64x128xf32, #tpu.memory_space<vmem>>
      %dma_start3A_40 = tpu.memref_squeeze %dma_start3A_39 : memref<1x64x128xf32, #tpu.memory_space<vmem>> -> memref<64x128xf32, #tpu.memory_space<vmem>>
      %dma_start3A_41 = arith.constant 0 : i32
      %dma_start3A_42 = tpu.memref_slice %arg8[%dma_start3A_34, %dma_start3A_35, %dma_start3A_41] : memref<2x8x64xi32, #tpu.memory_space<vmem>> -> memref<1x1x64xi32, #tpu.memory_space<vmem>>
      %dma_start3A_43 = tpu.memref_squeeze %dma_start3A_42 : memref<1x1x64xi32, #tpu.memory_space<vmem>> -> memref<64xi32, #tpu.memory_space<vmem>>
      %dma_start3A_44 = arith.constant 0 : i32
      %dma_start3A_45 = arith.constant 0 : i32
      %dma_start3A_46 = tpu.memref_slice %arg5[%dma_start3A_44, %dma_start3A_45] : memref<10240x128xf32, #tpu.memory_space<hbm>> -> memref<10240x128xf32, #tpu.memory_space<hbm>>
      tpu.enqueue_indirect_dma source(%dma_start3A_46 : memref<10240x128xf32, #tpu.memory_space<hbm>>) target(%dma_start3A_40 : memref<64x128xf32, #tpu.memory_space<vmem>>) offsets(%dma_start3A_43 : memref<64xi32, #tpu.memory_space<vmem>>) semaphore(%arg14 : memref<!tpu.dma_semaphore, #tpu.memory_space<semaphore_mem>>)
      %dma_start3A_47 = arith.constant 0 : i32
      %dma_start3A_48 = arith.constant 2 : i32
      %dma_start3A_49 = arith.constant 2 : i32
      %dma_start3A_50 = arith.constant 0 : i32
      %dma_start3A_51 = arith.constant 0 : i32
      %dma_start3A_52 = tpu.memref_slice %arg10[%dma_start3A_49, %dma_start3A_50, %dma_start3A_51] : memref<4x64x128xf32, #tpu.memory_space<vmem>> -> memref<1x64x128xf32, #tpu.memory_space<vmem>>
      %dma_start3A_53 = tpu.memref_squeeze %dma_start3A_52 : memref<1x64x128xf32, #tpu.memory_space<vmem>> -> memref<64x128xf32, #tpu.memory_space<vmem>>
      %dma_start3A_54 = arith.constant 0 : i32
      %dma_start3A_55 = tpu.memref_slice %arg8[%dma_start3A_47, %dma_start3A_48, %dma_start3A_54] : memref<2x8x64xi32, #tpu.memory_space<vmem>> -> memref<1x1x64xi32, #tpu.memory_space<vmem>>
      %dma_start3A_56 = tpu.memref_squeeze %dma_start3A_55 : memref<1x1x64xi32, #tpu.memory_space<vmem>> -> memref<64xi32, #tpu.memory_space<vmem>>
      %dma_start3A_57 = arith.constant 0 : i32
      %dma_start3A_58 = arith.constant 0 : i32
      %dma_start3A_59 = tpu.memref_slice %arg5[%dma_start3A_57, %dma_start3A_58] : memref<10240x128xf32, #tpu.memory_space<hbm>> -> memref<10240x128xf32, #tpu.memory_space<hbm>>
      tpu.enqueue_indirect_dma source(%dma_start3A_59 : memref<10240x128xf32, #tpu.memory_space<hbm>>) target(%dma_start3A_53 : memref<64x128xf32, #tpu.memory_space<vmem>>) offsets(%dma_start3A_56 : memref<64xi32, #tpu.memory_space<vmem>>) semaphore(%arg15 : memref<!tpu.dma_semaphore, #tpu.memory_space<semaphore_mem>>)
      %scan3A_60 = arith.constant 0 : i32
      %scan3A_61 = arith.constant 0 : i32
      %scan3A_62 = arith.constant 40 : i32
      %scan3A_63 = arith.addi %scan3A_61, %scan3A_62 : i32
      %scan3A_64 = arith.constant 1 : i32
      %scan3A_65 = scf.for %scan3A_72 = %scan3A_61 to %scan3A_63 step %scan3A_64 iter_args(%scan3A_73 = %scan3A_60) -> (i32)  : i32 {
        %rem3A = arith.constant 2 : i32
        %rem3A_74 = arith.remsi %scan3A_72, %rem3A : i32
        %sub3A = arith.constant 1 : i32
        %sub3A_75 = arith.subi %sub3A, %rem3A_74 : i32
        %add3A = arith.constant 1 : i32
        %add3A_76 = arith.addi %scan3A_72, %add3A : i32
        %lt3A = arith.constant 40 : i32
        %lt3A_77 = arith.cmpi slt, %add3A_76, %lt3A : i32
        %convert_element_type3A_78 = arith.extui %lt3A_77 : i1 to i32
        %cond3A_79 = arith.constant 0 : i32
        %cond3A_80 = arith.cmpi ne, %convert_element_type3A_78, %cond3A_79 : i32
        scf.if %cond3A_80 {
          %add3A_282 = arith.constant 1 : i32
          %add3A_283 = arith.addi %scan3A_72, %add3A_282 : i32
          %mul3A_284 = arith.constant 8 : i32
          %mul3A_285 = arith.muli %add3A_283, %mul3A_284 : i32
          %add3A_286 = arith.addi %mul3A_13, %mul3A_285 : i32
          "tpu.region"() ({
            %run_scoped3A_287 = tpu.sem_alloc : memref<!tpu.dma_semaphore, #tpu.memory_space<semaphore_mem>>
            %dma_start3A_288 = arith.constant 0 : i32
            %dma_start3A_289 = arith.constant 0 : i32
            %dma_start3A_290 = tpu.memref_slice %arg8[%sub3A_75, %dma_start3A_288, %dma_start3A_289] : memref<2x8x64xi32, #tpu.memory_space<vmem>> -> memref<1x8x64xi32, #tpu.memory_space<vmem>>
            %dma_start3A_291 = tpu.memref_squeeze %dma_start3A_290 : memref<1x8x64xi32, #tpu.memory_space<vmem>> -> memref<8x64xi32, #tpu.memory_space<vmem>>
            %dma_start3A_292 = arith.constant 0 : i32
            %dma_start3A_293 = tpu.memref_slice %arg2[%add3A_286, %dma_start3A_292] : memref<5120x64xi32, #tpu.memory_space<hbm>> -> memref<8x64xi32, #tpu.memory_space<hbm>>
            %dma_start3A_294 = arith.constant 0 : i32
            %dma_start3A_295 = arith.constant 0 : i32
            %dma_start3A_296 = tpu.memref_slice %arg8[%sub3A_75, %dma_start3A_294, %dma_start3A_295] : memref<2x8x64xi32, #tpu.memory_space<vmem>> -> memref<1x8x64xi32, #tpu.memory_space<vmem>>
            %dma_start3A_297 = tpu.memref_squeeze %dma_start3A_296 : memref<1x8x64xi32, #tpu.memory_space<vmem>> -> memref<8x64xi32, #tpu.memory_space<vmem>>
            %dma_start3A_298 = arith.constant 0 : i32
            %dma_start3A_299 = tpu.memref_slice %arg2[%add3A_286, %dma_start3A_298] : memref<5120x64xi32, #tpu.memory_space<hbm>> -> memref<8x64xi32, #tpu.memory_space<hbm>>
            tpu.enqueue_dma source(%dma_start3A_299 : memref<8x64xi32, #tpu.memory_space<hbm>>) target(%dma_start3A_297 : memref<8x64xi32, #tpu.memory_space<vmem>>) target_semaphore(%run_scoped3A_287 : memref<!tpu.dma_semaphore, #tpu.memory_space<semaphore_mem>>)
            %dma_wait3A_300 = arith.constant 0 : i32
            %dma_wait3A_301 = arith.constant 0 : i32
            %dma_wait3A_302 = tpu.memref_slice %arg8[%sub3A_75, %dma_wait3A_300, %dma_wait3A_301] : memref<2x8x64xi32, #tpu.memory_space<vmem>> -> memref<1x8x64xi32, #tpu.memory_space<vmem>>
            %dma_wait3A_303 = tpu.memref_squeeze %dma_wait3A_302 : memref<1x8x64xi32, #tpu.memory_space<vmem>> -> memref<8x64xi32, #tpu.memory_space<vmem>>
            %dma_wait3A_304 = arith.constant 0 : i32
            %dma_wait3A_305 = tpu.memref_slice %arg2[%add3A_286, %dma_wait3A_304] : memref<5120x64xi32, #tpu.memory_space<hbm>> -> memref<8x64xi32, #tpu.memory_space<hbm>>
            %dma_wait3A_306 = arith.constant 0 : i32
            %dma_wait3A_307 = arith.constant 0 : i32
            %dma_wait3A_308 = tpu.memref_slice %arg8[%sub3A_75, %dma_wait3A_306, %dma_wait3A_307] : memref<2x8x64xi32, #tpu.memory_space<vmem>> -> memref<1x8x64xi32, #tpu.memory_space<vmem>>
            %dma_wait3A_309 = tpu.memref_squeeze %dma_wait3A_308 : memref<1x8x64xi32, #tpu.memory_space<vmem>> -> memref<8x64xi32, #tpu.memory_space<vmem>>
            %dma_wait3A_310 = arith.constant 0 : i32
            %dma_wait3A_311 = tpu.memref_slice %arg2[%add3A_286, %dma_wait3A_310] : memref<5120x64xi32, #tpu.memory_space<hbm>> -> memref<8x64xi32, #tpu.memory_space<hbm>>
            tpu.wait_dma2 semaphore(%run_scoped3A_287 : memref<!tpu.dma_semaphore, #tpu.memory_space<semaphore_mem>>) src(%dma_wait3A_311 : memref<8x64xi32, #tpu.memory_space<hbm>>) dst(%dma_wait3A_309 : memref<8x64xi32, #tpu.memory_space<vmem>>)
            tpu.yield
          }) : () -> ()
          "tpu.region"() ({
            %run_scoped3A_287 = tpu.sem_alloc : memref<!tpu.dma_semaphore, #tpu.memory_space<semaphore_mem>>
            %dma_start3A_288 = arith.constant 0 : i32
            %dma_start3A_289 = arith.constant 0 : i32
            %dma_start3A_290 = tpu.memref_slice %arg9[%sub3A_75, %dma_start3A_288, %dma_start3A_289] : memref<2x8x64xi32, #tpu.memory_space<vmem>> -> memref<1x8x64xi32, #tpu.memory_space<vmem>>
            %dma_start3A_291 = tpu.memref_squeeze %dma_start3A_290 : memref<1x8x64xi32, #tpu.memory_space<vmem>> -> memref<8x64xi32, #tpu.memory_space<vmem>>
            %dma_start3A_292 = arith.constant 0 : i32
            %dma_start3A_293 = tpu.memref_slice %arg3[%add3A_286, %dma_start3A_292] : memref<5120x64xi32, #tpu.memory_space<hbm>> -> memref<8x64xi32, #tpu.memory_space<hbm>>
            %dma_start3A_294 = arith.constant 0 : i32
            %dma_start3A_295 = arith.constant 0 : i32
            %dma_start3A_296 = tpu.memref_slice %arg9[%sub3A_75, %dma_start3A_294, %dma_start3A_295] : memref<2x8x64xi32, #tpu.memory_space<vmem>> -> memref<1x8x64xi32, #tpu.memory_space<vmem>>
            %dma_start3A_297 = tpu.memref_squeeze %dma_start3A_296 : memref<1x8x64xi32, #tpu.memory_space<vmem>> -> memref<8x64xi32, #tpu.memory_space<vmem>>
            %dma_start3A_298 = arith.constant 0 : i32
            %dma_start3A_299 = tpu.memref_slice %arg3[%add3A_286, %dma_start3A_298] : memref<5120x64xi32, #tpu.memory_space<hbm>> -> memref<8x64xi32, #tpu.memory_space<hbm>>
            tpu.enqueue_dma source(%dma_start3A_299 : memref<8x64xi32, #tpu.memory_space<hbm>>) target(%dma_start3A_297 : memref<8x64xi32, #tpu.memory_space<vmem>>) target_semaphore(%run_scoped3A_287 : memref<!tpu.dma_semaphore, #tpu.memory_space<semaphore_mem>>)
            %dma_wait3A_300 = arith.constant 0 : i32
            %dma_wait3A_301 = arith.constant 0 : i32
            %dma_wait3A_302 = tpu.memref_slice %arg9[%sub3A_75, %dma_wait3A_300, %dma_wait3A_301] : memref<2x8x64xi32, #tpu.memory_space<vmem>> -> memref<1x8x64xi32, #tpu.memory_space<vmem>>
            %dma_wait3A_303 = tpu.memref_squeeze %dma_wait3A_302 : memref<1x8x64xi32, #tpu.memory_space<vmem>> -> memref<8x64xi32, #tpu.memory_space<vmem>>
            %dma_wait3A_304 = arith.constant 0 : i32
            %dma_wait3A_305 = tpu.memref_slice %arg3[%add3A_286, %dma_wait3A_304] : memref<5120x64xi32, #tpu.memory_space<hbm>> -> memref<8x64xi32, #tpu.memory_space<hbm>>
            %dma_wait3A_306 = arith.constant 0 : i32
            %dma_wait3A_307 = arith.constant 0 : i32
            %dma_wait3A_308 = tpu.memref_slice %arg9[%sub3A_75, %dma_wait3A_306, %dma_wait3A_307] : memref<2x8x64xi32, #tpu.memory_space<vmem>> -> memref<1x8x64xi32, #tpu.memory_space<vmem>>
            %dma_wait3A_309 = tpu.memref_squeeze %dma_wait3A_308 : memref<1x8x64xi32, #tpu.memory_space<vmem>> -> memref<8x64xi32, #tpu.memory_space<vmem>>
            %dma_wait3A_310 = arith.constant 0 : i32
            %dma_wait3A_311 = tpu.memref_slice %arg3[%add3A_286, %dma_wait3A_310] : memref<5120x64xi32, #tpu.memory_space<hbm>> -> memref<8x64xi32, #tpu.memory_space<hbm>>
            tpu.wait_dma2 semaphore(%run_scoped3A_287 : memref<!tpu.dma_semaphore, #tpu.memory_space<semaphore_mem>>) src(%dma_wait3A_311 : memref<8x64xi32, #tpu.memory_space<hbm>>) dst(%dma_wait3A_309 : memref<8x64xi32, #tpu.memory_space<vmem>>)
            tpu.yield
          }) : () -> ()
        } else {
        }
        %dma_wait3A = arith.constant 0 : i32
        %dma_wait3A_81 = arith.constant 0 : i32
        %dma_wait3A_82 = arith.constant 0 : i32
        %dma_wait3A_83 = arith.constant 0 : i32
        %dma_wait3A_84 = arith.constant 0 : i32
        %dma_wait3A_85 = tpu.memref_slice %arg10[%dma_wait3A_82, %dma_wait3A_83, %dma_wait3A_84] : memref<4x64x128xf32, #tpu.memory_space<vmem>> -> memref<1x64x128xf32, #tpu.memory_space<vmem>>
        %dma_wait3A_86 = tpu.memref_squeeze %dma_wait3A_85 : memref<1x64x128xf32, #tpu.memory_space<vmem>> -> memref<64x128xf32, #tpu.memory_space<vmem>>
        %dma_wait3A_87 = arith.constant 0 : i32
        %dma_wait3A_88 = tpu.memref_slice %arg8[%dma_wait3A, %dma_wait3A_81, %dma_wait3A_87] : memref<2x8x64xi32, #tpu.memory_space<vmem>> -> memref<1x1x64xi32, #tpu.memory_space<vmem>>
        %dma_wait3A_89 = tpu.memref_squeeze %dma_wait3A_88 : memref<1x1x64xi32, #tpu.memory_space<vmem>> -> memref<64xi32, #tpu.memory_space<vmem>>
        %dma_wait3A_90 = arith.constant 0 : i32
        %dma_wait3A_91 = arith.constant 0 : i32
        %dma_wait3A_92 = tpu.memref_slice %arg5[%dma_wait3A_90, %dma_wait3A_91] : memref<10240x128xf32, #tpu.memory_space<hbm>> -> memref<10240x128xf32, #tpu.memory_space<hbm>>
        tpu.wait_indirect_dma semaphore(%arg13 : memref<!tpu.dma_semaphore, #tpu.memory_space<semaphore_mem>>) src(%dma_wait3A_92 : memref<10240x128xf32, #tpu.memory_space<hbm>>) dst(%dma_wait3A_86 : memref<64x128xf32, #tpu.memory_space<vmem>>)
        %dma_start3A_93 = arith.constant 3 : i32
        %dma_start3A_94 = arith.constant 3 : i32
        %dma_start3A_95 = arith.constant 0 : i32
        %dma_start3A_96 = arith.constant 0 : i32
        %dma_start3A_97 = tpu.memref_slice %arg10[%dma_start3A_94, %dma_start3A_95, %dma_start3A_96] : memref<4x64x128xf32, #tpu.memory_space<vmem>> -> memref<1x64x128xf32, #tpu.memory_space<vmem>>
        %dma_start3A_98 = tpu.memref_squeeze %dma_start3A_97 : memref<1x64x128xf32, #tpu.memory_space<vmem>> -> memref<64x128xf32, #tpu.memory_space<vmem>>
        %dma_start3A_99 = arith.constant 0 : i32
        %dma_start3A_100 = tpu.memref_slice %arg8[%rem3A_74, %dma_start3A_93, %dma_start3A_99] : memref<2x8x64xi32, #tpu.memory_space<vmem>> -> memref<1x1x64xi32, #tpu.memory_space<vmem>>
        %dma_start3A_101 = tpu.memref_squeeze %dma_start3A_100 : memref<1x1x64xi32, #tpu.memory_space<vmem>> -> memref<64xi32, #tpu.memory_space<vmem>>
        %dma_start3A_102 = arith.constant 0 : i32
        %dma_start3A_103 = arith.constant 0 : i32
        %dma_start3A_104 = tpu.memref_slice %arg5[%dma_start3A_102, %dma_start3A_103] : memref<10240x128xf32, #tpu.memory_space<hbm>> -> memref<10240x128xf32, #tpu.memory_space<hbm>>
        tpu.enqueue_indirect_dma source(%dma_start3A_104 : memref<10240x128xf32, #tpu.memory_space<hbm>>) target(%dma_start3A_98 : memref<64x128xf32, #tpu.memory_space<vmem>>) offsets(%dma_start3A_101 : memref<64xi32, #tpu.memory_space<vmem>>) semaphore(%arg16 : memref<!tpu.dma_semaphore, #tpu.memory_space<semaphore_mem>>)
        %run_scoped3A_105 = arith.constant 0 : i32
        %run_scoped3A_106 = arith.constant 0 : i32
        "tpu.region"() ({
          %run_scoped3A_282 = tpu.sem_alloc : memref<!tpu.dma_semaphore, #tpu.memory_space<semaphore_mem>>
          %dma_start3A_283 = arith.constant 0 : i32
          %dma_start3A_284 = arith.constant 0 : i32
          %dma_start3A_285 = tpu.memref_slice %arg10[%run_scoped3A_105, %dma_start3A_283, %dma_start3A_284] : memref<4x64x128xf32, #tpu.memory_space<vmem>> -> memref<1x64x128xf32, #tpu.memory_space<vmem>>
          %dma_start3A_286 = tpu.memref_squeeze %dma_start3A_285 : memref<1x64x128xf32, #tpu.memory_space<vmem>> -> memref<64x128xf32, #tpu.memory_space<vmem>>
          %dma_start3A_287 = arith.constant 0 : i32
          %dma_start3A_288 = tpu.memref_slice %arg9[%rem3A_74, %run_scoped3A_106, %dma_start3A_287] : memref<2x8x64xi32, #tpu.memory_space<vmem>> -> memref<1x1x64xi32, #tpu.memory_space<vmem>>
          %dma_start3A_289 = tpu.memref_squeeze %dma_start3A_288 : memref<1x1x64xi32, #tpu.memory_space<vmem>> -> memref<64xi32, #tpu.memory_space<vmem>>
          %dma_start3A_290 = arith.constant 0 : i32
          %dma_start3A_291 = arith.constant 0 : i32
          %dma_start3A_292 = tpu.memref_slice %arg12[%dma_start3A_290, %dma_start3A_291] : memref<10240x128xf32, #tpu.memory_space<vmem_shared>> -> memref<10240x128xf32, #tpu.memory_space<vmem_shared>>
          tpu.enqueue_indirect_dma source(%dma_start3A_286 : memref<64x128xf32, #tpu.memory_space<vmem>>) target(%dma_start3A_292 : memref<10240x128xf32, #tpu.memory_space<vmem_shared>>) offsets(%dma_start3A_289 : memref<64xi32, #tpu.memory_space<vmem>>) semaphore(%run_scoped3A_282 : memref<!tpu.dma_semaphore, #tpu.memory_space<semaphore_mem>>) {add = true}
          %dma_wait3A_293 = arith.constant 0 : i32
          %dma_wait3A_294 = arith.constant 0 : i32
          %dma_wait3A_295 = tpu.memref_slice %arg10[%run_scoped3A_105, %dma_wait3A_293, %dma_wait3A_294] : memref<4x64x128xf32, #tpu.memory_space<vmem>> -> memref<1x64x128xf32, #tpu.memory_space<vmem>>
          %dma_wait3A_296 = tpu.memref_squeeze %dma_wait3A_295 : memref<1x64x128xf32, #tpu.memory_space<vmem>> -> memref<64x128xf32, #tpu.memory_space<vmem>>
          %dma_wait3A_297 = arith.constant 0 : i32
          %dma_wait3A_298 = tpu.memref_slice %arg9[%rem3A_74, %run_scoped3A_106, %dma_wait3A_297] : memref<2x8x64xi32, #tpu.memory_space<vmem>> -> memref<1x1x64xi32, #tpu.memory_space<vmem>>
          %dma_wait3A_299 = tpu.memref_squeeze %dma_wait3A_298 : memref<1x1x64xi32, #tpu.memory_space<vmem>> -> memref<64xi32, #tpu.memory_space<vmem>>
          %dma_wait3A_300 = arith.constant 0 : i32
          %dma_wait3A_301 = arith.constant 0 : i32
          %dma_wait3A_302 = tpu.memref_slice %arg12[%dma_wait3A_300, %dma_wait3A_301] : memref<10240x128xf32, #tpu.memory_space<vmem_shared>> -> memref<10240x128xf32, #tpu.memory_space<vmem_shared>>
          tpu.wait_indirect_dma semaphore(%run_scoped3A_282 : memref<!tpu.dma_semaphore, #tpu.memory_space<semaphore_mem>>) src(%dma_wait3A_296 : memref<64x128xf32, #tpu.memory_space<vmem>>) dst(%dma_wait3A_302 : memref<10240x128xf32, #tpu.memory_space<vmem_shared>>)
          tpu.yield
        }) : () -> ()
        %dma_wait3A_107 = arith.constant 0 : i32
        %dma_wait3A_108 = arith.constant 0 : i32
        %dma_wait3A_109 = arith.constant 1 : i32
        %dma_wait3A_110 = arith.constant 0 : i32
        %dma_wait3A_111 = arith.constant 0 : i32
        %dma_wait3A_112 = tpu.memref_slice %arg10[%dma_wait3A_109, %dma_wait3A_110, %dma_wait3A_111] : memref<4x64x128xf32, #tpu.memory_space<vmem>> -> memref<1x64x128xf32, #tpu.memory_space<vmem>>
        %dma_wait3A_113 = tpu.memref_squeeze %dma_wait3A_112 : memref<1x64x128xf32, #tpu.memory_space<vmem>> -> memref<64x128xf32, #tpu.memory_space<vmem>>
        %dma_wait3A_114 = arith.constant 0 : i32
        %dma_wait3A_115 = tpu.memref_slice %arg8[%dma_wait3A_107, %dma_wait3A_108, %dma_wait3A_114] : memref<2x8x64xi32, #tpu.memory_space<vmem>> -> memref<1x1x64xi32, #tpu.memory_space<vmem>>
        %dma_wait3A_116 = tpu.memref_squeeze %dma_wait3A_115 : memref<1x1x64xi32, #tpu.memory_space<vmem>> -> memref<64xi32, #tpu.memory_space<vmem>>
        %dma_wait3A_117 = arith.constant 0 : i32
        %dma_wait3A_118 = arith.constant 0 : i32
        %dma_wait3A_119 = tpu.memref_slice %arg5[%dma_wait3A_117, %dma_wait3A_118] : memref<10240x128xf32, #tpu.memory_space<hbm>> -> memref<10240x128xf32, #tpu.memory_space<hbm>>
        tpu.wait_indirect_dma semaphore(%arg14 : memref<!tpu.dma_semaphore, #tpu.memory_space<semaphore_mem>>) src(%dma_wait3A_119 : memref<10240x128xf32, #tpu.memory_space<hbm>>) dst(%dma_wait3A_113 : memref<64x128xf32, #tpu.memory_space<vmem>>)
        %dma_start3A_120 = arith.constant 4 : i32
        %dma_start3A_121 = arith.constant 0 : i32
        %dma_start3A_122 = arith.constant 0 : i32
        %dma_start3A_123 = arith.constant 0 : i32
        %dma_start3A_124 = tpu.memref_slice %arg10[%dma_start3A_121, %dma_start3A_122, %dma_start3A_123] : memref<4x64x128xf32, #tpu.memory_space<vmem>> -> memref<1x64x128xf32, #tpu.memory_space<vmem>>
        %dma_start3A_125 = tpu.memref_squeeze %dma_start3A_124 : memref<1x64x128xf32, #tpu.memory_space<vmem>> -> memref<64x128xf32, #tpu.memory_space<vmem>>
        %dma_start3A_126 = arith.constant 0 : i32
        %dma_start3A_127 = tpu.memref_slice %arg8[%rem3A_74, %dma_start3A_120, %dma_start3A_126] : memref<2x8x64xi32, #tpu.memory_space<vmem>> -> memref<1x1x64xi32, #tpu.memory_space<vmem>>
        %dma_start3A_128 = tpu.memref_squeeze %dma_start3A_127 : memref<1x1x64xi32, #tpu.memory_space<vmem>> -> memref<64xi32, #tpu.memory_space<vmem>>
        %dma_start3A_129 = arith.constant 0 : i32
        %dma_start3A_130 = arith.constant 0 : i32
        %dma_start3A_131 = tpu.memref_slice %arg5[%dma_start3A_129, %dma_start3A_130] : memref<10240x128xf32, #tpu.memory_space<hbm>> -> memref<10240x128xf32, #tpu.memory_space<hbm>>
        tpu.enqueue_indirect_dma source(%dma_start3A_131 : memref<10240x128xf32, #tpu.memory_space<hbm>>) target(%dma_start3A_125 : memref<64x128xf32, #tpu.memory_space<vmem>>) offsets(%dma_start3A_128 : memref<64xi32, #tpu.memory_space<vmem>>) semaphore(%arg13 : memref<!tpu.dma_semaphore, #tpu.memory_space<semaphore_mem>>)
        %run_scoped3A_132 = arith.constant 1 : i32
        %run_scoped3A_133 = arith.constant 1 : i32
        "tpu.region"() ({
          %run_scoped3A_282 = tpu.sem_alloc : memref<!tpu.dma_semaphore, #tpu.memory_space<semaphore_mem>>
          %dma_start3A_283 = arith.constant 0 : i32
          %dma_start3A_284 = arith.constant 0 : i32
          %dma_start3A_285 = tpu.memref_slice %arg10[%run_scoped3A_132, %dma_start3A_283, %dma_start3A_284] : memref<4x64x128xf32, #tpu.memory_space<vmem>> -> memref<1x64x128xf32, #tpu.memory_space<vmem>>
          %dma_start3A_286 = tpu.memref_squeeze %dma_start3A_285 : memref<1x64x128xf32, #tpu.memory_space<vmem>> -> memref<64x128xf32, #tpu.memory_space<vmem>>
          %dma_start3A_287 = arith.constant 0 : i32
          %dma_start3A_288 = tpu.memref_slice %arg9[%rem3A_74, %run_scoped3A_133, %dma_start3A_287] : memref<2x8x64xi32, #tpu.memory_space<vmem>> -> memref<1x1x64xi32, #tpu.memory_space<vmem>>
          %dma_start3A_289 = tpu.memref_squeeze %dma_start3A_288 : memref<1x1x64xi32, #tpu.memory_space<vmem>> -> memref<64xi32, #tpu.memory_space<vmem>>
          %dma_start3A_290 = arith.constant 0 : i32
          %dma_start3A_291 = arith.constant 0 : i32
          %dma_start3A_292 = tpu.memref_slice %arg12[%dma_start3A_290, %dma_start3A_291] : memref<10240x128xf32, #tpu.memory_space<vmem_shared>> -> memref<10240x128xf32, #tpu.memory_space<vmem_shared>>
          tpu.enqueue_indirect_dma source(%dma_start3A_286 : memref<64x128xf32, #tpu.memory_space<vmem>>) target(%dma_start3A_292 : memref<10240x128xf32, #tpu.memory_space<vmem_shared>>) offsets(%dma_start3A_289 : memref<64xi32, #tpu.memory_space<vmem>>) semaphore(%run_scoped3A_282 : memref<!tpu.dma_semaphore, #tpu.memory_space<semaphore_mem>>) {add = true}
          %dma_wait3A_293 = arith.constant 0 : i32
          %dma_wait3A_294 = arith.constant 0 : i32
          %dma_wait3A_295 = tpu.memref_slice %arg10[%run_scoped3A_132, %dma_wait3A_293, %dma_wait3A_294] : memref<4x64x128xf32, #tpu.memory_space<vmem>> -> memref<1x64x128xf32, #tpu.memory_space<vmem>>
          %dma_wait3A_296 = tpu.memref_squeeze %dma_wait3A_295 : memref<1x64x128xf32, #tpu.memory_space<vmem>> -> memref<64x128xf32, #tpu.memory_space<vmem>>
          %dma_wait3A_297 = arith.constant 0 : i32
          %dma_wait3A_298 = tpu.memref_slice %arg9[%rem3A_74, %run_scoped3A_133, %dma_wait3A_297] : memref<2x8x64xi32, #tpu.memory_space<vmem>> -> memref<1x1x64xi32, #tpu.memory_space<vmem>>
          %dma_wait3A_299 = tpu.memref_squeeze %dma_wait3A_298 : memref<1x1x64xi32, #tpu.memory_space<vmem>> -> memref<64xi32, #tpu.memory_space<vmem>>
          %dma_wait3A_300 = arith.constant 0 : i32
          %dma_wait3A_301 = arith.constant 0 : i32
          %dma_wait3A_302 = tpu.memref_slice %arg12[%dma_wait3A_300, %dma_wait3A_301] : memref<10240x128xf32, #tpu.memory_space<vmem_shared>> -> memref<10240x128xf32, #tpu.memory_space<vmem_shared>>
          tpu.wait_indirect_dma semaphore(%run_scoped3A_282 : memref<!tpu.dma_semaphore, #tpu.memory_space<semaphore_mem>>) src(%dma_wait3A_296 : memref<64x128xf32, #tpu.memory_space<vmem>>) dst(%dma_wait3A_302 : memref<10240x128xf32, #tpu.memory_space<vmem_shared>>)
          tpu.yield
        }) : () -> ()
        %dma_wait3A_134 = arith.constant 0 : i32
        %dma_wait3A_135 = arith.constant 0 : i32
        %dma_wait3A_136 = arith.constant 2 : i32
        %dma_wait3A_137 = arith.constant 0 : i32
        %dma_wait3A_138 = arith.constant 0 : i32
        %dma_wait3A_139 = tpu.memref_slice %arg10[%dma_wait3A_136, %dma_wait3A_137, %dma_wait3A_138] : memref<4x64x128xf32, #tpu.memory_space<vmem>> -> memref<1x64x128xf32, #tpu.memory_space<vmem>>
        %dma_wait3A_140 = tpu.memref_squeeze %dma_wait3A_139 : memref<1x64x128xf32, #tpu.memory_space<vmem>> -> memref<64x128xf32, #tpu.memory_space<vmem>>
        %dma_wait3A_141 = arith.constant 0 : i32
        %dma_wait3A_142 = tpu.memref_slice %arg8[%dma_wait3A_134, %dma_wait3A_135, %dma_wait3A_141] : memref<2x8x64xi32, #tpu.memory_space<vmem>> -> memref<1x1x64xi32, #tpu.memory_space<vmem>>
        %dma_wait3A_143 = tpu.memref_squeeze %dma_wait3A_142 : memref<1x1x64xi32, #tpu.memory_space<vmem>> -> memref<64xi32, #tpu.memory_space<vmem>>
        %dma_wait3A_144 = arith.constant 0 : i32
        %dma_wait3A_145 = arith.constant 0 : i32
        %dma_wait3A_146 = tpu.memref_slice %arg5[%dma_wait3A_144, %dma_wait3A_145] : memref<10240x128xf32, #tpu.memory_space<hbm>> -> memref<10240x128xf32, #tpu.memory_space<hbm>>
        tpu.wait_indirect_dma semaphore(%arg15 : memref<!tpu.dma_semaphore, #tpu.memory_space<semaphore_mem>>) src(%dma_wait3A_146 : memref<10240x128xf32, #tpu.memory_space<hbm>>) dst(%dma_wait3A_140 : memref<64x128xf32, #tpu.memory_space<vmem>>)
        %dma_start3A_147 = arith.constant 5 : i32
        %dma_start3A_148 = arith.constant 1 : i32
        %dma_start3A_149 = arith.constant 0 : i32
        %dma_start3A_150 = arith.constant 0 : i32
        %dma_start3A_151 = tpu.memref_slice %arg10[%dma_start3A_148, %dma_start3A_149, %dma_start3A_150] : memref<4x64x128xf32, #tpu.memory_space<vmem>> -> memref<1x64x128xf32, #tpu.memory_space<vmem>>
        %dma_start3A_152 = tpu.memref_squeeze %dma_start3A_151 : memref<1x64x128xf32, #tpu.memory_space<vmem>> -> memref<64x128xf32, #tpu.memory_space<vmem>>
        %dma_start3A_153 = arith.constant 0 : i32
        %dma_start3A_154 = tpu.memref_slice %arg8[%rem3A_74, %dma_start3A_147, %dma_start3A_153] : memref<2x8x64xi32, #tpu.memory_space<vmem>> -> memref<1x1x64xi32, #tpu.memory_space<vmem>>
        %dma_start3A_155 = tpu.memref_squeeze %dma_start3A_154 : memref<1x1x64xi32, #tpu.memory_space<vmem>> -> memref<64xi32, #tpu.memory_space<vmem>>
        %dma_start3A_156 = arith.constant 0 : i32
        %dma_start3A_157 = arith.constant 0 : i32
        %dma_start3A_158 = tpu.memref_slice %arg5[%dma_start3A_156, %dma_start3A_157] : memref<10240x128xf32, #tpu.memory_space<hbm>> -> memref<10240x128xf32, #tpu.memory_space<hbm>>
        tpu.enqueue_indirect_dma source(%dma_start3A_158 : memref<10240x128xf32, #tpu.memory_space<hbm>>) target(%dma_start3A_152 : memref<64x128xf32, #tpu.memory_space<vmem>>) offsets(%dma_start3A_155 : memref<64xi32, #tpu.memory_space<vmem>>) semaphore(%arg14 : memref<!tpu.dma_semaphore, #tpu.memory_space<semaphore_mem>>)
        %run_scoped3A_159 = arith.constant 2 : i32
        %run_scoped3A_160 = arith.constant 2 : i32
        "tpu.region"() ({
          %run_scoped3A_282 = tpu.sem_alloc : memref<!tpu.dma_semaphore, #tpu.memory_space<semaphore_mem>>
          %dma_start3A_283 = arith.constant 0 : i32
          %dma_start3A_284 = arith.constant 0 : i32
          %dma_start3A_285 = tpu.memref_slice %arg10[%run_scoped3A_159, %dma_start3A_283, %dma_start3A_284] : memref<4x64x128xf32, #tpu.memory_space<vmem>> -> memref<1x64x128xf32, #tpu.memory_space<vmem>>
          %dma_start3A_286 = tpu.memref_squeeze %dma_start3A_285 : memref<1x64x128xf32, #tpu.memory_space<vmem>> -> memref<64x128xf32, #tpu.memory_space<vmem>>
          %dma_start3A_287 = arith.constant 0 : i32
          %dma_start3A_288 = tpu.memref_slice %arg9[%rem3A_74, %run_scoped3A_160, %dma_start3A_287] : memref<2x8x64xi32, #tpu.memory_space<vmem>> -> memref<1x1x64xi32, #tpu.memory_space<vmem>>
          %dma_start3A_289 = tpu.memref_squeeze %dma_start3A_288 : memref<1x1x64xi32, #tpu.memory_space<vmem>> -> memref<64xi32, #tpu.memory_space<vmem>>
          %dma_start3A_290 = arith.constant 0 : i32
          %dma_start3A_291 = arith.constant 0 : i32
          %dma_start3A_292 = tpu.memref_slice %arg12[%dma_start3A_290, %dma_start3A_291] : memref<10240x128xf32, #tpu.memory_space<vmem_shared>> -> memref<10240x128xf32, #tpu.memory_space<vmem_shared>>
          tpu.enqueue_indirect_dma source(%dma_start3A_286 : memref<64x128xf32, #tpu.memory_space<vmem>>) target(%dma_start3A_292 : memref<10240x128xf32, #tpu.memory_space<vmem_shared>>) offsets(%dma_start3A_289 : memref<64xi32, #tpu.memory_space<vmem>>) semaphore(%run_scoped3A_282 : memref<!tpu.dma_semaphore, #tpu.memory_space<semaphore_mem>>) {add = true}
          %dma_wait3A_293 = arith.constant 0 : i32
          %dma_wait3A_294 = arith.constant 0 : i32
          %dma_wait3A_295 = tpu.memref_slice %arg10[%run_scoped3A_159, %dma_wait3A_293, %dma_wait3A_294] : memref<4x64x128xf32, #tpu.memory_space<vmem>> -> memref<1x64x128xf32, #tpu.memory_space<vmem>>
          %dma_wait3A_296 = tpu.memref_squeeze %dma_wait3A_295 : memref<1x64x128xf32, #tpu.memory_space<vmem>> -> memref<64x128xf32, #tpu.memory_space<vmem>>
          %dma_wait3A_297 = arith.constant 0 : i32
          %dma_wait3A_298 = tpu.memref_slice %arg9[%rem3A_74, %run_scoped3A_160, %dma_wait3A_297] : memref<2x8x64xi32, #tpu.memory_space<vmem>> -> memref<1x1x64xi32, #tpu.memory_space<vmem>>
          %dma_wait3A_299 = tpu.memref_squeeze %dma_wait3A_298 : memref<1x1x64xi32, #tpu.memory_space<vmem>> -> memref<64xi32, #tpu.memory_space<vmem>>
          %dma_wait3A_300 = arith.constant 0 : i32
          %dma_wait3A_301 = arith.constant 0 : i32
          %dma_wait3A_302 = tpu.memref_slice %arg12[%dma_wait3A_300, %dma_wait3A_301] : memref<10240x128xf32, #tpu.memory_space<vmem_shared>> -> memref<10240x128xf32, #tpu.memory_space<vmem_shared>>
          tpu.wait_indirect_dma semaphore(%run_scoped3A_282 : memref<!tpu.dma_semaphore, #tpu.memory_space<semaphore_mem>>) src(%dma_wait3A_296 : memref<64x128xf32, #tpu.memory_space<vmem>>) dst(%dma_wait3A_302 : memref<10240x128xf32, #tpu.memory_space<vmem_shared>>)
          tpu.yield
        }) : () -> ()
        %dma_wait3A_161 = arith.constant 0 : i32
        %dma_wait3A_162 = arith.constant 0 : i32
        %dma_wait3A_163 = arith.constant 3 : i32
        %dma_wait3A_164 = arith.constant 0 : i32
        %dma_wait3A_165 = arith.constant 0 : i32
        %dma_wait3A_166 = tpu.memref_slice %arg10[%dma_wait3A_163, %dma_wait3A_164, %dma_wait3A_165] : memref<4x64x128xf32, #tpu.memory_space<vmem>> -> memref<1x64x128xf32, #tpu.memory_space<vmem>>
        %dma_wait3A_167 = tpu.memref_squeeze %dma_wait3A_166 : memref<1x64x128xf32, #tpu.memory_space<vmem>> -> memref<64x128xf32, #tpu.memory_space<vmem>>
        %dma_wait3A_168 = arith.constant 0 : i32
        %dma_wait3A_169 = tpu.memref_slice %arg8[%dma_wait3A_161, %dma_wait3A_162, %dma_wait3A_168] : memref<2x8x64xi32, #tpu.memory_space<vmem>> -> memref<1x1x64xi32, #tpu.memory_space<vmem>>
        %dma_wait3A_170 = tpu.memref_squeeze %dma_wait3A_169 : memref<1x1x64xi32, #tpu.memory_space<vmem>> -> memref<64xi32, #tpu.memory_space<vmem>>
        %dma_wait3A_171 = arith.constant 0 : i32
        %dma_wait3A_172 = arith.constant 0 : i32
        %dma_wait3A_173 = tpu.memref_slice %arg5[%dma_wait3A_171, %dma_wait3A_172] : memref<10240x128xf32, #tpu.memory_space<hbm>> -> memref<10240x128xf32, #tpu.memory_space<hbm>>
        tpu.wait_indirect_dma semaphore(%arg16 : memref<!tpu.dma_semaphore, #tpu.memory_space<semaphore_mem>>) src(%dma_wait3A_173 : memref<10240x128xf32, #tpu.memory_space<hbm>>) dst(%dma_wait3A_167 : memref<64x128xf32, #tpu.memory_space<vmem>>)
        %dma_start3A_174 = arith.constant 6 : i32
        %dma_start3A_175 = arith.constant 2 : i32
        %dma_start3A_176 = arith.constant 0 : i32
        %dma_start3A_177 = arith.constant 0 : i32
        %dma_start3A_178 = tpu.memref_slice %arg10[%dma_start3A_175, %dma_start3A_176, %dma_start3A_177] : memref<4x64x128xf32, #tpu.memory_space<vmem>> -> memref<1x64x128xf32, #tpu.memory_space<vmem>>
        %dma_start3A_179 = tpu.memref_squeeze %dma_start3A_178 : memref<1x64x128xf32, #tpu.memory_space<vmem>> -> memref<64x128xf32, #tpu.memory_space<vmem>>
        %dma_start3A_180 = arith.constant 0 : i32
        %dma_start3A_181 = tpu.memref_slice %arg8[%rem3A_74, %dma_start3A_174, %dma_start3A_180] : memref<2x8x64xi32, #tpu.memory_space<vmem>> -> memref<1x1x64xi32, #tpu.memory_space<vmem>>
        %dma_start3A_182 = tpu.memref_squeeze %dma_start3A_181 : memref<1x1x64xi32, #tpu.memory_space<vmem>> -> memref<64xi32, #tpu.memory_space<vmem>>
        %dma_start3A_183 = arith.constant 0 : i32
        %dma_start3A_184 = arith.constant 0 : i32
        %dma_start3A_185 = tpu.memref_slice %arg5[%dma_start3A_183, %dma_start3A_184] : memref<10240x128xf32, #tpu.memory_space<hbm>> -> memref<10240x128xf32, #tpu.memory_space<hbm>>
        tpu.enqueue_indirect_dma source(%dma_start3A_185 : memref<10240x128xf32, #tpu.memory_space<hbm>>) target(%dma_start3A_179 : memref<64x128xf32, #tpu.memory_space<vmem>>) offsets(%dma_start3A_182 : memref<64xi32, #tpu.memory_space<vmem>>) semaphore(%arg15 : memref<!tpu.dma_semaphore, #tpu.memory_space<semaphore_mem>>)
        %run_scoped3A_186 = arith.constant 3 : i32
        %run_scoped3A_187 = arith.constant 3 : i32
        "tpu.region"() ({
          %run_scoped3A_282 = tpu.sem_alloc : memref<!tpu.dma_semaphore, #tpu.memory_space<semaphore_mem>>
          %dma_start3A_283 = arith.constant 0 : i32
          %dma_start3A_284 = arith.constant 0 : i32
          %dma_start3A_285 = tpu.memref_slice %arg10[%run_scoped3A_186, %dma_start3A_283, %dma_start3A_284] : memref<4x64x128xf32, #tpu.memory_space<vmem>> -> memref<1x64x128xf32, #tpu.memory_space<vmem>>
          %dma_start3A_286 = tpu.memref_squeeze %dma_start3A_285 : memref<1x64x128xf32, #tpu.memory_space<vmem>> -> memref<64x128xf32, #tpu.memory_space<vmem>>
          %dma_start3A_287 = arith.constant 0 : i32
          %dma_start3A_288 = tpu.memref_slice %arg9[%rem3A_74, %run_scoped3A_187, %dma_start3A_287] : memref<2x8x64xi32, #tpu.memory_space<vmem>> -> memref<1x1x64xi32, #tpu.memory_space<vmem>>
          %dma_start3A_289 = tpu.memref_squeeze %dma_start3A_288 : memref<1x1x64xi32, #tpu.memory_space<vmem>> -> memref<64xi32, #tpu.memory_space<vmem>>
          %dma_start3A_290 = arith.constant 0 : i32
          %dma_start3A_291 = arith.constant 0 : i32
          %dma_start3A_292 = tpu.memref_slice %arg12[%dma_start3A_290, %dma_start3A_291] : memref<10240x128xf32, #tpu.memory_space<vmem_shared>> -> memref<10240x128xf32, #tpu.memory_space<vmem_shared>>
          tpu.enqueue_indirect_dma source(%dma_start3A_286 : memref<64x128xf32, #tpu.memory_space<vmem>>) target(%dma_start3A_292 : memref<10240x128xf32, #tpu.memory_space<vmem_shared>>) offsets(%dma_start3A_289 : memref<64xi32, #tpu.memory_space<vmem>>) semaphore(%run_scoped3A_282 : memref<!tpu.dma_semaphore, #tpu.memory_space<semaphore_mem>>) {add = true}
          %dma_wait3A_293 = arith.constant 0 : i32
          %dma_wait3A_294 = arith.constant 0 : i32
          %dma_wait3A_295 = tpu.memref_slice %arg10[%run_scoped3A_186, %dma_wait3A_293, %dma_wait3A_294] : memref<4x64x128xf32, #tpu.memory_space<vmem>> -> memref<1x64x128xf32, #tpu.memory_space<vmem>>
          %dma_wait3A_296 = tpu.memref_squeeze %dma_wait3A_295 : memref<1x64x128xf32, #tpu.memory_space<vmem>> -> memref<64x128xf32, #tpu.memory_space<vmem>>
          %dma_wait3A_297 = arith.constant 0 : i32
          %dma_wait3A_298 = tpu.memref_slice %arg9[%rem3A_74, %run_scoped3A_187, %dma_wait3A_297] : memref<2x8x64xi32, #tpu.memory_space<vmem>> -> memref<1x1x64xi32, #tpu.memory_space<vmem>>
          %dma_wait3A_299 = tpu.memref_squeeze %dma_wait3A_298 : memref<1x1x64xi32, #tpu.memory_space<vmem>> -> memref<64xi32, #tpu.memory_space<vmem>>
          %dma_wait3A_300 = arith.constant 0 : i32
          %dma_wait3A_301 = arith.constant 0 : i32
          %dma_wait3A_302 = tpu.memref_slice %arg12[%dma_wait3A_300, %dma_wait3A_301] : memref<10240x128xf32, #tpu.memory_space<vmem_shared>> -> memref<10240x128xf32, #tpu.memory_space<vmem_shared>>
          tpu.wait_indirect_dma semaphore(%run_scoped3A_282 : memref<!tpu.dma_semaphore, #tpu.memory_space<semaphore_mem>>) src(%dma_wait3A_296 : memref<64x128xf32, #tpu.memory_space<vmem>>) dst(%dma_wait3A_302 : memref<10240x128xf32, #tpu.memory_space<vmem_shared>>)
          tpu.yield
        }) : () -> ()
        %dma_wait3A_188 = arith.constant 0 : i32
        %dma_wait3A_189 = arith.constant 0 : i32
        %dma_wait3A_190 = arith.constant 0 : i32
        %dma_wait3A_191 = arith.constant 0 : i32
        %dma_wait3A_192 = arith.constant 0 : i32
        %dma_wait3A_193 = tpu.memref_slice %arg10[%dma_wait3A_190, %dma_wait3A_191, %dma_wait3A_192] : memref<4x64x128xf32, #tpu.memory_space<vmem>> -> memref<1x64x128xf32, #tpu.memory_space<vmem>>
        %dma_wait3A_194 = tpu.memref_squeeze %dma_wait3A_193 : memref<1x64x128xf32, #tpu.memory_space<vmem>> -> memref<64x128xf32, #tpu.memory_space<vmem>>
        %dma_wait3A_195 = arith.constant 0 : i32
        %dma_wait3A_196 = tpu.memref_slice %arg8[%dma_wait3A_188, %dma_wait3A_189, %dma_wait3A_195] : memref<2x8x64xi32, #tpu.memory_space<vmem>> -> memref<1x1x64xi32, #tpu.memory_space<vmem>>
        %dma_wait3A_197 = tpu.memref_squeeze %dma_wait3A_196 : memref<1x1x64xi32, #tpu.memory_space<vmem>> -> memref<64xi32, #tpu.memory_space<vmem>>
        %dma_wait3A_198 = arith.constant 0 : i32
        %dma_wait3A_199 = arith.constant 0 : i32
        %dma_wait3A_200 = tpu.memref_slice %arg5[%dma_wait3A_198, %dma_wait3A_199] : memref<10240x128xf32, #tpu.memory_space<hbm>> -> memref<10240x128xf32, #tpu.memory_space<hbm>>
        tpu.wait_indirect_dma semaphore(%arg13 : memref<!tpu.dma_semaphore, #tpu.memory_space<semaphore_mem>>) src(%dma_wait3A_200 : memref<10240x128xf32, #tpu.memory_space<hbm>>) dst(%dma_wait3A_194 : memref<64x128xf32, #tpu.memory_space<vmem>>)
        %dma_start3A_201 = arith.constant 7 : i32
        %dma_start3A_202 = arith.constant 3 : i32
        %dma_start3A_203 = arith.constant 0 : i32
        %dma_start3A_204 = arith.constant 0 : i32
        %dma_start3A_205 = tpu.memref_slice %arg10[%dma_start3A_202, %dma_start3A_203, %dma_start3A_204] : memref<4x64x128xf32, #tpu.memory_space<vmem>> -> memref<1x64x128xf32, #tpu.memory_space<vmem>>
        %dma_start3A_206 = tpu.memref_squeeze %dma_start3A_205 : memref<1x64x128xf32, #tpu.memory_space<vmem>> -> memref<64x128xf32, #tpu.memory_space<vmem>>
        %dma_start3A_207 = arith.constant 0 : i32
        %dma_start3A_208 = tpu.memref_slice %arg8[%rem3A_74, %dma_start3A_201, %dma_start3A_207] : memref<2x8x64xi32, #tpu.memory_space<vmem>> -> memref<1x1x64xi32, #tpu.memory_space<vmem>>
        %dma_start3A_209 = tpu.memref_squeeze %dma_start3A_208 : memref<1x1x64xi32, #tpu.memory_space<vmem>> -> memref<64xi32, #tpu.memory_space<vmem>>
        %dma_start3A_210 = arith.constant 0 : i32
        %dma_start3A_211 = arith.constant 0 : i32
        %dma_start3A_212 = tpu.memref_slice %arg5[%dma_start3A_210, %dma_start3A_211] : memref<10240x128xf32, #tpu.memory_space<hbm>> -> memref<10240x128xf32, #tpu.memory_space<hbm>>
        tpu.enqueue_indirect_dma source(%dma_start3A_212 : memref<10240x128xf32, #tpu.memory_space<hbm>>) target(%dma_start3A_206 : memref<64x128xf32, #tpu.memory_space<vmem>>) offsets(%dma_start3A_209 : memref<64xi32, #tpu.memory_space<vmem>>) semaphore(%arg16 : memref<!tpu.dma_semaphore, #tpu.memory_space<semaphore_mem>>)
        %run_scoped3A_213 = arith.constant 0 : i32
        %run_scoped3A_214 = arith.constant 4 : i32
        "tpu.region"() ({
          %run_scoped3A_282 = tpu.sem_alloc : memref<!tpu.dma_semaphore, #tpu.memory_space<semaphore_mem>>
          %dma_start3A_283 = arith.constant 0 : i32
          %dma_start3A_284 = arith.constant 0 : i32
          %dma_start3A_285 = tpu.memref_slice %arg10[%run_scoped3A_213, %dma_start3A_283, %dma_start3A_284] : memref<4x64x128xf32, #tpu.memory_space<vmem>> -> memref<1x64x128xf32, #tpu.memory_space<vmem>>
          %dma_start3A_286 = tpu.memref_squeeze %dma_start3A_285 : memref<1x64x128xf32, #tpu.memory_space<vmem>> -> memref<64x128xf32, #tpu.memory_space<vmem>>
          %dma_start3A_287 = arith.constant 0 : i32
          %dma_start3A_288 = tpu.memref_slice %arg9[%rem3A_74, %run_scoped3A_214, %dma_start3A_287] : memref<2x8x64xi32, #tpu.memory_space<vmem>> -> memref<1x1x64xi32, #tpu.memory_space<vmem>>
          %dma_start3A_289 = tpu.memref_squeeze %dma_start3A_288 : memref<1x1x64xi32, #tpu.memory_space<vmem>> -> memref<64xi32, #tpu.memory_space<vmem>>
          %dma_start3A_290 = arith.constant 0 : i32
          %dma_start3A_291 = arith.constant 0 : i32
          %dma_start3A_292 = tpu.memref_slice %arg12[%dma_start3A_290, %dma_start3A_291] : memref<10240x128xf32, #tpu.memory_space<vmem_shared>> -> memref<10240x128xf32, #tpu.memory_space<vmem_shared>>
          tpu.enqueue_indirect_dma source(%dma_start3A_286 : memref<64x128xf32, #tpu.memory_space<vmem>>) target(%dma_start3A_292 : memref<10240x128xf32, #tpu.memory_space<vmem_shared>>) offsets(%dma_start3A_289 : memref<64xi32, #tpu.memory_space<vmem>>) semaphore(%run_scoped3A_282 : memref<!tpu.dma_semaphore, #tpu.memory_space<semaphore_mem>>) {add = true}
          %dma_wait3A_293 = arith.constant 0 : i32
          %dma_wait3A_294 = arith.constant 0 : i32
          %dma_wait3A_295 = tpu.memref_slice %arg10[%run_scoped3A_213, %dma_wait3A_293, %dma_wait3A_294] : memref<4x64x128xf32, #tpu.memory_space<vmem>> -> memref<1x64x128xf32, #tpu.memory_space<vmem>>
          %dma_wait3A_296 = tpu.memref_squeeze %dma_wait3A_295 : memref<1x64x128xf32, #tpu.memory_space<vmem>> -> memref<64x128xf32, #tpu.memory_space<vmem>>
          %dma_wait3A_297 = arith.constant 0 : i32
          %dma_wait3A_298 = tpu.memref_slice %arg9[%rem3A_74, %run_scoped3A_214, %dma_wait3A_297] : memref<2x8x64xi32, #tpu.memory_space<vmem>> -> memref<1x1x64xi32, #tpu.memory_space<vmem>>
          %dma_wait3A_299 = tpu.memref_squeeze %dma_wait3A_298 : memref<1x1x64xi32, #tpu.memory_space<vmem>> -> memref<64xi32, #tpu.memory_space<vmem>>
          %dma_wait3A_300 = arith.constant 0 : i32
          %dma_wait3A_301 = arith.constant 0 : i32
          %dma_wait3A_302 = tpu.memref_slice %arg12[%dma_wait3A_300, %dma_wait3A_301] : memref<10240x128xf32, #tpu.memory_space<vmem_shared>> -> memref<10240x128xf32, #tpu.memory_space<vmem_shared>>
          tpu.wait_indirect_dma semaphore(%run_scoped3A_282 : memref<!tpu.dma_semaphore, #tpu.memory_space<semaphore_mem>>) src(%dma_wait3A_296 : memref<64x128xf32, #tpu.memory_space<vmem>>) dst(%dma_wait3A_302 : memref<10240x128xf32, #tpu.memory_space<vmem_shared>>)
          tpu.yield
        }) : () -> ()
        %dma_wait3A_215 = arith.constant 0 : i32
        %dma_wait3A_216 = arith.constant 0 : i32
        %dma_wait3A_217 = arith.constant 1 : i32
        %dma_wait3A_218 = arith.constant 0 : i32
        %dma_wait3A_219 = arith.constant 0 : i32
        %dma_wait3A_220 = tpu.memref_slice %arg10[%dma_wait3A_217, %dma_wait3A_218, %dma_wait3A_219] : memref<4x64x128xf32, #tpu.memory_space<vmem>> -> memref<1x64x128xf32, #tpu.memory_space<vmem>>
        %dma_wait3A_221 = tpu.memref_squeeze %dma_wait3A_220 : memref<1x64x128xf32, #tpu.memory_space<vmem>> -> memref<64x128xf32, #tpu.memory_space<vmem>>
        %dma_wait3A_222 = arith.constant 0 : i32
        %dma_wait3A_223 = tpu.memref_slice %arg8[%dma_wait3A_215, %dma_wait3A_216, %dma_wait3A_222] : memref<2x8x64xi32, #tpu.memory_space<vmem>> -> memref<1x1x64xi32, #tpu.memory_space<vmem>>
        %dma_wait3A_224 = tpu.memref_squeeze %dma_wait3A_223 : memref<1x1x64xi32, #tpu.memory_space<vmem>> -> memref<64xi32, #tpu.memory_space<vmem>>
        %dma_wait3A_225 = arith.constant 0 : i32
        %dma_wait3A_226 = arith.constant 0 : i32
        %dma_wait3A_227 = tpu.memref_slice %arg5[%dma_wait3A_225, %dma_wait3A_226] : memref<10240x128xf32, #tpu.memory_space<hbm>> -> memref<10240x128xf32, #tpu.memory_space<hbm>>
        tpu.wait_indirect_dma semaphore(%arg14 : memref<!tpu.dma_semaphore, #tpu.memory_space<semaphore_mem>>) src(%dma_wait3A_227 : memref<10240x128xf32, #tpu.memory_space<hbm>>) dst(%dma_wait3A_221 : memref<64x128xf32, #tpu.memory_space<vmem>>)
        %add3A_228 = arith.constant 1 : i32
        %add3A_229 = arith.addi %scan3A_72, %add3A_228 : i32
        %lt3A_230 = arith.constant 40 : i32
        %lt3A_231 = arith.cmpi slt, %add3A_229, %lt3A_230 : i32
        %convert_element_type3A_232 = arith.extui %lt3A_231 : i1 to i32
        %cond3A_233 = arith.constant 0 : i32
        %cond3A_234 = arith.cmpi ne, %convert_element_type3A_232, %cond3A_233 : i32
        scf.if %cond3A_234 {
          %dma_start3A_282 = arith.constant 0 : i32
          %dma_start3A_283 = arith.constant 0 : i32
          %dma_start3A_284 = arith.constant 0 : i32
          %dma_start3A_285 = arith.constant 0 : i32
          %dma_start3A_286 = tpu.memref_slice %arg10[%dma_start3A_283, %dma_start3A_284, %dma_start3A_285] : memref<4x64x128xf32, #tpu.memory_space<vmem>> -> memref<1x64x128xf32, #tpu.memory_space<vmem>>
          %dma_start3A_287 = tpu.memref_squeeze %dma_start3A_286 : memref<1x64x128xf32, #tpu.memory_space<vmem>> -> memref<64x128xf32, #tpu.memory_space<vmem>>
          %dma_start3A_288 = arith.constant 0 : i32
          %dma_start3A_289 = tpu.memref_slice %arg8[%sub3A_75, %dma_start3A_282, %dma_start3A_288] : memref<2x8x64xi32, #tpu.memory_space<vmem>> -> memref<1x1x64xi32, #tpu.memory_space<vmem>>
          %dma_start3A_290 = tpu.memref_squeeze %dma_start3A_289 : memref<1x1x64xi32, #tpu.memory_space<vmem>> -> memref<64xi32, #tpu.memory_space<vmem>>
          %dma_start3A_291 = arith.constant 0 : i32
          %dma_start3A_292 = arith.constant 0 : i32
          %dma_start3A_293 = tpu.memref_slice %arg5[%dma_start3A_291, %dma_start3A_292] : memref<10240x128xf32, #tpu.memory_space<hbm>> -> memref<10240x128xf32, #tpu.memory_space<hbm>>
          tpu.enqueue_indirect_dma source(%dma_start3A_293 : memref<10240x128xf32, #tpu.memory_space<hbm>>) target(%dma_start3A_287 : memref<64x128xf32, #tpu.memory_space<vmem>>) offsets(%dma_start3A_290 : memref<64xi32, #tpu.memory_space<vmem>>) semaphore(%arg13 : memref<!tpu.dma_semaphore, #tpu.memory_space<semaphore_mem>>)
        } else {
        }
        %run_scoped3A_235 = arith.constant 1 : i32
        %run_scoped3A_236 = arith.constant 5 : i32
        "tpu.region"() ({
          %run_scoped3A_282 = tpu.sem_alloc : memref<!tpu.dma_semaphore, #tpu.memory_space<semaphore_mem>>
          %dma_start3A_283 = arith.constant 0 : i32
          %dma_start3A_284 = arith.constant 0 : i32
          %dma_start3A_285 = tpu.memref_slice %arg10[%run_scoped3A_235, %dma_start3A_283, %dma_start3A_284] : memref<4x64x128xf32, #tpu.memory_space<vmem>> -> memref<1x64x128xf32, #tpu.memory_space<vmem>>
          %dma_start3A_286 = tpu.memref_squeeze %dma_start3A_285 : memref<1x64x128xf32, #tpu.memory_space<vmem>> -> memref<64x128xf32, #tpu.memory_space<vmem>>
          %dma_start3A_287 = arith.constant 0 : i32
          %dma_start3A_288 = tpu.memref_slice %arg9[%rem3A_74, %run_scoped3A_236, %dma_start3A_287] : memref<2x8x64xi32, #tpu.memory_space<vmem>> -> memref<1x1x64xi32, #tpu.memory_space<vmem>>
          %dma_start3A_289 = tpu.memref_squeeze %dma_start3A_288 : memref<1x1x64xi32, #tpu.memory_space<vmem>> -> memref<64xi32, #tpu.memory_space<vmem>>
          %dma_start3A_290 = arith.constant 0 : i32
          %dma_start3A_291 = arith.constant 0 : i32
          %dma_start3A_292 = tpu.memref_slice %arg12[%dma_start3A_290, %dma_start3A_291] : memref<10240x128xf32, #tpu.memory_space<vmem_shared>> -> memref<10240x128xf32, #tpu.memory_space<vmem_shared>>
          tpu.enqueue_indirect_dma source(%dma_start3A_286 : memref<64x128xf32, #tpu.memory_space<vmem>>) target(%dma_start3A_292 : memref<10240x128xf32, #tpu.memory_space<vmem_shared>>) offsets(%dma_start3A_289 : memref<64xi32, #tpu.memory_space<vmem>>) semaphore(%run_scoped3A_282 : memref<!tpu.dma_semaphore, #tpu.memory_space<semaphore_mem>>) {add = true}
          %dma_wait3A_293 = arith.constant 0 : i32
          %dma_wait3A_294 = arith.constant 0 : i32
          %dma_wait3A_295 = tpu.memref_slice %arg10[%run_scoped3A_235, %dma_wait3A_293, %dma_wait3A_294] : memref<4x64x128xf32, #tpu.memory_space<vmem>> -> memref<1x64x128xf32, #tpu.memory_space<vmem>>
          %dma_wait3A_296 = tpu.memref_squeeze %dma_wait3A_295 : memref<1x64x128xf32, #tpu.memory_space<vmem>> -> memref<64x128xf32, #tpu.memory_space<vmem>>
          %dma_wait3A_297 = arith.constant 0 : i32
          %dma_wait3A_298 = tpu.memref_slice %arg9[%rem3A_74, %run_scoped3A_236, %dma_wait3A_297] : memref<2x8x64xi32, #tpu.memory_space<vmem>> -> memref<1x1x64xi32, #tpu.memory_space<vmem>>
          %dma_wait3A_299 = tpu.memref_squeeze %dma_wait3A_298 : memref<1x1x64xi32, #tpu.memory_space<vmem>> -> memref<64xi32, #tpu.memory_space<vmem>>
          %dma_wait3A_300 = arith.constant 0 : i32
          %dma_wait3A_301 = arith.constant 0 : i32
          %dma_wait3A_302 = tpu.memref_slice %arg12[%dma_wait3A_300, %dma_wait3A_301] : memref<10240x128xf32, #tpu.memory_space<vmem_shared>> -> memref<10240x128xf32, #tpu.memory_space<vmem_shared>>
          tpu.wait_indirect_dma semaphore(%run_scoped3A_282 : memref<!tpu.dma_semaphore, #tpu.memory_space<semaphore_mem>>) src(%dma_wait3A_296 : memref<64x128xf32, #tpu.memory_space<vmem>>) dst(%dma_wait3A_302 : memref<10240x128xf32, #tpu.memory_space<vmem_shared>>)
          tpu.yield
        }) : () -> ()
        %dma_wait3A_237 = arith.constant 0 : i32
        %dma_wait3A_238 = arith.constant 0 : i32
        %dma_wait3A_239 = arith.constant 2 : i32
        %dma_wait3A_240 = arith.constant 0 : i32
        %dma_wait3A_241 = arith.constant 0 : i32
        %dma_wait3A_242 = tpu.memref_slice %arg10[%dma_wait3A_239, %dma_wait3A_240, %dma_wait3A_241] : memref<4x64x128xf32, #tpu.memory_space<vmem>> -> memref<1x64x128xf32, #tpu.memory_space<vmem>>
        %dma_wait3A_243 = tpu.memref_squeeze %dma_wait3A_242 : memref<1x64x128xf32, #tpu.memory_space<vmem>> -> memref<64x128xf32, #tpu.memory_space<vmem>>
        %dma_wait3A_244 = arith.constant 0 : i32
        %dma_wait3A_245 = tpu.memref_slice %arg8[%dma_wait3A_237, %dma_wait3A_238, %dma_wait3A_244] : memref<2x8x64xi32, #tpu.memory_space<vmem>> -> memref<1x1x64xi32, #tpu.memory_space<vmem>>
        %dma_wait3A_246 = tpu.memref_squeeze %dma_wait3A_245 : memref<1x1x64xi32, #tpu.memory_space<vmem>> -> memref<64xi32, #tpu.memory_space<vmem>>
        %dma_wait3A_247 = arith.constant 0 : i32
        %dma_wait3A_248 = arith.constant 0 : i32
        %dma_wait3A_249 = tpu.memref_slice %arg5[%dma_wait3A_247, %dma_wait3A_248] : memref<10240x128xf32, #tpu.memory_space<hbm>> -> memref<10240x128xf32, #tpu.memory_space<hbm>>
        tpu.wait_indirect_dma semaphore(%arg15 : memref<!tpu.dma_semaphore, #tpu.memory_space<semaphore_mem>>) src(%dma_wait3A_249 : memref<10240x128xf32, #tpu.memory_space<hbm>>) dst(%dma_wait3A_243 : memref<64x128xf32, #tpu.memory_space<vmem>>)
        %add3A_250 = arith.constant 1 : i32
        %add3A_251 = arith.addi %scan3A_72, %add3A_250 : i32
        %lt3A_252 = arith.constant 40 : i32
        %lt3A_253 = arith.cmpi slt, %add3A_251, %lt3A_252 : i32
        %convert_element_type3A_254 = arith.extui %lt3A_253 : i1 to i32
        %cond3A_255 = arith.constant 0 : i32
        %cond3A_256 = arith.cmpi ne, %convert_element_type3A_254, %cond3A_255 : i32
        scf.if %cond3A_256 {
          %dma_start3A_282 = arith.constant 1 : i32
          %dma_start3A_283 = arith.constant 1 : i32
          %dma_start3A_284 = arith.constant 0 : i32
          %dma_start3A_285 = arith.constant 0 : i32
          %dma_start3A_286 = tpu.memref_slice %arg10[%dma_start3A_283, %dma_start3A_284, %dma_start3A_285] : memref<4x64x128xf32, #tpu.memory_space<vmem>> -> memref<1x64x128xf32, #tpu.memory_space<vmem>>
          %dma_start3A_287 = tpu.memref_squeeze %dma_start3A_286 : memref<1x64x128xf32, #tpu.memory_space<vmem>> -> memref<64x128xf32, #tpu.memory_space<vmem>>
          %dma_start3A_288 = arith.constant 0 : i32
          %dma_start3A_289 = tpu.memref_slice %arg8[%sub3A_75, %dma_start3A_282, %dma_start3A_288] : memref<2x8x64xi32, #tpu.memory_space<vmem>> -> memref<1x1x64xi32, #tpu.memory_space<vmem>>
          %dma_start3A_290 = tpu.memref_squeeze %dma_start3A_289 : memref<1x1x64xi32, #tpu.memory_space<vmem>> -> memref<64xi32, #tpu.memory_space<vmem>>
          %dma_start3A_291 = arith.constant 0 : i32
          %dma_start3A_292 = arith.constant 0 : i32
          %dma_start3A_293 = tpu.memref_slice %arg5[%dma_start3A_291, %dma_start3A_292] : memref<10240x128xf32, #tpu.memory_space<hbm>> -> memref<10240x128xf32, #tpu.memory_space<hbm>>
          tpu.enqueue_indirect_dma source(%dma_start3A_293 : memref<10240x128xf32, #tpu.memory_space<hbm>>) target(%dma_start3A_287 : memref<64x128xf32, #tpu.memory_space<vmem>>) offsets(%dma_start3A_290 : memref<64xi32, #tpu.memory_space<vmem>>) semaphore(%arg14 : memref<!tpu.dma_semaphore, #tpu.memory_space<semaphore_mem>>)
        } else {
        }
        %run_scoped3A_257 = arith.constant 2 : i32
        %run_scoped3A_258 = arith.constant 6 : i32
        "tpu.region"() ({
          %run_scoped3A_282 = tpu.sem_alloc : memref<!tpu.dma_semaphore, #tpu.memory_space<semaphore_mem>>
          %dma_start3A_283 = arith.constant 0 : i32
          %dma_start3A_284 = arith.constant 0 : i32
          %dma_start3A_285 = tpu.memref_slice %arg10[%run_scoped3A_257, %dma_start3A_283, %dma_start3A_284] : memref<4x64x128xf32, #tpu.memory_space<vmem>> -> memref<1x64x128xf32, #tpu.memory_space<vmem>>
          %dma_start3A_286 = tpu.memref_squeeze %dma_start3A_285 : memref<1x64x128xf32, #tpu.memory_space<vmem>> -> memref<64x128xf32, #tpu.memory_space<vmem>>
          %dma_start3A_287 = arith.constant 0 : i32
          %dma_start3A_288 = tpu.memref_slice %arg9[%rem3A_74, %run_scoped3A_258, %dma_start3A_287] : memref<2x8x64xi32, #tpu.memory_space<vmem>> -> memref<1x1x64xi32, #tpu.memory_space<vmem>>
          %dma_start3A_289 = tpu.memref_squeeze %dma_start3A_288 : memref<1x1x64xi32, #tpu.memory_space<vmem>> -> memref<64xi32, #tpu.memory_space<vmem>>
          %dma_start3A_290 = arith.constant 0 : i32
          %dma_start3A_291 = arith.constant 0 : i32
          %dma_start3A_292 = tpu.memref_slice %arg12[%dma_start3A_290, %dma_start3A_291] : memref<10240x128xf32, #tpu.memory_space<vmem_shared>> -> memref<10240x128xf32, #tpu.memory_space<vmem_shared>>
          tpu.enqueue_indirect_dma source(%dma_start3A_286 : memref<64x128xf32, #tpu.memory_space<vmem>>) target(%dma_start3A_292 : memref<10240x128xf32, #tpu.memory_space<vmem_shared>>) offsets(%dma_start3A_289 : memref<64xi32, #tpu.memory_space<vmem>>) semaphore(%run_scoped3A_282 : memref<!tpu.dma_semaphore, #tpu.memory_space<semaphore_mem>>) {add = true}
          %dma_wait3A_293 = arith.constant 0 : i32
          %dma_wait3A_294 = arith.constant 0 : i32
          %dma_wait3A_295 = tpu.memref_slice %arg10[%run_scoped3A_257, %dma_wait3A_293, %dma_wait3A_294] : memref<4x64x128xf32, #tpu.memory_space<vmem>> -> memref<1x64x128xf32, #tpu.memory_space<vmem>>
          %dma_wait3A_296 = tpu.memref_squeeze %dma_wait3A_295 : memref<1x64x128xf32, #tpu.memory_space<vmem>> -> memref<64x128xf32, #tpu.memory_space<vmem>>
          %dma_wait3A_297 = arith.constant 0 : i32
          %dma_wait3A_298 = tpu.memref_slice %arg9[%rem3A_74, %run_scoped3A_258, %dma_wait3A_297] : memref<2x8x64xi32, #tpu.memory_space<vmem>> -> memref<1x1x64xi32, #tpu.memory_space<vmem>>
          %dma_wait3A_299 = tpu.memref_squeeze %dma_wait3A_298 : memref<1x1x64xi32, #tpu.memory_space<vmem>> -> memref<64xi32, #tpu.memory_space<vmem>>
          %dma_wait3A_300 = arith.constant 0 : i32
          %dma_wait3A_301 = arith.constant 0 : i32
          %dma_wait3A_302 = tpu.memref_slice %arg12[%dma_wait3A_300, %dma_wait3A_301] : memref<10240x128xf32, #tpu.memory_space<vmem_shared>> -> memref<10240x128xf32, #tpu.memory_space<vmem_shared>>
          tpu.wait_indirect_dma semaphore(%run_scoped3A_282 : memref<!tpu.dma_semaphore, #tpu.memory_space<semaphore_mem>>) src(%dma_wait3A_296 : memref<64x128xf32, #tpu.memory_space<vmem>>) dst(%dma_wait3A_302 : memref<10240x128xf32, #tpu.memory_space<vmem_shared>>)
          tpu.yield
        }) : () -> ()
        %dma_wait3A_259 = arith.constant 0 : i32
        %dma_wait3A_260 = arith.constant 0 : i32
        %dma_wait3A_261 = arith.constant 3 : i32
        %dma_wait3A_262 = arith.constant 0 : i32
        %dma_wait3A_263 = arith.constant 0 : i32
        %dma_wait3A_264 = tpu.memref_slice %arg10[%dma_wait3A_261, %dma_wait3A_262, %dma_wait3A_263] : memref<4x64x128xf32, #tpu.memory_space<vmem>> -> memref<1x64x128xf32, #tpu.memory_space<vmem>>
        %dma_wait3A_265 = tpu.memref_squeeze %dma_wait3A_264 : memref<1x64x128xf32, #tpu.memory_space<vmem>> -> memref<64x128xf32, #tpu.memory_space<vmem>>
        %dma_wait3A_266 = arith.constant 0 : i32
        %dma_wait3A_267 = tpu.memref_slice %arg8[%dma_wait3A_259, %dma_wait3A_260, %dma_wait3A_266] : memref<2x8x64xi32, #tpu.memory_space<vmem>> -> memref<1x1x64xi32, #tpu.memory_space<vmem>>
        %dma_wait3A_268 = tpu.memref_squeeze %dma_wait3A_267 : memref<1x1x64xi32, #tpu.memory_space<vmem>> -> memref<64xi32, #tpu.memory_space<vmem>>
        %dma_wait3A_269 = arith.constant 0 : i32
        %dma_wait3A_270 = arith.constant 0 : i32
        %dma_wait3A_271 = tpu.memref_slice %arg5[%dma_wait3A_269, %dma_wait3A_270] : memref<10240x128xf32, #tpu.memory_space<hbm>> -> memref<10240x128xf32, #tpu.memory_space<hbm>>
        tpu.wait_indirect_dma semaphore(%arg16 : memref<!tpu.dma_semaphore, #tpu.memory_space<semaphore_mem>>) src(%dma_wait3A_271 : memref<10240x128xf32, #tpu.memory_space<hbm>>) dst(%dma_wait3A_265 : memref<64x128xf32, #tpu.memory_space<vmem>>)
        %add3A_272 = arith.constant 1 : i32
        %add3A_273 = arith.addi %scan3A_72, %add3A_272 : i32
        %lt3A_274 = arith.constant 40 : i32
        %lt3A_275 = arith.cmpi slt, %add3A_273, %lt3A_274 : i32
        %convert_element_type3A_276 = arith.extui %lt3A_275 : i1 to i32
        %cond3A_277 = arith.constant 0 : i32
        %cond3A_278 = arith.cmpi ne, %convert_element_type3A_276, %cond3A_277 : i32
        scf.if %cond3A_278 {
          %dma_start3A_282 = arith.constant 2 : i32
          %dma_start3A_283 = arith.constant 2 : i32
          %dma_start3A_284 = arith.constant 0 : i32
          %dma_start3A_285 = arith.constant 0 : i32
          %dma_start3A_286 = tpu.memref_slice %arg10[%dma_start3A_283, %dma_start3A_284, %dma_start3A_285] : memref<4x64x128xf32, #tpu.memory_space<vmem>> -> memref<1x64x128xf32, #tpu.memory_space<vmem>>
          %dma_start3A_287 = tpu.memref_squeeze %dma_start3A_286 : memref<1x64x128xf32, #tpu.memory_space<vmem>> -> memref<64x128xf32, #tpu.memory_space<vmem>>
          %dma_start3A_288 = arith.constant 0 : i32
          %dma_start3A_289 = tpu.memref_slice %arg8[%sub3A_75, %dma_start3A_282, %dma_start3A_288] : memref<2x8x64xi32, #tpu.memory_space<vmem>> -> memref<1x1x64xi32, #tpu.memory_space<vmem>>
          %dma_start3A_290 = tpu.memref_squeeze %dma_start3A_289 : memref<1x1x64xi32, #tpu.memory_space<vmem>> -> memref<64xi32, #tpu.memory_space<vmem>>
          %dma_start3A_291 = arith.constant 0 : i32
          %dma_start3A_292 = arith.constant 0 : i32
          %dma_start3A_293 = tpu.memref_slice %arg5[%dma_start3A_291, %dma_start3A_292] : memref<10240x128xf32, #tpu.memory_space<hbm>> -> memref<10240x128xf32, #tpu.memory_space<hbm>>
          tpu.enqueue_indirect_dma source(%dma_start3A_293 : memref<10240x128xf32, #tpu.memory_space<hbm>>) target(%dma_start3A_287 : memref<64x128xf32, #tpu.memory_space<vmem>>) offsets(%dma_start3A_290 : memref<64xi32, #tpu.memory_space<vmem>>) semaphore(%arg15 : memref<!tpu.dma_semaphore, #tpu.memory_space<semaphore_mem>>)
        } else {
        }
        %run_scoped3A_279 = arith.constant 3 : i32
        %run_scoped3A_280 = arith.constant 7 : i32
        "tpu.region"() ({
          %run_scoped3A_282 = tpu.sem_alloc : memref<!tpu.dma_semaphore, #tpu.memory_space<semaphore_mem>>
          %dma_start3A_283 = arith.constant 0 : i32
          %dma_start3A_284 = arith.constant 0 : i32
          %dma_start3A_285 = tpu.memref_slice %arg10[%run_scoped3A_279, %dma_start3A_283, %dma_start3A_284] : memref<4x64x128xf32, #tpu.memory_space<vmem>> -> memref<1x64x128xf32, #tpu.memory_space<vmem>>
          %dma_start3A_286 = tpu.memref_squeeze %dma_start3A_285 : memref<1x64x128xf32, #tpu.memory_space<vmem>> -> memref<64x128xf32, #tpu.memory_space<vmem>>
          %dma_start3A_287 = arith.constant 0 : i32
          %dma_start3A_288 = tpu.memref_slice %arg9[%rem3A_74, %run_scoped3A_280, %dma_start3A_287] : memref<2x8x64xi32, #tpu.memory_space<vmem>> -> memref<1x1x64xi32, #tpu.memory_space<vmem>>
          %dma_start3A_289 = tpu.memref_squeeze %dma_start3A_288 : memref<1x1x64xi32, #tpu.memory_space<vmem>> -> memref<64xi32, #tpu.memory_space<vmem>>
          %dma_start3A_290 = arith.constant 0 : i32
          %dma_start3A_291 = arith.constant 0 : i32
          %dma_start3A_292 = tpu.memref_slice %arg12[%dma_start3A_290, %dma_start3A_291] : memref<10240x128xf32, #tpu.memory_space<vmem_shared>> -> memref<10240x128xf32, #tpu.memory_space<vmem_shared>>
          tpu.enqueue_indirect_dma source(%dma_start3A_286 : memref<64x128xf32, #tpu.memory_space<vmem>>) target(%dma_start3A_292 : memref<10240x128xf32, #tpu.memory_space<vmem_shared>>) offsets(%dma_start3A_289 : memref<64xi32, #tpu.memory_space<vmem>>) semaphore(%run_scoped3A_282 : memref<!tpu.dma_semaphore, #tpu.memory_space<semaphore_mem>>) {add = true}
          %dma_wait3A_293 = arith.constant 0 : i32
          %dma_wait3A_294 = arith.constant 0 : i32
          %dma_wait3A_295 = tpu.memref_slice %arg10[%run_scoped3A_279, %dma_wait3A_293, %dma_wait3A_294] : memref<4x64x128xf32, #tpu.memory_space<vmem>> -> memref<1x64x128xf32, #tpu.memory_space<vmem>>
          %dma_wait3A_296 = tpu.memref_squeeze %dma_wait3A_295 : memref<1x64x128xf32, #tpu.memory_space<vmem>> -> memref<64x128xf32, #tpu.memory_space<vmem>>
          %dma_wait3A_297 = arith.constant 0 : i32
          %dma_wait3A_298 = tpu.memref_slice %arg9[%rem3A_74, %run_scoped3A_280, %dma_wait3A_297] : memref<2x8x64xi32, #tpu.memory_space<vmem>> -> memref<1x1x64xi32, #tpu.memory_space<vmem>>
          %dma_wait3A_299 = tpu.memref_squeeze %dma_wait3A_298 : memref<1x1x64xi32, #tpu.memory_space<vmem>> -> memref<64xi32, #tpu.memory_space<vmem>>
          %dma_wait3A_300 = arith.constant 0 : i32
          %dma_wait3A_301 = arith.constant 0 : i32
          %dma_wait3A_302 = tpu.memref_slice %arg12[%dma_wait3A_300, %dma_wait3A_301] : memref<10240x128xf32, #tpu.memory_space<vmem_shared>> -> memref<10240x128xf32, #tpu.memory_space<vmem_shared>>
          tpu.wait_indirect_dma semaphore(%run_scoped3A_282 : memref<!tpu.dma_semaphore, #tpu.memory_space<semaphore_mem>>) src(%dma_wait3A_296 : memref<64x128xf32, #tpu.memory_space<vmem>>) dst(%dma_wait3A_302 : memref<10240x128xf32, #tpu.memory_space<vmem_shared>>)
          tpu.yield
        }) : () -> ()
        %scan3A_281 = arith.constant 0 : i32
        scf.yield %scan3A_281 : i32
      }
      %scan3A_66 = arith.constant 40 : i32
      %barrier3A_67 = arith.constant 0 : index
      tpu.barrier barrier_id(%barrier3A_67)
      %mul3A_68 = arith.constant 640 : i32
      %mul3A_69 = arith.muli %arg1, %mul3A_68 : i32
      %mul3A_70 = arith.constant 640 : i32
      %mul3A_71 = arith.muli %arg1, %mul3A_70 : i32
      "tpu.region"() ({
        %run_scoped3A_72 = tpu.sem_alloc : memref<!tpu.dma_semaphore, #tpu.memory_space<semaphore_mem>>
        %dma_start3A_73 = arith.constant 0 : i32
        %dma_start3A_74 = tpu.memref_slice %arg7[%mul3A_71, %dma_start3A_73] : memref<10240x128xf32, #tpu.memory_space<hbm>> -> memref<640x128xf32, #tpu.memory_space<hbm>>
        %dma_start3A_75 = arith.constant 0 : i32
        %dma_start3A_76 = tpu.memref_slice %arg12[%mul3A_69, %dma_start3A_75] : memref<10240x128xf32, #tpu.memory_space<vmem_shared>> -> memref<640x128xf32, #tpu.memory_space<vmem_shared>>
        tpu.enqueue_dma source(%dma_start3A_76 : memref<640x128xf32, #tpu.memory_space<vmem_shared>>) target(%dma_start3A_74 : memref<640x128xf32, #tpu.memory_space<hbm>>) target_semaphore(%run_scoped3A_72 : memref<!tpu.dma_semaphore, #tpu.memory_space<semaphore_mem>>)
        %dma_wait3A = arith.constant 0 : i32
        %dma_wait3A_77 = tpu.memref_slice %arg7[%mul3A_71, %dma_wait3A] : memref<10240x128xf32, #tpu.memory_space<hbm>> -> memref<640x128xf32, #tpu.memory_space<hbm>>
        %dma_wait3A_78 = arith.constant 0 : i32
        %dma_wait3A_79 = tpu.memref_slice %arg12[%mul3A_69, %dma_wait3A_78] : memref<10240x128xf32, #tpu.memory_space<vmem_shared>> -> memref<640x128xf32, #tpu.memory_space<vmem_shared>>
        tpu.wait_dma2 semaphore(%run_scoped3A_72 : memref<!tpu.dma_semaphore, #tpu.memory_space<semaphore_mem>>) src(%dma_wait3A_79 : memref<640x128xf32, #tpu.memory_space<vmem_shared>>) dst(%dma_wait3A_77 : memref<640x128xf32, #tpu.memory_space<hbm>>)
        tpu.yield
      }) : () -> ()
    } else {
    }
    return
  }
}

module attributes {stable_mosaic.version = 14 : i64} {
  func.func @body(%arg0: i32, %arg1: memref<1024x128xf32, #tpu.memory_space<vmem>>, %arg2: memref<128x256xf32, #tpu.memory_space<vmem>>, %arg3: memref<32x1024xf32, #tpu.memory_space<vmem>>, %arg4: memref<1024x128xf32, #tpu.memory_space<vmem>>, %arg5: memref<1024x128xf32, #tpu.memory_space<vmem>>, %arg6: memref<1024x1xf32, #tpu.memory_space<vmem>>) attributes {dimension_semantics = [#tpu.dimension_semantics<arbitrary>], iteration_bounds = array<i64: 10>, scalar_prefetch = 0 : i64, scratch_operands = 0 : i64, tpu.core_type = #tpu.core_type<tc>, window_params = [{transform_indices = @transform_0, window_bounds = array<i64: 1024, 128>}, {pipeline_mode = #tpu.pipeline_mode<synchronous>, transform_indices = @transform_1, window_bounds = array<i64: 128, 256>}, {transform_indices = @transform_2, window_bounds = array<i64: 32, 1024>}, {transform_indices = @transform_3, window_bounds = array<i64: 1024, 128>}, {transform_indices = @transform_4, window_bounds = array<i64: 1024, 128>}, {transform_indices = @transform_5, window_bounds = array<i64: 1024, 1>}]} {
    %get3A = arith.constant 0 : index
    %get3A_0 = arith.constant 0 : index
    %get3A_1 = vector.load %arg3[%get3A, %get3A_0] : memref<32x1024xf32, #tpu.memory_space<vmem>>, vector<32x1024xf32>
    %reduce_sum3A = arith.constant dense<0.000000e+00> : vector<1024xf32>
    %reduce_sum3A_2 = vector.multi_reduction <add>, %get3A_1, %reduce_sum3A [0] : vector<32x1024xf32> to vector<1024xf32>
    %add3A = arith.constant 1.000000e+00 : f32
    %add3A_3 = vector.broadcast %add3A : f32 to vector<1024xf32>
    %add3A_4 = arith.addf %reduce_sum3A_2, %add3A_3 : vector<1024xf32>
    %rsqrt3A = math.rsqrt %add3A_4 : vector<1024xf32>
    %get3A_5 = arith.constant 0 : index
    %get3A_6 = arith.constant 0 : index
    %get3A_7 = vector.load %arg1[%get3A_5, %get3A_6] : memref<1024x128xf32, #tpu.memory_space<vmem>>, vector<1024x128xf32>
    %broadcast_in_dim3A = vector.shape_cast %rsqrt3A : vector<1024xf32> to vector<1024x1xf32>
    %mul3A = vector.broadcast %broadcast_in_dim3A : vector<1024x1xf32> to vector<1024x128xf32>
    %mul3A_8 = arith.mulf %get3A_7, %mul3A : vector<1024x128xf32>
    %get3A_9 = arith.constant 0 : index
    %get3A_10 = arith.constant 0 : index
    %get3A_11 = vector.load %arg2[%get3A_9, %get3A_10] : memref<128x256xf32, #tpu.memory_space<vmem>>, vector<128x256xf32>
    %dot_general3A = arith.constant dense<0.000000e+00> : vector<1024x256xf32>
    %dot_general3A_12 = tpu.matmul %mul3A_8, %get3A_11, %dot_general3A {dimension_numbers = #tpu.dot_dimension_numbers<[1], [0], [0], [1], [0, 0, 1, 1], [], []>, transpose_lhs_hint = false} : vector<1024x128xf32>, vector<128x256xf32>, vector<1024x256xf32> -> vector<1024x256xf32>
    %slice3A = vector.extract_strided_slice %dot_general3A_12 {offsets = [0, 0], sizes = [1024, 128], strides = [1, 1]} : vector<1024x256xf32> to vector<1024x128xf32>
    %swap3A = arith.constant 0 : index
    %swap3A_13 = arith.constant 0 : index
    %swap3A_14 = vector.load %arg4[%swap3A, %swap3A_13] : memref<1024x128xf32, #tpu.memory_space<vmem>>, vector<1024x128xf32>
    tpu.vector_store %arg4[%swap3A, %swap3A_13], %slice3A {strides = array<i32>} : memref<1024x128xf32, #tpu.memory_space<vmem>>, vector<1024x128xf32>,
    %slice3A_15 = vector.extract_strided_slice %dot_general3A_12 {offsets = [0, 128], sizes = [1024, 128], strides = [1, 1]} : vector<1024x256xf32> to vector<1024x128xf32>
    %swap3A_16 = arith.constant 0 : index
    %swap3A_17 = arith.constant 0 : index
    %swap3A_18 = vector.load %arg5[%swap3A_16, %swap3A_17] : memref<1024x128xf32, #tpu.memory_space<vmem>>, vector<1024x128xf32>
    tpu.vector_store %arg5[%swap3A_16, %swap3A_17], %slice3A_15 {strides = array<i32>} : memref<1024x128xf32, #tpu.memory_space<vmem>>, vector<1024x128xf32>,
    %broadcast_in_dim3A_19 = vector.shape_cast %rsqrt3A : vector<1024xf32> to vector<1024x1xf32>
    %swap3A_20 = arith.constant 0 : index
    %swap3A_21 = arith.constant 0 : index
    %swap3A_22 = vector.load %arg6[%swap3A_20, %swap3A_21] : memref<1024x1xf32, #tpu.memory_space<vmem>>, vector<1024x1xf32>
    tpu.vector_store %arg6[%swap3A_20, %swap3A_21], %broadcast_in_dim3A_19 {strides = array<i32>} : memref<1024x1xf32, #tpu.memory_space<vmem>>, vector<1024x1xf32>,
    return
  }
  func.func @transform_0(%arg0: i32) -> (i32, i32) {
    %c0_i32 = arith.constant 0 : i32
    %c0_i32_0 = arith.constant 0 : i32
    return %arg0, %c0_i32 : i32, i32
  }
  func.func @transform_1(%arg0: i32) -> (i32, i32) {
    %c0_i32 = arith.constant 0 : i32
    %c0_i32_0 = arith.constant 0 : i32
    %c0_i32_1 = arith.constant 0 : i32
    return %c0_i32, %c0_i32_0 : i32, i32
  }
  func.func @transform_2(%arg0: i32) -> (i32, i32) {
    %c0_i32 = arith.constant 0 : i32
    %c0_i32_0 = arith.constant 0 : i32
    return %c0_i32, %arg0 : i32, i32
  }
  func.func @transform_3(%arg0: i32) -> (i32, i32) {
    %c0_i32 = arith.constant 0 : i32
    %c0_i32_0 = arith.constant 0 : i32
    return %arg0, %c0_i32 : i32, i32
  }
  func.func @transform_4(%arg0: i32) -> (i32, i32) {
    %c0_i32 = arith.constant 0 : i32
    %c0_i32_0 = arith.constant 0 : i32
    return %arg0, %c0_i32 : i32, i32
  }
  func.func @transform_5(%arg0: i32) -> (i32, i32) {
    %c0_i32 = arith.constant 0 : i32
    %c0_i32_0 = arith.constant 0 : i32
    return %arg0, %c0_i32 : i32, i32
  }
}

module attributes {stable_mosaic.version = 14 : i64} {
  func.func @body(%arg0: i32, %arg1: memref<1024x128xf32, #tpu.memory_space<vmem>>, %arg2: memref<1024x128xf32, #tpu.memory_space<vmem>>, %arg3: memref<1024x128xf32, #tpu.memory_space<vmem>>, %arg4: memref<1024x128xf32, #tpu.memory_space<vmem>>, %arg5: memref<1024x1xf32, #tpu.memory_space<vmem>>, %arg6: memref<8x256xf32, #tpu.memory_space<vmem>>, %arg7: memref<256x128xf32, #tpu.memory_space<vmem>>, %arg8: memref<1024x128xf32, #tpu.memory_space<vmem>>) attributes {dimension_semantics = [#tpu.dimension_semantics<arbitrary>], iteration_bounds = array<i64: 10>, scalar_prefetch = 0 : i64, scratch_operands = 0 : i64, tpu.core_type = #tpu.core_type<tc>, window_params = [{transform_indices = @transform_0, window_bounds = array<i64: 1024, 128>}, {transform_indices = @transform_1, window_bounds = array<i64: 1024, 128>}, {transform_indices = @transform_2, window_bounds = array<i64: 1024, 128>}, {transform_indices = @transform_3, window_bounds = array<i64: 1024, 128>}, {transform_indices = @transform_4, window_bounds = array<i64: 1024, 1>}, {pipeline_mode = #tpu.pipeline_mode<synchronous>, transform_indices = @transform_5, window_bounds = array<i64: 8, 256>}, {pipeline_mode = #tpu.pipeline_mode<synchronous>, transform_indices = @transform_6, window_bounds = array<i64: 256, 128>}, {transform_indices = @transform_7, window_bounds = array<i64: 1024, 128>}]} {
    %get3A = arith.constant 0 : index
    %get3A_0 = arith.constant 0 : index
    %get3A_1 = vector.load %arg5[%get3A, %get3A_0] : memref<1024x1xf32, #tpu.memory_space<vmem>>, vector<1024x1xf32>
    %get3A_2 = arith.constant 0 : index
    %get3A_3 = arith.constant 0 : index
    %get3A_4 = vector.load %arg6[%get3A_2, %get3A_3] : memref<8x256xf32, #tpu.memory_space<vmem>>, vector<8x256xf32>
    %get3A_5 = arith.constant 0 : index
    %get3A_6 = arith.constant 0 : index
    %get3A_7 = vector.load %arg7[%get3A_5, %get3A_6] : memref<256x128xf32, #tpu.memory_space<vmem>>, vector<256x128xf32>
    %get3A_8 = arith.constant 0 : index
    %get3A_9 = arith.constant 0 : index
    %get3A_10 = vector.load %arg1[%get3A_8, %get3A_9] : memref<1024x128xf32, #tpu.memory_space<vmem>>, vector<1024x128xf32>
    %get3A_11 = arith.constant 0 : index
    %get3A_12 = arith.constant 0 : index
    %get3A_13 = vector.load %arg3[%get3A_11, %get3A_12] : memref<1024x128xf32, #tpu.memory_space<vmem>>, vector<1024x128xf32>
    %add3A = arith.addf %get3A_10, %get3A_13 : vector<1024x128xf32>
    %mul3A = vector.broadcast %get3A_1 : vector<1024x1xf32> to vector<1024x128xf32>
    %mul3A_14 = arith.mulf %mul3A, %add3A : vector<1024x128xf32>
    %slice3A = vector.extract_strided_slice %get3A_4 {offsets = [0, 0], sizes = [1, 128], strides = [1, 1]} : vector<8x256xf32> to vector<1x128xf32>
    %add3A_15 = vector.broadcast %slice3A : vector<1x128xf32> to vector<1024x128xf32>
    %add3A_16 = arith.addf %mul3A_14, %add3A_15 : vector<1024x128xf32>
    %max3A = arith.constant 0.000000e+00 : f32
    %max3A_17 = vector.broadcast %max3A : f32 to vector<1024x128xf32>
    %max3A_18 = arith.maximumf %add3A_16, %max3A_17 : vector<1024x128xf32>
    %get3A_19 = arith.constant 0 : index
    %get3A_20 = arith.constant 0 : index
    %get3A_21 = vector.load %arg2[%get3A_19, %get3A_20] : memref<1024x128xf32, #tpu.memory_space<vmem>>, vector<1024x128xf32>
    %get3A_22 = arith.constant 0 : index
    %get3A_23 = arith.constant 0 : index
    %get3A_24 = vector.load %arg4[%get3A_22, %get3A_23] : memref<1024x128xf32, #tpu.memory_space<vmem>>, vector<1024x128xf32>
    %add3A_25 = arith.addf %get3A_21, %get3A_24 : vector<1024x128xf32>
    %mul3A_26 = vector.broadcast %get3A_1 : vector<1024x1xf32> to vector<1024x128xf32>
    %mul3A_27 = arith.mulf %mul3A_26, %add3A_25 : vector<1024x128xf32>
    %slice3A_28 = vector.extract_strided_slice %get3A_4 {offsets = [0, 128], sizes = [1, 128], strides = [1, 1]} : vector<8x256xf32> to vector<1x128xf32>
    %add3A_29 = vector.broadcast %slice3A_28 : vector<1x128xf32> to vector<1024x128xf32>
    %add3A_30 = arith.addf %mul3A_27, %add3A_29 : vector<1024x128xf32>
    %max3A_31 = arith.constant 0.000000e+00 : f32
    %max3A_32 = vector.broadcast %max3A_31 : f32 to vector<1024x128xf32>
    %max3A_33 = arith.maximumf %add3A_30, %max3A_32 : vector<1024x128xf32>
    %mul3A_34 = vector.broadcast %get3A_1 : vector<1024x1xf32> to vector<1024x128xf32>
    %mul3A_35 = arith.mulf %mul3A_34, %max3A_18 : vector<1024x128xf32>
    %slice3A_36 = vector.extract_strided_slice %get3A_7 {offsets = [0, 0], sizes = [128, 128], strides = [1, 1]} : vector<256x128xf32> to vector<128x128xf32>
    %dot_general3A = arith.constant dense<0.000000e+00> : vector<1024x128xf32>
    %dot_general3A_37 = tpu.matmul %mul3A_35, %slice3A_36, %dot_general3A {dimension_numbers = #tpu.dot_dimension_numbers<[1], [0], [0], [1], [0, 0, 1, 1], [], []>, transpose_lhs_hint = false} : vector<1024x128xf32>, vector<128x128xf32>, vector<1024x128xf32> -> vector<1024x128xf32>
    %mul3A_38 = vector.broadcast %get3A_1 : vector<1024x1xf32> to vector<1024x128xf32>
    %mul3A_39 = arith.mulf %mul3A_38, %max3A_33 : vector<1024x128xf32>
    %slice3A_40 = vector.extract_strided_slice %get3A_7 {offsets = [128, 0], sizes = [128, 128], strides = [1, 1]} : vector<256x128xf32> to vector<128x128xf32>
    %dot_general3A_41 = arith.constant dense<0.000000e+00> : vector<1024x128xf32>
    %dot_general3A_42 = tpu.matmul %mul3A_39, %slice3A_40, %dot_general3A_41 {dimension_numbers = #tpu.dot_dimension_numbers<[1], [0], [0], [1], [0, 0, 1, 1], [], []>, transpose_lhs_hint = false} : vector<1024x128xf32>, vector<128x128xf32>, vector<1024x128xf32> -> vector<1024x128xf32>
    %add3A_43 = arith.addf %dot_general3A_37, %dot_general3A_42 : vector<1024x128xf32>
    %swap3A = arith.constant 0 : index
    %swap3A_44 = arith.constant 0 : index
    %swap3A_45 = vector.load %arg8[%swap3A, %swap3A_44] : memref<1024x128xf32, #tpu.memory_space<vmem>>, vector<1024x128xf32>
    tpu.vector_store %arg8[%swap3A, %swap3A_44], %add3A_43 {strides = array<i32>} : memref<1024x128xf32, #tpu.memory_space<vmem>>, vector<1024x128xf32>,
    return
  }
  func.func @transform_0(%arg0: i32) -> (i32, i32) {
    %c0_i32 = arith.constant 0 : i32
    %c0_i32_0 = arith.constant 0 : i32
    return %arg0, %c0_i32 : i32, i32
  }
  func.func @transform_1(%arg0: i32) -> (i32, i32) {
    %c0_i32 = arith.constant 0 : i32
    %c0_i32_0 = arith.constant 0 : i32
    return %arg0, %c0_i32 : i32, i32
  }
  func.func @transform_2(%arg0: i32) -> (i32, i32) {
    %c0_i32 = arith.constant 0 : i32
    %c0_i32_0 = arith.constant 0 : i32
    return %arg0, %c0_i32 : i32, i32
  }
  func.func @transform_3(%arg0: i32) -> (i32, i32) {
    %c0_i32 = arith.constant 0 : i32
    %c0_i32_0 = arith.constant 0 : i32
    return %arg0, %c0_i32 : i32, i32
  }
  func.func @transform_4(%arg0: i32) -> (i32, i32) {
    %c0_i32 = arith.constant 0 : i32
    %c0_i32_0 = arith.constant 0 : i32
    return %arg0, %c0_i32 : i32, i32
  }
  func.func @transform_5(%arg0: i32) -> (i32, i32) {
    %c0_i32 = arith.constant 0 : i32
    %c0_i32_0 = arith.constant 0 : i32
    %c0_i32_1 = arith.constant 0 : i32
    return %c0_i32, %c0_i32_0 : i32, i32
  }
  func.func @transform_6(%arg0: i32) -> (i32, i32) {
    %c0_i32 = arith.constant 0 : i32
    %c0_i32_0 = arith.constant 0 : i32
    %c0_i32_1 = arith.constant 0 : i32
    return %c0_i32, %c0_i32_0 : i32, i32
  }
  func.func @transform_7(%arg0: i32) -> (i32, i32) {
    %c0_i32 = arith.constant 0 : i32
    %c0_i32_0 = arith.constant 0 : i32
    return %arg0, %c0_i32 : i32, i32
  }
}

module attributes {stable_mosaic.version = 14 : i64} {
  func.func @body(%arg0: i32, %arg1: memref<1024x128xf32, #tpu.memory_space<vmem>>, %arg2: memref<1024x128xf32, #tpu.memory_space<vmem>>, %arg3: memref<1024x128xf32, #tpu.memory_space<vmem>>, %arg4: memref<1024x1xf32, #tpu.memory_space<vmem>>, %arg5: memref<8x128xf32, #tpu.memory_space<vmem>>, %arg6: memref<1024x128xf32, #tpu.memory_space<vmem>>) attributes {dimension_semantics = [#tpu.dimension_semantics<arbitrary>], iteration_bounds = array<i64: 10>, scalar_prefetch = 0 : i64, scratch_operands = 0 : i64, tpu.core_type = #tpu.core_type<tc>, window_params = [{transform_indices = @transform_0, window_bounds = array<i64: 1024, 128>}, {transform_indices = @transform_1, window_bounds = array<i64: 1024, 128>}, {transform_indices = @transform_2, window_bounds = array<i64: 1024, 128>}, {transform_indices = @transform_3, window_bounds = array<i64: 1024, 1>}, {pipeline_mode = #tpu.pipeline_mode<synchronous>, transform_indices = @transform_4, window_bounds = array<i64: 8, 128>}, {transform_indices = @transform_5, window_bounds = array<i64: 1024, 128>}]} {
    %get3A = arith.constant 0 : index
    %get3A_0 = arith.constant 0 : index
    %get3A_1 = vector.load %arg4[%get3A, %get3A_0] : memref<1024x1xf32, #tpu.memory_space<vmem>>, vector<1024x1xf32>
    %get3A_2 = arith.constant 0 : index
    %get3A_3 = arith.constant 0 : index
    %get3A_4 = vector.load %arg5[%get3A_2, %get3A_3] : memref<8x128xf32, #tpu.memory_space<vmem>>, vector<8x128xf32>
    %get3A_5 = arith.constant 0 : index
    %get3A_6 = arith.constant 0 : index
    %get3A_7 = vector.load %arg1[%get3A_5, %get3A_6] : memref<1024x128xf32, #tpu.memory_space<vmem>>, vector<1024x128xf32>
    %get3A_8 = arith.constant 0 : index
    %get3A_9 = arith.constant 0 : index
    %get3A_10 = vector.load %arg2[%get3A_8, %get3A_9] : memref<1024x128xf32, #tpu.memory_space<vmem>>, vector<1024x128xf32>
    %add3A = arith.addf %get3A_7, %get3A_10 : vector<1024x128xf32>
    %get3A_11 = arith.constant 0 : index
    %get3A_12 = arith.constant 0 : index
    %get3A_13 = vector.load %arg3[%get3A_11, %get3A_12] : memref<1024x128xf32, #tpu.memory_space<vmem>>, vector<1024x128xf32>
    %add3A_14 = arith.addf %add3A, %get3A_13 : vector<1024x128xf32>
    %mul3A = vector.broadcast %get3A_1 : vector<1024x1xf32> to vector<1024x128xf32>
    %mul3A_15 = arith.mulf %mul3A, %add3A_14 : vector<1024x128xf32>
    %slice3A = vector.extract_strided_slice %get3A_4 {offsets = [0, 0], sizes = [1, 128], strides = [1, 1]} : vector<8x128xf32> to vector<1x128xf32>
    %add3A_16 = vector.broadcast %slice3A : vector<1x128xf32> to vector<1024x128xf32>
    %add3A_17 = arith.addf %mul3A_15, %add3A_16 : vector<1024x128xf32>
    %max3A = arith.constant 0.000000e+00 : f32
    %max3A_18 = vector.broadcast %max3A : f32 to vector<1024x128xf32>
    %max3A_19 = arith.maximumf %add3A_17, %max3A_18 : vector<1024x128xf32>
    %swap3A = arith.constant 0 : index
    %swap3A_20 = arith.constant 0 : index
    %swap3A_21 = vector.load %arg6[%swap3A, %swap3A_20] : memref<1024x128xf32, #tpu.memory_space<vmem>>, vector<1024x128xf32>
    tpu.vector_store %arg6[%swap3A, %swap3A_20], %max3A_19 {strides = array<i32>} : memref<1024x128xf32, #tpu.memory_space<vmem>>, vector<1024x128xf32>,
    return
  }
  func.func @transform_0(%arg0: i32) -> (i32, i32) {
    %c0_i32 = arith.constant 0 : i32
    %c0_i32_0 = arith.constant 0 : i32
    return %arg0, %c0_i32 : i32, i32
  }
  func.func @transform_1(%arg0: i32) -> (i32, i32) {
    %c0_i32 = arith.constant 0 : i32
    %c0_i32_0 = arith.constant 0 : i32
    return %arg0, %c0_i32 : i32, i32
  }
  func.func @transform_2(%arg0: i32) -> (i32, i32) {
    %c0_i32 = arith.constant 0 : i32
    %c0_i32_0 = arith.constant 0 : i32
    return %arg0, %c0_i32 : i32, i32
  }
  func.func @transform_3(%arg0: i32) -> (i32, i32) {
    %c0_i32 = arith.constant 0 : i32
    %c0_i32_0 = arith.constant 0 : i32
    return %arg0, %c0_i32 : i32, i32
  }
  func.func @transform_4(%arg0: i32) -> (i32, i32) {
    %c0_i32 = arith.constant 0 : i32
    %c0_i32_0 = arith.constant 0 : i32
    %c0_i32_1 = arith.constant 0 : i32
    return %c0_i32, %c0_i32_0 : i32, i32
  }
  func.func @transform_5(%arg0: i32) -> (i32, i32) {
    %c0_i32 = arith.constant 0 : i32
    %c0_i32_0 = arith.constant 0 : i32
    return %arg0, %c0_i32 : i32, i32
  }
}

</mosaic_0001>

<sc_bundles>
// kernel: _run.11.cloned.1.call-start
scs
__scs_entry_jumppad:
0x0: {  	(pc) =	sbr.rel $0x88, $3  }
0x1: {  	(tag) =	ssettag $0x0;
	lr =	simm.s32 $0x1  }
0x2: {  	[smem:$0x3F9B] =	sst lr;
	_ =	strace $0xD0000000  }
0x3: {  	_ = 	snop  }
0x4: {  	_ = 	snop  }
0x5: {  	_ = 	snop  }
0x6: {  	_ = 	snop  }
0x7: {  	_ = 	snop  }
__scs_overlays_trampoline_lowered:
0x8: {  	[smem:$0x3FAA] =	sst s0  }
0x9: {  	[smem:$0x3FAB] =	sst s1  }
0xa: {  	[smem:$0x3FAC] =	sst s2  }
0xb: {  	[smem:$0x3FAD] =	sst s3  }
0xc: {  	[smem:$0x3FAE] =	sst s4  }
0xd: {  	[smem:$0x3FAF] =	sst s5  }
0xe: {  	[smem:$0x3FB0] =	sst s6  }
0xf: {  	[smem:$0x3FB1] =	sst s7  }
0x10: {  	[smem:$0x3FB2] =	sst s8  }
0x11: {  	[smem:$0x3FB3] =	sst s9;
	s0 =	simm.s32 @!p0 $0x0  }
0x12: {  	s1 =	sld [smem:$0x3F99];
	s0 =	simm.s32 @p0 $0x1  }
0x13: {  	[smem:$0x3FB4] =	sst s0;
	s0 =	simm.s32 @!p1 $0x0  }
0x14: {  	s2 =	sld [smem:$0x3F98];
	s0 =	simm.s32 @p1 $0x1  }
0x15: {  	[smem:$0x3FB5] =	sst s0;
	s0 =	simm.s32 @!p2 $0x0  }
0x16: {  	s3 =	sld [smem:$0x3FDB];
	s0 =	simm.s32 @p2 $0x1  }
0x17: {  	s4 =	simm.s32 $0x1BF5;
	[smem:$0x3FB7] =	sst s0  }
0x18: {  	s0 =	sld [smem:$0x3F9A];
	_ =	swait.ge [sflag:s4], $0x0  }
0x19: {  	s7 =	sld [smem:$0x3F9B]  }
0x1a: {  	s8 =	sadd.s32 $0xFFFFE003, lr  }
0x1b: {  	s9 =	sadd.s32 $0xFFFFFEF7, lr;
	s5 =	simm.s32 $0xFFFFFFFF;
	p2 =	slt.u32 s8, $0xFFFFF086  }
0x1c: {  	p1 =	slt.u32 s9, $0xF7A;
	s5 =	simm.s32 @!p2 $0x0  }
0x1d: {  	s5 =	simm.s32 @p1 $0x1;
	p0 =	seq.s32 s7, s2  }
0x1e: {  	s7 =	smul.u32 @!p0 $0xF7A, s2;
	p2 =	seq.s32 @!p0 s5, $0x0  }
0x1f: {  	s9 =	smul.u32 $0xF7A, s1;
	s8 =	simm.s32 @!p0 $0x1BF5;
	p2 =	por !p2, p0  }
0x20: {  	[sflag:s8] =	ssyncset.s32 @!p0 $0xFFFFF086;
	s6 =	sadd.s32 @!p0 s3, s7;
	s7 =	simm.s32 @!p0 $0x108  }
0x21: {  	s3 =	sadd.s32 s3, s9;
	s6 =	sadd.s32 @!p0 $0x88, s6;
	s7 =	simm.s32 @p2 $0x1082  }
0x22: {  	[simem:s7], [sflag:s8] =	dma.local @!p0 [hbm:s6], $0xF7A  }
0x23: {  	s9 =	sor.u32 $0xD0000000, s2;
	s6 =	simm.s32 $0x108;
	_ =	swait.ge @!p0 [sflag:s8], $0x0  }
0x24: {  	s3 =	sadd.s32 $0x88, s3;
	s6 =	simm.s32 @!p1 $0x1082;
	[sflag:s4] =	ssyncset.s32 $0xFFFFF086  }
0x25: {  	[simem:s6], [sflag:s4] =	dma.local [hbm:s3], $0xF7A  }
0x26: {  	[smem:$0x3F9B] =	sst s1;
	(tag) =	ssettag s2;
	_ =	strace s9  }
0x27: {  	s1 =	sld [smem:$0x3FAB]  }
0x28: {  	s2 =	sld [smem:$0x3FAC]  }
0x29: {  	s4 =	sld [smem:$0x3FAE]  }
0x2a: {  	p0 =	seq.s32 s5, $0x0;
	s5 =	sld [smem:$0x3FAF]  }
0x2b: {  	s6 =	sld [smem:$0x3FB0]  }
0x2c: {  	s7 =	sld [smem:$0x3FB1]  }
0x2d: {  	s3 =	simm.s32 $0x108;
	s8 =	sld [smem:$0x3FB2]  }
0x2e: {  	s3 =	simm.s32 @!p0 $0x1082;
	s9 =	sld [smem:$0x3FB3]  }
0x2f: {  	lr =	sadd.s32 s0, s3;
	s0 =	sld [smem:$0x3FAA]  }
0x30: {  	s3 =	sld [smem:$0x3FAD]  }
0x31: {  	[smem:$0x3FB6] =	sst s10  }
0x32: {  	s10 =	sld [smem:$0x3FB4];
	_ =	sdelay $0x3  }
0x33: {  	p0 =	seq.s32 s10, $0x1;
	s10 =	sld [smem:$0x3FB6];
	_ =	sdelay $0x3  }
0x34: {  	[smem:$0x3FB6] =	sst s10  }
0x35: {  	s10 =	sld [smem:$0x3FB5];
	_ =	sdelay $0x3  }
0x36: {  	p1 =	seq.s32 s10, $0x1;
	s10 =	sld [smem:$0x3FB6];
	_ =	sdelay $0x3  }
0x37: {  	[smem:$0x3FB6] =	sst s10  }
0x38: {  	s10 =	sld [smem:$0x3FB7]  }
0x39: {  	_ = 	snop;
	(pc) =	sbr.ind lr, $3  }
0x3a: {  	_ = 	snop  }
0x3b: {  	_ = 	snop  }
0x3c: {  	p2 =	seq.s32 s10, $0x1;
	s10 =	sld [smem:$0x3FB6]  }
0x3d: {  	_ =	shalt  }
0x3e: {  	_ =	shalt  }
0x3f: {  	_ =	shalt  }
0x40: {  	_ =	shalt  }
0x41: {  	_ =	shalt  }
0x42: {  	_ =	shalt  }
0x43: {  	_ =	shalt  }
0x44: {  	_ =	shalt  }
0x45: {  	_ =	shalt  }
0x46: {  	_ =	shalt  }
0x47: {  	_ =	shalt  }
0x48: {  	_ =	shalt  }
0x49: {  	_ =	shalt  }
0x4a: {  	_ =	shalt  }
0x4b: {  	_ =	shalt  }
0x4c: {  	_ =	shalt  }
0x4d: {  	_ =	shalt  }
0x4e: {  	_ =	shalt  }
0x4f: {  	_ =	shalt  }
0x50: {  	_ =	shalt  }
0x51: {  	_ =	shalt  }
0x52: {  	_ =	shalt  }
0x53: {  	_ =	shalt  }
0x54: {  	_ =	shalt  }
0x55: {  	_ =	shalt  }
0x56: {  	_ =	shalt  }
0x57: {  	_ =	shalt  }
0x58: {  	_ =	shalt  }
0x59: {  	_ =	shalt  }
0x5a: {  	_ =	shalt  }
0x5b: {  	_ =	shalt  }
0x5c: {  	_ =	shalt  }
0x5d: {  	_ =	shalt  }
0x5e: {  	_ =	shalt  }
0x5f: {  	_ =	shalt  }
0x60: {  	_ =	shalt  }
0x61: {  	_ =	shalt  }
0x62: {  	_ =	shalt  }
0x63: {  	_ =	shalt  }
0x64: {  	_ =	shalt  }
0x65: {  	_ =	shalt  }
0x66: {  	_ =	shalt  }
0x67: {  	_ =	shalt  }
0x68: {  	_ =	shalt  }
0x69: {  	_ =	shalt  }
0x6a: {  	_ =	shalt  }
0x6b: {  	_ =	shalt  }
0x6c: {  	_ =	shalt  }
0x6d: {  	_ =	shalt  }
0x6e: {  	_ =	shalt  }
0x6f: {  	_ =	shalt  }
0x70: {  	_ =	shalt  }
0x71: {  	_ =	shalt  }
0x72: {  	_ =	shalt  }
0x73: {  	_ =	shalt  }
0x74: {  	_ =	shalt  }
0x75: {  	_ =	shalt  }
0x76: {  	_ =	shalt  }
0x77: {  	_ =	shalt  }
0x78: {  	_ =	shalt  }
0x79: {  	_ =	shalt  }
0x7a: {  	_ =	shalt  }
0x7b: {  	_ =	shalt  }
0x7c: {  	_ =	shalt  }
0x7d: {  	_ =	shalt  }
0x7e: {  	_ =	shalt  }
0x7f: {  	_ =	shalt  }
0x80: {  	_ =	shalt  }
0x81: {  	_ =	shalt  }
0x82: {  	_ =	shalt  }
0x83: {  	_ =	shalt  }
0x84: {  	_ =	shalt  }
0x85: {  	_ =	shalt  }
0x86: {  	_ =	shalt  }
0x87: {  	_ =	shalt  }
.Lfunc_end0:
.L_simem_size_0:
called_computation.1_lowered:
.L_overlay_start_0:
0x88: {  	s2 =	sld [smem:$0x3FD9]  }
0x89: {  	s3 =	sld [smem:$0x3FFE];
	_ =	sdelay $0x1  }
0x8a: {  	s1 =	srdreg.scid  }
0x8b: {  	s0 =	sand.u32 $0x1, s1  }
0x8c: {  	s17 =	sshll.u32 s0, $0xA;
	s2 =	sadd.s32 s3, s2  }
0x8d: {  	s2 =	sadd.s32 s2, s17  }
0x8e: {  	[smem:$0x3FC2] =	sst s2  }
0x8f: {  	_ = 	snop  }
0x90: {  	s2 =	sld [smem:$0x3FD0];
	(tm) =	ssettm $0x1  }
0x91: {  	s18 =	sld [smem:$0x3FFB];
	_ =	sdelay $0x3  }
0x92: {  	_ =	strace s18  }
0x93: {  	s3 =	sld [smem:$0x3FFC];
	_ =	sdelay $0x3  }
0x94: {  	_ =	strace s3  }
0x95: {  	s3 =	sld [smem:$0x3FFD];
	_ =	sdelay $0x3  }
0x96: {  	_ =	strace s3  }
0x97: {  	_ =	strace $0x8FFFFFFF  }
0x98: {  	s19 =	sld [smem:$0x3FDB];
	_ =	sdelay $0x1  }
0x99: {  	s4 =	simm.s32 $_scs_section_size  }
0x9a: {  	s5 =	simm.s32 $_size__tile_overlayer_lowered;
	s6 =	simm.s32 $_tile_overlayer_lowered  }
0x9b: {  	s22 =	simm.s32 $0x1BFF;
	s21 =	sshll.u32 s6, $0x1;
	s3 =	sadd.s32 s4, s19  }
0x9c: {  	s7 =	simm.s32 $0x0;
	s20 =	sshll.u32 s5, $0x1;
	s5 =	sadd.s32 s21, s3  }
0x9d: {  	[timem:s7], [sflag:s22] =	dma.local [hbm:s5], s20  }
0x9e: {  	_ =	swait.ge [sflag:s22], s20  }
0x9f: {  	s4 =	ssub.s32 $0x0, s20;
	[sflag:s22] =	ssyncset.done $0x0  }
0xa0: {  	[sflag:s22] =	ssyncadd.s32 s4;
	_ =	sdelay $0x1  }
0xa1: {  	s23 =	simm.s32 $0x1B8B  }
0xa2: {  	_ =	swait.ge [sflag:s23], $0x1  }
0xa3: {  	[sflag:s23] =	ssyncset.done $0x0  }
0xa4: {  	s25 =	simm.s32 $0x1B8E;
	s24 =	sld [smem:$0x3FFE];
	[sflag:s23] =	ssyncadd.s32 $0xFFFFFFFF  }
0xa5: {  	s26 =	simm.s32 $execute0_lowered;
	[smem:$0x3FD2] =	sst s25  }
0xa6: {  	s5 =	sshll.u32 s26, $0x1;
	_ =	strace $0x80000049;
	[dreg:$0x1] =	wrdreg $0xFFFFFFFF  }
0xa7: {  	s28 =	simm.s32 $_size_execute0_lowered;
	s3 =	sadd.s32 s3, s5;
	[dreg:$0x0] =	wrdreg $0x0  }
0xa8: {  	s5 =	sshll.u32 s28, $0x1;
	[dreg:$0x2] =	wrdreg s3  }
0xa9: {  	[dreg:$0x3] =	wrdreg s5  }
0xaa: {  	[dreg:$0x4] =	wrdreg $0xC0  }
0xab: {  	_ =	task [dreg:s7], $0x5FFFF  }
0xac: {  	[dreg:$0x1] =	wrdreg $0xFFFFFFFF  }
0xad: {  	[dreg:$0x0] =	wrdreg $0x60  }
0xae: {  	[dreg:$0x2] =	wrdreg s2  }
0xaf: {  	[dreg:$0x3] =	wrdreg s24  }
0xb0: {  	[dreg:$0x4] =	wrdreg $0xA0000  }
0xb1: {  	[dreg:$0x5] =	wrdreg $0x9  }
0xb2: {  	_ =	task.clear_ibuf [dreg:s7], $0x6FFFF;
	_ =	strace $0x90000049  }
0xb3: {  	s29 =	simm.s32 $0x9;
	_ =	strace $0x8000004B  }
0xb4: {  	_ =	swait.ge [sflag:s29], $0x1  }
0xb5: {  	[sflag:s29] =	ssyncadd.s32 $0xFFFFFFFF  }
0xb6: {  	_ =	strace $0x9000004B  }
0xb7: {  	_ =	sfence  }
0xb8: {  	s30 =	sld [smem:$0x0];
	_ =	sdelay $0x2  }
0xb9: {  	s31 =	sshll.u32 s1, $0xD;
	s1 =	sshrl.u32 s1, $0x2  }
0xba: {  	s3 =	sand.u32 $0x4000, s31;
	s1 =	sadd.s32 s1, s30  }
0xbb: {  	s0 =	sor.u32 s3, s0;
	s1 =	sshll.u32 s1, $0x11  }
0xbc: {  	s0 =	sor.u32 s1, s0  }
0xbd: {  	s0 =	sadd.s32 $0x8F2B, s0  }
0xbe: {  	[sflag:s0] =	ssyncadd.remote.s32 $0x1  }
0xbf: {  	_ =	sfence.sel $0xFFFF  }
0xc0: {  	[dreg:$0x0] =	wrdreg $0xFFFFFFFF;
	(pc) =	sbr.abs _section_cstart, $3  }
0xc1: {  	[dreg:$0x1] =	wrdreg $0xFFFFFFFF  }
0xc2: {  	_ =	task.clear_ibuf [dreg:s7], $0x2FFFF;
	_ =	strace $0x9FFFFFFF  }
0xc3: {  	(tm) =	ssettm $0x7FFFFFFF  }
tec
execute0_lowered:
.L_overlay_start_1:
0x0: {  	(tag) =	ssettag $0x1  }
0x1: {  	s0 =	rddreg [dreg:$0x0]  }
0x2: {  	s1 =	rddreg [dreg:$0x1]  }
0x3: {  	s2 =	rddreg [dreg:$0x2];
	s11 =	stileid.u32  }
0x4: {  	s4 =	simm.s32 $0x0;
	s28 =	srdreg.scid;
	s3 =	smul.u32 $0x1400, s11  }
0x5: {  	[smem:$0x7FF] =	sst s4;
	s7 =	sand.u32 $0x1, s28;
	s4 =	sadd.s32 $0x2BC00, s1  }
0x6: {  	s9 =	smul.u32 $0x50000, s11;
	s5 =	sadd.s32 $0x53C00, s1;
	s10 =	sadd.s32 $0xA3C00, s1  }
0x7: {  	_ =	strace $0x8000004A;
	s8 =	ssub.s32 $0x2, s7;
	[dreg:$0x4] =	wrdreg s10  }
0x8: {  	s10 =	smul.u32 $0x2800, s11;
	s6 =	sadd.s32 s3, s1;
	s1 =	sadd.s32 $0xCBC00, s1  }
0x9: {  	s29 =	sshrl.u32 s8, $0x1;
	[dreg:$0x5] =	wrdreg s1  }
0xa: {  	s31 =	sshrl.u32 s9, $0x2;
	s0 =	sadd.s32 s0, s3;
	[dreg:$0x8] =	wrdreg s10  }
0xb: {  	s30 =	ssub.s32 s8, s29;
	s9 =	sadd.s32 $0x17C00, s6;
	[dreg:$0x6] =	wrdreg s0  }
0xc: {  	s8 =	sadd.s32 s31, s2;
	[dreg:$0x7] =	wrdreg s9;
	s1 =	smax.u32 s30, $0x1  }
0xd: {  	s11 =	sadd.s32 $0x1000, s8;
	[dreg:$0x9] =	wrdreg s1  }
0xe: {  	s12 =	sadd.s32 $0x2000, s8;
	[dreg:$0xa] =	wrdreg s11  }
0xf: {  	s13 =	sadd.s32 $0x3000, s8;
	[dreg:$0xb] =	wrdreg s12  }
0x10: {  	s14 =	sadd.s32 $0x4000, s8;
	[dreg:$0xc] =	wrdreg s13  }
0x11: {  	s15 =	sadd.s32 $0x5000, s8;
	[dreg:$0xd] =	wrdreg s14  }
0x12: {  	s16 =	sadd.s32 $0x6000, s8;
	[dreg:$0xe] =	wrdreg s15  }
0x13: {  	s17 =	sadd.s32 $0x7000, s8;
	[dreg:$0xf] =	wrdreg s16  }
0x14: {  	s18 =	sadd.s32 $0x8000, s8;
	[dreg:$0x10] =	wrdreg s17  }
0x15: {  	s19 =	sadd.s32 $0x9000, s8;
	[dreg:$0x11] =	wrdreg s18  }
0x16: {  	s20 =	sadd.s32 $0xA000, s8;
	[dreg:$0x12] =	wrdreg s19  }
0x17: {  	s21 =	sadd.s32 $0xB000, s8;
	[dreg:$0x13] =	wrdreg s20  }
0x18: {  	s22 =	sadd.s32 $0xC000, s8;
	[dreg:$0x14] =	wrdreg s21  }
0x19: {  	s23 =	sadd.s32 $0xD000, s8;
	[dreg:$0x15] =	wrdreg s22  }
0x1a: {  	s24 =	sadd.s32 $0xE000, s8;
	[dreg:$0x16] =	wrdreg s23  }
0x1b: {  	p0 =	seq.s32 s7, $0x1;
	s26 =	sadd.s32 $0xF000, s8;
	[dreg:$0x17] =	wrdreg s24  }
0x1c: {  	s3 =	simm.s32 $0x5;
	s28 =	sadd.s32 $0x10000, s8;
	[dreg:$0x18] =	wrdreg s26  }
0x1d: {  	s25 =	sadd.s32 $0x17C80, s6;
	s29 =	sadd.s32 $0x11000, s8;
	[dreg:$0x19] =	wrdreg s28  }
0x1e: {  	s7 =	sadd.s32 $0x80, s0;
	s30 =	sadd.s32 $0x12000, s8;
	[dreg:$0x1a] =	wrdreg s29  }
.Ltmp0:
0x1f: {  	s31 =	sadd.s32 $0x13000, s8;
	[dreg:$0x1b] =	wrdreg s30;
	(pc) =	sbr.rel .LBB2_1-.Ltmp0, $4  }
0x20: {  	s10 =	simm.s32 $0x40;
	[dreg:$0x1c] =	wrdreg s31;
	s1 =	simm.s32 $0x9000  }
0x21: {  	s11 =	simm.s32 $0x1000;
	s12 =	simm.s32 $0x3000;
	s13 =	simm.s32 $0x5000  }
0x22: {  	s14 =	simm.s32 $0x1;
	s15 =	simm.s32 $0x7000;
	s16 =	simm.s32 $0x2  }
0x23: {  	v0 =	vimm.f32 $0.0e+00;
	s17 =	simm.s32 $0x3;
	s18 =	simm.s32 $0x4;
	s19 =	simm.s32 $0x0  }
.LBB2_6:
0x24: {  	s0 =	sxor.u32 $0x1, s28;
	[sflag:s3] =	ssyncadd.s32 $0xFFFFE000  }
0x25: {  	s23 =	simm.s32 @!p1 $0x5;
	s22 =	sshll.u32 @!p1 s0, $0xA;
	s0 =	simm.s32 @!p1 $0x0  }
0x26: {  	[tilespmem:s22], [sflag:$0x5] =	stream.linear.gather @!p1 [hbm4b:s21+s0], $0x400, $0x38;
	[tilespmem:$0x1E000] =	vst v63  }
0x27: {  	_ =	swait.ge @!p1 [sflag:s23], $0x400  }
0x28: {  	[sflag:s23] =	ssyncset.done @!p1 $0x0  }
0x29: {  	s6 =	sor.u32 @!p1 $0x800, s22;
	[sflag:s23] =	ssyncadd.s32 @!p1 $0xFFFFFC00  }
0x2a: {  	[tilespmem:s6], [sflag:$0x5] =	stream.linear.gather @!p1 [hbm4b:s20+s0], $0x400, $0x38;
	[tilespmem:$0x1E000] =	vst v63  }
0x2b: {  	_ =	swait.ge @!p1 [sflag:s23], $0x400  }
0x2c: {  	[sflag:s23] =	ssyncset.done @!p1 $0x0  }
0x2d: {  	[sflag:s23] =	ssyncadd.s32 @!p1 $0xFFFFFC00  }
0x2e: {  	_ =	swait.ge [sflag:s14], $0x2000  }
0x2f: {  	s24 =	sshll.u32 s28, $0xA;
	[sflag:s14] =	ssyncset.done $0x0  }
0x30: {  	s26 =	sor.u32 $0x180, s24;
	[sflag:s14] =	ssyncadd.s32 $0xFFFFE000  }
0x31: {  	[tilespmem:s15], [sflag:$0x4] =	stream.indirect.gather [hbm4b:s4+s10], $0x80, s26, s10, $0xb8;
	[tilespmem:$0x1E000] =	vst v63  }
0x32: {  	s28 =	sor.u32 $0x800, s24  }
0x33: {  	[spmem:s2] =	stream.indirect.scatter.add.f32 [tilespmem:s11], [sflag:$0x5], $0x80, s28, s10, $0xb8;
	[tilespmem:$0x1E000] =	vst v63  }
0x34: {  	_ =	swait.ge [sflag:s3], $0x2000  }
0x35: {  	[sflag:s3] =	ssyncset.done $0x0  }
0x36: {  	[sflag:s3] =	ssyncadd.s32 $0xFFFFE000  }
0x37: {  	_ =	swait.ge [sflag:s16], $0x2000  }
0x38: {  	[sflag:s16] =	ssyncset.done $0x0  }
0x39: {  	s29 =	sor.u32 $0x200, s24;
	[sflag:s16] =	ssyncadd.s32 $0xFFFFE000  }
0x3a: {  	[tilespmem:s11], [sflag:$0x1] =	stream.indirect.gather [hbm4b:s4+s10], $0x80, s29, s10, $0xb8;
	[tilespmem:$0x1E000] =	vst v63  }
0x3b: {  	s30 =	sor.u32 $0x880, s24  }
0x3c: {  	[spmem:s2] =	stream.indirect.scatter.add.f32 [tilespmem:s12], [sflag:$0x5], $0x80, s30, s10, $0xb8;
	[tilespmem:$0x1E000] =	vst v63  }
0x3d: {  	_ =	swait.ge [sflag:s3], $0x2000  }
0x3e: {  	[sflag:s3] =	ssyncset.done $0x0  }
0x3f: {  	[sflag:s3] =	ssyncadd.s32 $0xFFFFE000  }
0x40: {  	_ =	swait.ge [sflag:s17], $0x2000  }
0x41: {  	[sflag:s17] =	ssyncset.done $0x0  }
0x42: {  	s6 =	sor.u32 $0x280, s24;
	[sflag:s17] =	ssyncadd.s32 $0xFFFFE000  }
0x43: {  	[tilespmem:s12], [sflag:$0x2] =	stream.indirect.gather [hbm4b:s4+s10], $0x80, s6, s10, $0xb8;
	[tilespmem:$0x1E000] =	vst v63  }
0x44: {  	s9 =	sor.u32 $0x900, s24  }
0x45: {  	[spmem:s2] =	stream.indirect.scatter.add.f32 [tilespmem:s13], [sflag:$0x5], $0x80, s9, s10, $0xb8;
	[tilespmem:$0x1E000] =	vst v63  }
0x46: {  	_ =	swait.ge [sflag:s3], $0x2000  }
0x47: {  	[sflag:s3] =	ssyncset.done $0x0  }
0x48: {  	[sflag:s3] =	ssyncadd.s32 $0xFFFFE000  }
0x49: {  	_ =	swait.ge [sflag:s18], $0x2000  }
0x4a: {  	[sflag:s18] =	ssyncset.done $0x0  }
0x4b: {  	s31 =	sor.u32 $0x300, s24;
	[sflag:s18] =	ssyncadd.s32 $0xFFFFE000  }
0x4c: {  	[tilespmem:s13], [sflag:$0x3] =	stream.indirect.gather [hbm4b:s4+s10], $0x80, s31, s10, $0xb8;
	[tilespmem:$0x1E000] =	vst v63  }
0x4d: {  	s28 =	sor.u32 $0x980, s24  }
0x4e: {  	[spmem:s2] =	stream.indirect.scatter.add.f32 [tilespmem:s15], [sflag:$0x5], $0x80, s28, s10, $0xb8;
	[tilespmem:$0x1E000] =	vst v63  }
0x4f: {  	_ =	swait.ge [sflag:s3], $0x2000  }
0x50: {  	[sflag:s3] =	ssyncset.done $0x0  }
0x51: {  	[sflag:s3] =	ssyncadd.s32 $0xFFFFE000  }
0x52: {  	_ =	swait.ge [sflag:s14], $0x2000  }
0x53: {  	[sflag:s14] =	ssyncset.done $0x0  }
0x54: {  	s29 =	sor.u32 $0x380, s24;
	[sflag:s14] =	ssyncadd.s32 $0xFFFFE000  }
0x55: {  	[tilespmem:s15], [sflag:$0x4] =	stream.indirect.gather [hbm4b:s4+s10], $0x80, s29, s10, $0xb8;
	[tilespmem:$0x1E000] =	vst v63  }
0x56: {  	s0 =	sor.u32 $0xA00, s24  }
0x57: {  	[spmem:s2] =	stream.indirect.scatter.add.f32 [tilespmem:s11], [sflag:$0x5], $0x80, s0, s10, $0xb8;
	[tilespmem:$0x1E000] =	vst v63  }
0x58: {  	_ =	swait.ge [sflag:s3], $0x2000  }
0x59: {  	[sflag:s3] =	ssyncset.done $0x0  }
0x5a: {  	[sflag:s3] =	ssyncadd.s32 $0xFFFFE000  }
0x5b: {  	_ =	swait.ge [sflag:s16], $0x2000  }
0x5c: {  	s21 =	simm.s32 @p1 $0x5;
	s26 =	simm.s32 @p1 $0x40;
	[sflag:s16] =	ssyncset.done $0x0  }
0x5d: {  	s24 =	sor.u32 @p1 $0x800, s6;
	s0 =	simm.s32 @p1 $0x3000;
	[sflag:s16] =	ssyncadd.s32 $0xFFFFE000  }
0x5e: {  	[spmem:s2] =	stream.indirect.scatter.add.f32 @p1 [tilespmem:s0], [sflag:$0x5], $0x80, s24, s26, $0xb8;
	[tilespmem:$0x1E000] =	vst v63  }
0x5f: {  	_ =	swait.ge @p1 [sflag:s21], $0x2000  }
0x60: {  	[sflag:s21] =	ssyncset.done @p1 $0x0  }
0x61: {  	s0 =	simm.s32 @p1 $0x3;
	[sflag:s21] =	ssyncadd.s32 @p1 $0xFFFFE000  }
0x62: {  	_ =	swait.ge @p1 [sflag:s0], $0x2000  }
0x63: {  	[sflag:s0] =	ssyncset.done @p1 $0x0  }
0x64: {  	s21 =	simm.s32 @!p1 $0x1000;
	[sflag:s0] =	ssyncadd.s32 @p1 $0xFFFFE000;
	s0 =	simm.s32 @!p1 $0x40  }
0x65: {  	[tilespmem:s21], [sflag:$0x1] =	stream.indirect.gather @!p1 [hbm4b:s4+s0], $0x80, s22, s0, $0xb8;
	[tilespmem:$0x1E000] =	vst v63  }
0x66: {  	s6 =	sor.u32 @!p1 $0x800, s6;
	s21 =	simm.s32 @!p1 $0x3000  }
0x67: {  	[spmem:s2] =	stream.indirect.scatter.add.f32 @!p1 [tilespmem:s21], [sflag:$0x5], $0x80, s6, s0, $0xb8;
	[tilespmem:$0x1E000] =	vst v63  }
0x68: {  	_ =	swait.ge @!p1 [sflag:s23], $0x2000  }
0x69: {  	[sflag:s23] =	ssyncset.done @!p1 $0x0  }
0x6a: {  	s6 =	simm.s32 @!p1 $0x3;
	[sflag:s23] =	ssyncadd.s32 @!p1 $0xFFFFE000  }
0x6b: {  	_ =	swait.ge @!p1 [sflag:s6], $0x2000  }
0x6c: {  	[sflag:s6] =	ssyncset.done @!p1 $0x0  }
0x6d: {  	[sflag:s6] =	ssyncadd.s32 @!p1 $0xFFFFE000;
	s6 =	sor.u32 @!p1 $0x80, s22  }
0x6e: {  	[tilespmem:s21], [sflag:$0x2] =	stream.indirect.gather @!p1 [hbm4b:s4+s0], $0x80, s6, s0, $0xb8;
	[tilespmem:$0x1E000] =	vst v63  }
0x6f: {  	s30 =	sor.u32 $0x800, s31  }
0x70: {  	[spmem:s2] =	stream.indirect.scatter.add.f32 [tilespmem:s13], [sflag:$0x5], $0x80, s30, s10, $0xb8;
	[tilespmem:$0x1E000] =	vst v63  }
0x71: {  	_ =	swait.ge [sflag:s3], $0x2000  }
0x72: {  	[sflag:s3] =	ssyncset.done $0x0  }
0x73: {  	[sflag:s3] =	ssyncadd.s32 $0xFFFFE000  }
0x74: {  	_ =	swait.ge [sflag:s18], $0x2000  }
0x75: {  	[sflag:s18] =	ssyncset.done $0x0  }
0x76: {  	s9 =	simm.s32 @!p1 $0x5000;
	s6 =	sor.u32 @!p1 $0x100, s22;
	[sflag:s18] =	ssyncadd.s32 $0xFFFFE000  }
0x77: {  	[tilespmem:s9], [sflag:$0x3] =	stream.indirect.gather @!p1 [hbm4b:s4+s0], $0x80, s6, s0, $0xb8;
	[tilespmem:$0x1E000] =	vst v63  }
0x78: {  	s31 =	sor.u32 $0x800, s29  }
0x79: {  	[spmem:s2] =	stream.indirect.scatter.add.f32 [tilespmem:s15], [sflag:$0x5], $0x80, s31, s10, $0xb8;
	[tilespmem:$0x1E000] =	vst v63  }
0x7a: {  	_ =	swait.ge [sflag:s3], $0x2000  }
0x7b: {  	[sflag:s3] =	ssyncset.done $0x0  }
0x7c: {  	s20 =	rddreg [dreg:$0x4];
	[sflag:s3] =	ssyncadd.s32 $0xFFFFE000  }
.LBB2_10:
0x7d: {  	s6 =	stileid.u32  }
0x7e: {  	s0 =	rddreg [dreg:$0x8];
	[bflag:$0x0] =	sbarrier.arrive $0xFFFF;
	s6 =	sshll.u32 s6, $0x6  }
0x7f: {  	s9 =	sshrl.u32 s8, $0x3;
	s0 =	sadd.s32 s20, s0;
	s6 =	sor.u32 $0x1C05, s6  }
0x80: {  	[hbm:s0], [sflag:s6] =	dma.local [spmem:s9], $0x2800  }
0x81: {  	_ =	swait.ge [sflag:s3], $0x2800  }
0x82: {  	s19 =	sadd.s32 $0x1, s19;
	s31 =	rddreg [dreg:$0x9]  }
0x83: {  	p1 =	sne.s32 s19, s31  }
.Ltmp1:
0x84: {  	_ = 	snop;
	(pc) =	sbr.rel @!p1 .LBB2_11-.Ltmp1, $3  }
0x85: {  	_ =	sdelay $0x1  }
0x86: {  	[sflag:s3] =	ssyncset.done $0x0  }
0x87: {  	[sflag:s3] =	ssyncadd.s32 $0xFFFFD800  }
.LBB2_1:
0x88: {  	s20 =	simm.s32 $0x0;
	s21 =	simm.s32 $0x200  }
.LBB2_2:
0x89: {  	p1 =	sne.s32 s21, $0x3E00;
	[tilespmem:s20+$0x9070] =	vst v0  }
0x8a: {  	[tilespmem:s20+$0x9000] =	vst v0  }
0x8b: {  	[tilespmem:s20+$0x9010] =	vst v0  }
.Ltmp2:
0x8c: {  	[tilespmem:s20+$0x9020] =	vst v0;
	(pc) =	sbr.rel @p1 .LBB2_2-.Ltmp2, $4  }
0x8d: {  	[tilespmem:s20+$0x9030] =	vst v0  }
0x8e: {  	[tilespmem:s20+$0x9040] =	vst v0  }
0x8f: {  	[tilespmem:s20+$0x9050] =	vst v0  }
0x90: {  	[tilespmem:s20+$0x9060] =	vst v0;
	s20 =	sshra.s32 s21, $0x2;
	s21 =	sadd.s32 $0x200, s21  }
0x91: {  	[tilespmem:s20+$0x9070] =	vst v0  }
0x92: {  	[tilespmem:s20+$0x9000] =	vst v0  }
0x93: {  	[tilespmem:s20+$0x9010] =	vst v0  }
0x94: {  	[tilespmem:s20+$0x9020] =	vst v0  }
0x95: {  	[tilespmem:s20+$0x9030] =	vst v0  }
0x96: {  	[tilespmem:s20+$0x9040] =	vst v0  }
0x97: {  	[tilespmem:s20+$0x9050] =	vst v0  }
0x98: {  	[tilespmem:s20+$0x9060] =	vst v0  }
0x99: {  	[spmem:s8] =	stream.linear.scatter [tilespmem:s1], [sflag:$0x5], $0x1000, $0x38;
	[tilespmem:$0x1E000] =	vst v63  }
0x9a: {  	_ =	swait.ge [sflag:s3], $0x1000  }
0x9b: {  	[sflag:s3] =	ssyncset.done $0x0  }
0x9c: {  	s0 =	rddreg [dreg:$0xa];
	[sflag:s3] =	ssyncadd.s32 $0xFFFFF000  }
0x9d: {  	[spmem:s0] =	stream.linear.scatter [tilespmem:s1], [sflag:$0x5], $0x1000, $0x38;
	[tilespmem:$0x1E000] =	vst v63  }
0x9e: {  	_ =	swait.ge [sflag:s3], $0x1000  }
0x9f: {  	[sflag:s3] =	ssyncset.done $0x0  }
0xa0: {  	s22 =	rddreg [dreg:$0xb];
	[sflag:s3] =	ssyncadd.s32 $0xFFFFF000  }
0xa1: {  	[spmem:s22] =	stream.linear.scatter [tilespmem:s1], [sflag:$0x5], $0x1000, $0x38;
	[tilespmem:$0x1E000] =	vst v63  }
0xa2: {  	_ =	swait.ge [sflag:s3], $0x1000  }
0xa3: {  	[sflag:s3] =	ssyncset.done $0x0  }
0xa4: {  	s23 =	rddreg [dreg:$0xc];
	[sflag:s3] =	ssyncadd.s32 $0xFFFFF000  }
0xa5: {  	[spmem:s23] =	stream.linear.scatter [tilespmem:s1], [sflag:$0x5], $0x1000, $0x38;
	[tilespmem:$0x1E000] =	vst v63  }
0xa6: {  	_ =	swait.ge [sflag:s3], $0x1000  }
0xa7: {  	[sflag:s3] =	ssyncset.done $0x0  }
0xa8: {  	s24 =	rddreg [dreg:$0xd];
	[sflag:s3] =	ssyncadd.s32 $0xFFFFF000  }
0xa9: {  	[spmem:s24] =	stream.linear.scatter [tilespmem:s1], [sflag:$0x5], $0x1000, $0x38;
	[tilespmem:$0x1E000] =	vst v63  }
0xaa: {  	_ =	swait.ge [sflag:s3], $0x1000  }
0xab: {  	[sflag:s3] =	ssyncset.done $0x0  }
0xac: {  	s26 =	rddreg [dreg:$0xe];
	[sflag:s3] =	ssyncadd.s32 $0xFFFFF000  }
0xad: {  	[spmem:s26] =	stream.linear.scatter [tilespmem:s1], [sflag:$0x5], $0x1000, $0x38;
	[tilespmem:$0x1E000] =	vst v63  }
0xae: {  	_ =	swait.ge [sflag:s3], $0x1000  }
0xaf: {  	[sflag:s3] =	ssyncset.done $0x0  }
0xb0: {  	s28 =	rddreg [dreg:$0xf];
	[sflag:s3] =	ssyncadd.s32 $0xFFFFF000  }
0xb1: {  	[spmem:s28] =	stream.linear.scatter [tilespmem:s1], [sflag:$0x5], $0x1000, $0x38;
	[tilespmem:$0x1E000] =	vst v63  }
0xb2: {  	_ =	swait.ge [sflag:s3], $0x1000  }
0xb3: {  	[sflag:s3] =	ssyncset.done $0x0  }
0xb4: {  	s29 =	rddreg [dreg:$0x10];
	[sflag:s3] =	ssyncadd.s32 $0xFFFFF000  }
0xb5: {  	[spmem:s29] =	stream.linear.scatter [tilespmem:s1], [sflag:$0x5], $0x1000, $0x38;
	[tilespmem:$0x1E000] =	vst v63  }
0xb6: {  	_ =	swait.ge [sflag:s3], $0x1000  }
0xb7: {  	[sflag:s3] =	ssyncset.done $0x0  }
0xb8: {  	s30 =	rddreg [dreg:$0x11];
	[sflag:s3] =	ssyncadd.s32 $0xFFFFF000  }
0xb9: {  	[spmem:s30] =	stream.linear.scatter [tilespmem:s1], [sflag:$0x5], $0x1000, $0x38;
	[tilespmem:$0x1E000] =	vst v63  }
0xba: {  	_ =	swait.ge [sflag:s3], $0x1000  }
0xbb: {  	[sflag:s3] =	ssyncset.done $0x0  }
0xbc: {  	s31 =	rddreg [dreg:$0x12];
	[sflag:s3] =	ssyncadd.s32 $0xFFFFF000  }
0xbd: {  	[spmem:s31] =	stream.linear.scatter [tilespmem:s1], [sflag:$0x5], $0x1000, $0x38;
	[tilespmem:$0x1E000] =	vst v63  }
0xbe: {  	_ =	swait.ge [sflag:s3], $0x1000  }
0xbf: {  	[sflag:s3] =	ssyncset.done $0x0  }
0xc0: {  	s6 =	rddreg [dreg:$0x13];
	[sflag:s3] =	ssyncadd.s32 $0xFFFFF000  }
0xc1: {  	[spmem:s6] =	stream.linear.scatter [tilespmem:s1], [sflag:$0x5], $0x1000, $0x38;
	[tilespmem:$0x1E000] =	vst v63  }
0xc2: {  	_ =	swait.ge [sflag:s3], $0x1000  }
0xc3: {  	[sflag:s3] =	ssyncset.done $0x0  }
0xc4: {  	s9 =	rddreg [dreg:$0x14];
	[sflag:s3] =	ssyncadd.s32 $0xFFFFF000  }
0xc5: {  	[spmem:s9] =	stream.linear.scatter [tilespmem:s1], [sflag:$0x5], $0x1000, $0x38;
	[tilespmem:$0x1E000] =	vst v63  }
0xc6: {  	_ =	swait.ge [sflag:s3], $0x1000  }
0xc7: {  	[sflag:s3] =	ssyncset.done $0x0  }
0xc8: {  	s20 =	rddreg [dreg:$0x15];
	[sflag:s3] =	ssyncadd.s32 $0xFFFFF000  }
0xc9: {  	[spmem:s20] =	stream.linear.scatter [tilespmem:s1], [sflag:$0x5], $0x1000, $0x38;
	[tilespmem:$0x1E000] =	vst v63  }
0xca: {  	_ =	swait.ge [sflag:s3], $0x1000  }
0xcb: {  	[sflag:s3] =	ssyncset.done $0x0  }
0xcc: {  	s21 =	rddreg [dreg:$0x16];
	[sflag:s3] =	ssyncadd.s32 $0xFFFFF000  }
0xcd: {  	[spmem:s21] =	stream.linear.scatter [tilespmem:s1], [sflag:$0x5], $0x1000, $0x38;
	[tilespmem:$0x1E000] =	vst v63  }
0xce: {  	_ =	swait.ge [sflag:s3], $0x1000  }
0xcf: {  	[sflag:s3] =	ssyncset.done $0x0  }
0xd0: {  	s22 =	rddreg [dreg:$0x17];
	[sflag:s3] =	ssyncadd.s32 $0xFFFFF000  }
0xd1: {  	[spmem:s22] =	stream.linear.scatter [tilespmem:s1], [sflag:$0x5], $0x1000, $0x38;
	[tilespmem:$0x1E000] =	vst v63  }
0xd2: {  	_ =	swait.ge [sflag:s3], $0x1000  }
0xd3: {  	[sflag:s3] =	ssyncset.done $0x0  }
0xd4: {  	s23 =	rddreg [dreg:$0x18];
	[sflag:s3] =	ssyncadd.s32 $0xFFFFF000  }
0xd5: {  	[spmem:s23] =	stream.linear.scatter [tilespmem:s1], [sflag:$0x5], $0x1000, $0x38;
	[tilespmem:$0x1E000] =	vst v63  }
0xd6: {  	_ =	swait.ge [sflag:s3], $0x1000  }
0xd7: {  	[sflag:s3] =	ssyncset.done $0x0  }
0xd8: {  	s24 =	rddreg [dreg:$0x19];
	[sflag:s3] =	ssyncadd.s32 $0xFFFFF000  }
0xd9: {  	[spmem:s24] =	stream.linear.scatter [tilespmem:s1], [sflag:$0x5], $0x1000, $0x38;
	[tilespmem:$0x1E000] =	vst v63  }
0xda: {  	_ =	swait.ge [sflag:s3], $0x1000  }
0xdb: {  	[sflag:s3] =	ssyncset.done $0x0  }
0xdc: {  	s26 =	rddreg [dreg:$0x1a];
	[sflag:s3] =	ssyncadd.s32 $0xFFFFF000  }
0xdd: {  	[spmem:s26] =	stream.linear.scatter [tilespmem:s1], [sflag:$0x5], $0x1000, $0x38;
	[tilespmem:$0x1E000] =	vst v63  }
0xde: {  	_ =	swait.ge [sflag:s3], $0x1000  }
0xdf: {  	[sflag:s3] =	ssyncset.done $0x0  }
0xe0: {  	s28 =	rddreg [dreg:$0x1b];
	[sflag:s3] =	ssyncadd.s32 $0xFFFFF000  }
0xe1: {  	[spmem:s28] =	stream.linear.scatter [tilespmem:s1], [sflag:$0x5], $0x1000, $0x38;
	[tilespmem:$0x1E000] =	vst v63  }
0xe2: {  	_ =	swait.ge [sflag:s3], $0x1000  }
0xe3: {  	[sflag:s3] =	ssyncset.done $0x0  }
0xe4: {  	s29 =	rddreg [dreg:$0x1c];
	[sflag:s3] =	ssyncadd.s32 $0xFFFFF000  }
0xe5: {  	[spmem:s29] =	stream.linear.scatter [tilespmem:s1], [sflag:$0x5], $0x1000, $0x38;
	[tilespmem:$0x1E000] =	vst v63  }
0xe6: {  	_ =	swait.ge [sflag:s3], $0x1000  }
0xe7: {  	[sflag:s3] =	ssyncset.done $0x0  }
0xe8: {  	[sflag:s3] =	ssyncadd.s32 $0xFFFFF000  }
0xe9: {  	[bflag:$0x0] =	sbarrier.arrive $0xFFFF  }
0xea: {  	s30 =	simm.s32 $0x0;
	s6 =	rddreg [dreg:$0x6]  }
0xeb: {  	[tilespmem:s30], [sflag:$0x5] =	stream.linear.gather [hbm4b:s6+s30], $0x400, $0x38;
	[tilespmem:$0x1E000] =	vst v63  }
0xec: {  	_ =	swait.ge [sflag:s3], $0x400  }
0xed: {  	s9 =	simm.s32 $0x800;
	[sflag:s3] =	ssyncset.done $0x0  }
.Ltmp3:
0xee: {  	s31 =	rddreg [dreg:$0x7];
	[sflag:s3] =	ssyncadd.s32 $0xFFFFFC00;
	(pc) =	sbr.rel @!p0 .LBB2_4-.Ltmp3, $4  }
0xef: {  	[tilespmem:s9], [sflag:$0x5] =	stream.linear.gather [hbm4b:s31+s30], $0x400, $0x38;
	[tilespmem:$0x1E000] =	vst v63  }
0xf0: {  	_ =	swait.ge [sflag:s3], $0x400  }
0xf1: {  	[sflag:s3] =	ssyncset.done $0x0  }
0xf2: {  	[sflag:s3] =	ssyncadd.s32 $0xFFFFFC00  }
0xf3: {  	s0 =	simm.s32 $0x0  }
0xf4: {  	[tilespmem:s11], [sflag:$0x1] =	stream.indirect.gather [hbm4b:s5+s10], $0x80, s0, s10, $0xb8;
	[tilespmem:$0x1E000] =	vst v63  }
0xf5: {  	s6 =	simm.s32 $0x80;
	p1 =	por $0x0, $0x0;
	s0 =	sand.u32 $0x1, s0  }
0xf6: {  	[tilespmem:s12], [sflag:$0x2] =	stream.indirect.gather [hbm4b:s5+s10], $0x80, s6, s10, $0xb8;
	[tilespmem:$0x1E000] =	vst v63  }
0xf7: {  	s30 =	simm.s32 $0x100;
	p1 =	por p1, p1;
	s6 =	sxor.u32 $0x1, s0  }
0xf8: {  	[tilespmem:s13], [sflag:$0x3] =	stream.indirect.gather [hbm4b:s5+s10], $0x80, s30, s10, $0xb8;
	[tilespmem:$0x1E000] =	vst v63  }
0xf9: {  	s21 =	simm.s32 @!p1 $0x5;
	s20 =	sshll.u32 @!p1 s6, $0xA;
	s6 =	simm.s32 @!p1 $0x0  }
0xfa: {  	[tilespmem:s20], [sflag:$0x5] =	stream.linear.gather @!p1 [hbm4b:s7+s6], $0x400, $0x38;
	[tilespmem:$0x1E000] =	vst v63  }
0xfb: {  	_ =	swait.ge @!p1 [sflag:s21], $0x400  }
0xfc: {  	[sflag:s21] =	ssyncset.done @!p1 $0x0  }
0xfd: {  	s9 =	sor.u32 @!p1 $0x800, s20;
	[sflag:s21] =	ssyncadd.s32 @!p1 $0xFFFFFC00  }
0xfe: {  	[tilespmem:s9], [sflag:$0x5] =	stream.linear.gather @!p1 [hbm4b:s25+s6], $0x400, $0x38;
	[tilespmem:$0x1E000] =	vst v63  }
0xff: {  	_ =	swait.ge @!p1 [sflag:s21], $0x400  }
0x100: {  	[sflag:s21] =	ssyncset.done @!p1 $0x0  }
0x101: {  	[sflag:s21] =	ssyncadd.s32 @!p1 $0xFFFFFC00  }
0x102: {  	_ =	swait.ge [sflag:s14], $0x2000  }
0x103: {  	s0 =	sshll.u32 s0, $0xA;
	[sflag:s14] =	ssyncset.done $0x0  }
0x104: {  	s31 =	sor.u32 $0x180, s0;
	[sflag:s14] =	ssyncadd.s32 $0xFFFFE000  }
0x105: {  	[tilespmem:s15], [sflag:$0x4] =	stream.indirect.gather [hbm4b:s5+s10], $0x80, s31, s10, $0xb8;
	[tilespmem:$0x1E000] =	vst v63  }
0x106: {  	s9 =	sor.u32 $0x800, s0  }
0x107: {  	[spmem:s2] =	stream.indirect.scatter.add.f32 [tilespmem:s11], [sflag:$0x5], $0x80, s9, s10, $0xb8;
	[tilespmem:$0x1E000] =	vst v63  }
0x108: {  	_ =	swait.ge [sflag:s3], $0x2000  }
0x109: {  	[sflag:s3] =	ssyncset.done $0x0  }
0x10a: {  	[sflag:s3] =	ssyncadd.s32 $0xFFFFE000  }
0x10b: {  	_ =	swait.ge [sflag:s16], $0x2000  }
0x10c: {  	[sflag:s16] =	ssyncset.done $0x0  }
0x10d: {  	s22 =	sor.u32 $0x200, s0;
	[sflag:s16] =	ssyncadd.s32 $0xFFFFE000  }
0x10e: {  	[tilespmem:s11], [sflag:$0x1] =	stream.indirect.gather [hbm4b:s5+s10], $0x80, s22, s10, $0xb8;
	[tilespmem:$0x1E000] =	vst v63  }
0x10f: {  	s23 =	sor.u32 $0x880, s0  }
0x110: {  	[spmem:s2] =	stream.indirect.scatter.add.f32 [tilespmem:s12], [sflag:$0x5], $0x80, s23, s10, $0xb8;
	[tilespmem:$0x1E000] =	vst v63  }
0x111: {  	_ =	swait.ge [sflag:s3], $0x2000  }
0x112: {  	[sflag:s3] =	ssyncset.done $0x0  }
0x113: {  	[sflag:s3] =	ssyncadd.s32 $0xFFFFE000  }
0x114: {  	_ =	swait.ge [sflag:s17], $0x2000  }
0x115: {  	[sflag:s17] =	ssyncset.done $0x0  }
0x116: {  	s6 =	sor.u32 $0x280, s0;
	[sflag:s17] =	ssyncadd.s32 $0xFFFFE000  }
0x117: {  	[tilespmem:s12], [sflag:$0x2] =	stream.indirect.gather [hbm4b:s5+s10], $0x80, s6, s10, $0xb8;
	[tilespmem:$0x1E000] =	vst v63  }
0x118: {  	s24 =	sor.u32 $0x900, s0  }
0x119: {  	[spmem:s2] =	stream.indirect.scatter.add.f32 [tilespmem:s13], [sflag:$0x5], $0x80, s24, s10, $0xb8;
	[tilespmem:$0x1E000] =	vst v63  }
0x11a: {  	_ =	swait.ge [sflag:s3], $0x2000  }
0x11b: {  	[sflag:s3] =	ssyncset.done $0x0  }
0x11c: {  	[sflag:s3] =	ssyncadd.s32 $0xFFFFE000  }
0x11d: {  	_ =	swait.ge [sflag:s18], $0x2000  }
0x11e: {  	[sflag:s18] =	ssyncset.done $0x0  }
0x11f: {  	s26 =	sor.u32 $0x300, s0;
	[sflag:s18] =	ssyncadd.s32 $0xFFFFE000  }
0x120: {  	[tilespmem:s13], [sflag:$0x3] =	stream.indirect.gather [hbm4b:s5+s10], $0x80, s26, s10, $0xb8;
	[tilespmem:$0x1E000] =	vst v63  }
0x121: {  	s22 =	sor.u32 $0x980, s0  }
0x122: {  	[spmem:s2] =	stream.indirect.scatter.add.f32 [tilespmem:s15], [sflag:$0x5], $0x80, s22, s10, $0xb8;
	[tilespmem:$0x1E000] =	vst v63  }
0x123: {  	_ =	swait.ge [sflag:s3], $0x2000  }
0x124: {  	[sflag:s3] =	ssyncset.done $0x0  }
0x125: {  	[sflag:s3] =	ssyncadd.s32 $0xFFFFE000  }
0x126: {  	_ =	swait.ge [sflag:s14], $0x2000  }
0x127: {  	[sflag:s14] =	ssyncset.done $0x0  }
0x128: {  	s23 =	sor.u32 $0x380, s0;
	[sflag:s14] =	ssyncadd.s32 $0xFFFFE000  }
0x129: {  	[tilespmem:s15], [sflag:$0x4] =	stream.indirect.gather [hbm4b:s5+s10], $0x80, s23, s10, $0xb8;
	[tilespmem:$0x1E000] =	vst v63  }
0x12a: {  	s0 =	sor.u32 $0xA00, s0  }
0x12b: {  	[spmem:s2] =	stream.indirect.scatter.add.f32 [tilespmem:s11], [sflag:$0x5], $0x80, s0, s10, $0xb8;
	[tilespmem:$0x1E000] =	vst v63  }
0x12c: {  	_ =	swait.ge [sflag:s3], $0x2000  }
0x12d: {  	[sflag:s3] =	ssyncset.done $0x0  }
0x12e: {  	[sflag:s3] =	ssyncadd.s32 $0xFFFFE000  }
0x12f: {  	_ =	swait.ge [sflag:s16], $0x2000  }
0x130: {  	s24 =	simm.s32 @p1 $0x40;
	[sflag:s16] =	ssyncset.done $0x0  }
0x131: {  	s22 =	sor.u32 @p1 $0x800, s6;
	s0 =	simm.s32 @p1 $0x3000;
	[sflag:s16] =	ssyncadd.s32 $0xFFFFE000  }
0x132: {  	[spmem:s2] =	stream.indirect.scatter.add.f32 @p1 [tilespmem:s0], [sflag:$0x5], $0x80, s22, s24, $0xb8;
	[tilespmem:$0x1E000] =	vst v63  }
0x133: {  	s0 =	simm.s32 @p1 $0x5  }
0x134: {  	_ =	swait.ge @p1 [sflag:s0], $0x2000  }
0x135: {  	[sflag:s0] =	ssyncset.done @p1 $0x0  }
0x136: {  	[sflag:s0] =	ssyncadd.s32 @p1 $0xFFFFE000;
	s0 =	simm.s32 @p1 $0x3  }
0x137: {  	_ =	swait.ge @p1 [sflag:s0], $0x2000  }
0x138: {  	[sflag:s0] =	ssyncset.done @p1 $0x0  }
0x139: {  	s22 =	simm.s32 @!p1 $0x1000;
	[sflag:s0] =	ssyncadd.s32 @p1 $0xFFFFE000;
	s0 =	simm.s32 @!p1 $0x40  }
0x13a: {  	[tilespmem:s22], [sflag:$0x1] =	stream.indirect.gather @!p1 [hbm4b:s5+s0], $0x80, s20, s0, $0xb8;
	[tilespmem:$0x1E000] =	vst v63  }
0x13b: {  	s6 =	sor.u32 @!p1 $0x800, s6;
	s22 =	simm.s32 @!p1 $0x3000  }
0x13c: {  	[spmem:s2] =	stream.indirect.scatter.add.f32 @!p1 [tilespmem:s22], [sflag:$0x5], $0x80, s6, s0, $0xb8;
	[tilespmem:$0x1E000] =	vst v63  }
0x13d: {  	_ =	swait.ge @!p1 [sflag:s21], $0x2000  }
0x13e: {  	[sflag:s21] =	ssyncset.done @!p1 $0x0  }
0x13f: {  	s6 =	simm.s32 @!p1 $0x3;
	[sflag:s21] =	ssyncadd.s32 @!p1 $0xFFFFE000  }
0x140: {  	_ =	swait.ge @!p1 [sflag:s6], $0x2000  }
0x141: {  	[sflag:s6] =	ssyncset.done @!p1 $0x0  }
0x142: {  	[sflag:s6] =	ssyncadd.s32 @!p1 $0xFFFFE000;
	s6 =	sor.u32 @!p1 $0x80, s20  }
0x143: {  	[tilespmem:s22], [sflag:$0x2] =	stream.indirect.gather @!p1 [hbm4b:s5+s0], $0x80, s6, s0, $0xb8;
	[tilespmem:$0x1E000] =	vst v63  }
0x144: {  	s29 =	sor.u32 $0x800, s26  }
0x145: {  	[spmem:s2] =	stream.indirect.scatter.add.f32 [tilespmem:s13], [sflag:$0x5], $0x80, s29, s10, $0xb8;
	[tilespmem:$0x1E000] =	vst v63  }
0x146: {  	_ =	swait.ge [sflag:s3], $0x2000  }
0x147: {  	[sflag:s3] =	ssyncset.done $0x0  }
0x148: {  	[sflag:s3] =	ssyncadd.s32 $0xFFFFE000  }
0x149: {  	_ =	swait.ge [sflag:s18], $0x2000  }
0x14a: {  	s30 =	simm.s32 $0x1;
	[sflag:s18] =	ssyncset.done $0x0  }
0x14b: {  	s9 =	simm.s32 @!p1 $0x5000;
	s6 =	sor.u32 @!p1 $0x100, s20;
	[sflag:s18] =	ssyncadd.s32 $0xFFFFE000  }
0x14c: {  	[tilespmem:s9], [sflag:$0x3] =	stream.indirect.gather @!p1 [hbm4b:s5+s0], $0x80, s6, s0, $0xb8;
	[tilespmem:$0x1E000] =	vst v63  }
0x14d: {  	p6 =	por $0x0, $0x0;
	s28 =	sand.u32 $0x1, s30;
	s31 =	sor.u32 $0x800, s23  }
0x14e: {  	[spmem:s2] =	stream.indirect.scatter.add.f32 [tilespmem:s15], [sflag:$0x5], $0x80, s31, s10, $0xb8;
	[tilespmem:$0x1E000] =	vst v63  }
0x14f: {  	s21 =	sadd.s32 $0x80, s7;
	s22 =	simm.s32 $0x2;
	_ =	swait.ge [sflag:s3], $0x2000  }
0x150: {  	s20 =	sadd.s32 $0x80, s25;
	p1 =	por p6, p6;
	[sflag:s3] =	ssyncset.done $0x0  }
.LBB2_8:
0x151: {  	p2 =	seq.s32 s22, $0x27;
	s0 =	sxor.u32 $0x1, s28;
	[sflag:s3] =	ssyncadd.s32 $0xFFFFE000  }
0x152: {  	s26 =	simm.s32 @!p1 $0x5;
	s24 =	sshll.u32 @!p1 s0, $0xA;
	s0 =	simm.s32 @!p1 $0x0  }
0x153: {  	[tilespmem:s24], [sflag:$0x5] =	stream.linear.gather @!p1 [hbm4b:s21+s0], $0x400, $0x38;
	[tilespmem:$0x1E000] =	vst v63  }
0x154: {  	s23 =	smov.u32 s22;
	s22 =	sadd.s32 $0x1, s22;
	_ =	swait.ge @!p1 [sflag:s26], $0x400  }
0x155: {  	p3 =	sne.s32 s22, $0x28;
	[sflag:s26] =	ssyncset.done @!p1 $0x0  }
0x156: {  	s6 =	sor.u32 @!p1 $0x800, s24;
	[sflag:s26] =	ssyncadd.s32 @!p1 $0xFFFFFC00  }
0x157: {  	[tilespmem:s6], [sflag:$0x5] =	stream.linear.gather @!p1 [hbm4b:s20+s0], $0x400, $0x38;
	[tilespmem:$0x1E000] =	vst v63  }
0x158: {  	_ =	swait.ge @!p1 [sflag:s26], $0x400  }
0x159: {  	[sflag:s26] =	ssyncset.done @!p1 $0x0  }
0x15a: {  	[sflag:s26] =	ssyncadd.s32 @!p1 $0xFFFFFC00  }
0x15b: {  	_ =	swait.ge [sflag:s14], $0x2000  }
0x15c: {  	s30 =	sshll.u32 s28, $0xA;
	[sflag:s14] =	ssyncset.done $0x0  }
0x15d: {  	s0 =	sor.u32 $0x180, s30;
	[sflag:s14] =	ssyncadd.s32 $0xFFFFE000  }
0x15e: {  	[tilespmem:s15], [sflag:$0x4] =	stream.indirect.gather [hbm4b:s5+s10], $0x80, s0, s10, $0xb8;
	[tilespmem:$0x1E000] =	vst v63  }
0x15f: {  	s0 =	sor.u32 $0x800, s30  }
0x160: {  	[spmem:s2] =	stream.indirect.scatter.add.f32 [tilespmem:s11], [sflag:$0x5], $0x80, s0, s10, $0xb8;
	[tilespmem:$0x1E000] =	vst v63  }
0x161: {  	_ =	swait.ge [sflag:s3], $0x2000  }
0x162: {  	[sflag:s3] =	ssyncset.done $0x0  }
0x163: {  	[sflag:s3] =	ssyncadd.s32 $0xFFFFE000  }
0x164: {  	_ =	swait.ge [sflag:s16], $0x2000  }
0x165: {  	[sflag:s16] =	ssyncset.done $0x0  }
0x166: {  	s0 =	sor.u32 $0x200, s30;
	[sflag:s16] =	ssyncadd.s32 $0xFFFFE000  }
0x167: {  	[tilespmem:s11], [sflag:$0x1] =	stream.indirect.gather [hbm4b:s5+s10], $0x80, s0, s10, $0xb8;
	[tilespmem:$0x1E000] =	vst v63  }
0x168: {  	s0 =	sor.u32 $0x880, s30  }
0x169: {  	[spmem:s2] =	stream.indirect.scatter.add.f32 [tilespmem:s12], [sflag:$0x5], $0x80, s0, s10, $0xb8;
	[tilespmem:$0x1E000] =	vst v63  }
0x16a: {  	_ =	swait.ge [sflag:s3], $0x2000  }
0x16b: {  	[sflag:s3] =	ssyncset.done $0x0  }
0x16c: {  	[sflag:s3] =	ssyncadd.s32 $0xFFFFE000  }
0x16d: {  	_ =	swait.ge [sflag:s17], $0x2000  }
0x16e: {  	[sflag:s17] =	ssyncset.done $0x0  }
0x16f: {  	s31 =	sor.u32 $0x280, s30;
	[sflag:s17] =	ssyncadd.s32 $0xFFFFE000  }
0x170: {  	[tilespmem:s12], [sflag:$0x2] =	stream.indirect.gather [hbm4b:s5+s10], $0x80, s31, s10, $0xb8;
	[tilespmem:$0x1E000] =	vst v63  }
0x171: {  	s0 =	sor.u32 $0x900, s30  }
0x172: {  	[spmem:s2] =	stream.indirect.scatter.add.f32 [tilespmem:s13], [sflag:$0x5], $0x80, s0, s10, $0xb8;
	[tilespmem:$0x1E000] =	vst v63  }
0x173: {  	_ =	swait.ge [sflag:s3], $0x2000  }
0x174: {  	[sflag:s3] =	ssyncset.done $0x0  }
0x175: {  	[sflag:s3] =	ssyncadd.s32 $0xFFFFE000  }
0x176: {  	_ =	swait.ge [sflag:s18], $0x2000  }
0x177: {  	[sflag:s18] =	ssyncset.done $0x0  }
0x178: {  	s29 =	sor.u32 $0x300, s30;
	[sflag:s18] =	ssyncadd.s32 $0xFFFFE000  }
0x179: {  	[tilespmem:s13], [sflag:$0x3] =	stream.indirect.gather [hbm4b:s5+s10], $0x80, s29, s10, $0xb8;
	[tilespmem:$0x1E000] =	vst v63  }
0x17a: {  	s0 =	sor.u32 $0x980, s30  }
0x17b: {  	[spmem:s2] =	stream.indirect.scatter.add.f32 [tilespmem:s15], [sflag:$0x5], $0x80, s0, s10, $0xb8;
	[tilespmem:$0x1E000] =	vst v63  }
0x17c: {  	_ =	swait.ge [sflag:s3], $0x2000  }
0x17d: {  	[sflag:s3] =	ssyncset.done $0x0  }
0x17e: {  	[sflag:s3] =	ssyncadd.s32 $0xFFFFE000  }
0x17f: {  	_ =	swait.ge [sflag:s14], $0x2000  }
0x180: {  	[sflag:s14] =	ssyncset.done $0x0  }
0x181: {  	s28 =	sor.u32 $0x380, s30;
	[sflag:s14] =	ssyncadd.s32 $0xFFFFE000  }
0x182: {  	[tilespmem:s15], [sflag:$0x4] =	stream.indirect.gather [hbm4b:s5+s10], $0x80, s28, s10, $0xb8;
	[tilespmem:$0x1E000] =	vst v63  }
0x183: {  	s0 =	sor.u32 $0xA00, s30  }
0x184: {  	[spmem:s2] =	stream.indirect.scatter.add.f32 [tilespmem:s11], [sflag:$0x5], $0x80, s0, s10, $0xb8;
	[tilespmem:$0x1E000] =	vst v63  }
0x185: {  	_ =	swait.ge [sflag:s3], $0x2000  }
0x186: {  	[sflag:s3] =	ssyncset.done $0x0  }
0x187: {  	[sflag:s3] =	ssyncadd.s32 $0xFFFFE000  }
0x188: {  	_ =	swait.ge [sflag:s16], $0x2000  }
0x189: {  	s6 =	simm.s32 @p1 $0x5;
	s0 =	simm.s32 @p1 $0x3000;
	[sflag:s16] =	ssyncset.done $0x0  }
0x18a: {  	s9 =	sor.u32 @p1 $0x800, s31;
	s30 =	simm.s32 @p1 $0x40;
	[sflag:s16] =	ssyncadd.s32 $0xFFFFE000  }
0x18b: {  	[spmem:s2] =	stream.indirect.scatter.add.f32 @p1 [tilespmem:s0], [sflag:$0x5], $0x80, s9, s30, $0xb8;
	[tilespmem:$0x1E000] =	vst v63  }
0x18c: {  	_ =	swait.ge @p1 [sflag:s6], $0x2000  }
0x18d: {  	[sflag:s6] =	ssyncset.done @p1 $0x0  }
0x18e: {  	s0 =	simm.s32 @p1 $0x3;
	[sflag:s6] =	ssyncadd.s32 @p1 $0xFFFFE000  }
0x18f: {  	_ =	swait.ge @p1 [sflag:s0], $0x2000  }
0x190: {  	[sflag:s0] =	ssyncset.done @p1 $0x0  }
0x191: {  	s6 =	simm.s32 @!p1 $0x1000;
	[sflag:s0] =	ssyncadd.s32 @p1 $0xFFFFE000;
	s0 =	simm.s32 @!p1 $0x40  }
0x192: {  	[tilespmem:s6], [sflag:$0x1] =	stream.indirect.gather @!p1 [hbm4b:s5+s0], $0x80, s24, s0, $0xb8;
	[tilespmem:$0x1E000] =	vst v63  }
0x193: {  	s9 =	simm.s32 @!p1 $0x3000;
	s6 =	sor.u32 @!p1 $0x800, s31  }
0x194: {  	[spmem:s2] =	stream.indirect.scatter.add.f32 @!p1 [tilespmem:s9], [sflag:$0x5], $0x80, s6, s0, $0xb8;
	[tilespmem:$0x1E000] =	vst v63  }
0x195: {  	_ =	swait.ge @!p1 [sflag:s26], $0x2000  }
0x196: {  	[sflag:s26] =	ssyncset.done @!p1 $0x0  }
0x197: {  	s6 =	simm.s32 @!p1 $0x3;
	[sflag:s26] =	ssyncadd.s32 @!p1 $0xFFFFE000  }
0x198: {  	_ =	swait.ge @!p1 [sflag:s6], $0x2000  }
0x199: {  	[sflag:s6] =	ssyncset.done @!p1 $0x0  }
0x19a: {  	[sflag:s6] =	ssyncadd.s32 @!p1 $0xFFFFE000;
	s6 =	sor.u32 @!p1 $0x80, s24  }
0x19b: {  	[tilespmem:s9], [sflag:$0x2] =	stream.indirect.gather @!p1 [hbm4b:s5+s0], $0x80, s6, s0, $0xb8;
	[tilespmem:$0x1E000] =	vst v63  }
0x19c: {  	s6 =	sor.u32 $0x800, s29  }
0x19d: {  	[spmem:s2] =	stream.indirect.scatter.add.f32 [tilespmem:s13], [sflag:$0x5], $0x80, s6, s10, $0xb8;
	[tilespmem:$0x1E000] =	vst v63  }
0x19e: {  	_ =	swait.ge [sflag:s3], $0x2000  }
0x19f: {  	[sflag:s3] =	ssyncset.done $0x0  }
0x1a0: {  	[sflag:s3] =	ssyncadd.s32 $0xFFFFE000  }
0x1a1: {  	_ =	swait.ge [sflag:s18], $0x2000  }
0x1a2: {  	[sflag:s18] =	ssyncset.done $0x0  }
0x1a3: {  	s9 =	simm.s32 @!p1 $0x5000;
	s6 =	sor.u32 @!p1 $0x100, s24;
	[sflag:s18] =	ssyncadd.s32 $0xFFFFE000  }
0x1a4: {  	[tilespmem:s9], [sflag:$0x3] =	stream.indirect.gather @!p1 [hbm4b:s5+s0], $0x80, s6, s0, $0xb8;
	[tilespmem:$0x1E000] =	vst v63  }
.Ltmp4:
0x1a5: {  	_ = 	snop;
	(pc) =	sbr.rel @p3 .LBB2_8-.Ltmp4, $4  }
0x1a6: {  	s0 =	sor.u32 $0x800, s28;
	p1 =	por p2, p2  }
0x1a7: {  	[spmem:s2] =	stream.indirect.scatter.add.f32 [tilespmem:s15], [sflag:$0x5], $0x80, s0, s10, $0xb8;
	[tilespmem:$0x1E000] =	vst v63  }
0x1a8: {  	s21 =	sadd.s32 $0x80, s21;
	_ =	swait.ge [sflag:s3], $0x2000  }
0x1a9: {  	s20 =	sadd.s32 $0x80, s20;
	s28 =	sand.u32 $0x1, s23;
	[sflag:s3] =	ssyncset.done $0x0  }
0x1aa: {  	s0 =	sxor.u32 $0x1, s28;
	[sflag:s3] =	ssyncadd.s32 $0xFFFFE000  }
0x1ab: {  	s23 =	simm.s32 @!p1 $0x5;
	s22 =	sshll.u32 @!p1 s0, $0xA;
	s0 =	simm.s32 @!p1 $0x0  }
0x1ac: {  	[tilespmem:s22], [sflag:$0x5] =	stream.linear.gather @!p1 [hbm4b:s21+s0], $0x400, $0x38;
	[tilespmem:$0x1E000] =	vst v63  }
0x1ad: {  	_ =	swait.ge @!p1 [sflag:s23], $0x400  }
0x1ae: {  	[sflag:s23] =	ssyncset.done @!p1 $0x0  }
0x1af: {  	s6 =	sor.u32 @!p1 $0x800, s22;
	[sflag:s23] =	ssyncadd.s32 @!p1 $0xFFFFFC00  }
0x1b0: {  	[tilespmem:s6], [sflag:$0x5] =	stream.linear.gather @!p1 [hbm4b:s20+s0], $0x400, $0x38;
	[tilespmem:$0x1E000] =	vst v63  }
0x1b1: {  	_ =	swait.ge @!p1 [sflag:s23], $0x400  }
0x1b2: {  	[sflag:s23] =	ssyncset.done @!p1 $0x0  }
0x1b3: {  	[sflag:s23] =	ssyncadd.s32 @!p1 $0xFFFFFC00  }
0x1b4: {  	_ =	swait.ge [sflag:s14], $0x2000  }
0x1b5: {  	s24 =	sshll.u32 s28, $0xA;
	[sflag:s14] =	ssyncset.done $0x0  }
0x1b6: {  	s26 =	sor.u32 $0x180, s24;
	[sflag:s14] =	ssyncadd.s32 $0xFFFFE000  }
0x1b7: {  	[tilespmem:s15], [sflag:$0x4] =	stream.indirect.gather [hbm4b:s5+s10], $0x80, s26, s10, $0xb8;
	[tilespmem:$0x1E000] =	vst v63  }
0x1b8: {  	s28 =	sor.u32 $0x800, s24  }
0x1b9: {  	[spmem:s2] =	stream.indirect.scatter.add.f32 [tilespmem:s11], [sflag:$0x5], $0x80, s28, s10, $0xb8;
	[tilespmem:$0x1E000] =	vst v63  }
0x1ba: {  	_ =	swait.ge [sflag:s3], $0x2000  }
0x1bb: {  	[sflag:s3] =	ssyncset.done $0x0  }
0x1bc: {  	[sflag:s3] =	ssyncadd.s32 $0xFFFFE000  }
0x1bd: {  	_ =	swait.ge [sflag:s16], $0x2000  }
0x1be: {  	[sflag:s16] =	ssyncset.done $0x0  }
0x1bf: {  	s29 =	sor.u32 $0x200, s24;
	[sflag:s16] =	ssyncadd.s32 $0xFFFFE000  }
0x1c0: {  	[tilespmem:s11], [sflag:$0x1] =	stream.indirect.gather [hbm4b:s5+s10], $0x80, s29, s10, $0xb8;
	[tilespmem:$0x1E000] =	vst v63  }
0x1c1: {  	s30 =	sor.u32 $0x880, s24  }
0x1c2: {  	[spmem:s2] =	stream.indirect.scatter.add.f32 [tilespmem:s12], [sflag:$0x5], $0x80, s30, s10, $0xb8;
	[tilespmem:$0x1E000] =	vst v63  }
0x1c3: {  	_ =	swait.ge [sflag:s3], $0x2000  }
0x1c4: {  	[sflag:s3] =	ssyncset.done $0x0  }
0x1c5: {  	[sflag:s3] =	ssyncadd.s32 $0xFFFFE000  }
0x1c6: {  	_ =	swait.ge [sflag:s17], $0x2000  }
0x1c7: {  	[sflag:s17] =	ssyncset.done $0x0  }
0x1c8: {  	s6 =	sor.u32 $0x280, s24;
	[sflag:s17] =	ssyncadd.s32 $0xFFFFE000  }
0x1c9: {  	[tilespmem:s12], [sflag:$0x2] =	stream.indirect.gather [hbm4b:s5+s10], $0x80, s6, s10, $0xb8;
	[tilespmem:$0x1E000] =	vst v63  }
0x1ca: {  	s9 =	sor.u32 $0x900, s24  }
0x1cb: {  	[spmem:s2] =	stream.indirect.scatter.add.f32 [tilespmem:s13], [sflag:$0x5], $0x80, s9, s10, $0xb8;
	[tilespmem:$0x1E000] =	vst v63  }
0x1cc: {  	_ =	swait.ge [sflag:s3], $0x2000  }
0x1cd: {  	[sflag:s3] =	ssyncset.done $0x0  }
0x1ce: {  	[sflag:s3] =	ssyncadd.s32 $0xFFFFE000  }
0x1cf: {  	_ =	swait.ge [sflag:s18], $0x2000  }
0x1d0: {  	[sflag:s18] =	ssyncset.done $0x0  }
0x1d1: {  	s31 =	sor.u32 $0x300, s24;
	[sflag:s18] =	ssyncadd.s32 $0xFFFFE000  }
0x1d2: {  	[tilespmem:s13], [sflag:$0x3] =	stream.indirect.gather [hbm4b:s5+s10], $0x80, s31, s10, $0xb8;
	[tilespmem:$0x1E000] =	vst v63  }
0x1d3: {  	s28 =	sor.u32 $0x980, s24  }
0x1d4: {  	[spmem:s2] =	stream.indirect.scatter.add.f32 [tilespmem:s15], [sflag:$0x5], $0x80, s28, s10, $0xb8;
	[tilespmem:$0x1E000] =	vst v63  }
0x1d5: {  	_ =	swait.ge [sflag:s3], $0x2000  }
0x1d6: {  	[sflag:s3] =	ssyncset.done $0x0  }
0x1d7: {  	[sflag:s3] =	ssyncadd.s32 $0xFFFFE000  }
0x1d8: {  	_ =	swait.ge [sflag:s14], $0x2000  }
0x1d9: {  	[sflag:s14] =	ssyncset.done $0x0  }
0x1da: {  	s29 =	sor.u32 $0x380, s24;
	[sflag:s14] =	ssyncadd.s32 $0xFFFFE000  }
0x1db: {  	[tilespmem:s15], [sflag:$0x4] =	stream.indirect.gather [hbm4b:s5+s10], $0x80, s29, s10, $0xb8;
	[tilespmem:$0x1E000] =	vst v63  }
0x1dc: {  	s0 =	sor.u32 $0xA00, s24  }
0x1dd: {  	[spmem:s2] =	stream.indirect.scatter.add.f32 [tilespmem:s11], [sflag:$0x5], $0x80, s0, s10, $0xb8;
	[tilespmem:$0x1E000] =	vst v63  }
0x1de: {  	_ =	swait.ge [sflag:s3], $0x2000  }
0x1df: {  	[sflag:s3] =	ssyncset.done $0x0  }
0x1e0: {  	[sflag:s3] =	ssyncadd.s32 $0xFFFFE000  }
0x1e1: {  	_ =	swait.ge [sflag:s16], $0x2000  }
0x1e2: {  	s21 =	simm.s32 @p1 $0x5;
	s26 =	simm.s32 @p1 $0x40;
	[sflag:s16] =	ssyncset.done $0x0  }
0x1e3: {  	s24 =	sor.u32 @p1 $0x800, s6;
	s0 =	simm.s32 @p1 $0x3000;
	[sflag:s16] =	ssyncadd.s32 $0xFFFFE000  }
0x1e4: {  	[spmem:s2] =	stream.indirect.scatter.add.f32 @p1 [tilespmem:s0], [sflag:$0x5], $0x80, s24, s26, $0xb8;
	[tilespmem:$0x1E000] =	vst v63  }
0x1e5: {  	_ =	swait.ge @p1 [sflag:s21], $0x2000  }
0x1e6: {  	[sflag:s21] =	ssyncset.done @p1 $0x0  }
0x1e7: {  	s0 =	simm.s32 @p1 $0x3;
	[sflag:s21] =	ssyncadd.s32 @p1 $0xFFFFE000  }
0x1e8: {  	_ =	swait.ge @p1 [sflag:s0], $0x2000  }
0x1e9: {  	[sflag:s0] =	ssyncset.done @p1 $0x0  }
0x1ea: {  	s21 =	simm.s32 @!p1 $0x1000;
	[sflag:s0] =	ssyncadd.s32 @p1 $0xFFFFE000;
	s0 =	simm.s32 @!p1 $0x40  }
0x1eb: {  	[tilespmem:s21], [sflag:$0x1] =	stream.indirect.gather @!p1 [hbm4b:s5+s0], $0x80, s22, s0, $0xb8;
	[tilespmem:$0x1E000] =	vst v63  }
0x1ec: {  	s6 =	sor.u32 @!p1 $0x800, s6;
	s21 =	simm.s32 @!p1 $0x3000  }
0x1ed: {  	[spmem:s2] =	stream.indirect.scatter.add.f32 @!p1 [tilespmem:s21], [sflag:$0x5], $0x80, s6, s0, $0xb8;
	[tilespmem:$0x1E000] =	vst v63  }
0x1ee: {  	_ =	swait.ge @!p1 [sflag:s23], $0x2000  }
0x1ef: {  	[sflag:s23] =	ssyncset.done @!p1 $0x0  }
0x1f0: {  	s6 =	simm.s32 @!p1 $0x3;
	[sflag:s23] =	ssyncadd.s32 @!p1 $0xFFFFE000  }
0x1f1: {  	_ =	swait.ge @!p1 [sflag:s6], $0x2000  }
0x1f2: {  	[sflag:s6] =	ssyncset.done @!p1 $0x0  }
0x1f3: {  	[sflag:s6] =	ssyncadd.s32 @!p1 $0xFFFFE000;
	s6 =	sor.u32 @!p1 $0x80, s22  }
0x1f4: {  	[tilespmem:s21], [sflag:$0x2] =	stream.indirect.gather @!p1 [hbm4b:s5+s0], $0x80, s6, s0, $0xb8;
	[tilespmem:$0x1E000] =	vst v63  }
0x1f5: {  	s30 =	sor.u32 $0x800, s31  }
0x1f6: {  	[spmem:s2] =	stream.indirect.scatter.add.f32 [tilespmem:s13], [sflag:$0x5], $0x80, s30, s10, $0xb8;
	[tilespmem:$0x1E000] =	vst v63  }
0x1f7: {  	_ =	swait.ge [sflag:s3], $0x2000  }
0x1f8: {  	[sflag:s3] =	ssyncset.done $0x0  }
0x1f9: {  	[sflag:s3] =	ssyncadd.s32 $0xFFFFE000  }
0x1fa: {  	_ =	swait.ge [sflag:s18], $0x2000  }
0x1fb: {  	[sflag:s18] =	ssyncset.done $0x0  }
0x1fc: {  	s9 =	simm.s32 @!p1 $0x5000;
	s6 =	sor.u32 @!p1 $0x100, s22;
	[sflag:s18] =	ssyncadd.s32 $0xFFFFE000  }
0x1fd: {  	[tilespmem:s9], [sflag:$0x3] =	stream.indirect.gather @!p1 [hbm4b:s5+s0], $0x80, s6, s0, $0xb8;
	[tilespmem:$0x1E000] =	vst v63  }
.Ltmp5:
0x1fe: {  	s31 =	sor.u32 $0x800, s29;
	(pc) =	sbr.rel .LBB2_10-.Ltmp5, $4  }
0x1ff: {  	[spmem:s2] =	stream.indirect.scatter.add.f32 [tilespmem:s15], [sflag:$0x5], $0x80, s31, s10, $0xb8;
	[tilespmem:$0x1E000] =	vst v63  }
0x200: {  	_ =	swait.ge [sflag:s3], $0x2000  }
0x201: {  	[sflag:s3] =	ssyncset.done $0x0  }
0x202: {  	s20 =	rddreg [dreg:$0x5];
	[sflag:s3] =	ssyncadd.s32 $0xFFFFE000  }
.LBB2_4:
0x203: {  	s20 =	simm.s32 $0x0  }
0x204: {  	[tilespmem:s11], [sflag:$0x1] =	stream.indirect.gather [hbm4b:s4+s10], $0x80, s20, s10, $0xb8;
	[tilespmem:$0x1E000] =	vst v63  }
0x205: {  	s0 =	simm.s32 $0x80;
	p1 =	por $0x0, $0x0;
	s22 =	sand.u32 $0x1, s20  }
0x206: {  	[tilespmem:s12], [sflag:$0x2] =	stream.indirect.gather [hbm4b:s4+s10], $0x80, s0, s10, $0xb8;
	[tilespmem:$0x1E000] =	vst v63  }
0x207: {  	s24 =	simm.s32 $0x100;
	p1 =	por p1, p1;
	s20 =	sxor.u32 $0x1, s22  }
0x208: {  	[tilespmem:s13], [sflag:$0x3] =	stream.indirect.gather [hbm4b:s4+s10], $0x80, s24, s10, $0xb8;
	[tilespmem:$0x1E000] =	vst v63  }
0x209: {  	s23 =	simm.s32 @!p1 $0x0;
	s21 =	simm.s32 @!p1 $0x5;
	s20 =	sshll.u32 @!p1 s20, $0xA  }
0x20a: {  	[tilespmem:s20], [sflag:$0x5] =	stream.linear.gather @!p1 [hbm4b:s7+s23], $0x400, $0x38;
	[tilespmem:$0x1E000] =	vst v63  }
0x20b: {  	_ =	swait.ge @!p1 [sflag:s21], $0x400  }
0x20c: {  	[sflag:s21] =	ssyncset.done @!p1 $0x0  }
0x20d: {  	s24 =	sor.u32 @!p1 $0x800, s20;
	[sflag:s21] =	ssyncadd.s32 @!p1 $0xFFFFFC00  }
0x20e: {  	[tilespmem:s24], [sflag:$0x5] =	stream.linear.gather @!p1 [hbm4b:s25+s23], $0x400, $0x38;
	[tilespmem:$0x1E000] =	vst v63  }
0x20f: {  	_ =	swait.ge @!p1 [sflag:s21], $0x400  }
0x210: {  	[sflag:s21] =	ssyncset.done @!p1 $0x0  }
0x211: {  	[sflag:s21] =	ssyncadd.s32 @!p1 $0xFFFFFC00  }
0x212: {  	_ =	swait.ge [sflag:s14], $0x2000  }
0x213: {  	s22 =	sshll.u32 s22, $0xA;
	[sflag:s14] =	ssyncset.done $0x0  }
0x214: {  	s26 =	sor.u32 $0x180, s22;
	[sflag:s14] =	ssyncadd.s32 $0xFFFFE000  }
0x215: {  	[tilespmem:s15], [sflag:$0x4] =	stream.indirect.gather [hbm4b:s4+s10], $0x80, s26, s10, $0xb8;
	[tilespmem:$0x1E000] =	vst v63  }
0x216: {  	s29 =	sor.u32 $0x800, s22  }
0x217: {  	[spmem:s2] =	stream.indirect.scatter.add.f32 [tilespmem:s11], [sflag:$0x5], $0x80, s29, s10, $0xb8;
	[tilespmem:$0x1E000] =	vst v63  }
0x218: {  	_ =	swait.ge [sflag:s3], $0x2000  }
0x219: {  	[sflag:s3] =	ssyncset.done $0x0  }
0x21a: {  	[sflag:s3] =	ssyncadd.s32 $0xFFFFE000  }
0x21b: {  	_ =	swait.ge [sflag:s16], $0x2000  }
0x21c: {  	[sflag:s16] =	ssyncset.done $0x0  }
0x21d: {  	s30 =	sor.u32 $0x200, s22;
	[sflag:s16] =	ssyncadd.s32 $0xFFFFE000  }
0x21e: {  	[tilespmem:s11], [sflag:$0x1] =	stream.indirect.gather [hbm4b:s4+s10], $0x80, s30, s10, $0xb8;
	[tilespmem:$0x1E000] =	vst v63  }
0x21f: {  	s31 =	sor.u32 $0x880, s22  }
0x220: {  	[spmem:s2] =	stream.indirect.scatter.add.f32 [tilespmem:s12], [sflag:$0x5], $0x80, s31, s10, $0xb8;
	[tilespmem:$0x1E000] =	vst v63  }
0x221: {  	_ =	swait.ge [sflag:s3], $0x2000  }
0x222: {  	[sflag:s3] =	ssyncset.done $0x0  }
0x223: {  	[sflag:s3] =	ssyncadd.s32 $0xFFFFE000  }
0x224: {  	_ =	swait.ge [sflag:s17], $0x2000  }
0x225: {  	[sflag:s17] =	ssyncset.done $0x0  }
0x226: {  	s23 =	sor.u32 $0x280, s22;
	[sflag:s17] =	ssyncadd.s32 $0xFFFFE000  }
0x227: {  	[tilespmem:s12], [sflag:$0x2] =	stream.indirect.gather [hbm4b:s4+s10], $0x80, s23, s10, $0xb8;
	[tilespmem:$0x1E000] =	vst v63  }
0x228: {  	s0 =	sor.u32 $0x900, s22  }
0x229: {  	[spmem:s2] =	stream.indirect.scatter.add.f32 [tilespmem:s13], [sflag:$0x5], $0x80, s0, s10, $0xb8;
	[tilespmem:$0x1E000] =	vst v63  }
0x22a: {  	_ =	swait.ge [sflag:s3], $0x2000  }
0x22b: {  	[sflag:s3] =	ssyncset.done $0x0  }
0x22c: {  	[sflag:s3] =	ssyncadd.s32 $0xFFFFE000  }
0x22d: {  	_ =	swait.ge [sflag:s18], $0x2000  }
0x22e: {  	[sflag:s18] =	ssyncset.done $0x0  }
0x22f: {  	s6 =	sor.u32 $0x300, s22;
	[sflag:s18] =	ssyncadd.s32 $0xFFFFE000  }
0x230: {  	[tilespmem:s13], [sflag:$0x3] =	stream.indirect.gather [hbm4b:s4+s10], $0x80, s6, s10, $0xb8;
	[tilespmem:$0x1E000] =	vst v63  }
0x231: {  	s26 =	sor.u32 $0x980, s22  }
0x232: {  	[spmem:s2] =	stream.indirect.scatter.add.f32 [tilespmem:s15], [sflag:$0x5], $0x80, s26, s10, $0xb8;
	[tilespmem:$0x1E000] =	vst v63  }
0x233: {  	_ =	swait.ge [sflag:s3], $0x2000  }
0x234: {  	[sflag:s3] =	ssyncset.done $0x0  }
0x235: {  	[sflag:s3] =	ssyncadd.s32 $0xFFFFE000  }
0x236: {  	_ =	swait.ge [sflag:s14], $0x2000  }
0x237: {  	[sflag:s14] =	ssyncset.done $0x0  }
0x238: {  	s9 =	sor.u32 $0x380, s22;
	[sflag:s14] =	ssyncadd.s32 $0xFFFFE000  }
0x239: {  	[tilespmem:s15], [sflag:$0x4] =	stream.indirect.gather [hbm4b:s4+s10], $0x80, s9, s10, $0xb8;
	[tilespmem:$0x1E000] =	vst v63  }
0x23a: {  	s22 =	sor.u32 $0xA00, s22  }
0x23b: {  	[spmem:s2] =	stream.indirect.scatter.add.f32 [tilespmem:s11], [sflag:$0x5], $0x80, s22, s10, $0xb8;
	[tilespmem:$0x1E000] =	vst v63  }
0x23c: {  	_ =	swait.ge [sflag:s3], $0x2000  }
0x23d: {  	[sflag:s3] =	ssyncset.done $0x0  }
0x23e: {  	[sflag:s3] =	ssyncadd.s32 $0xFFFFE000  }
0x23f: {  	_ =	swait.ge [sflag:s16], $0x2000  }
0x240: {  	s28 =	sor.u32 @p1 $0x800, s23;
	[sflag:s16] =	ssyncset.done $0x0  }
0x241: {  	s29 =	simm.s32 @p1 $0x40;
	s22 =	simm.s32 @p1 $0x3000;
	[sflag:s16] =	ssyncadd.s32 $0xFFFFE000  }
0x242: {  	[spmem:s2] =	stream.indirect.scatter.add.f32 @p1 [tilespmem:s22], [sflag:$0x5], $0x80, s28, s29, $0xb8;
	[tilespmem:$0x1E000] =	vst v63  }
0x243: {  	s22 =	simm.s32 @p1 $0x5  }
0x244: {  	_ =	swait.ge @p1 [sflag:s22], $0x2000  }
0x245: {  	[sflag:s22] =	ssyncset.done @p1 $0x0  }
0x246: {  	[sflag:s22] =	ssyncadd.s32 @p1 $0xFFFFE000;
	s22 =	simm.s32 @p1 $0x3  }
0x247: {  	_ =	swait.ge @p1 [sflag:s22], $0x2000  }
0x248: {  	[sflag:s22] =	ssyncset.done @p1 $0x0  }
0x249: {  	s28 =	simm.s32 @!p1 $0x1000;
	[sflag:s22] =	ssyncadd.s32 @p1 $0xFFFFE000;
	s22 =	simm.s32 @!p1 $0x40  }
0x24a: {  	[tilespmem:s28], [sflag:$0x1] =	stream.indirect.gather @!p1 [hbm4b:s4+s22], $0x80, s20, s22, $0xb8;
	[tilespmem:$0x1E000] =	vst v63  }
0x24b: {  	s23 =	sor.u32 @!p1 $0x800, s23;
	s28 =	simm.s32 @!p1 $0x3000  }
0x24c: {  	[spmem:s2] =	stream.indirect.scatter.add.f32 @!p1 [tilespmem:s28], [sflag:$0x5], $0x80, s23, s22, $0xb8;
	[tilespmem:$0x1E000] =	vst v63  }
0x24d: {  	_ =	swait.ge @!p1 [sflag:s21], $0x2000  }
0x24e: {  	[sflag:s21] =	ssyncset.done @!p1 $0x0  }
0x24f: {  	[sflag:s21] =	ssyncadd.s32 @!p1 $0xFFFFE000;
	s21 =	simm.s32 @!p1 $0x3  }
0x250: {  	_ =	swait.ge @!p1 [sflag:s21], $0x2000  }
0x251: {  	[sflag:s21] =	ssyncset.done @!p1 $0x0  }
0x252: {  	[sflag:s21] =	ssyncadd.s32 @!p1 $0xFFFFE000;
	s21 =	sor.u32 @!p1 $0x80, s20  }
0x253: {  	[tilespmem:s28], [sflag:$0x2] =	stream.indirect.gather @!p1 [hbm4b:s4+s22], $0x80, s21, s22, $0xb8;
	[tilespmem:$0x1E000] =	vst v63  }
0x254: {  	s29 =	sor.u32 $0x800, s6  }
0x255: {  	[spmem:s2] =	stream.indirect.scatter.add.f32 [tilespmem:s13], [sflag:$0x5], $0x80, s29, s10, $0xb8;
	[tilespmem:$0x1E000] =	vst v63  }
0x256: {  	_ =	swait.ge [sflag:s3], $0x2000  }
0x257: {  	[sflag:s3] =	ssyncset.done $0x0  }
0x258: {  	[sflag:s3] =	ssyncadd.s32 $0xFFFFE000  }
0x259: {  	_ =	swait.ge [sflag:s18], $0x2000  }
0x25a: {  	s30 =	simm.s32 $0x1;
	[sflag:s18] =	ssyncset.done $0x0  }
0x25b: {  	s20 =	sor.u32 @!p1 $0x100, s20;
	s21 =	simm.s32 @!p1 $0x5000;
	[sflag:s18] =	ssyncadd.s32 $0xFFFFE000  }
0x25c: {  	[tilespmem:s21], [sflag:$0x3] =	stream.indirect.gather @!p1 [hbm4b:s4+s22], $0x80, s20, s22, $0xb8;
	[tilespmem:$0x1E000] =	vst v63  }
0x25d: {  	p6 =	por $0x0, $0x0;
	s31 =	sor.u32 $0x800, s9;
	s28 =	sand.u32 $0x1, s30  }
0x25e: {  	[spmem:s2] =	stream.indirect.scatter.add.f32 [tilespmem:s15], [sflag:$0x5], $0x80, s31, s10, $0xb8;
	[tilespmem:$0x1E000] =	vst v63  }
0x25f: {  	s22 =	simm.s32 $0x2;
	p1 =	por p6, p6;
	_ =	swait.ge [sflag:s3], $0x2000  }
0x260: {  	s21 =	sadd.s32 $0x80, s7;
	s20 =	sadd.s32 $0x80, s25;
	[sflag:s3] =	ssyncset.done $0x0  }
.LBB2_5:
0x261: {  	p2 =	seq.s32 s22, $0x27;
	s23 =	sxor.u32 $0x1, s28;
	[sflag:s3] =	ssyncadd.s32 $0xFFFFE000  }
0x262: {  	s29 =	simm.s32 @!p1 $0x0;
	s26 =	simm.s32 @!p1 $0x5;
	s24 =	sshll.u32 @!p1 s23, $0xA  }
0x263: {  	[tilespmem:s24], [sflag:$0x5] =	stream.linear.gather @!p1 [hbm4b:s21+s29], $0x400, $0x38;
	[tilespmem:$0x1E000] =	vst v63  }
0x264: {  	s23 =	smov.u32 s22;
	s22 =	sadd.s32 $0x1, s22;
	_ =	swait.ge @!p1 [sflag:s26], $0x400  }
0x265: {  	p3 =	seq.s32 s22, $0x28;
	[sflag:s26] =	ssyncset.done @!p1 $0x0  }
0x266: {  	s30 =	sor.u32 @!p1 $0x800, s24;
	[sflag:s26] =	ssyncadd.s32 @!p1 $0xFFFFFC00  }
0x267: {  	[tilespmem:s30], [sflag:$0x5] =	stream.linear.gather @!p1 [hbm4b:s20+s29], $0x400, $0x38;
	[tilespmem:$0x1E000] =	vst v63  }
0x268: {  	_ =	swait.ge @!p1 [sflag:s26], $0x400  }
0x269: {  	[sflag:s26] =	ssyncset.done @!p1 $0x0  }
0x26a: {  	[sflag:s26] =	ssyncadd.s32 @!p1 $0xFFFFFC00  }
0x26b: {  	_ =	swait.ge [sflag:s14], $0x2000  }
0x26c: {  	s30 =	sshll.u32 s28, $0xA;
	[sflag:s14] =	ssyncset.done $0x0  }
0x26d: {  	s28 =	sor.u32 $0x180, s30;
	[sflag:s14] =	ssyncadd.s32 $0xFFFFE000  }
0x26e: {  	[tilespmem:s15], [sflag:$0x4] =	stream.indirect.gather [hbm4b:s4+s10], $0x80, s28, s10, $0xb8;
	[tilespmem:$0x1E000] =	vst v63  }
0x26f: {  	s28 =	sor.u32 $0x800, s30  }
0x270: {  	[spmem:s2] =	stream.indirect.scatter.add.f32 [tilespmem:s11], [sflag:$0x5], $0x80, s28, s10, $0xb8;
	[tilespmem:$0x1E000] =	vst v63  }
0x271: {  	_ =	swait.ge [sflag:s3], $0x2000  }
0x272: {  	[sflag:s3] =	ssyncset.done $0x0  }
0x273: {  	[sflag:s3] =	ssyncadd.s32 $0xFFFFE000  }
0x274: {  	_ =	swait.ge [sflag:s16], $0x2000  }
0x275: {  	[sflag:s16] =	ssyncset.done $0x0  }
0x276: {  	s28 =	sor.u32 $0x200, s30;
	[sflag:s16] =	ssyncadd.s32 $0xFFFFE000  }
0x277: {  	[tilespmem:s11], [sflag:$0x1] =	stream.indirect.gather [hbm4b:s4+s10], $0x80, s28, s10, $0xb8;
	[tilespmem:$0x1E000] =	vst v63  }
0x278: {  	s28 =	sor.u32 $0x880, s30  }
0x279: {  	[spmem:s2] =	stream.indirect.scatter.add.f32 [tilespmem:s12], [sflag:$0x5], $0x80, s28, s10, $0xb8;
	[tilespmem:$0x1E000] =	vst v63  }
0x27a: {  	_ =	swait.ge [sflag:s3], $0x2000  }
0x27b: {  	[sflag:s3] =	ssyncset.done $0x0  }
0x27c: {  	[sflag:s3] =	ssyncadd.s32 $0xFFFFE000  }
0x27d: {  	_ =	swait.ge [sflag:s17], $0x2000  }
0x27e: {  	[sflag:s17] =	ssyncset.done $0x0  }
0x27f: {  	s31 =	sor.u32 $0x280, s30;
	[sflag:s17] =	ssyncadd.s32 $0xFFFFE000  }
0x280: {  	[tilespmem:s12], [sflag:$0x2] =	stream.indirect.gather [hbm4b:s4+s10], $0x80, s31, s10, $0xb8;
	[tilespmem:$0x1E000] =	vst v63  }
0x281: {  	s28 =	sor.u32 $0x900, s30  }
0x282: {  	[spmem:s2] =	stream.indirect.scatter.add.f32 [tilespmem:s13], [sflag:$0x5], $0x80, s28, s10, $0xb8;
	[tilespmem:$0x1E000] =	vst v63  }
0x283: {  	_ =	swait.ge [sflag:s3], $0x2000  }
0x284: {  	[sflag:s3] =	ssyncset.done $0x0  }
0x285: {  	[sflag:s3] =	ssyncadd.s32 $0xFFFFE000  }
0x286: {  	_ =	swait.ge [sflag:s18], $0x2000  }
0x287: {  	[sflag:s18] =	ssyncset.done $0x0  }
0x288: {  	s29 =	sor.u32 $0x300, s30;
	[sflag:s18] =	ssyncadd.s32 $0xFFFFE000  }
0x289: {  	[tilespmem:s13], [sflag:$0x3] =	stream.indirect.gather [hbm4b:s4+s10], $0x80, s29, s10, $0xb8;
	[tilespmem:$0x1E000] =	vst v63  }
0x28a: {  	s28 =	sor.u32 $0x980, s30  }
0x28b: {  	[spmem:s2] =	stream.indirect.scatter.add.f32 [tilespmem:s15], [sflag:$0x5], $0x80, s28, s10, $0xb8;
	[tilespmem:$0x1E000] =	vst v63  }
0x28c: {  	_ =	swait.ge [sflag:s3], $0x2000  }
0x28d: {  	[sflag:s3] =	ssyncset.done $0x0  }
0x28e: {  	[sflag:s3] =	ssyncadd.s32 $0xFFFFE000  }
0x28f: {  	_ =	swait.ge [sflag:s14], $0x2000  }
0x290: {  	[sflag:s14] =	ssyncset.done $0x0  }
0x291: {  	s28 =	sor.u32 $0x380, s30;
	[sflag:s14] =	ssyncadd.s32 $0xFFFFE000  }
0x292: {  	[tilespmem:s15], [sflag:$0x4] =	stream.indirect.gather [hbm4b:s4+s10], $0x80, s28, s10, $0xb8;
	[tilespmem:$0x1E000] =	vst v63  }
0x293: {  	s30 =	sor.u32 $0xA00, s30  }
0x294: {  	[spmem:s2] =	stream.indirect.scatter.add.f32 [tilespmem:s11], [sflag:$0x5], $0x80, s30, s10, $0xb8;
	[tilespmem:$0x1E000] =	vst v63  }
0x295: {  	_ =	swait.ge [sflag:s3], $0x2000  }
0x296: {  	[sflag:s3] =	ssyncset.done $0x0  }
0x297: {  	[sflag:s3] =	ssyncadd.s32 $0xFFFFE000  }
0x298: {  	_ =	swait.ge [sflag:s16], $0x2000  }
0x299: {  	s0 =	simm.s32 @p1 $0x5;
	s30 =	simm.s32 @p1 $0x3000;
	[sflag:s16] =	ssyncset.done $0x0  }
0x29a: {  	s9 =	simm.s32 @p1 $0x40;
	s6 =	sor.u32 @p1 $0x800, s31;
	[sflag:s16] =	ssyncadd.s32 $0xFFFFE000  }
0x29b: {  	[spmem:s2] =	stream.indirect.scatter.add.f32 @p1 [tilespmem:s30], [sflag:$0x5], $0x80, s6, s9, $0xb8;
	[tilespmem:$0x1E000] =	vst v63  }
0x29c: {  	_ =	swait.ge @p1 [sflag:s0], $0x2000  }
0x29d: {  	[sflag:s0] =	ssyncset.done @p1 $0x0  }
0x29e: {  	[sflag:s0] =	ssyncadd.s32 @p1 $0xFFFFE000;
	s0 =	simm.s32 @p1 $0x3  }
0x29f: {  	_ =	swait.ge @p1 [sflag:s0], $0x2000  }
0x2a0: {  	[sflag:s0] =	ssyncset.done @p1 $0x0  }
0x2a1: {  	s6 =	simm.s32 @!p1 $0x1000;
	[sflag:s0] =	ssyncadd.s32 @p1 $0xFFFFE000;
	s0 =	simm.s32 @!p1 $0x40  }
0x2a2: {  	[tilespmem:s6], [sflag:$0x1] =	stream.indirect.gather @!p1 [hbm4b:s4+s0], $0x80, s24, s0, $0xb8;
	[tilespmem:$0x1E000] =	vst v63  }
0x2a3: {  	s9 =	simm.s32 @!p1 $0x3000;
	s6 =	sor.u32 @!p1 $0x800, s31  }
0x2a4: {  	[spmem:s2] =	stream.indirect.scatter.add.f32 @!p1 [tilespmem:s9], [sflag:$0x5], $0x80, s6, s0, $0xb8;
	[tilespmem:$0x1E000] =	vst v63  }
0x2a5: {  	_ =	swait.ge @!p1 [sflag:s26], $0x2000  }
0x2a6: {  	[sflag:s26] =	ssyncset.done @!p1 $0x0  }
0x2a7: {  	s6 =	simm.s32 @!p1 $0x3;
	[sflag:s26] =	ssyncadd.s32 @!p1 $0xFFFFE000  }
0x2a8: {  	_ =	swait.ge @!p1 [sflag:s6], $0x2000  }
0x2a9: {  	[sflag:s6] =	ssyncset.done @!p1 $0x0  }
0x2aa: {  	[sflag:s6] =	ssyncadd.s32 @!p1 $0xFFFFE000;
	s6 =	sor.u32 @!p1 $0x80, s24  }
0x2ab: {  	[tilespmem:s9], [sflag:$0x2] =	stream.indirect.gather @!p1 [hbm4b:s4+s0], $0x80, s6, s0, $0xb8;
	[tilespmem:$0x1E000] =	vst v63  }
0x2ac: {  	s6 =	sor.u32 $0x800, s29  }
0x2ad: {  	[spmem:s2] =	stream.indirect.scatter.add.f32 [tilespmem:s13], [sflag:$0x5], $0x80, s6, s10, $0xb8;
	[tilespmem:$0x1E000] =	vst v63  }
0x2ae: {  	_ =	swait.ge [sflag:s3], $0x2000  }
0x2af: {  	[sflag:s3] =	ssyncset.done $0x0  }
0x2b0: {  	[sflag:s3] =	ssyncadd.s32 $0xFFFFE000  }
0x2b1: {  	_ =	swait.ge [sflag:s18], $0x2000  }
0x2b2: {  	[sflag:s18] =	ssyncset.done $0x0  }
0x2b3: {  	s9 =	simm.s32 @!p1 $0x5000;
	s6 =	sor.u32 @!p1 $0x100, s24;
	[sflag:s18] =	ssyncadd.s32 $0xFFFFE000  }
0x2b4: {  	[tilespmem:s9], [sflag:$0x3] =	stream.indirect.gather @!p1 [hbm4b:s4+s0], $0x80, s6, s0, $0xb8;
	[tilespmem:$0x1E000] =	vst v63  }
.Ltmp6:
0x2b5: {  	_ = 	snop;
	(pc) =	sbr.rel @!p3 .LBB2_5-.Ltmp6, $4  }
0x2b6: {  	s0 =	sor.u32 $0x800, s28;
	p1 =	por p2, p2  }
0x2b7: {  	[spmem:s2] =	stream.indirect.scatter.add.f32 [tilespmem:s15], [sflag:$0x5], $0x80, s0, s10, $0xb8;
	[tilespmem:$0x1E000] =	vst v63  }
0x2b8: {  	s21 =	sadd.s32 $0x80, s21;
	_ =	swait.ge [sflag:s3], $0x2000  }
0x2b9: {  	s20 =	sadd.s32 $0x80, s20;
	s28 =	sand.u32 $0x1, s23;
	[sflag:s3] =	ssyncset.done $0x0  }
.Ltmp7:
0x2ba: {  	_ = 	snop;
	(pc) =	sbr.rel .LBB2_6-.Ltmp7, $1  }
0x2bb: {  	_ =	sdelay $0x3  }
.LBB2_11:
0x2bc: {  	_ =	sfence.sel $0x180000  }
0x2bd: {  	[bflag:$0x0] =	sbarrier.arrive $0xFFFF  }
0x2be: {  	_ =	strace $0x9000004A  }
0x2bf: {  	s0 =	stileid.u32;
	[bflag:$0x2] =	sbarrier.arrive $0xFFFF  }
0x2c0: {  	p0 =	sne.s32 s0, $0x0;
	s0 =	rddreg [dreg:$0x3]  }
0x2c1: {  	s0 =	sadd.s32 @!p0 $0x100000, s0  }
0x2c2: {  	[sflag:s0] =	ssyncadd.tile.s32 @!p0 $0x1;
	_ =	shalt  }
.Lfunc_end2:
_tile_overlayer_lowered:
.L_overlay_start_2:
0x2c3: {  	(tag) =	ssettag $0x2  }
0x2c4: {  	s0 =	rddreg [dreg:$0x0];
	s2 =	stileid.u32  }
0x2c5: {  	s1 =	rddreg [dreg:$0x1];
	p0 =	sne.s32 s2, $0x0  }
0x2c6: {  	s3 =	rddreg [dreg:$0x2];
	[bflag:$0x3] =	sbarrier.arrive $0xFFFF;
	s2 =	simm.s32 @!p0 $0x1C05  }
0x2c7: {  	[timem:s3], [sflag:s2] =	dma.local @!p0 [hbm:s0], s1  }
0x2c8: {  	s0 =	simm.s32 @!p0 $0x5  }
0x2c9: {  	_ =	swait.ge @!p0 [sflag:s0], s1  }
0x2ca: {  	s1 =	ssub.s32 @!p0 $0x0, s1;
	[sflag:s0] =	ssyncset.done @!p0 $0x0  }
0x2cb: {  	[sflag:s0] =	ssyncadd.s32 @!p0 s1  }
0x2cc: {  	[bflag:$0x3] =	sbarrier.arrive $0xFFFF  }
0x2cd: {  	_ =	shalt  }

// kernel: _run.14.cloned.1.call-start
scs
__scs_entry_jumppad:
0x0: {  	(pc) =	sbr.rel $0x88, $3  }
0x1: {  	(tag) =	ssettag $0x0;
	lr =	simm.s32 $0x1  }
0x2: {  	[smem:$0x3F9B] =	sst lr;
	_ =	strace $0xD0000000  }
0x3: {  	_ = 	snop  }
0x4: {  	_ = 	snop  }
0x5: {  	_ = 	snop  }
0x6: {  	_ = 	snop  }
0x7: {  	_ = 	snop  }
__scs_overlays_trampoline_lowered:
0x8: {  	[smem:$0x3FAA] =	sst s0  }
0x9: {  	[smem:$0x3FAB] =	sst s1  }
0xa: {  	[smem:$0x3FAC] =	sst s2  }
0xb: {  	[smem:$0x3FAD] =	sst s3  }
0xc: {  	[smem:$0x3FAE] =	sst s4  }
0xd: {  	[smem:$0x3FAF] =	sst s5  }
0xe: {  	[smem:$0x3FB0] =	sst s6  }
0xf: {  	[smem:$0x3FB1] =	sst s7  }
0x10: {  	[smem:$0x3FB2] =	sst s8  }
0x11: {  	[smem:$0x3FB3] =	sst s9;
	s0 =	simm.s32 @!p0 $0x0  }
0x12: {  	s1 =	sld [smem:$0x3F99];
	s0 =	simm.s32 @p0 $0x1  }
0x13: {  	[smem:$0x3FB4] =	sst s0;
	s0 =	simm.s32 @!p1 $0x0  }
0x14: {  	s2 =	sld [smem:$0x3F98];
	s0 =	simm.s32 @p1 $0x1  }
0x15: {  	[smem:$0x3FB5] =	sst s0;
	s0 =	simm.s32 @!p2 $0x0  }
0x16: {  	s3 =	sld [smem:$0x3FDB];
	s0 =	simm.s32 @p2 $0x1  }
0x17: {  	s4 =	simm.s32 $0x1BF5;
	[smem:$0x3FB7] =	sst s0  }
0x18: {  	s0 =	sld [smem:$0x3F9A];
	_ =	swait.ge [sflag:s4], $0x0  }
0x19: {  	s7 =	sld [smem:$0x3F9B]  }
0x1a: {  	s8 =	sadd.s32 $0xFFFFE003, lr  }
0x1b: {  	s9 =	sadd.s32 $0xFFFFFEF7, lr;
	s5 =	simm.s32 $0xFFFFFFFF;
	p2 =	slt.u32 s8, $0xFFFFF086  }
0x1c: {  	p1 =	slt.u32 s9, $0xF7A;
	s5 =	simm.s32 @!p2 $0x0  }
0x1d: {  	s5 =	simm.s32 @p1 $0x1;
	p0 =	seq.s32 s7, s2  }
0x1e: {  	s7 =	smul.u32 @!p0 $0xF7A, s2;
	p2 =	seq.s32 @!p0 s5, $0x0  }
0x1f: {  	s9 =	smul.u32 $0xF7A, s1;
	s8 =	simm.s32 @!p0 $0x1BF5;
	p2 =	por !p2, p0  }
0x20: {  	[sflag:s8] =	ssyncset.s32 @!p0 $0xFFFFF086;
	s6 =	sadd.s32 @!p0 s3, s7;
	s7 =	simm.s32 @!p0 $0x108  }
0x21: {  	s3 =	sadd.s32 s3, s9;
	s6 =	sadd.s32 @!p0 $0x88, s6;
	s7 =	simm.s32 @p2 $0x1082  }
0x22: {  	[simem:s7], [sflag:s8] =	dma.local @!p0 [hbm:s6], $0xF7A  }
0x23: {  	s9 =	sor.u32 $0xD0000000, s2;
	s6 =	simm.s32 $0x108;
	_ =	swait.ge @!p0 [sflag:s8], $0x0  }
0x24: {  	s3 =	sadd.s32 $0x88, s3;
	s6 =	simm.s32 @!p1 $0x1082;
	[sflag:s4] =	ssyncset.s32 $0xFFFFF086  }
0x25: {  	[simem:s6], [sflag:s4] =	dma.local [hbm:s3], $0xF7A  }
0x26: {  	[smem:$0x3F9B] =	sst s1;
	(tag) =	ssettag s2;
	_ =	strace s9  }
0x27: {  	s1 =	sld [smem:$0x3FAB]  }
0x28: {  	s2 =	sld [smem:$0x3FAC]  }
0x29: {  	s4 =	sld [smem:$0x3FAE]  }
0x2a: {  	p0 =	seq.s32 s5, $0x0;
	s5 =	sld [smem:$0x3FAF]  }
0x2b: {  	s6 =	sld [smem:$0x3FB0]  }
0x2c: {  	s7 =	sld [smem:$0x3FB1]  }
0x2d: {  	s3 =	simm.s32 $0x108;
	s8 =	sld [smem:$0x3FB2]  }
0x2e: {  	s3 =	simm.s32 @!p0 $0x1082;
	s9 =	sld [smem:$0x3FB3]  }
0x2f: {  	lr =	sadd.s32 s0, s3;
	s0 =	sld [smem:$0x3FAA]  }
0x30: {  	s3 =	sld [smem:$0x3FAD]  }
0x31: {  	[smem:$0x3FB6] =	sst s10  }
0x32: {  	s10 =	sld [smem:$0x3FB4];
	_ =	sdelay $0x3  }
0x33: {  	p0 =	seq.s32 s10, $0x1;
	s10 =	sld [smem:$0x3FB6];
	_ =	sdelay $0x3  }
0x34: {  	[smem:$0x3FB6] =	sst s10  }
0x35: {  	s10 =	sld [smem:$0x3FB5];
	_ =	sdelay $0x3  }
0x36: {  	p1 =	seq.s32 s10, $0x1;
	s10 =	sld [smem:$0x3FB6];
	_ =	sdelay $0x3  }
0x37: {  	[smem:$0x3FB6] =	sst s10  }
0x38: {  	s10 =	sld [smem:$0x3FB7]  }
0x39: {  	_ = 	snop;
	(pc) =	sbr.ind lr, $3  }
0x3a: {  	_ = 	snop  }
0x3b: {  	_ = 	snop  }
0x3c: {  	p2 =	seq.s32 s10, $0x1;
	s10 =	sld [smem:$0x3FB6]  }
0x3d: {  	_ =	shalt  }
0x3e: {  	_ =	shalt  }
0x3f: {  	_ =	shalt  }
0x40: {  	_ =	shalt  }
0x41: {  	_ =	shalt  }
0x42: {  	_ =	shalt  }
0x43: {  	_ =	shalt  }
0x44: {  	_ =	shalt  }
0x45: {  	_ =	shalt  }
0x46: {  	_ =	shalt  }
0x47: {  	_ =	shalt  }
0x48: {  	_ =	shalt  }
0x49: {  	_ =	shalt  }
0x4a: {  	_ =	shalt  }
0x4b: {  	_ =	shalt  }
0x4c: {  	_ =	shalt  }
0x4d: {  	_ =	shalt  }
0x4e: {  	_ =	shalt  }
0x4f: {  	_ =	shalt  }
0x50: {  	_ =	shalt  }
0x51: {  	_ =	shalt  }
0x52: {  	_ =	shalt  }
0x53: {  	_ =	shalt  }
0x54: {  	_ =	shalt  }
0x55: {  	_ =	shalt  }
0x56: {  	_ =	shalt  }
0x57: {  	_ =	shalt  }
0x58: {  	_ =	shalt  }
0x59: {  	_ =	shalt  }
0x5a: {  	_ =	shalt  }
0x5b: {  	_ =	shalt  }
0x5c: {  	_ =	shalt  }
0x5d: {  	_ =	shalt  }
0x5e: {  	_ =	shalt  }
0x5f: {  	_ =	shalt  }
0x60: {  	_ =	shalt  }
0x61: {  	_ =	shalt  }
0x62: {  	_ =	shalt  }
0x63: {  	_ =	shalt  }
0x64: {  	_ =	shalt  }
0x65: {  	_ =	shalt  }
0x66: {  	_ =	shalt  }
0x67: {  	_ =	shalt  }
0x68: {  	_ =	shalt  }
0x69: {  	_ =	shalt  }
0x6a: {  	_ =	shalt  }
0x6b: {  	_ =	shalt  }
0x6c: {  	_ =	shalt  }
0x6d: {  	_ =	shalt  }
0x6e: {  	_ =	shalt  }
0x6f: {  	_ =	shalt  }
0x70: {  	_ =	shalt  }
0x71: {  	_ =	shalt  }
0x72: {  	_ =	shalt  }
0x73: {  	_ =	shalt  }
0x74: {  	_ =	shalt  }
0x75: {  	_ =	shalt  }
0x76: {  	_ =	shalt  }
0x77: {  	_ =	shalt  }
0x78: {  	_ =	shalt  }
0x79: {  	_ =	shalt  }
0x7a: {  	_ =	shalt  }
0x7b: {  	_ =	shalt  }
0x7c: {  	_ =	shalt  }
0x7d: {  	_ =	shalt  }
0x7e: {  	_ =	shalt  }
0x7f: {  	_ =	shalt  }
0x80: {  	_ =	shalt  }
0x81: {  	_ =	shalt  }
0x82: {  	_ =	shalt  }
0x83: {  	_ =	shalt  }
0x84: {  	_ =	shalt  }
0x85: {  	_ =	shalt  }
0x86: {  	_ =	shalt  }
0x87: {  	_ =	shalt  }
.Lfunc_end0:
.L_simem_size_0:
called_computation.2_lowered:
.L_overlay_start_0:
0x88: {  	s2 =	sld [smem:$0x3FD9]  }
0x89: {  	s3 =	sld [smem:$0x3FFE];
	_ =	sdelay $0x1  }
0x8a: {  	s1 =	srdreg.scid  }
0x8b: {  	s0 =	sand.u32 $0x1, s1  }
0x8c: {  	s17 =	sshll.u32 s0, $0xA;
	s2 =	sadd.s32 s3, s2  }
0x8d: {  	s2 =	sadd.s32 s2, s17  }
0x8e: {  	[smem:$0x3FC2] =	sst s2  }
0x8f: {  	_ = 	snop  }
0x90: {  	s2 =	sld [smem:$0x3FD0];
	(tm) =	ssettm $0x1  }
0x91: {  	s18 =	sld [smem:$0x3FFB];
	_ =	sdelay $0x3  }
0x92: {  	_ =	strace s18  }
0x93: {  	s3 =	sld [smem:$0x3FFC];
	_ =	sdelay $0x3  }
0x94: {  	_ =	strace s3  }
0x95: {  	s3 =	sld [smem:$0x3FFD];
	_ =	sdelay $0x3  }
0x96: {  	_ =	strace s3  }
0x97: {  	_ =	strace $0x8FFFFFFF  }
0x98: {  	s19 =	sld [smem:$0x3FDB];
	_ =	sdelay $0x1  }
0x99: {  	s4 =	simm.s32 $_scs_section_size  }
0x9a: {  	s5 =	simm.s32 $_size__tile_overlayer_lowered;
	s6 =	simm.s32 $_tile_overlayer_lowered  }
0x9b: {  	s22 =	simm.s32 $0x1BFF;
	s21 =	sshll.u32 s6, $0x1;
	s3 =	sadd.s32 s4, s19  }
0x9c: {  	s7 =	simm.s32 $0x0;
	s20 =	sshll.u32 s5, $0x1;
	s5 =	sadd.s32 s21, s3  }
0x9d: {  	[timem:s7], [sflag:s22] =	dma.local [hbm:s5], s20  }
0x9e: {  	_ =	swait.ge [sflag:s22], s20  }
0x9f: {  	s4 =	ssub.s32 $0x0, s20;
	[sflag:s22] =	ssyncset.done $0x0  }
0xa0: {  	[sflag:s22] =	ssyncadd.s32 s4;
	_ =	sdelay $0x1  }
0xa1: {  	s23 =	simm.s32 $0x1B8B  }
0xa2: {  	_ =	swait.ge [sflag:s23], $0x1  }
0xa3: {  	[sflag:s23] =	ssyncset.done $0x0  }
0xa4: {  	s25 =	simm.s32 $0x1B8E;
	s24 =	sld [smem:$0x3FFE];
	[sflag:s23] =	ssyncadd.s32 $0xFFFFFFFF  }
0xa5: {  	s26 =	simm.s32 $execute0_lowered;
	[smem:$0x3FD2] =	sst s25  }
0xa6: {  	s5 =	sshll.u32 s26, $0x1;
	_ =	strace $0x8000004C;
	[dreg:$0x1] =	wrdreg $0xFFFFFFFF  }
0xa7: {  	s28 =	simm.s32 $_size_execute0_lowered;
	s3 =	sadd.s32 s3, s5;
	[dreg:$0x0] =	wrdreg $0x0  }
0xa8: {  	s5 =	sshll.u32 s28, $0x1;
	[dreg:$0x2] =	wrdreg s3  }
0xa9: {  	[dreg:$0x3] =	wrdreg s5  }
0xaa: {  	[dreg:$0x4] =	wrdreg $0xC0  }
0xab: {  	_ =	task [dreg:s7], $0x5FFFF  }
0xac: {  	[dreg:$0x1] =	wrdreg $0xFFFFFFFF  }
0xad: {  	[dreg:$0x0] =	wrdreg $0x60  }
0xae: {  	[dreg:$0x2] =	wrdreg s2  }
0xaf: {  	[dreg:$0x3] =	wrdreg s24  }
0xb0: {  	[dreg:$0x4] =	wrdreg $0xA0000  }
0xb1: {  	[dreg:$0x5] =	wrdreg $0x9  }
0xb2: {  	_ =	task.clear_ibuf [dreg:s7], $0x6FFFF;
	_ =	strace $0x9000004C  }
0xb3: {  	s29 =	simm.s32 $0x9;
	_ =	strace $0x8000004E  }
0xb4: {  	_ =	swait.ge [sflag:s29], $0x1  }
0xb5: {  	[sflag:s29] =	ssyncadd.s32 $0xFFFFFFFF  }
0xb6: {  	_ =	strace $0x9000004E  }
0xb7: {  	_ =	sfence  }
0xb8: {  	s30 =	sld [smem:$0x0];
	_ =	sdelay $0x2  }
0xb9: {  	s31 =	sshll.u32 s1, $0xD;
	s1 =	sshrl.u32 s1, $0x2  }
0xba: {  	s3 =	sand.u32 $0x4000, s31;
	s1 =	sadd.s32 s1, s30  }
0xbb: {  	s0 =	sor.u32 s3, s0;
	s1 =	sshll.u32 s1, $0x11  }
0xbc: {  	s0 =	sor.u32 s1, s0  }
0xbd: {  	s0 =	sadd.s32 $0x8F2B, s0  }
0xbe: {  	[sflag:s0] =	ssyncadd.remote.s32 $0x1  }
0xbf: {  	_ =	sfence.sel $0xFFFF  }
0xc0: {  	[dreg:$0x0] =	wrdreg $0xFFFFFFFF;
	(pc) =	sbr.abs _section_cstart, $3  }
0xc1: {  	[dreg:$0x1] =	wrdreg $0xFFFFFFFF  }
0xc2: {  	_ =	task.clear_ibuf [dreg:s7], $0x2FFFF;
	_ =	strace $0x9FFFFFFF  }
0xc3: {  	(tm) =	ssettm $0x7FFFFFFF  }
tec
execute0_lowered:
.L_overlay_start_1:
0x0: {  	(tag) =	ssettag $0x1  }
0x1: {  	s0 =	rddreg [dreg:$0x0]  }
0x2: {  	s2 =	srdreg.scid;
	s11 =	stileid.u32  }
0x3: {  	s1 =	rddreg [dreg:$0x1];
	s5 =	sand.u32 $0x1, s2;
	s4 =	smul.u32 $0x130, s11  }
0x4: {  	s3 =	sshll.u32 s11, $0x4;
	s2 =	rddreg [dreg:$0x2];
	s30 =	smul.u32 $0x50000, s11  }
0x5: {  	p0 =	seq.s32 s5, $0x0;
	s6 =	sor.u32 $0x1300, s3;
	s5 =	ssub.s32 $0x2, s5  }
0x6: {  	s3 =	simm.s32 $0x0;
	s6 =	smov.u32 @p0 s4;
	s10 =	sshrl.u32 s5, $0x1  }
0x7: {  	[smem:$0x7FF] =	sst s3;
	s7 =	sshll.u32 s6, $0x4;
	s10 =	ssub.s32 s5, s10  }
0x8: {  	_ =	strace $0x8000004D;
	s6 =	sshrl.u32 s30, $0x2;
	s10 =	smax.u32 s10, $0x1  }
0x9: {  	s8 =	sadd.s32 s7, s1;
	s7 =	sadd.s32 s0, s7;
	[dreg:$0x6] =	wrdreg s10  }
0xa: {  	s5 =	sadd.s32 s6, s2;
	s31 =	sadd.s32 $0x17C00, s8;
	[dreg:$0x4] =	wrdreg s7  }
0xb: {  	s12 =	sadd.s32 $0x1000, s5;
	[dreg:$0x5] =	wrdreg s31  }
0xc: {  	s13 =	sadd.s32 $0x2000, s5;
	[dreg:$0x7] =	wrdreg s12  }
0xd: {  	s14 =	sadd.s32 $0x3000, s5;
	[dreg:$0x8] =	wrdreg s13  }
0xe: {  	s15 =	sadd.s32 $0x4000, s5;
	[dreg:$0x9] =	wrdreg s14  }
0xf: {  	s16 =	sadd.s32 $0x5000, s5;
	[dreg:$0xa] =	wrdreg s15  }
0x10: {  	s17 =	sadd.s32 $0x6000, s5;
	[dreg:$0xb] =	wrdreg s16  }
0x11: {  	s18 =	sadd.s32 $0x7000, s5;
	[dreg:$0xc] =	wrdreg s17  }
0x12: {  	s19 =	sadd.s32 $0x8000, s5;
	[dreg:$0xd] =	wrdreg s18  }
0x13: {  	s9 =	sadd.s32 $0x53C00, s1;
	s20 =	sadd.s32 $0x9000, s5;
	[dreg:$0xe] =	wrdreg s19  }
0x14: {  	s11 =	smul.u32 $0x2800, s11;
	s21 =	sadd.s32 $0xA000, s5;
	[dreg:$0xf] =	wrdreg s20  }
0x15: {  	s4 =	sadd.s32 $0x2BC00, s1;
	s22 =	sadd.s32 $0xB000, s5;
	[dreg:$0x10] =	wrdreg s21  }
0x16: {  	s1 =	sadd.s32 $0xA3C00, s1;
	s23 =	sadd.s32 $0xC000, s5;
	[dreg:$0x11] =	wrdreg s22  }
0x17: {  	s6 =	simm.s32 $0x26;
	s24 =	sadd.s32 $0xD000, s5;
	[dreg:$0x12] =	wrdreg s23  }
0x18: {  	s6 =	simm.s32 @!p0 $0x2;
	s25 =	sadd.s32 $0xE000, s5;
	[dreg:$0x13] =	wrdreg s24  }
0x19: {  	s1 =	smov.u32 @p0 s9;
	s26 =	sadd.s32 $0xF000, s5;
	[dreg:$0x15] =	wrdreg s25  }
0x1a: {  	s28 =	sadd.s32 $0x10000, s5;
	s29 =	sadd.s32 $0x11000, s5;
	[dreg:$0x16] =	wrdreg s26  }
0x1b: {  	s30 =	sadd.s32 $0x12000, s5;
	s9 =	simm.s32 $0x40;
	[dreg:$0x17] =	wrdreg s28  }
0x1c: {  	s10 =	simm.s32 $0x1000;
	s0 =	sadd.s32 s1, s11;
	[dreg:$0x18] =	wrdreg s29  }
0x1d: {  	s19 =	sadd.s32 $0x17C80, s8;
	[dreg:$0x19] =	wrdreg s30;
	s31 =	sadd.s32 $0x13000, s5  }
0x1e: {  	s20 =	sadd.s32 $0x80, s7;
	s8 =	simm.s32 $0x5;
	s11 =	simm.s32 $0x3000  }
0x1f: {  	s12 =	simm.s32 $0x5000;
	s13 =	simm.s32 $0x1;
	s14 =	simm.s32 $0x7000  }
0x20: {  	s15 =	simm.s32 $0x2;
	s16 =	simm.s32 $0x3;
	[dreg:$0x14] =	wrdreg s0  }
0x21: {  	v0 =	vimm.f32 $0.0e+00;
	s17 =	simm.s32 $0x4;
	[dreg:$0x1a] =	wrdreg s31;
	s0 =	simm.s32 $0x9000  }
.LBB2_1:
0x22: {  	s1 =	simm.s32 $0x0;
	s7 =	simm.s32 $0x200  }
.LBB2_2:
0x23: {  	p0 =	sne.s32 s7, $0x3E00;
	[tilespmem:s1+$0x9070] =	vst v0  }
0x24: {  	[tilespmem:s1+$0x9000] =	vst v0  }
0x25: {  	[tilespmem:s1+$0x9010] =	vst v0  }
.Ltmp0:
0x26: {  	[tilespmem:s1+$0x9020] =	vst v0;
	(pc) =	sbr.rel @p0 .LBB2_2-.Ltmp0, $4  }
0x27: {  	[tilespmem:s1+$0x9030] =	vst v0  }
0x28: {  	[tilespmem:s1+$0x9040] =	vst v0  }
0x29: {  	[tilespmem:s1+$0x9050] =	vst v0  }
0x2a: {  	[tilespmem:s1+$0x9060] =	vst v0;
	s1 =	sshra.s32 s7, $0x2;
	s7 =	sadd.s32 $0x200, s7  }
0x2b: {  	[tilespmem:s1+$0x9070] =	vst v0  }
0x2c: {  	[tilespmem:s1+$0x9000] =	vst v0  }
0x2d: {  	[tilespmem:s1+$0x9010] =	vst v0  }
0x2e: {  	[tilespmem:s1+$0x9020] =	vst v0  }
0x2f: {  	[tilespmem:s1+$0x9030] =	vst v0  }
0x30: {  	[tilespmem:s1+$0x9040] =	vst v0  }
0x31: {  	[tilespmem:s1+$0x9050] =	vst v0  }
0x32: {  	[tilespmem:s1+$0x9060] =	vst v0  }
0x33: {  	[spmem:s5] =	stream.linear.scatter [tilespmem:s0], [sflag:$0x5], $0x1000, $0x38;
	[tilespmem:$0x1E000] =	vst v63  }
0x34: {  	_ =	swait.ge [sflag:s8], $0x1000  }
0x35: {  	[sflag:s8] =	ssyncset.done $0x0  }
0x36: {  	s18 =	rddreg [dreg:$0x7];
	[sflag:s8] =	ssyncadd.s32 $0xFFFFF000  }
0x37: {  	[spmem:s18] =	stream.linear.scatter [tilespmem:s0], [sflag:$0x5], $0x1000, $0x38;
	[tilespmem:$0x1E000] =	vst v63  }
0x38: {  	_ =	swait.ge [sflag:s8], $0x1000  }
0x39: {  	[sflag:s8] =	ssyncset.done $0x0  }
0x3a: {  	s21 =	rddreg [dreg:$0x8];
	[sflag:s8] =	ssyncadd.s32 $0xFFFFF000  }
0x3b: {  	[spmem:s21] =	stream.linear.scatter [tilespmem:s0], [sflag:$0x5], $0x1000, $0x38;
	[tilespmem:$0x1E000] =	vst v63  }
0x3c: {  	_ =	swait.ge [sflag:s8], $0x1000  }
0x3d: {  	[sflag:s8] =	ssyncset.done $0x0  }
0x3e: {  	s22 =	rddreg [dreg:$0x9];
	[sflag:s8] =	ssyncadd.s32 $0xFFFFF000  }
0x3f: {  	[spmem:s22] =	stream.linear.scatter [tilespmem:s0], [sflag:$0x5], $0x1000, $0x38;
	[tilespmem:$0x1E000] =	vst v63  }
0x40: {  	_ =	swait.ge [sflag:s8], $0x1000  }
0x41: {  	[sflag:s8] =	ssyncset.done $0x0  }
0x42: {  	s23 =	rddreg [dreg:$0xa];
	[sflag:s8] =	ssyncadd.s32 $0xFFFFF000  }
0x43: {  	[spmem:s23] =	stream.linear.scatter [tilespmem:s0], [sflag:$0x5], $0x1000, $0x38;
	[tilespmem:$0x1E000] =	vst v63  }
0x44: {  	_ =	swait.ge [sflag:s8], $0x1000  }
0x45: {  	[sflag:s8] =	ssyncset.done $0x0  }
0x46: {  	s24 =	rddreg [dreg:$0xb];
	[sflag:s8] =	ssyncadd.s32 $0xFFFFF000  }
0x47: {  	[spmem:s24] =	stream.linear.scatter [tilespmem:s0], [sflag:$0x5], $0x1000, $0x38;
	[tilespmem:$0x1E000] =	vst v63  }
0x48: {  	_ =	swait.ge [sflag:s8], $0x1000  }
0x49: {  	[sflag:s8] =	ssyncset.done $0x0  }
0x4a: {  	s25 =	rddreg [dreg:$0xc];
	[sflag:s8] =	ssyncadd.s32 $0xFFFFF000  }
0x4b: {  	[spmem:s25] =	stream.linear.scatter [tilespmem:s0], [sflag:$0x5], $0x1000, $0x38;
	[tilespmem:$0x1E000] =	vst v63  }
0x4c: {  	_ =	swait.ge [sflag:s8], $0x1000  }
0x4d: {  	[sflag:s8] =	ssyncset.done $0x0  }
0x4e: {  	s26 =	rddreg [dreg:$0xd];
	[sflag:s8] =	ssyncadd.s32 $0xFFFFF000  }
0x4f: {  	[spmem:s26] =	stream.linear.scatter [tilespmem:s0], [sflag:$0x5], $0x1000, $0x38;
	[tilespmem:$0x1E000] =	vst v63  }
0x50: {  	_ =	swait.ge [sflag:s8], $0x1000  }
0x51: {  	[sflag:s8] =	ssyncset.done $0x0  }
0x52: {  	s28 =	rddreg [dreg:$0xe];
	[sflag:s8] =	ssyncadd.s32 $0xFFFFF000  }
0x53: {  	[spmem:s28] =	stream.linear.scatter [tilespmem:s0], [sflag:$0x5], $0x1000, $0x38;
	[tilespmem:$0x1E000] =	vst v63  }
0x54: {  	_ =	swait.ge [sflag:s8], $0x1000  }
0x55: {  	[sflag:s8] =	ssyncset.done $0x0  }
0x56: {  	s29 =	rddreg [dreg:$0xf];
	[sflag:s8] =	ssyncadd.s32 $0xFFFFF000  }
0x57: {  	[spmem:s29] =	stream.linear.scatter [tilespmem:s0], [sflag:$0x5], $0x1000, $0x38;
	[tilespmem:$0x1E000] =	vst v63  }
0x58: {  	_ =	swait.ge [sflag:s8], $0x1000  }
0x59: {  	[sflag:s8] =	ssyncset.done $0x0  }
0x5a: {  	s30 =	rddreg [dreg:$0x10];
	[sflag:s8] =	ssyncadd.s32 $0xFFFFF000  }
0x5b: {  	[spmem:s30] =	stream.linear.scatter [tilespmem:s0], [sflag:$0x5], $0x1000, $0x38;
	[tilespmem:$0x1E000] =	vst v63  }
0x5c: {  	_ =	swait.ge [sflag:s8], $0x1000  }
0x5d: {  	[sflag:s8] =	ssyncset.done $0x0  }
0x5e: {  	s31 =	rddreg [dreg:$0x11];
	[sflag:s8] =	ssyncadd.s32 $0xFFFFF000  }
0x5f: {  	[spmem:s31] =	stream.linear.scatter [tilespmem:s0], [sflag:$0x5], $0x1000, $0x38;
	[tilespmem:$0x1E000] =	vst v63  }
0x60: {  	_ =	swait.ge [sflag:s8], $0x1000  }
0x61: {  	[sflag:s8] =	ssyncset.done $0x0  }
0x62: {  	s7 =	rddreg [dreg:$0x12];
	[sflag:s8] =	ssyncadd.s32 $0xFFFFF000  }
0x63: {  	[spmem:s7] =	stream.linear.scatter [tilespmem:s0], [sflag:$0x5], $0x1000, $0x38;
	[tilespmem:$0x1E000] =	vst v63  }
0x64: {  	_ =	swait.ge [sflag:s8], $0x1000  }
0x65: {  	[sflag:s8] =	ssyncset.done $0x0  }
0x66: {  	s18 =	rddreg [dreg:$0x13];
	[sflag:s8] =	ssyncadd.s32 $0xFFFFF000  }
0x67: {  	[spmem:s18] =	stream.linear.scatter [tilespmem:s0], [sflag:$0x5], $0x1000, $0x38;
	[tilespmem:$0x1E000] =	vst v63  }
0x68: {  	_ =	swait.ge [sflag:s8], $0x1000  }
0x69: {  	[sflag:s8] =	ssyncset.done $0x0  }
0x6a: {  	s21 =	rddreg [dreg:$0x15];
	[sflag:s8] =	ssyncadd.s32 $0xFFFFF000  }
0x6b: {  	[spmem:s21] =	stream.linear.scatter [tilespmem:s0], [sflag:$0x5], $0x1000, $0x38;
	[tilespmem:$0x1E000] =	vst v63  }
0x6c: {  	_ =	swait.ge [sflag:s8], $0x1000  }
0x6d: {  	[sflag:s8] =	ssyncset.done $0x0  }
0x6e: {  	s22 =	rddreg [dreg:$0x16];
	[sflag:s8] =	ssyncadd.s32 $0xFFFFF000  }
0x6f: {  	[spmem:s22] =	stream.linear.scatter [tilespmem:s0], [sflag:$0x5], $0x1000, $0x38;
	[tilespmem:$0x1E000] =	vst v63  }
0x70: {  	_ =	swait.ge [sflag:s8], $0x1000  }
0x71: {  	[sflag:s8] =	ssyncset.done $0x0  }
0x72: {  	s23 =	rddreg [dreg:$0x17];
	[sflag:s8] =	ssyncadd.s32 $0xFFFFF000  }
0x73: {  	[spmem:s23] =	stream.linear.scatter [tilespmem:s0], [sflag:$0x5], $0x1000, $0x38;
	[tilespmem:$0x1E000] =	vst v63  }
0x74: {  	_ =	swait.ge [sflag:s8], $0x1000  }
0x75: {  	[sflag:s8] =	ssyncset.done $0x0  }
0x76: {  	s24 =	rddreg [dreg:$0x18];
	[sflag:s8] =	ssyncadd.s32 $0xFFFFF000  }
0x77: {  	[spmem:s24] =	stream.linear.scatter [tilespmem:s0], [sflag:$0x5], $0x1000, $0x38;
	[tilespmem:$0x1E000] =	vst v63  }
0x78: {  	_ =	swait.ge [sflag:s8], $0x1000  }
0x79: {  	[sflag:s8] =	ssyncset.done $0x0  }
0x7a: {  	s25 =	rddreg [dreg:$0x19];
	[sflag:s8] =	ssyncadd.s32 $0xFFFFF000  }
0x7b: {  	[spmem:s25] =	stream.linear.scatter [tilespmem:s0], [sflag:$0x5], $0x1000, $0x38;
	[tilespmem:$0x1E000] =	vst v63  }
0x7c: {  	_ =	swait.ge [sflag:s8], $0x1000  }
0x7d: {  	[sflag:s8] =	ssyncset.done $0x0  }
0x7e: {  	s26 =	rddreg [dreg:$0x1a];
	[sflag:s8] =	ssyncadd.s32 $0xFFFFF000  }
0x7f: {  	[spmem:s26] =	stream.linear.scatter [tilespmem:s0], [sflag:$0x5], $0x1000, $0x38;
	[tilespmem:$0x1E000] =	vst v63  }
0x80: {  	_ =	swait.ge [sflag:s8], $0x1000  }
0x81: {  	[sflag:s8] =	ssyncset.done $0x0  }
0x82: {  	[sflag:s8] =	ssyncadd.s32 $0xFFFFF000  }
0x83: {  	[bflag:$0x0] =	sbarrier.arrive $0xFFFF  }
0x84: {  	s28 =	simm.s32 $0x0;
	s7 =	rddreg [dreg:$0x4]  }
0x85: {  	[tilespmem:s28], [sflag:$0x5] =	stream.linear.gather [hbm4b:s7+s28], $0x400, $0x38;
	[tilespmem:$0x1E000] =	vst v63  }
0x86: {  	_ =	swait.ge [sflag:s8], $0x400  }
0x87: {  	[sflag:s8] =	ssyncset.done $0x0  }
0x88: {  	s18 =	simm.s32 $0x800;
	s29 =	rddreg [dreg:$0x5];
	[sflag:s8] =	ssyncadd.s32 $0xFFFFFC00  }
0x89: {  	[tilespmem:s18], [sflag:$0x5] =	stream.linear.gather [hbm4b:s29+s28], $0x400, $0x38;
	[tilespmem:$0x1E000] =	vst v63  }
0x8a: {  	_ =	swait.ge [sflag:s8], $0x400  }
0x8b: {  	[sflag:s8] =	ssyncset.done $0x0  }
0x8c: {  	p2 =	sne.s32 s6, $0x1;
	[sflag:s8] =	ssyncadd.s32 $0xFFFFFC00  }
0x8d: {  	[tilespmem:s10], [sflag:$0x1] =	stream.indirect.gather [hbm4b:s4+s9], $0x80, s28, s9, $0xb8;
	[tilespmem:$0x1E000] =	vst v63  }
.Ltmp1:
0x8e: {  	p0 =	sle.u32 s6, $0x1;
	p1 =	por $0x0, $0x0;
	(pc) =	sbr.rel @!p2 .LBB2_4-.Ltmp1, $4  }
0x8f: {  	p0 =	por p0, p0;
	s30 =	simm.s32 $0x80;
	s31 =	simm.s32 $0x100  }
0x90: {  	[tilespmem:s11], [sflag:$0x2] =	stream.indirect.gather [hbm4b:s4+s9], $0x80, s30, s9, $0xb8;
	[tilespmem:$0x1E000] =	vst v63  }
0x91: {  	s22 =	simm.s32 $0x1;
	s24 =	sand.u32 $0x1, s28;
	s18 =	simm.s32 @!p0 $0x5  }
0x92: {  	[tilespmem:s12], [sflag:$0x3] =	stream.indirect.gather [hbm4b:s4+s9], $0x80, s31, s9, $0xb8;
	[tilespmem:$0x1E000] =	vst v63  }
0x93: {  	s1 =	sxor.u32 $0x1, s24  }
0x94: {  	s7 =	simm.s32 @!p0 $0x0;
	s1 =	sshll.u32 @!p0 s1, $0xA  }
0x95: {  	[tilespmem:s1], [sflag:$0x5] =	stream.linear.gather @!p0 [hbm4b:s20+s7], $0x400, $0x38;
	[tilespmem:$0x1E000] =	vst v63  }
0x96: {  	_ =	swait.ge @!p0 [sflag:s18], $0x400  }
0x97: {  	[sflag:s18] =	ssyncset.done @!p0 $0x0  }
0x98: {  	s21 =	sor.u32 @!p0 $0x800, s1;
	[sflag:s18] =	ssyncadd.s32 @!p0 $0xFFFFFC00  }
0x99: {  	[tilespmem:s21], [sflag:$0x5] =	stream.linear.gather @!p0 [hbm4b:s19+s7], $0x400, $0x38;
	[tilespmem:$0x1E000] =	vst v63  }
0x9a: {  	_ =	swait.ge @!p0 [sflag:s18], $0x400  }
0x9b: {  	[sflag:s18] =	ssyncset.done @!p0 $0x0  }
0x9c: {  	[sflag:s18] =	ssyncadd.s32 @!p0 $0xFFFFFC00  }
0x9d: {  	_ =	swait.ge [sflag:s13], $0x2000  }
0x9e: {  	s25 =	sshll.u32 s24, $0xA;
	[sflag:s13] =	ssyncset.done $0x0  }
0x9f: {  	s26 =	sor.u32 $0x180, s25;
	[sflag:s13] =	ssyncadd.s32 $0xFFFFE000  }
0xa0: {  	[tilespmem:s14], [sflag:$0x4] =	stream.indirect.gather [hbm4b:s4+s9], $0x80, s26, s9, $0xb8;
	[tilespmem:$0x1E000] =	vst v63  }
0xa1: {  	s28 =	sor.u32 $0x800, s25  }
0xa2: {  	[spmem:s2] =	stream.indirect.scatter.add.f32 [tilespmem:s10], [sflag:$0x5], $0x80, s28, s9, $0xb8;
	[tilespmem:$0x1E000] =	vst v63  }
0xa3: {  	_ =	swait.ge [sflag:s8], $0x2000  }
0xa4: {  	[sflag:s8] =	ssyncset.done $0x0  }
0xa5: {  	[sflag:s8] =	ssyncadd.s32 $0xFFFFE000  }
0xa6: {  	_ =	swait.ge [sflag:s15], $0x2000  }
0xa7: {  	[sflag:s15] =	ssyncset.done $0x0  }
0xa8: {  	s29 =	sor.u32 $0x200, s25;
	[sflag:s15] =	ssyncadd.s32 $0xFFFFE000  }
0xa9: {  	[tilespmem:s10], [sflag:$0x1] =	stream.indirect.gather [hbm4b:s4+s9], $0x80, s29, s9, $0xb8;
	[tilespmem:$0x1E000] =	vst v63  }
0xaa: {  	s30 =	sor.u32 $0x880, s25  }
0xab: {  	[spmem:s2] =	stream.indirect.scatter.add.f32 [tilespmem:s11], [sflag:$0x5], $0x80, s30, s9, $0xb8;
	[tilespmem:$0x1E000] =	vst v63  }
0xac: {  	_ =	swait.ge [sflag:s8], $0x2000  }
0xad: {  	[sflag:s8] =	ssyncset.done $0x0  }
0xae: {  	[sflag:s8] =	ssyncadd.s32 $0xFFFFE000  }
0xaf: {  	_ =	swait.ge [sflag:s16], $0x2000  }
0xb0: {  	[sflag:s16] =	ssyncset.done $0x0  }
0xb1: {  	s21 =	sor.u32 $0x280, s25;
	[sflag:s16] =	ssyncadd.s32 $0xFFFFE000  }
0xb2: {  	[tilespmem:s11], [sflag:$0x2] =	stream.indirect.gather [hbm4b:s4+s9], $0x80, s21, s9, $0xb8;
	[tilespmem:$0x1E000] =	vst v63  }
0xb3: {  	s23 =	sor.u32 $0x900, s25  }
0xb4: {  	[spmem:s2] =	stream.indirect.scatter.add.f32 [tilespmem:s12], [sflag:$0x5], $0x80, s23, s9, $0xb8;
	[tilespmem:$0x1E000] =	vst v63  }
0xb5: {  	_ =	swait.ge [sflag:s8], $0x2000  }
0xb6: {  	[sflag:s8] =	ssyncset.done $0x0  }
0xb7: {  	[sflag:s8] =	ssyncadd.s32 $0xFFFFE000  }
0xb8: {  	_ =	swait.ge [sflag:s17], $0x2000  }
0xb9: {  	[sflag:s17] =	ssyncset.done $0x0  }
0xba: {  	s31 =	sor.u32 $0x300, s25;
	[sflag:s17] =	ssyncadd.s32 $0xFFFFE000  }
0xbb: {  	[tilespmem:s12], [sflag:$0x3] =	stream.indirect.gather [hbm4b:s4+s9], $0x80, s31, s9, $0xb8;
	[tilespmem:$0x1E000] =	vst v63  }
0xbc: {  	s24 =	sor.u32 $0x980, s25  }
0xbd: {  	[spmem:s2] =	stream.indirect.scatter.add.f32 [tilespmem:s14], [sflag:$0x5], $0x80, s24, s9, $0xb8;
	[tilespmem:$0x1E000] =	vst v63  }
0xbe: {  	_ =	swait.ge [sflag:s8], $0x2000  }
0xbf: {  	[sflag:s8] =	ssyncset.done $0x0  }
0xc0: {  	[sflag:s8] =	ssyncadd.s32 $0xFFFFE000  }
0xc1: {  	_ =	swait.ge [sflag:s13], $0x2000  }
0xc2: {  	[sflag:s13] =	ssyncset.done $0x0  }
0xc3: {  	s29 =	sor.u32 $0x380, s25;
	[sflag:s13] =	ssyncadd.s32 $0xFFFFE000  }
0xc4: {  	[tilespmem:s14], [sflag:$0x4] =	stream.indirect.gather [hbm4b:s4+s9], $0x80, s29, s9, $0xb8;
	[tilespmem:$0x1E000] =	vst v63  }
0xc5: {  	s7 =	sor.u32 $0xA00, s25  }
0xc6: {  	[spmem:s2] =	stream.indirect.scatter.add.f32 [tilespmem:s10], [sflag:$0x5], $0x80, s7, s9, $0xb8;
	[tilespmem:$0x1E000] =	vst v63  }
0xc7: {  	_ =	swait.ge [sflag:s8], $0x2000  }
0xc8: {  	[sflag:s8] =	ssyncset.done $0x0  }
0xc9: {  	[sflag:s8] =	ssyncadd.s32 $0xFFFFE000  }
0xca: {  	_ =	swait.ge [sflag:s15], $0x2000  }
0xcb: {  	s26 =	sor.u32 @p0 $0x800, s21;
	s28 =	simm.s32 @p0 $0x40;
	[sflag:s15] =	ssyncset.done $0x0  }
0xcc: {  	s25 =	simm.s32 @p0 $0x5;
	s7 =	simm.s32 @p0 $0x3000;
	[sflag:s15] =	ssyncadd.s32 $0xFFFFE000  }
0xcd: {  	[spmem:s2] =	stream.indirect.scatter.add.f32 @p0 [tilespmem:s7], [sflag:$0x5], $0x80, s26, s28, $0xb8;
	[tilespmem:$0x1E000] =	vst v63  }
0xce: {  	_ =	swait.ge @p0 [sflag:s25], $0x2000  }
0xcf: {  	[sflag:s25] =	ssyncset.done @p0 $0x0  }
0xd0: {  	s7 =	simm.s32 @p0 $0x3;
	[sflag:s25] =	ssyncadd.s32 @p0 $0xFFFFE000  }
0xd1: {  	_ =	swait.ge @p0 [sflag:s7], $0x2000  }
0xd2: {  	[sflag:s7] =	ssyncset.done @p0 $0x0  }
0xd3: {  	s25 =	simm.s32 @!p0 $0x1000;
	[sflag:s7] =	ssyncadd.s32 @p0 $0xFFFFE000;
	s7 =	simm.s32 @!p0 $0x40  }
0xd4: {  	[tilespmem:s25], [sflag:$0x1] =	stream.indirect.gather @!p0 [hbm4b:s4+s7], $0x80, s1, s7, $0xb8;
	[tilespmem:$0x1E000] =	vst v63  }
0xd5: {  	s21 =	sor.u32 @!p0 $0x800, s21;
	s25 =	simm.s32 @!p0 $0x3000  }
0xd6: {  	[spmem:s2] =	stream.indirect.scatter.add.f32 @!p0 [tilespmem:s25], [sflag:$0x5], $0x80, s21, s7, $0xb8;
	[tilespmem:$0x1E000] =	vst v63  }
0xd7: {  	_ =	swait.ge @!p0 [sflag:s18], $0x2000  }
0xd8: {  	[sflag:s18] =	ssyncset.done @!p0 $0x0  }
0xd9: {  	[sflag:s18] =	ssyncadd.s32 @!p0 $0xFFFFE000;
	s18 =	simm.s32 @!p0 $0x3  }
0xda: {  	_ =	swait.ge @!p0 [sflag:s18], $0x2000  }
0xdb: {  	[sflag:s18] =	ssyncset.done @!p0 $0x0  }
0xdc: {  	[sflag:s18] =	ssyncadd.s32 @!p0 $0xFFFFE000;
	s18 =	sor.u32 @!p0 $0x80, s1  }
0xdd: {  	[tilespmem:s25], [sflag:$0x2] =	stream.indirect.gather @!p0 [hbm4b:s4+s7], $0x80, s18, s7, $0xb8;
	[tilespmem:$0x1E000] =	vst v63  }
0xde: {  	s30 =	sor.u32 $0x800, s31  }
0xdf: {  	[spmem:s2] =	stream.indirect.scatter.add.f32 [tilespmem:s12], [sflag:$0x5], $0x80, s30, s9, $0xb8;
	[tilespmem:$0x1E000] =	vst v63  }
0xe0: {  	_ =	swait.ge [sflag:s8], $0x2000  }
0xe1: {  	[sflag:s8] =	ssyncset.done $0x0  }
0xe2: {  	[sflag:s8] =	ssyncadd.s32 $0xFFFFE000  }
0xe3: {  	_ =	swait.ge [sflag:s17], $0x2000  }
0xe4: {  	p2 =	sne.s32 s6, $0x2;
	[sflag:s17] =	ssyncset.done $0x0  }
0xe5: {  	s1 =	sor.u32 @!p0 $0x100, s1;
	s18 =	simm.s32 @!p0 $0x5000;
	[sflag:s17] =	ssyncadd.s32 $0xFFFFE000  }
0xe6: {  	[tilespmem:s18], [sflag:$0x3] =	stream.indirect.gather @!p0 [hbm4b:s4+s7], $0x80, s1, s7, $0xb8;
	[tilespmem:$0x1E000] =	vst v63  }
.Ltmp2:
0xe7: {  	p6 =	sle.u32 s6, $0x2;
	p1 =	por $0x1, $0x1;
	(pc) =	sbr.rel @!p2 .LBB2_7-.Ltmp2, $4  }
0xe8: {  	s31 =	sor.u32 $0x800, s29;
	s24 =	sand.u32 $0x1, s22;
	s21 =	simm.s32 $0x2  }
0xe9: {  	[spmem:s2] =	stream.indirect.scatter.add.f32 [tilespmem:s14], [sflag:$0x5], $0x80, s31, s9, $0xb8;
	[tilespmem:$0x1E000] =	vst v63  }
0xea: {  	s25 =	sadd.s32 $0x80, s19;
	p0 =	por p6, p6;
	_ =	swait.ge [sflag:s8], $0x2000  }
0xeb: {  	s1 =	sadd.s32 $0x80, s20;
	s18 =	simm.s32 @!p0 $0x5;
	[sflag:s8] =	ssyncset.done $0x0  }
.LBB2_6:
0xec: {  	s7 =	sxor.u32 $0x1, s24  }
0xed: {  	[sflag:s8] =	ssyncadd.s32 $0xFFFFE000;
	s22 =	smov.u32 s21;
	s21 =	sadd.s32 $0x1, s21  }
0xee: {  	p3 =	sge.u32 s21, s6;
	s23 =	sshll.u32 @!p0 s7, $0xA;
	s7 =	simm.s32 @!p0 $0x0  }
0xef: {  	[tilespmem:s23], [sflag:$0x5] =	stream.linear.gather @!p0 [hbm4b:s1+s7], $0x400, $0x38;
	[tilespmem:$0x1E000] =	vst v63  }
0xf0: {  	p2 =	sne.s32 s6, s21;
	s26 =	sor.u32 @!p0 $0x800, s23;
	_ =	swait.ge @!p0 [sflag:s18], $0x400  }
0xf1: {  	[sflag:s18] =	ssyncset.done @!p0 $0x0  }
0xf2: {  	[sflag:s18] =	ssyncadd.s32 @!p0 $0xFFFFFC00  }
0xf3: {  	[tilespmem:s26], [sflag:$0x5] =	stream.linear.gather @!p0 [hbm4b:s25+s7], $0x400, $0x38;
	[tilespmem:$0x1E000] =	vst v63  }
0xf4: {  	_ =	swait.ge @!p0 [sflag:s18], $0x400  }
0xf5: {  	[sflag:s18] =	ssyncset.done @!p0 $0x0  }
0xf6: {  	[sflag:s18] =	ssyncadd.s32 @!p0 $0xFFFFFC00  }
0xf7: {  	_ =	swait.ge [sflag:s13], $0x2000  }
0xf8: {  	s24 =	sshll.u32 s24, $0xA;
	[sflag:s13] =	ssyncset.done $0x0  }
0xf9: {  	s7 =	sor.u32 $0x180, s24;
	s26 =	sor.u32 $0x800, s24;
	[sflag:s13] =	ssyncadd.s32 $0xFFFFE000  }
0xfa: {  	[tilespmem:s14], [sflag:$0x4] =	stream.indirect.gather [hbm4b:s4+s9], $0x80, s7, s9, $0xb8;
	[tilespmem:$0x1E000] =	vst v63  }
0xfb: {  	s29 =	sor.u32 $0x880, s24;
	s28 =	sor.u32 $0xA00, s24;
	s7 =	sor.u32 $0x200, s24  }
0xfc: {  	[spmem:s2] =	stream.indirect.scatter.add.f32 [tilespmem:s10], [sflag:$0x5], $0x80, s26, s9, $0xb8;
	[tilespmem:$0x1E000] =	vst v63  }
0xfd: {  	_ =	swait.ge [sflag:s8], $0x2000  }
0xfe: {  	[sflag:s8] =	ssyncset.done $0x0  }
0xff: {  	[sflag:s8] =	ssyncadd.s32 $0xFFFFE000  }
0x100: {  	_ =	swait.ge [sflag:s15], $0x2000  }
0x101: {  	[sflag:s15] =	ssyncset.done $0x0  }
0x102: {  	[sflag:s15] =	ssyncadd.s32 $0xFFFFE000  }
0x103: {  	[tilespmem:s10], [sflag:$0x1] =	stream.indirect.gather [hbm4b:s4+s9], $0x80, s7, s9, $0xb8;
	[tilespmem:$0x1E000] =	vst v63  }
0x104: {  	_ = 	snop  }
0x105: {  	[spmem:s2] =	stream.indirect.scatter.add.f32 [tilespmem:s11], [sflag:$0x5], $0x80, s29, s9, $0xb8;
	[tilespmem:$0x1E000] =	vst v63  }
0x106: {  	_ =	swait.ge [sflag:s8], $0x2000  }
0x107: {  	[sflag:s8] =	ssyncset.done $0x0  }
0x108: {  	[sflag:s8] =	ssyncadd.s32 $0xFFFFE000  }
0x109: {  	_ =	swait.ge [sflag:s16], $0x2000  }
0x10a: {  	[sflag:s16] =	ssyncset.done $0x0  }
0x10b: {  	s26 =	sor.u32 $0x280, s24;
	[sflag:s16] =	ssyncadd.s32 $0xFFFFE000  }
0x10c: {  	[tilespmem:s11], [sflag:$0x2] =	stream.indirect.gather [hbm4b:s4+s9], $0x80, s26, s9, $0xb8;
	[tilespmem:$0x1E000] =	vst v63  }
0x10d: {  	s7 =	sor.u32 $0x900, s24  }
0x10e: {  	[spmem:s2] =	stream.indirect.scatter.add.f32 [tilespmem:s12], [sflag:$0x5], $0x80, s7, s9, $0xb8;
	[tilespmem:$0x1E000] =	vst v63  }
0x10f: {  	_ =	swait.ge [sflag:s8], $0x2000  }
0x110: {  	[sflag:s8] =	ssyncset.done $0x0  }
0x111: {  	[sflag:s8] =	ssyncadd.s32 $0xFFFFE000  }
0x112: {  	_ =	swait.ge [sflag:s17], $0x2000  }
0x113: {  	[sflag:s17] =	ssyncset.done $0x0  }
0x114: {  	s7 =	sor.u32 $0x300, s24;
	[sflag:s17] =	ssyncadd.s32 $0xFFFFE000  }
0x115: {  	[tilespmem:s12], [sflag:$0x3] =	stream.indirect.gather [hbm4b:s4+s9], $0x80, s7, s9, $0xb8;
	[tilespmem:$0x1E000] =	vst v63  }
0x116: {  	s29 =	sor.u32 $0x980, s24  }
0x117: {  	[spmem:s2] =	stream.indirect.scatter.add.f32 [tilespmem:s14], [sflag:$0x5], $0x80, s29, s9, $0xb8;
	[tilespmem:$0x1E000] =	vst v63  }
0x118: {  	_ =	swait.ge [sflag:s8], $0x2000  }
0x119: {  	[sflag:s8] =	ssyncset.done $0x0  }
0x11a: {  	[sflag:s8] =	ssyncadd.s32 $0xFFFFE000  }
0x11b: {  	_ =	swait.ge [sflag:s13], $0x2000  }
0x11c: {  	[sflag:s13] =	ssyncset.done $0x0  }
0x11d: {  	s24 =	sor.u32 $0x380, s24;
	[sflag:s13] =	ssyncadd.s32 $0xFFFFE000  }
0x11e: {  	[tilespmem:s14], [sflag:$0x4] =	stream.indirect.gather [hbm4b:s4+s9], $0x80, s24, s9, $0xb8;
	[tilespmem:$0x1E000] =	vst v63  }
0x11f: {  	_ = 	snop  }
0x120: {  	[spmem:s2] =	stream.indirect.scatter.add.f32 [tilespmem:s10], [sflag:$0x5], $0x80, s28, s9, $0xb8;
	[tilespmem:$0x1E000] =	vst v63  }
0x121: {  	_ =	swait.ge [sflag:s8], $0x2000  }
0x122: {  	[sflag:s8] =	ssyncset.done $0x0  }
0x123: {  	[sflag:s8] =	ssyncadd.s32 $0xFFFFE000  }
0x124: {  	_ =	swait.ge [sflag:s15], $0x2000  }
0x125: {  	s29 =	simm.s32 @p0 $0x5;
	s28 =	simm.s32 @p0 $0x3000;
	[sflag:s15] =	ssyncset.done $0x0  }
0x126: {  	s31 =	simm.s32 @p0 $0x40;
	s30 =	sor.u32 @p0 $0x800, s26;
	[sflag:s15] =	ssyncadd.s32 $0xFFFFE000  }
0x127: {  	[spmem:s2] =	stream.indirect.scatter.add.f32 @p0 [tilespmem:s28], [sflag:$0x5], $0x80, s30, s31, $0xb8;
	[tilespmem:$0x1E000] =	vst v63  }
0x128: {  	_ =	swait.ge @p0 [sflag:s29], $0x2000  }
0x129: {  	[sflag:s29] =	ssyncset.done @p0 $0x0  }
0x12a: {  	s28 =	simm.s32 @p0 $0x3;
	[sflag:s29] =	ssyncadd.s32 @p0 $0xFFFFE000  }
0x12b: {  	_ =	swait.ge @p0 [sflag:s28], $0x2000  }
0x12c: {  	[sflag:s28] =	ssyncset.done @p0 $0x0  }
0x12d: {  	s29 =	simm.s32 @!p0 $0x1000;
	[sflag:s28] =	ssyncadd.s32 @p0 $0xFFFFE000;
	s28 =	simm.s32 @!p0 $0x40  }
0x12e: {  	[tilespmem:s29], [sflag:$0x1] =	stream.indirect.gather @!p0 [hbm4b:s4+s28], $0x80, s23, s28, $0xb8;
	[tilespmem:$0x1E000] =	vst v63  }
0x12f: {  	s26 =	sor.u32 @!p0 $0x800, s26;
	s29 =	simm.s32 @!p0 $0x3000  }
0x130: {  	[spmem:s2] =	stream.indirect.scatter.add.f32 @!p0 [tilespmem:s29], [sflag:$0x5], $0x80, s26, s28, $0xb8;
	[tilespmem:$0x1E000] =	vst v63  }
0x131: {  	_ =	swait.ge @!p0 [sflag:s18], $0x2000  }
0x132: {  	[sflag:s18] =	ssyncset.done @!p0 $0x0  }
0x133: {  	[sflag:s18] =	ssyncadd.s32 @!p0 $0xFFFFE000;
	s18 =	simm.s32 @!p0 $0x3  }
0x134: {  	_ =	swait.ge @!p0 [sflag:s18], $0x2000  }
0x135: {  	[sflag:s18] =	ssyncset.done @!p0 $0x0  }
0x136: {  	[sflag:s18] =	ssyncadd.s32 @!p0 $0xFFFFE000;
	s18 =	sor.u32 @!p0 $0x80, s23  }
0x137: {  	[tilespmem:s29], [sflag:$0x2] =	stream.indirect.gather @!p0 [hbm4b:s4+s28], $0x80, s18, s28, $0xb8;
	[tilespmem:$0x1E000] =	vst v63  }
0x138: {  	s7 =	sor.u32 $0x800, s7  }
0x139: {  	[spmem:s2] =	stream.indirect.scatter.add.f32 [tilespmem:s12], [sflag:$0x5], $0x80, s7, s9, $0xb8;
	[tilespmem:$0x1E000] =	vst v63  }
0x13a: {  	_ =	swait.ge [sflag:s8], $0x2000  }
0x13b: {  	[sflag:s8] =	ssyncset.done $0x0  }
0x13c: {  	[sflag:s8] =	ssyncadd.s32 $0xFFFFE000  }
0x13d: {  	_ =	swait.ge [sflag:s17], $0x2000  }
0x13e: {  	[sflag:s17] =	ssyncset.done $0x0  }
0x13f: {  	s18 =	simm.s32 @!p0 $0x5000;
	s7 =	sor.u32 @!p0 $0x100, s23;
	[sflag:s17] =	ssyncadd.s32 $0xFFFFE000  }
0x140: {  	[tilespmem:s18], [sflag:$0x3] =	stream.indirect.gather @!p0 [hbm4b:s4+s28], $0x80, s7, s28, $0xb8;
	[tilespmem:$0x1E000] =	vst v63  }
.Ltmp3:
0x141: {  	_ = 	snop;
	(pc) =	sbr.rel @p2 .LBB2_6-.Ltmp3, $4  }
0x142: {  	s7 =	sor.u32 $0x800, s24;
	p0 =	por p3, p3  }
0x143: {  	[spmem:s2] =	stream.indirect.scatter.add.f32 [tilespmem:s14], [sflag:$0x5], $0x80, s7, s9, $0xb8;
	[tilespmem:$0x1E000] =	vst v63  }
0x144: {  	s1 =	sadd.s32 $0x80, s1;
	s25 =	sadd.s32 $0x80, s25;
	_ =	swait.ge [sflag:s8], $0x2000  }
0x145: {  	s24 =	sand.u32 $0x1, s22;
	s18 =	simm.s32 @!p0 $0x5;
	[sflag:s8] =	ssyncset.done $0x0  }
.LBB2_7:
0x146: {  	s7 =	sxor.u32 $0x1, s24  }
0x147: {  	[sflag:s8] =	ssyncadd.s32 @p1 $0xFFFFE000;
	s21 =	sshll.u32 @!p0 s7, $0xA;
	s7 =	simm.s32 @!p0 $0x0  }
0x148: {  	[tilespmem:s21], [sflag:$0x5] =	stream.linear.gather @!p0 [hbm4b:s1+s7], $0x400, $0x38;
	[tilespmem:$0x1E000] =	vst v63  }
0x149: {  	_ =	swait.ge @!p0 [sflag:s18], $0x400  }
0x14a: {  	[sflag:s18] =	ssyncset.done @!p0 $0x0  }
0x14b: {  	s1 =	sor.u32 @!p0 $0x800, s21;
	[sflag:s18] =	ssyncadd.s32 @!p0 $0xFFFFFC00  }
0x14c: {  	[tilespmem:s1], [sflag:$0x5] =	stream.linear.gather @!p0 [hbm4b:s25+s7], $0x400, $0x38;
	[tilespmem:$0x1E000] =	vst v63  }
0x14d: {  	_ =	swait.ge @!p0 [sflag:s18], $0x400  }
0x14e: {  	[sflag:s18] =	ssyncset.done @!p0 $0x0  }
0x14f: {  	[sflag:s18] =	ssyncadd.s32 @!p0 $0xFFFFFC00  }
0x150: {  	_ =	swait.ge [sflag:s13], $0x2000  }
0x151: {  	s24 =	sshll.u32 s24, $0xA;
	[sflag:s13] =	ssyncset.done $0x0  }
0x152: {  	s25 =	sor.u32 $0x180, s24;
	[sflag:s13] =	ssyncadd.s32 $0xFFFFE000  }
0x153: {  	[tilespmem:s14], [sflag:$0x4] =	stream.indirect.gather [hbm4b:s4+s9], $0x80, s25, s9, $0xb8;
	[tilespmem:$0x1E000] =	vst v63  }
0x154: {  	s26 =	sor.u32 $0x800, s24  }
0x155: {  	[spmem:s2] =	stream.indirect.scatter.add.f32 [tilespmem:s10], [sflag:$0x5], $0x80, s26, s9, $0xb8;
	[tilespmem:$0x1E000] =	vst v63  }
0x156: {  	_ =	swait.ge [sflag:s8], $0x2000  }
0x157: {  	[sflag:s8] =	ssyncset.done $0x0  }
0x158: {  	[sflag:s8] =	ssyncadd.s32 $0xFFFFE000  }
0x159: {  	_ =	swait.ge [sflag:s15], $0x2000  }
0x15a: {  	[sflag:s15] =	ssyncset.done $0x0  }
0x15b: {  	s28 =	sor.u32 $0x200, s24;
	[sflag:s15] =	ssyncadd.s32 $0xFFFFE000  }
0x15c: {  	[tilespmem:s10], [sflag:$0x1] =	stream.indirect.gather [hbm4b:s4+s9], $0x80, s28, s9, $0xb8;
	[tilespmem:$0x1E000] =	vst v63  }
0x15d: {  	s29 =	sor.u32 $0x880, s24  }
0x15e: {  	[spmem:s2] =	stream.indirect.scatter.add.f32 [tilespmem:s11], [sflag:$0x5], $0x80, s29, s9, $0xb8;
	[tilespmem:$0x1E000] =	vst v63  }
0x15f: {  	_ =	swait.ge [sflag:s8], $0x2000  }
0x160: {  	[sflag:s8] =	ssyncset.done $0x0  }
0x161: {  	[sflag:s8] =	ssyncadd.s32 $0xFFFFE000  }
0x162: {  	_ =	swait.ge [sflag:s16], $0x2000  }
0x163: {  	[sflag:s16] =	ssyncset.done $0x0  }
0x164: {  	s7 =	sor.u32 $0x280, s24;
	[sflag:s16] =	ssyncadd.s32 $0xFFFFE000  }
0x165: {  	[tilespmem:s11], [sflag:$0x2] =	stream.indirect.gather [hbm4b:s4+s9], $0x80, s7, s9, $0xb8;
	[tilespmem:$0x1E000] =	vst v63  }
0x166: {  	s22 =	sor.u32 $0x900, s24  }
0x167: {  	[spmem:s2] =	stream.indirect.scatter.add.f32 [tilespmem:s12], [sflag:$0x5], $0x80, s22, s9, $0xb8;
	[tilespmem:$0x1E000] =	vst v63  }
0x168: {  	_ =	swait.ge [sflag:s8], $0x2000  }
0x169: {  	[sflag:s8] =	ssyncset.done $0x0  }
0x16a: {  	[sflag:s8] =	ssyncadd.s32 $0xFFFFE000  }
0x16b: {  	_ =	swait.ge [sflag:s17], $0x2000  }
0x16c: {  	[sflag:s17] =	ssyncset.done $0x0  }
0x16d: {  	s30 =	sor.u32 $0x300, s24;
	[sflag:s17] =	ssyncadd.s32 $0xFFFFE000  }
0x16e: {  	[tilespmem:s12], [sflag:$0x3] =	stream.indirect.gather [hbm4b:s4+s9], $0x80, s30, s9, $0xb8;
	[tilespmem:$0x1E000] =	vst v63  }
0x16f: {  	s23 =	sor.u32 $0x980, s24  }
0x170: {  	[spmem:s2] =	stream.indirect.scatter.add.f32 [tilespmem:s14], [sflag:$0x5], $0x80, s23, s9, $0xb8;
	[tilespmem:$0x1E000] =	vst v63  }
0x171: {  	_ =	swait.ge [sflag:s8], $0x2000  }
0x172: {  	[sflag:s8] =	ssyncset.done $0x0  }
0x173: {  	[sflag:s8] =	ssyncadd.s32 $0xFFFFE000  }
0x174: {  	_ =	swait.ge [sflag:s13], $0x2000  }
0x175: {  	[sflag:s13] =	ssyncset.done $0x0  }
0x176: {  	s31 =	sor.u32 $0x380, s24;
	[sflag:s13] =	ssyncadd.s32 $0xFFFFE000  }
0x177: {  	[tilespmem:s14], [sflag:$0x4] =	stream.indirect.gather [hbm4b:s4+s9], $0x80, s31, s9, $0xb8;
	[tilespmem:$0x1E000] =	vst v63  }
0x178: {  	s1 =	sor.u32 $0xA00, s24  }
0x179: {  	[spmem:s2] =	stream.indirect.scatter.add.f32 [tilespmem:s10], [sflag:$0x5], $0x80, s1, s9, $0xb8;
	[tilespmem:$0x1E000] =	vst v63  }
0x17a: {  	_ =	swait.ge [sflag:s8], $0x2000  }
0x17b: {  	[sflag:s8] =	ssyncset.done $0x0  }
0x17c: {  	[sflag:s8] =	ssyncadd.s32 $0xFFFFE000  }
0x17d: {  	_ =	swait.ge [sflag:s15], $0x2000  }
0x17e: {  	s24 =	simm.s32 @p0 $0x5;
	s25 =	sor.u32 @p0 $0x800, s7;
	[sflag:s15] =	ssyncset.done $0x0  }
0x17f: {  	s26 =	simm.s32 @p0 $0x40;
	s1 =	simm.s32 @p0 $0x3000;
	[sflag:s15] =	ssyncadd.s32 $0xFFFFE000  }
0x180: {  	[spmem:s2] =	stream.indirect.scatter.add.f32 @p0 [tilespmem:s1], [sflag:$0x5], $0x80, s25, s26, $0xb8;
	[tilespmem:$0x1E000] =	vst v63  }
0x181: {  	_ =	swait.ge @p0 [sflag:s24], $0x2000  }
0x182: {  	[sflag:s24] =	ssyncset.done @p0 $0x0  }
0x183: {  	s1 =	simm.s32 @p0 $0x3;
	[sflag:s24] =	ssyncadd.s32 @p0 $0xFFFFE000  }
0x184: {  	_ =	swait.ge @p0 [sflag:s1], $0x2000  }
0x185: {  	[sflag:s1] =	ssyncset.done @p0 $0x0  }
0x186: {  	s24 =	simm.s32 @!p0 $0x1000;
	[sflag:s1] =	ssyncadd.s32 @p0 $0xFFFFE000;
	s1 =	simm.s32 @!p0 $0x40  }
0x187: {  	[tilespmem:s24], [sflag:$0x1] =	stream.indirect.gather @!p0 [hbm4b:s4+s1], $0x80, s21, s1, $0xb8;
	[tilespmem:$0x1E000] =	vst v63  }
0x188: {  	s7 =	sor.u32 @!p0 $0x800, s7;
	s24 =	simm.s32 @!p0 $0x3000  }
0x189: {  	[spmem:s2] =	stream.indirect.scatter.add.f32 @!p0 [tilespmem:s24], [sflag:$0x5], $0x80, s7, s1, $0xb8;
	[tilespmem:$0x1E000] =	vst v63  }
0x18a: {  	_ =	swait.ge @!p0 [sflag:s18], $0x2000  }
0x18b: {  	[sflag:s18] =	ssyncset.done @!p0 $0x0  }
0x18c: {  	s7 =	simm.s32 @!p0 $0x3;
	[sflag:s18] =	ssyncadd.s32 @!p0 $0xFFFFE000  }
0x18d: {  	_ =	swait.ge @!p0 [sflag:s7], $0x2000  }
0x18e: {  	[sflag:s7] =	ssyncset.done @!p0 $0x0  }
0x18f: {  	[sflag:s7] =	ssyncadd.s32 @!p0 $0xFFFFE000;
	s7 =	sor.u32 @!p0 $0x80, s21  }
0x190: {  	[tilespmem:s24], [sflag:$0x2] =	stream.indirect.gather @!p0 [hbm4b:s4+s1], $0x80, s7, s1, $0xb8;
	[tilespmem:$0x1E000] =	vst v63  }
0x191: {  	s25 =	sor.u32 $0x800, s30  }
0x192: {  	[spmem:s2] =	stream.indirect.scatter.add.f32 [tilespmem:s12], [sflag:$0x5], $0x80, s25, s9, $0xb8;
	[tilespmem:$0x1E000] =	vst v63  }
0x193: {  	_ =	swait.ge [sflag:s8], $0x2000  }
0x194: {  	[sflag:s8] =	ssyncset.done $0x0  }
0x195: {  	[sflag:s8] =	ssyncadd.s32 $0xFFFFE000  }
0x196: {  	_ =	swait.ge [sflag:s17], $0x2000  }
0x197: {  	[sflag:s17] =	ssyncset.done $0x0  }
0x198: {  	s18 =	simm.s32 @!p0 $0x5000;
	s7 =	sor.u32 @!p0 $0x100, s21;
	[sflag:s17] =	ssyncadd.s32 $0xFFFFE000  }
0x199: {  	[tilespmem:s18], [sflag:$0x3] =	stream.indirect.gather @!p0 [hbm4b:s4+s1], $0x80, s7, s1, $0xb8;
	[tilespmem:$0x1E000] =	vst v63  }
0x19a: {  	s26 =	sor.u32 $0x800, s31  }
0x19b: {  	[spmem:s2] =	stream.indirect.scatter.add.f32 [tilespmem:s14], [sflag:$0x5], $0x80, s26, s9, $0xb8;
	[tilespmem:$0x1E000] =	vst v63  }
0x19c: {  	_ =	swait.ge [sflag:s8], $0x2000  }
0x19d: {  	[sflag:s8] =	ssyncset.done $0x0  }
0x19e: {  	s28 =	stileid.u32;
	[sflag:s8] =	ssyncadd.s32 $0xFFFFE000  }
0x19f: {  	s1 =	sshll.u32 s28, $0x6;
	[bflag:$0x0] =	sbarrier.arrive $0xFFFF  }
0x1a0: {  	s29 =	sshrl.u32 s5, $0x3;
	s1 =	sor.u32 $0x1C05, s1;
	s30 =	rddreg [dreg:$0x14]  }
0x1a1: {  	[hbm:s30], [sflag:s1] =	dma.local [spmem:s29], $0x2800  }
0x1a2: {  	_ =	swait.ge [sflag:s8], $0x2800  }
0x1a3: {  	s3 =	sadd.s32 $0x1, s3;
	s31 =	rddreg [dreg:$0x6]  }
0x1a4: {  	p0 =	sne.s32 s3, s31  }
.Ltmp4:
0x1a5: {  	_ = 	snop;
	(pc) =	sbr.rel @p0 .LBB2_1-.Ltmp4, $4  }
.Ltmp5:
0x1a6: {  	_ = 	snop;
	(pc) =	sbr.rel @!p0 .LBB2_8-.Ltmp5, $4  }
0x1a7: {  	_ = 	snop  }
0x1a8: {  	[sflag:s8] =	ssyncset.done $0x0  }
0x1a9: {  	[sflag:s8] =	ssyncadd.s32 $0xFFFFD800  }
0x1aa: {  	_ = 	snop  }
.LBB2_4:
.Ltmp6:
0x1ab: {  	(pc) =	sbr.rel .LBB2_7-.Ltmp6, $2  }
0x1ac: {  	_ =	sdelay $0x2  }
0x1ad: {  	s1 =	smov.u32 s20;
	s25 =	smov.u32 s19  }
.LBB2_8:
0x1ae: {  	_ =	sfence.sel $0x180000  }
0x1af: {  	[bflag:$0x0] =	sbarrier.arrive $0xFFFF  }
0x1b0: {  	_ =	strace $0x9000004D  }
0x1b1: {  	s0 =	stileid.u32;
	[bflag:$0x2] =	sbarrier.arrive $0xFFFF  }
0x1b2: {  	p0 =	sne.s32 s0, $0x0;
	s0 =	rddreg [dreg:$0x3]  }
0x1b3: {  	s0 =	sadd.s32 @!p0 $0x100000, s0  }
0x1b4: {  	[sflag:s0] =	ssyncadd.tile.s32 @!p0 $0x1;
	_ =	shalt  }
.Lfunc_end2:
_tile_overlayer_lowered:
.L_overlay_start_2:
0x1b5: {  	(tag) =	ssettag $0x2  }
0x1b6: {  	s0 =	rddreg [dreg:$0x0];
	s2 =	stileid.u32  }
0x1b7: {  	s1 =	rddreg [dreg:$0x1];
	p0 =	sne.s32 s2, $0x0  }
0x1b8: {  	s3 =	rddreg [dreg:$0x2];
	[bflag:$0x3] =	sbarrier.arrive $0xFFFF;
	s2 =	simm.s32 @!p0 $0x1C05  }
0x1b9: {  	[timem:s3], [sflag:s2] =	dma.local @!p0 [hbm:s0], s1  }
0x1ba: {  	s0 =	simm.s32 @!p0 $0x5  }
0x1bb: {  	_ =	swait.ge @!p0 [sflag:s0], s1  }
0x1bc: {  	s1 =	ssub.s32 @!p0 $0x0, s1;
	[sflag:s0] =	ssyncset.done @!p0 $0x0  }
0x1bd: {  	[sflag:s0] =	ssyncadd.s32 @!p0 s1  }
0x1be: {  	[bflag:$0x3] =	sbarrier.arrive $0xFFFF  }
0x1bf: {  	_ =	shalt  }

// kernel: _run.8.cloned.1.call-start
scs
__scs_entry_jumppad:
0x0: {  	(pc) =	sbr.rel $0x88, $3  }
0x1: {  	(tag) =	ssettag $0x0;
	lr =	simm.s32 $0x1  }
0x2: {  	[smem:$0x3F9B] =	sst lr;
	_ =	strace $0xD0000000  }
0x3: {  	_ = 	snop  }
0x4: {  	_ = 	snop  }
0x5: {  	_ = 	snop  }
0x6: {  	_ = 	snop  }
0x7: {  	_ = 	snop  }
__scs_overlays_trampoline_lowered:
0x8: {  	[smem:$0x3FAA] =	sst s0  }
0x9: {  	[smem:$0x3FAB] =	sst s1  }
0xa: {  	[smem:$0x3FAC] =	sst s2  }
0xb: {  	[smem:$0x3FAD] =	sst s3  }
0xc: {  	[smem:$0x3FAE] =	sst s4  }
0xd: {  	[smem:$0x3FAF] =	sst s5  }
0xe: {  	[smem:$0x3FB0] =	sst s6  }
0xf: {  	[smem:$0x3FB1] =	sst s7  }
0x10: {  	[smem:$0x3FB2] =	sst s8  }
0x11: {  	[smem:$0x3FB3] =	sst s9;
	s0 =	simm.s32 @!p0 $0x0  }
0x12: {  	s1 =	sld [smem:$0x3F99];
	s0 =	simm.s32 @p0 $0x1  }
0x13: {  	[smem:$0x3FB4] =	sst s0;
	s0 =	simm.s32 @!p1 $0x0  }
0x14: {  	s2 =	sld [smem:$0x3F98];
	s0 =	simm.s32 @p1 $0x1  }
0x15: {  	[smem:$0x3FB5] =	sst s0;
	s0 =	simm.s32 @!p2 $0x0  }
0x16: {  	s3 =	sld [smem:$0x3FDB];
	s0 =	simm.s32 @p2 $0x1  }
0x17: {  	s4 =	simm.s32 $0x1BF5;
	[smem:$0x3FB7] =	sst s0  }
0x18: {  	s0 =	sld [smem:$0x3F9A];
	_ =	swait.ge [sflag:s4], $0x0  }
0x19: {  	s7 =	sld [smem:$0x3F9B]  }
0x1a: {  	s8 =	sadd.s32 $0xFFFFE003, lr  }
0x1b: {  	s9 =	sadd.s32 $0xFFFFFEF7, lr;
	s5 =	simm.s32 $0xFFFFFFFF;
	p2 =	slt.u32 s8, $0xFFFFF086  }
0x1c: {  	p1 =	slt.u32 s9, $0xF7A;
	s5 =	simm.s32 @!p2 $0x0  }
0x1d: {  	s5 =	simm.s32 @p1 $0x1;
	p0 =	seq.s32 s7, s2  }
0x1e: {  	s7 =	smul.u32 @!p0 $0xF7A, s2;
	p2 =	seq.s32 @!p0 s5, $0x0  }
0x1f: {  	s9 =	smul.u32 $0xF7A, s1;
	s8 =	simm.s32 @!p0 $0x1BF5;
	p2 =	por !p2, p0  }
0x20: {  	[sflag:s8] =	ssyncset.s32 @!p0 $0xFFFFF086;
	s6 =	sadd.s32 @!p0 s3, s7;
	s7 =	simm.s32 @!p0 $0x108  }
0x21: {  	s3 =	sadd.s32 s3, s9;
	s6 =	sadd.s32 @!p0 $0x88, s6;
	s7 =	simm.s32 @p2 $0x1082  }
0x22: {  	[simem:s7], [sflag:s8] =	dma.local @!p0 [hbm:s6], $0xF7A  }
0x23: {  	s9 =	sor.u32 $0xD0000000, s2;
	s6 =	simm.s32 $0x108;
	_ =	swait.ge @!p0 [sflag:s8], $0x0  }
0x24: {  	s3 =	sadd.s32 $0x88, s3;
	s6 =	simm.s32 @!p1 $0x1082;
	[sflag:s4] =	ssyncset.s32 $0xFFFFF086  }
0x25: {  	[simem:s6], [sflag:s4] =	dma.local [hbm:s3], $0xF7A  }
0x26: {  	[smem:$0x3F9B] =	sst s1;
	(tag) =	ssettag s2;
	_ =	strace s9  }
0x27: {  	s1 =	sld [smem:$0x3FAB]  }
0x28: {  	s2 =	sld [smem:$0x3FAC]  }
0x29: {  	s4 =	sld [smem:$0x3FAE]  }
0x2a: {  	p0 =	seq.s32 s5, $0x0;
	s5 =	sld [smem:$0x3FAF]  }
0x2b: {  	s6 =	sld [smem:$0x3FB0]  }
0x2c: {  	s7 =	sld [smem:$0x3FB1]  }
0x2d: {  	s3 =	simm.s32 $0x108;
	s8 =	sld [smem:$0x3FB2]  }
0x2e: {  	s3 =	simm.s32 @!p0 $0x1082;
	s9 =	sld [smem:$0x3FB3]  }
0x2f: {  	lr =	sadd.s32 s0, s3;
	s0 =	sld [smem:$0x3FAA]  }
0x30: {  	s3 =	sld [smem:$0x3FAD]  }
0x31: {  	[smem:$0x3FB6] =	sst s10  }
0x32: {  	s10 =	sld [smem:$0x3FB4];
	_ =	sdelay $0x3  }
0x33: {  	p0 =	seq.s32 s10, $0x1;
	s10 =	sld [smem:$0x3FB6];
	_ =	sdelay $0x3  }
0x34: {  	[smem:$0x3FB6] =	sst s10  }
0x35: {  	s10 =	sld [smem:$0x3FB5];
	_ =	sdelay $0x3  }
0x36: {  	p1 =	seq.s32 s10, $0x1;
	s10 =	sld [smem:$0x3FB6];
	_ =	sdelay $0x3  }
0x37: {  	[smem:$0x3FB6] =	sst s10  }
0x38: {  	s10 =	sld [smem:$0x3FB7]  }
0x39: {  	_ = 	snop;
	(pc) =	sbr.ind lr, $3  }
0x3a: {  	_ = 	snop  }
0x3b: {  	_ = 	snop  }
0x3c: {  	p2 =	seq.s32 s10, $0x1;
	s10 =	sld [smem:$0x3FB6]  }
0x3d: {  	_ =	shalt  }
0x3e: {  	_ =	shalt  }
0x3f: {  	_ =	shalt  }
0x40: {  	_ =	shalt  }
0x41: {  	_ =	shalt  }
0x42: {  	_ =	shalt  }
0x43: {  	_ =	shalt  }
0x44: {  	_ =	shalt  }
0x45: {  	_ =	shalt  }
0x46: {  	_ =	shalt  }
0x47: {  	_ =	shalt  }
0x48: {  	_ =	shalt  }
0x49: {  	_ =	shalt  }
0x4a: {  	_ =	shalt  }
0x4b: {  	_ =	shalt  }
0x4c: {  	_ =	shalt  }
0x4d: {  	_ =	shalt  }
0x4e: {  	_ =	shalt  }
0x4f: {  	_ =	shalt  }
0x50: {  	_ =	shalt  }
0x51: {  	_ =	shalt  }
0x52: {  	_ =	shalt  }
0x53: {  	_ =	shalt  }
0x54: {  	_ =	shalt  }
0x55: {  	_ =	shalt  }
0x56: {  	_ =	shalt  }
0x57: {  	_ =	shalt  }
0x58: {  	_ =	shalt  }
0x59: {  	_ =	shalt  }
0x5a: {  	_ =	shalt  }
0x5b: {  	_ =	shalt  }
0x5c: {  	_ =	shalt  }
0x5d: {  	_ =	shalt  }
0x5e: {  	_ =	shalt  }
0x5f: {  	_ =	shalt  }
0x60: {  	_ =	shalt  }
0x61: {  	_ =	shalt  }
0x62: {  	_ =	shalt  }
0x63: {  	_ =	shalt  }
0x64: {  	_ =	shalt  }
0x65: {  	_ =	shalt  }
0x66: {  	_ =	shalt  }
0x67: {  	_ =	shalt  }
0x68: {  	_ =	shalt  }
0x69: {  	_ =	shalt  }
0x6a: {  	_ =	shalt  }
0x6b: {  	_ =	shalt  }
0x6c: {  	_ =	shalt  }
0x6d: {  	_ =	shalt  }
0x6e: {  	_ =	shalt  }
0x6f: {  	_ =	shalt  }
0x70: {  	_ =	shalt  }
0x71: {  	_ =	shalt  }
0x72: {  	_ =	shalt  }
0x73: {  	_ =	shalt  }
0x74: {  	_ =	shalt  }
0x75: {  	_ =	shalt  }
0x76: {  	_ =	shalt  }
0x77: {  	_ =	shalt  }
0x78: {  	_ =	shalt  }
0x79: {  	_ =	shalt  }
0x7a: {  	_ =	shalt  }
0x7b: {  	_ =	shalt  }
0x7c: {  	_ =	shalt  }
0x7d: {  	_ =	shalt  }
0x7e: {  	_ =	shalt  }
0x7f: {  	_ =	shalt  }
0x80: {  	_ =	shalt  }
0x81: {  	_ =	shalt  }
0x82: {  	_ =	shalt  }
0x83: {  	_ =	shalt  }
0x84: {  	_ =	shalt  }
0x85: {  	_ =	shalt  }
0x86: {  	_ =	shalt  }
0x87: {  	_ =	shalt  }
.Lfunc_end0:
.L_simem_size_0:
called_computation_lowered:
.L_overlay_start_0:
0x88: {  	s2 =	sld [smem:$0x3FD9]  }
0x89: {  	s3 =	sld [smem:$0x3FFE];
	_ =	sdelay $0x1  }
0x8a: {  	s1 =	srdreg.scid  }
0x8b: {  	s0 =	sand.u32 $0x1, s1  }
0x8c: {  	s16 =	sshll.u32 s0, $0xA;
	s2 =	sadd.s32 s3, s2  }
0x8d: {  	s2 =	sadd.s32 s2, s16  }
0x8e: {  	[smem:$0x3FC2] =	sst s2  }
0x8f: {  	_ = 	snop  }
0x90: {  	(tm) =	ssettm $0x1  }
0x91: {  	s17 =	sld [smem:$0x3FFB];
	_ =	sdelay $0x3  }
0x92: {  	_ =	strace s17  }
0x93: {  	s2 =	sld [smem:$0x3FFC];
	_ =	sdelay $0x3  }
0x94: {  	_ =	strace s2  }
0x95: {  	s2 =	sld [smem:$0x3FFD];
	_ =	sdelay $0x3  }
0x96: {  	_ =	strace s2  }
0x97: {  	_ =	strace $0x8FFFFFFF  }
0x98: {  	s18 =	sld [smem:$0x3FDB];
	_ =	sdelay $0x1  }
0x99: {  	s19 =	simm.s32 $_scs_section_size  }
0x9a: {  	s4 =	simm.s32 $_size__tile_overlayer_lowered;
	s5 =	simm.s32 $_tile_overlayer_lowered  }
0x9b: {  	s22 =	simm.s32 $0x1BFF;
	s21 =	sshll.u32 s5, $0x1;
	s2 =	sadd.s32 s19, s18  }
0x9c: {  	s6 =	simm.s32 $0x0;
	s20 =	sshll.u32 s4, $0x1;
	s4 =	sadd.s32 s21, s2  }
0x9d: {  	[timem:s6], [sflag:s22] =	dma.local [hbm:s4], s20  }
0x9e: {  	_ =	swait.ge [sflag:s22], s20  }
0x9f: {  	s3 =	ssub.s32 $0x0, s20;
	[sflag:s22] =	ssyncset.done $0x0  }
0xa0: {  	[sflag:s22] =	ssyncadd.s32 s3;
	_ =	sdelay $0x1  }
0xa1: {  	s23 =	simm.s32 $0x1B8B  }
0xa2: {  	_ =	swait.ge [sflag:s23], $0x1  }
0xa3: {  	[sflag:s23] =	ssyncset.done $0x0  }
0xa4: {  	s25 =	simm.s32 $0x1B8E;
	s24 =	sld [smem:$0x3FFE];
	[sflag:s23] =	ssyncadd.s32 $0xFFFFFFFF  }
0xa5: {  	s26 =	simm.s32 $execute0_lowered;
	[smem:$0x3FD2] =	sst s25  }
0xa6: {  	s4 =	sshll.u32 s26, $0x1;
	_ =	strace $0x80000046;
	[dreg:$0x1] =	wrdreg $0xFFFFFFFF  }
0xa7: {  	s28 =	simm.s32 $_size_execute0_lowered;
	s2 =	sadd.s32 s2, s4;
	[dreg:$0x0] =	wrdreg $0x0  }
0xa8: {  	s4 =	sshll.u32 s28, $0x1;
	[dreg:$0x2] =	wrdreg s2  }
0xa9: {  	[dreg:$0x3] =	wrdreg s4  }
0xaa: {  	[dreg:$0x4] =	wrdreg $0xC0  }
0xab: {  	_ =	task [dreg:s6], $0x5FFFF  }
0xac: {  	[dreg:$0x1] =	wrdreg $0xFFFFFFFF  }
0xad: {  	[dreg:$0x0] =	wrdreg $0x60  }
0xae: {  	[dreg:$0x2] =	wrdreg s24  }
0xaf: {  	[dreg:$0x3] =	wrdreg $0x9  }
0xb0: {  	_ =	task.clear_ibuf [dreg:s6], $0x4FFFF;
	_ =	strace $0x90000046  }
0xb1: {  	s29 =	simm.s32 $0x9;
	_ =	strace $0x80000048  }
0xb2: {  	_ =	swait.ge [sflag:s29], $0x1  }
0xb3: {  	[sflag:s29] =	ssyncadd.s32 $0xFFFFFFFF  }
0xb4: {  	_ =	strace $0x90000048  }
0xb5: {  	_ =	sfence  }
0xb6: {  	s30 =	sld [smem:$0x0];
	_ =	sdelay $0x2  }
0xb7: {  	s31 =	sshll.u32 s1, $0xD;
	s1 =	sshrl.u32 s1, $0x2  }
0xb8: {  	s3 =	sand.u32 $0x4000, s31;
	s1 =	sadd.s32 s1, s30  }
0xb9: {  	s0 =	sor.u32 s3, s0;
	s1 =	sshll.u32 s1, $0x11  }
0xba: {  	s0 =	sor.u32 s1, s0  }
0xbb: {  	s0 =	sadd.s32 $0x8F2B, s0  }
0xbc: {  	[sflag:s0] =	ssyncadd.remote.s32 $0x1  }
0xbd: {  	_ =	sfence.sel $0xFFFF  }
0xbe: {  	[dreg:$0x0] =	wrdreg $0xFFFFFFFF;
	(pc) =	sbr.abs _section_cstart, $3  }
0xbf: {  	[dreg:$0x1] =	wrdreg $0xFFFFFFFF  }
0xc0: {  	_ =	task.clear_ibuf [dreg:s6], $0x2FFFF;
	_ =	strace $0x9FFFFFFF  }
0xc1: {  	(tm) =	ssettm $0x7FFFFFFF  }
tec
execute0_lowered:
.L_overlay_start_1:
0x0: {  	(tag) =	ssettag $0x1  }
0x1: {  	s1 =	srdreg.scid  }
0x2: {  	s0 =	stileid.u32;
	s3 =	rddreg [dreg:$0x0];
	s10 =	simm.s32 $0x1  }
0x3: {  	s11 =	simm.s32 $0x800;
	s12 =	simm.s32 $0x80;
	s13 =	simm.s32 $0x400  }
0x4: {  	s4 =	sand.u32 $0x1, s1;
	s2 =	sshll.u32 s0, $0x1;
	s1 =	rddreg [dreg:$0x1]  }
0x5: {  	s6 =	sshrl.u32 s0, $0x2;
	s5 =	sor.u32 s4, s2;
	s2 =	simm.s32 $0x0  }
0x6: {  	s6 =	smul.u32 $0x14000, s6;
	s4 =	ssub.s32 $0x2, s4;
	s7 =	sshll.u32 s5, $0x7  }
0x7: {  	[smem:$0x7FF] =	sst s2;
	s5 =	smul.u32 $0x2800, s5;
	s7 =	sand.u32 $0x380, s7  }
0x8: {  	s31 =	sshrl.u32 s4, $0x1;
	_ =	strace $0x80000047;
	s6 =	sor.u32 s6, s7  }
0x9: {  	s9 =	ssub.s32 s4, s31;
	s5 =	sshrl.u32 s5, $0x3;
	s6 =	sshrl.u32 s6, $0x3  }
0xa: {  	s9 =	smax.u32 s9, $0x1;
	s30 =	sadd.s32 s5, s3;
	s8 =	sadd.s32 s6, s3  }
0xb: {  	s3 =	sadd.s32 $0x3C00, s30;
	s4 =	sadd.s32 $0x3D00, s30;
	s5 =	sadd.s32 $0x3E00, s30  }
0xc: {  	v0 =	vimm.f32 $0.0e+00;
	v1 =	vimm.f32 $1.000000000e+00;
	s6 =	sadd.s32 $0x3F00, s30;
	s7 =	sadd.s32 $0x4000, s30;
	s8 =	sadd.s32 $0xDC00, s8  }
.LBB2_1:
0xd: {  	s14 =	simm.s32 $0x40;
	s15 =	simm.s32 $0x0  }
.LBB2_2:
0xe: {  	p0 =	sne.s32 s14, $0x9FC0;
	[tilespmem:s15+$0x800] =	vst v0;
	s15 =	smov.u32 s14;
	s14 =	sadd.s32 $0x40, s14  }
.Ltmp0:
0xf: {  	(pc) =	sbr.rel @p0 .LBB2_2-.Ltmp0, $2  }
0x10: {  	_ =	sdelay $0x2  }
0x11: {  	s15 =	sshra.s32 s15, $0x2  }
0x12: {  	[tilespmem:s15+$0x800] =	vst v0;
	s14 =	simm.s32 $0x0  }
0x13: {  	[tilespmem:s14], [sflag:$0x1] =	stream.linear.gather [hbm4b:s3+s14], $0x800, $0x38;
	[tilespmem:$0x3000] =	vst v63  }
0x14: {  	_ =	swait.ge [sflag:s10], $0x800  }
0x15: {  	[sflag:s10] =	ssyncset.done $0x0  }
0x16: {  	s15 =	simm.s32 $0x0;
	s14 =	simm.s32 $0x40;
	[sflag:s10] =	ssyncadd.s32 $0xFFFFF800  }
.LBB2_4:
0x17: {  	p0 =	sne.s32 s14, $0x1FC0;
	v2 =	vld [tilespmem:s15+$0x0];
	_ =	sdelay $0x3  }
.Ltmp1:
0x18: {  	(pc) =	sbr.rel @p0 .LBB2_4-.Ltmp1, $2  }
0x19: {  	_ =	sdelay $0x2  }
0x1a: {  	s15 =	sshra.s32 s14, $0x2;
	s14 =	sadd.s32 $0x40, s14;
	[tilespmem:v2+s11+$0x0] =	vst.idx.add.f32.msk $0xffff, v1  }
0x1b: {  	v2 =	vld [tilespmem:s15+$0x0];
	_ =	sdelay $0x7  }
0x1c: {  	s14 =	simm.s32 $0x0;
	[tilespmem:v2+s11+$0x0] =	vst.idx.add.f32.msk $0xffff, v1  }
0x1d: {  	[tilespmem:s14], [sflag:$0x1] =	stream.linear.gather [hbm4b:s4+s14], $0x800, $0x38;
	[tilespmem:$0x3000] =	vst v63  }
0x1e: {  	_ =	swait.ge [sflag:s10], $0x800  }
0x1f: {  	[sflag:s10] =	ssyncset.done $0x0  }
0x20: {  	s15 =	simm.s32 $0x0;
	s14 =	simm.s32 $0x40;
	[sflag:s10] =	ssyncadd.s32 $0xFFFFF800  }
.LBB2_6:
0x21: {  	p0 =	sne.s32 s14, $0x1FC0;
	v2 =	vld [tilespmem:s15+$0x0];
	_ =	sdelay $0x3  }
.Ltmp2:
0x22: {  	(pc) =	sbr.rel @p0 .LBB2_6-.Ltmp2, $2  }
0x23: {  	_ =	sdelay $0x2  }
0x24: {  	s15 =	sshra.s32 s14, $0x2;
	s14 =	sadd.s32 $0x40, s14;
	[tilespmem:v2+s11+$0x0] =	vst.idx.add.f32.msk $0xffff, v1  }
0x25: {  	v2 =	vld [tilespmem:s15+$0x0];
	_ =	sdelay $0x7  }
0x26: {  	s14 =	simm.s32 $0x0;
	[tilespmem:v2+s11+$0x0] =	vst.idx.add.f32.msk $0xffff, v1  }
0x27: {  	[tilespmem:s14], [sflag:$0x1] =	stream.linear.gather [hbm4b:s5+s14], $0x800, $0x38;
	[tilespmem:$0x3000] =	vst v63  }
0x28: {  	_ =	swait.ge [sflag:s10], $0x800  }
0x29: {  	[sflag:s10] =	ssyncset.done $0x0  }
0x2a: {  	s15 =	simm.s32 $0x0;
	s14 =	simm.s32 $0x40;
	[sflag:s10] =	ssyncadd.s32 $0xFFFFF800  }
.LBB2_8:
0x2b: {  	p0 =	sne.s32 s14, $0x1FC0;
	v2 =	vld [tilespmem:s15+$0x0];
	_ =	sdelay $0x3  }
.Ltmp3:
0x2c: {  	(pc) =	sbr.rel @p0 .LBB2_8-.Ltmp3, $2  }
0x2d: {  	_ =	sdelay $0x2  }
0x2e: {  	s15 =	sshra.s32 s14, $0x2;
	s14 =	sadd.s32 $0x40, s14;
	[tilespmem:v2+s11+$0x0] =	vst.idx.add.f32.msk $0xffff, v1  }
0x2f: {  	v2 =	vld [tilespmem:s15+$0x0];
	_ =	sdelay $0x7  }
0x30: {  	s14 =	simm.s32 $0x0;
	[tilespmem:v2+s11+$0x0] =	vst.idx.add.f32.msk $0xffff, v1  }
0x31: {  	[tilespmem:s14], [sflag:$0x1] =	stream.linear.gather [hbm4b:s6+s14], $0x800, $0x38;
	[tilespmem:$0x3000] =	vst v63  }
0x32: {  	_ =	swait.ge [sflag:s10], $0x800  }
0x33: {  	[sflag:s10] =	ssyncset.done $0x0  }
0x34: {  	s15 =	simm.s32 $0x0;
	s14 =	simm.s32 $0x40;
	[sflag:s10] =	ssyncadd.s32 $0xFFFFF800  }
.LBB2_10:
0x35: {  	p0 =	sne.s32 s14, $0x1FC0;
	v2 =	vld [tilespmem:s15+$0x0];
	_ =	sdelay $0x3  }
.Ltmp4:
0x36: {  	(pc) =	sbr.rel @p0 .LBB2_10-.Ltmp4, $2  }
0x37: {  	_ =	sdelay $0x2  }
0x38: {  	s15 =	sshra.s32 s14, $0x2;
	s14 =	sadd.s32 $0x40, s14;
	[tilespmem:v2+s11+$0x0] =	vst.idx.add.f32.msk $0xffff, v1  }
0x39: {  	v2 =	vld [tilespmem:s15+$0x0];
	_ =	sdelay $0x7  }
0x3a: {  	s14 =	simm.s32 $0x0;
	[tilespmem:v2+s11+$0x0] =	vst.idx.add.f32.msk $0xffff, v1  }
0x3b: {  	[tilespmem:s14], [sflag:$0x1] =	stream.linear.gather [hbm4b:s7+s14], $0x800, $0x38;
	[tilespmem:$0x3000] =	vst v63  }
0x3c: {  	_ =	swait.ge [sflag:s10], $0x800  }
0x3d: {  	[sflag:s10] =	ssyncset.done $0x0  }
0x3e: {  	s15 =	simm.s32 $0x0;
	s14 =	simm.s32 $0x40;
	[sflag:s10] =	ssyncadd.s32 $0xFFFFF800  }
.LBB2_12:
0x3f: {  	p0 =	sne.s32 s14, $0x1FC0;
	v2 =	vld [tilespmem:s15+$0x0];
	_ =	sdelay $0x3  }
.Ltmp5:
0x40: {  	(pc) =	sbr.rel @p0 .LBB2_12-.Ltmp5, $2  }
0x41: {  	_ =	sdelay $0x2  }
0x42: {  	s15 =	sshra.s32 s14, $0x2;
	s14 =	sadd.s32 $0x40, s14;
	[tilespmem:v2+s11+$0x0] =	vst.idx.add.f32.msk $0xffff, v1  }
0x43: {  	v2 =	vld [tilespmem:s15+$0x0];
	_ =	sdelay $0x5  }
0x44: {  	s2 =	sadd.s32 $0x1, s2  }
0x45: {  	p0 =	sne.s32 s2, s9  }
.Ltmp6:
0x46: {  	[tilespmem:v2+s11+$0x0] =	vst.idx.add.f32.msk $0xffff, v1;
	(pc) =	sbr.rel @p0 .LBB2_1-.Ltmp6, $4  }
0x47: {  	[hbm4b:s8+s12] =	stream.strided.scatter [tilespmem:s11], [sflag:$0x1], $0x2800, s13, s12, $0x38;
	[tilespmem:$0x3000] =	vst v63  }
0x48: {  	_ =	swait.ge [sflag:s10], $0x2800  }
0x49: {  	[sflag:s10] =	ssyncset.done $0x0  }
0x4a: {  	[sflag:s10] =	ssyncadd.s32 $0xFFFFD800  }
0x4b: {  	_ =	sfence.sel $0x180000  }
0x4c: {  	[bflag:$0x0] =	sbarrier.arrive $0xFFFF  }
0x4d: {  	p0 =	sne.s32 s0, $0x0;
	_ =	strace $0x90000047  }
0x4e: {  	s0 =	sadd.s32 @!p0 $0x100000, s1;
	[bflag:$0x2] =	sbarrier.arrive $0xFFFF  }
0x4f: {  	[sflag:s0] =	ssyncadd.tile.s32 @!p0 $0x1;
	_ =	shalt  }
.Lfunc_end2:
_tile_overlayer_lowered:
.L_overlay_start_2:
0x50: {  	(tag) =	ssettag $0x2  }
0x51: {  	s0 =	rddreg [dreg:$0x0];
	s2 =	stileid.u32  }
0x52: {  	s1 =	rddreg [dreg:$0x1];
	p0 =	sne.s32 s2, $0x0  }
0x53: {  	s3 =	rddreg [dreg:$0x2];
	[bflag:$0x3] =	sbarrier.arrive $0xFFFF;
	s2 =	simm.s32 @!p0 $0x1C01  }
0x54: {  	[timem:s3], [sflag:s2] =	dma.local @!p0 [hbm:s0], s1  }
0x55: {  	s0 =	simm.s32 @!p0 $0x1  }
0x56: {  	_ =	swait.ge @!p0 [sflag:s0], s1  }
0x57: {  	s1 =	ssub.s32 @!p0 $0x0, s1;
	[sflag:s0] =	ssyncset.done @!p0 $0x0  }
0x58: {  	[sflag:s0] =	ssyncadd.s32 @!p0 s1  }
0x59: {  	[bflag:$0x3] =	sbarrier.arrive $0xFFFF  }
0x5a: {  	_ =	shalt  }

</sc_bundles>
